<compile_context>
chip_gen: v7x
topology: tpu7x:2x2x1
jax: 0.10.2.dev20260603
libtpu: 0.0.44.dev20260713+nightly
codegen_flags: <defaults>
</compile_context>

<pallas_src>
import jax
import jax.numpy as jnp
from jax import lax
from jax.experimental import pallas as pl
from jax.experimental.pallas import tpu as pltpu
from jax.experimental.pallas import tpu_sc as plsc

NC = 2
NS = 16
NW = NC * NS

N_PAD = 50176
ROWS_PER_TILE = N_PAD // NS
E_PAD = 819200
EDGES_PER_TILE = E_PAD // NW
KB = 128
CHUNKS = EDGES_PER_TILE // KB
KD = 1024
CHUNKS_D = EDGES_PER_TILE // KD
BLK = 512


def _mm_body(x_ref, w_ref, o_ref):
    o_ref[...] = lax.dot_general(
        x_ref[...], w_ref[...], (((1,), (0,)), ((), ())),
        precision=lax.Precision.HIGHEST)


def _project(x, w_aug):
    n, d_in = x.shape
    blk = 400
    return pl.pallas_call(
        _mm_body,
        grid=(n // blk,),
        in_specs=[
            pl.BlockSpec((blk, d_in), lambda i: (i, 0)),
            pl.BlockSpec((d_in, 128), lambda i: (0, 0)),
        ],
        out_specs=pl.BlockSpec((blk, 128), lambda i: (i, 0)),
        out_shape=jax.ShapeDtypeStruct((n, 128), jnp.float32),
    )(x, w_aug)


def _edge_body(src_hbm, dst_hbm, ew_hbm, asrc_hbm, adst_hbm, h_hbm,
               out_hbm, den_hbm, deg_hbm, sw_hbm,
               hrows, src_c, dst_c, ew_c, ex_c, ones_c, av_c, bv_c,
               hrows2, src_c2, dst_c2, ew_c2, ex_c2, av_c2, bv_c2,
               out_sh, den_sh, deg_sh, sw_sh,
               semL0, semL1, semG0, semG1):
    c = lax.axis_index("c")
    s = lax.axis_index("s")

    zero16 = jnp.zeros((16,), jnp.float32)
    one16 = jnp.ones((16,), jnp.float32)

    def _zrow(j, carry):
        hrows[j, 0:16] = zero16
        hrows[j, 16:32] = zero16
        return carry
    lax.fori_loop(0, KB, _zrow, 0)

    def _zbuf(g, carry):
        i16 = pl.ds(g * 16, 16)
        ex_c[i16] = zero16
        ones_c[i16] = one16
        return carry
    lax.fori_loop(0, KB // 16, _zbuf, 0)

    r0 = s * ROWS_PER_TILE
    for k in range(ROWS_PER_TILE // KB):
        pltpu.sync_copy(hrows, out_sh.at[pl.ds(r0 + k * KB, KB)])
        pltpu.sync_copy(ex_c, den_sh.at[pl.ds(r0 + k * KB, KB)])
        pltpu.sync_copy(ex_c, deg_sh.at[pl.ds(r0 + k * KB, KB)])
        pltpu.sync_copy(ex_c, sw_sh.at[pl.ds(r0 + k * KB, KB)])
    rem = ROWS_PER_TILE - (ROWS_PER_TILE // KB) * KB
    if rem:
        rb = r0 + (ROWS_PER_TILE // KB) * KB
        pltpu.sync_copy(hrows.at[pl.ds(0, rem)], out_sh.at[pl.ds(rb, rem)])
        pltpu.sync_copy(ex_c.at[pl.ds(0, rem)], den_sh.at[pl.ds(rb, rem)])
        pltpu.sync_copy(ex_c.at[pl.ds(0, rem)], deg_sh.at[pl.ds(rb, rem)])
        pltpu.sync_copy(ex_c.at[pl.ds(0, rem)], sw_sh.at[pl.ds(rb, rem)])

    plsc.subcore_barrier()

    base = (c * NS + s) * EDGES_PER_TILE
    hrowsB = (hrows, hrows2)
    srcB = (src_c, src_c2)
    dstB = (dst_c, dst_c2)
    ewB = (ew_c, ew_c2)
    exB = (ex_c, ex_c2)
    avB = (av_c, av_c2)
    bvB = (bv_c, bv_c2)
    semLB = (semL0, semL1)
    semGB = (semG0, semG1)

    def _issue_loads(b, t):
        e0 = base + t * KB
        pltpu.async_copy(src_hbm.at[pl.ds(e0, KB)], srcB[b], semLB[b])
        pltpu.async_copy(dst_hbm.at[pl.ds(e0, KB)], dstB[b], semLB[b])
        pltpu.async_copy(ew_hbm.at[pl.ds(e0, KB)], ewB[b], semLB[b])

    def _wait_loads(b):
        pltpu.make_async_copy(src_hbm.at[pl.ds(0, KB)], srcB[b], semLB[b]).wait()
        pltpu.make_async_copy(dst_hbm.at[pl.ds(0, KB)], dstB[b], semLB[b]).wait()
        pltpu.make_async_copy(ew_hbm.at[pl.ds(0, KB)], ewB[b], semLB[b]).wait()

    def _issue_gathers(b):
        pltpu.async_copy(h_hbm.at[srcB[b]], hrowsB[b], semGB[b])
        pltpu.async_copy(asrc_hbm.at[srcB[b]], avB[b], semGB[b])
        pltpu.async_copy(adst_hbm.at[dstB[b]], bvB[b], semGB[b])

    def _wait_gathers(b):
        pltpu.make_async_copy(h_hbm.at[pl.ds(0, KB)], hrowsB[b], semGB[b]).wait()
        pltpu.make_async_copy(asrc_hbm.at[pl.ds(0, KB)], avB[b], semGB[b]).wait()
        pltpu.make_async_copy(adst_hbm.at[pl.ds(0, KB)], bvB[b], semGB[b]).wait()

    _issue_loads(0, 0)
    _wait_loads(0)
    _issue_gathers(0)

    def _macro(i, carry):
        for b in (0, 1):
            t = 2 * i + b
            tn = lax.rem(t + 1, CHUNKS)
            nb = 1 - b
            _issue_loads(nb, tn)

            _wait_gathers(b)

            def _grp(g, cc):
                i16 = pl.ds(g * 16, 16)
                al = avB[b][i16] + bvB[b][i16] + ewB[b][i16]
                al = jnp.where(al >= 0.0, al, 0.2 * al)
                exB[b][i16] = jnp.exp(al)
                return cc
            lax.fori_loop(0, KB // 16, _grp, 0, unroll=8)

            def _scale(j, cc):
                sv = plsc.load_gather(exB[b], [jnp.full((16,), j, jnp.int32)])
                hrowsB[b][j, 0:16] = hrowsB[b][j, 0:16] * sv
                hrowsB[b][j, 16:32] = hrowsB[b][j, 16:32] * sv
                return cc
            lax.fori_loop(0, KB, _scale, 0, unroll=8)

            _wait_loads(nb)
            _issue_gathers(nb)

            pltpu.sync_copy(hrowsB[b], out_sh.at[dstB[b]], add=True)
            pltpu.sync_copy(exB[b], den_sh.at[dstB[b]], add=True)
            pltpu.sync_copy(ones_c, deg_sh.at[dstB[b]], add=True)
            pltpu.sync_copy(ewB[b], sw_sh.at[dstB[b]], add=True)
        return carry

    lax.fori_loop(0, CHUNKS // 2, _macro, 0)

    _wait_gathers(0)

    plsc.subcore_barrier()

    w0 = c * N_PAD + r0
    pltpu.sync_copy(out_sh.at[pl.ds(r0, ROWS_PER_TILE)],
                    out_hbm.at[pl.ds(w0, ROWS_PER_TILE)])
    pltpu.sync_copy(den_sh.at[pl.ds(r0, ROWS_PER_TILE)],
                    den_hbm.at[pl.ds(w0, ROWS_PER_TILE)])
    pltpu.sync_copy(deg_sh.at[pl.ds(r0, ROWS_PER_TILE)],
                    deg_hbm.at[pl.ds(w0, ROWS_PER_TILE)])
    pltpu.sync_copy(sw_sh.at[pl.ds(r0, ROWS_PER_TILE)],
                    sw_hbm.at[pl.ds(w0, ROWS_PER_TILE)])


def _edge_pass(srcp, dstp, ewp, asrc, adst, h):
    mesh = plsc.VectorSubcoreMesh(
        core_axis_name="c", subcore_axis_name="s",
        num_cores=NC, num_subcores=NS)
    return pl.kernel(
        _edge_body,
        out_type=[
            jax.ShapeDtypeStruct((NC * N_PAD, 32), jnp.float32),
            jax.ShapeDtypeStruct((NC * N_PAD,), jnp.float32),
            jax.ShapeDtypeStruct((NC * N_PAD,), jnp.float32),
            jax.ShapeDtypeStruct((NC * N_PAD,), jnp.float32),
        ],
        mesh=mesh,
        scratch_types=[
            pltpu.VMEM((KB, 32), jnp.float32),
            pltpu.VMEM((KB,), jnp.int32),
            pltpu.VMEM((KB,), jnp.int32),
            pltpu.VMEM((KB,), jnp.float32),
            pltpu.VMEM((KB,), jnp.float32),
            pltpu.VMEM((KB,), jnp.float32),
            pltpu.VMEM((KB,), jnp.float32),
            pltpu.VMEM((KB,), jnp.float32),
            pltpu.VMEM((KB, 32), jnp.float32),
            pltpu.VMEM((KB,), jnp.int32),
            pltpu.VMEM((KB,), jnp.int32),
            pltpu.VMEM((KB,), jnp.float32),
            pltpu.VMEM((KB,), jnp.float32),
            pltpu.VMEM((KB,), jnp.float32),
            pltpu.VMEM((KB,), jnp.float32),
            pltpu.VMEM_SHARED((N_PAD, 32), jnp.float32),
            pltpu.VMEM_SHARED((N_PAD,), jnp.float32),
            pltpu.VMEM_SHARED((N_PAD,), jnp.float32),
            pltpu.VMEM_SHARED((N_PAD,), jnp.float32),
            pltpu.SemaphoreType.DMA,
            pltpu.SemaphoreType.DMA,
            pltpu.SemaphoreType.DMA,
            pltpu.SemaphoreType.DMA,
        ],
        compiler_params=pltpu.CompilerParams(needs_layout_passes=False, use_tc_tiling_on_sc=False),
    )(srcp, dstp, ewp, asrc, adst, h)


def _epilogue_body(op_ref, s_ref, h_ref, m_ref, v_ref, b_ref, y_ref):
    S = s_ref[...]
    den = S[:, 0:1] + S[:, 1:2]
    deg = S[:, 2:3] + S[:, 3:4]
    sw = S[:, 4:5] + S[:, 5:6]
    al = S[:, 6:7] + S[:, 7:8] + sw / jnp.maximum(deg, 1.0)
    al = jnp.where(al >= 0.0, al, 0.2 * al)
    exs = jnp.exp(al)
    h = h_ref[...]
    out = (op_ref[0] + op_ref[1] + exs * h) / (den + exs + 1e-16)
    xr = jnp.maximum(out + v_ref[0:1, :], 0.0)
    bias = jnp.sum(xr * v_ref[1:2, :], axis=1, keepdims=True) + v_ref[3:4, 0:1]
    b_ref[...] = bias * m_ref[...]
    y_ref[...] = (jnp.sum(xr * v_ref[2:3, :], axis=1, keepdims=True)
                  + v_ref[3:4, 1:2])


def _epilogue(out_p, scal, h, maskp, vecs):
    nb = N_PAD // BLK
    return pl.pallas_call(
        _epilogue_body,
        grid=(nb,),
        in_specs=[
            pl.BlockSpec((2, BLK, 32), lambda i: (0, i, 0)),
            pl.BlockSpec((BLK, 8), lambda i: (i, 0)),
            pl.BlockSpec((BLK, 32), lambda i: (i, 0)),
            pl.BlockSpec((BLK, 1), lambda i: (i, 0)),
            pl.BlockSpec((4, 32), lambda i: (0, 0)),
        ],
        out_specs=[
            pl.BlockSpec((BLK, 1), lambda i: (i, 0)),
            pl.BlockSpec((BLK, 1), lambda i: (i, 0)),
        ],
        out_shape=[
            jax.ShapeDtypeStruct((N_PAD, 1), jnp.float32),
            jax.ShapeDtypeStruct((N_PAD, 1), jnp.float32),
        ],
    )(out_p, scal, h, maskp, vecs)


def _weights_body(src_hbm, dst_hbm, yp_hbm, w_hbm, yp_v, src_c, dst_c, w_c):
    c = lax.axis_index("c")
    s = lax.axis_index("s")
    pltpu.sync_copy(yp_hbm, yp_v)
    base = (c * NS + s) * EDGES_PER_TILE

    def _chunk(t, carry):
        e0 = base + t * KD
        pltpu.sync_copy(src_hbm.at[pl.ds(e0, KD)], src_c)
        pltpu.sync_copy(dst_hbm.at[pl.ds(e0, KD)], dst_c)

        def _grp(g, cc):
            i16 = pl.ds(g * 16, 16)
            a = plsc.load_gather(yp_v, [src_c[i16]])
            b = plsc.load_gather(yp_v, [dst_c[i16]])
            w_c[i16] = 0.5 * (a + b)
            return cc
        lax.fori_loop(0, KD // 16, _grp, 0, unroll=8)

        pltpu.sync_copy(w_c, w_hbm.at[pl.ds(e0, KD)])
        return carry

    lax.fori_loop(0, CHUNKS_D, _chunk, 0)


def _edge_weights(srcp, dstp, yp):
    mesh = plsc.VectorSubcoreMesh(
        core_axis_name="c", subcore_axis_name="s",
        num_cores=NC, num_subcores=NS)
    return pl.kernel(
        _weights_body,
        out_type=jax.ShapeDtypeStruct((E_PAD,), jnp.float32),
        mesh=mesh,
        scratch_types=[
            pltpu.VMEM((N_PAD,), jnp.float32),
            pltpu.VMEM((KD,), jnp.int32),
            pltpu.VMEM((KD,), jnp.int32),
            pltpu.VMEM((KD,), jnp.float32),
        ],
        compiler_params=pltpu.CompilerParams(needs_layout_passes=False, use_tc_tiling_on_sc=False),
    )(srcp, dstp, yp)


def kernel(x, edge_index, edge_weight, input_mask, W_src, att_src, att_dst,
           W_edge, att_edge, bias_gat, W_B, b_B, W_W, b_W):
    n, d_in = x.shape
    e = edge_index.shape[1]

    src = edge_index[0]
    dst = edge_index[1]

    pad_e = E_PAD - e
    pad_idx = jnp.full((pad_e,), n, jnp.int32)
    srcp = jnp.concatenate([src, pad_idx])
    dstp = jnp.concatenate([dst, pad_idx])

    c1 = jnp.dot(W_edge[0], att_edge)
    ewp = jnp.concatenate([edge_weight[:, 0] * c1,
                           jnp.zeros((pad_e,), jnp.float32)])

    v_src = W_src @ att_src
    v_dst = W_src @ att_dst
    w_aug = jnp.concatenate(
        [W_src, v_src[:, None], v_dst[:, None]], axis=1)
    w_aug = jnp.pad(w_aug, ((0, 0), (0, 128 - 34)))

    h_aug = _project(x, w_aug)
    h = jnp.pad(h_aug[:, :32], ((0, N_PAD - n), (0, 0)))
    asrc = jnp.pad(h_aug[:, 32], (0, N_PAD - n))
    adst = jnp.pad(h_aug[:, 33], (0, N_PAD - n))

    out_f, den_f, deg_f, sw_f = _edge_pass(srcp, dstp, ewp, asrc, adst, h)
    out_p = out_f.reshape(NC, N_PAD, 32)
    den_p = den_f.reshape(NC, N_PAD)
    deg_p = deg_f.reshape(NC, N_PAD)
    sw_p = sw_f.reshape(NC, N_PAD)

    scal = jnp.stack(
        [den_p[0], den_p[1], deg_p[0], deg_p[1], sw_p[0], sw_p[1],
         asrc, adst], axis=1)
    maskp = jnp.pad(input_mask, ((0, N_PAD - n), (0, 0)))
    vecs = jnp.stack(
        [bias_gat, W_B[:, 0], W_W[:, 0],
         jnp.concatenate([b_B, b_W, jnp.zeros((30,), jnp.float32)])])

    biases_full, yp_full = _epilogue(out_p, scal, h, maskp, vecs)

    w_pad = _edge_weights(srcp, dstp, yp_full[:, 0])

    return (w_pad[:e, None], biases_full[:n])

# --- scband reference (transcript-rebuilt; emitter-appended) ---
"""Pipeline reference for scband-trainer-gcn-36773509988358 (READ-ONLY COPY).

The authoritative reference and input builder live on the scoring server;
editing this copy changes nothing except your own understanding.
"""

import jax, jax.numpy as jnp
import numpy as np

N = 50000
E = 800000
D_IN = 503
D_OUT = 32

def setup_inputs(seed: int = 0):
    key = jax.random.key(seed)
    ks = jax.random.split(key, 14)
    inp = {}
    inp['x'] = jax.random.normal(ks[0], (N, D_IN), dtype=jnp.float32)
    inp['edge_index'] = jax.random.randint(ks[1], (2, E), 0, N, dtype=jnp.int32)
    inp['edge_weight'] = jax.random.normal(ks[2], (E, 1), dtype=jnp.float32)
    inp['input_mask'] = (jax.random.uniform(ks[3], (N, 1)) > 0.5).astype(jnp.float32)
    inp['W_src'] = jax.random.normal(ks[4], (D_IN, D_OUT), dtype=jnp.float32) * 0.05
    inp['att_src'] = jax.random.normal(ks[5], (D_OUT,), dtype=jnp.float32) * 0.05
    inp['att_dst'] = jax.random.normal(ks[6], (D_OUT,), dtype=jnp.float32) * 0.05
    inp['W_edge'] = jax.random.normal(ks[7], (1, D_OUT), dtype=jnp.float32) * 0.05
    inp['att_edge'] = jax.random.normal(ks[8], (D_OUT,), dtype=jnp.float32) * 0.05
    inp['bias_gat'] = jnp.zeros((D_OUT,), dtype=jnp.float32)
    inp['W_B'] = jax.random.normal(ks[9], (D_OUT, 1), dtype=jnp.float32) * 0.05
    inp['b_B'] = jnp.zeros((1,), dtype=jnp.float32)
    inp['W_W'] = jax.random.normal(ks[10], (D_OUT, 1), dtype=jnp.float32) * 0.05
    inp['b_W'] = jnp.zeros((1,), dtype=jnp.float32)
    return inp

def reference(x, edge_index, edge_weight, input_mask, W_src, att_src, att_dst, W_edge, att_edge, bias_gat, W_B, b_B, W_W, b_W):
    # GATConv(in=503, out=32, heads=1, edge_dim=1), PyG semantics:
    # add self-loops with fill_value='mean' for edge_attr, segment softmax over dst.
    src0 = edge_index[0]
    dst0 = edge_index[1]
    loop = jnp.arange(N, dtype=edge_index.dtype)
    deg = jax.ops.segment_sum(jnp.ones((E,), jnp.float32), dst0, num_segments=N)
    attr_mean = jax.ops.segment_sum(edge_weight, dst0, num_segments=N) / jnp.maximum(deg, 1.0)[:, None]
    src = jnp.concatenate([src0, loop])
    dst = jnp.concatenate([dst0, loop])
    eattr = jnp.concatenate([edge_weight, attr_mean], axis=0)
    h = x @ W_src                      # [N, 32] projected features
    a_src = (h * att_src).sum(-1)      # [N]
    a_dst = (h * att_dst).sum(-1)      # [N]
    a_edge = ((eattr @ W_edge) * att_edge).sum(-1)   # [E+N]
    alpha = jax.nn.leaky_relu(a_src[src] + a_dst[dst] + a_edge, 0.2)
    amax = jax.ops.segment_max(alpha, dst, num_segments=N)
    amax = jnp.where(jnp.isfinite(amax), amax, 0.0)
    ex = jnp.exp(alpha - amax[dst])
    denom = jax.ops.segment_sum(ex, dst, num_segments=N)
    alpha_n = ex / (denom[dst] + 1e-16)
    out = jax.ops.segment_sum(alpha_n[:, None] * h[src], dst, num_segments=N) + bias_gat
    xr = jax.nn.relu(out)
    biases = (xr @ W_B + b_B) * input_mask
    # random dense edge_index -> graph is directed, so use all edges
    w = (xr[src0] + xr[dst0]) * 0.5
    weights = w @ W_W + b_W
    return (weights, biases)

if __name__ == "__main__":
    import jax
    _d = setup_inputs()
    print(jax.jit(kernel)(*tuple(_d.values())))

</pallas_src>

<mosaic_0001>
#map = affine_map<(d0, d1) -> (0)>
module attributes {stable_mosaic.version = 14 : i64} {
  func.func @_weights_body(%arg0: i32, %arg1: i32, %arg2: memref<819200xi32, #tpu.memory_space<hbm>>, %arg3: memref<819200xi32, #tpu.memory_space<hbm>>, %arg4: memref<50176xf32, #tpu.memory_space<hbm>>, %arg5: memref<819200xf32, #tpu.memory_space<hbm>>, %arg6: memref<50176xf32, #tpu.memory_space<vmem>>, %arg7: memref<1024xi32, #tpu.memory_space<vmem>>, %arg8: memref<1024xi32, #tpu.memory_space<vmem>>, %arg9: memref<1024xf32, #tpu.memory_space<vmem>>) attributes {dimension_semantics = [#tpu.dimension_semantics<core_parallel>, #tpu.dimension_semantics<subcore_parallel>], iteration_bounds = array<i64: 2, 16>, scalar_prefetch = 0 : i64, scratch_operands = 4 : i64, tpu.core_type = #tpu.core_type<sc_vector_subcore>, window_params = [{transform_indices = #map}, {transform_indices = #map}, {transform_indices = #map}, {transform_indices = #map}]} {
    "tpu.region"() ({
      %run_scoped3A = tpu.sem_alloc : memref<!tpu.dma_semaphore, #tpu.memory_space<semaphore_mem>>
      tpu.enqueue_dma source(%arg4 : memref<50176xf32, #tpu.memory_space<hbm>>) target(%arg6 : memref<50176xf32, #tpu.memory_space<vmem>>) target_semaphore(%run_scoped3A : memref<!tpu.dma_semaphore, #tpu.memory_space<semaphore_mem>>)
      tpu.wait_dma2 semaphore(%run_scoped3A : memref<!tpu.dma_semaphore, #tpu.memory_space<semaphore_mem>>) src(%arg4 : memref<50176xf32, #tpu.memory_space<hbm>>) dst(%arg6 : memref<50176xf32, #tpu.memory_space<vmem>>)
      tpu.yield
    }) : () -> ()
    %mul3A = arith.constant 16 : i32
    %mul3A_0 = arith.muli %arg0, %mul3A : i32
    %add3A = arith.addi %mul3A_0, %arg1 : i32
    %mul3A_1 = arith.constant 25600 : i32
    %mul3A_2 = arith.muli %add3A, %mul3A_1 : i32
    %scan3A = arith.constant 0 : i32
    %scan3A_3 = arith.constant 0 : i32
    %scan3A_4 = arith.constant 25 : i32
    %scan3A_5 = arith.addi %scan3A_3, %scan3A_4 : i32
    %scan3A_6 = arith.constant 1 : i32
    scf.for %scan3A_8 = %scan3A_3 to %scan3A_5 step %scan3A_6  : i32 {
      %mul3A_9 = arith.constant 1024 : i32
      %mul3A_10 = arith.muli %scan3A_8, %mul3A_9 : i32
      %add3A_11 = arith.addi %mul3A_2, %mul3A_10 : i32
      "tpu.region"() ({
        %run_scoped3A = tpu.sem_alloc : memref<!tpu.dma_semaphore, #tpu.memory_space<semaphore_mem>>
        %dma_start3A = tpu.memref_slice %arg2[%add3A_11] : memref<819200xi32, #tpu.memory_space<hbm>> -> memref<1024xi32, #tpu.memory_space<hbm>>
        %dma_start3A_18 = tpu.memref_slice %arg2[%add3A_11] : memref<819200xi32, #tpu.memory_space<hbm>> -> memref<1024xi32, #tpu.memory_space<hbm>>
        tpu.enqueue_dma source(%dma_start3A_18 : memref<1024xi32, #tpu.memory_space<hbm>>) target(%arg7 : memref<1024xi32, #tpu.memory_space<vmem>>) target_semaphore(%run_scoped3A : memref<!tpu.dma_semaphore, #tpu.memory_space<semaphore_mem>>)
        %dma_wait3A = tpu.memref_slice %arg2[%add3A_11] : memref<819200xi32, #tpu.memory_space<hbm>> -> memref<1024xi32, #tpu.memory_space<hbm>>
        %dma_wait3A_19 = tpu.memref_slice %arg2[%add3A_11] : memref<819200xi32, #tpu.memory_space<hbm>> -> memref<1024xi32, #tpu.memory_space<hbm>>
        tpu.wait_dma2 semaphore(%run_scoped3A : memref<!tpu.dma_semaphore, #tpu.memory_space<semaphore_mem>>) src(%dma_wait3A_19 : memref<1024xi32, #tpu.memory_space<hbm>>) dst(%arg7 : memref<1024xi32, #tpu.memory_space<vmem>>)
        tpu.yield
      }) : () -> ()
      "tpu.region"() ({
        %run_scoped3A = tpu.sem_alloc : memref<!tpu.dma_semaphore, #tpu.memory_space<semaphore_mem>>
        %dma_start3A = tpu.memref_slice %arg3[%add3A_11] : memref<819200xi32, #tpu.memory_space<hbm>> -> memref<1024xi32, #tpu.memory_space<hbm>>
        %dma_start3A_18 = tpu.memref_slice %arg3[%add3A_11] : memref<819200xi32, #tpu.memory_space<hbm>> -> memref<1024xi32, #tpu.memory_space<hbm>>
        tpu.enqueue_dma source(%dma_start3A_18 : memref<1024xi32, #tpu.memory_space<hbm>>) target(%arg8 : memref<1024xi32, #tpu.memory_space<vmem>>) target_semaphore(%run_scoped3A : memref<!tpu.dma_semaphore, #tpu.memory_space<semaphore_mem>>)
        %dma_wait3A = tpu.memref_slice %arg3[%add3A_11] : memref<819200xi32, #tpu.memory_space<hbm>> -> memref<1024xi32, #tpu.memory_space<hbm>>
        %dma_wait3A_19 = tpu.memref_slice %arg3[%add3A_11] : memref<819200xi32, #tpu.memory_space<hbm>> -> memref<1024xi32, #tpu.memory_space<hbm>>
        tpu.wait_dma2 semaphore(%run_scoped3A : memref<!tpu.dma_semaphore, #tpu.memory_space<semaphore_mem>>) src(%dma_wait3A_19 : memref<1024xi32, #tpu.memory_space<hbm>>) dst(%arg8 : memref<1024xi32, #tpu.memory_space<vmem>>)
        tpu.yield
      }) : () -> ()
      %scan3A_12 = arith.constant 0 : i32
      %scan3A_13 = arith.constant 0 : i32
      %scan3A_14 = arith.constant 64 : i32
      %scan3A_15 = arith.addi %scan3A_13, %scan3A_14 : i32
      %scan3A_16 = arith.constant 8 : i32
      scf.for %scan3A_18 = %scan3A_13 to %scan3A_15 step %scan3A_16  : i32 {
        %mul3A_19 = arith.constant 16 : i32
        %mul3A_20 = arith.muli %scan3A_18, %mul3A_19 : i32
        %get3A = arith.index_cast %mul3A_20 : i32 to index
        %get3A_21 = tpu.vector_load %arg7[%get3A] {strides = array<i32>} : memref<1024xi32, #tpu.memory_space<vmem>>, vector<16xi32>,
        %gather3A = tpu.vector_load_idx %arg6[%get3A_21] : memref<50176xf32, #tpu.memory_space<vmem>>[vector<16xi32>], vector<16xf32>,
        %get3A_22 = arith.index_cast %mul3A_20 : i32 to index
        %get3A_23 = tpu.vector_load %arg8[%get3A_22] {strides = array<i32>} : memref<1024xi32, #tpu.memory_space<vmem>>, vector<16xi32>,
        %gather3A_24 = tpu.vector_load_idx %arg6[%get3A_23] : memref<50176xf32, #tpu.memory_space<vmem>>[vector<16xi32>], vector<16xf32>,
        %add3A_25 = arith.addf %gather3A, %gather3A_24 : vector<16xf32>
        %mul3A_26 = arith.constant 5.000000e-01 : f32
        %mul3A_27 = vector.broadcast %mul3A_26 : f32 to vector<16xf32>
        %mul3A_28 = arith.mulf %mul3A_27, %add3A_25 : vector<16xf32>
        %swap3A = arith.index_cast %mul3A_20 : i32 to index
        %swap3A_29 = tpu.vector_load %arg9[%swap3A] {strides = array<i32>} : memref<1024xf32, #tpu.memory_space<vmem>>, vector<16xf32>,
        tpu.vector_store %arg9[%swap3A], %mul3A_28 {strides = array<i32>} : memref<1024xf32, #tpu.memory_space<vmem>>, vector<16xf32>,
        %scan3A_30 = arith.constant 1 : i32
        %scan3A_31 = arith.addi %scan3A_18, %scan3A_30 : i32
        %mul3A_32 = arith.constant 16 : i32
        %mul3A_33 = arith.muli %scan3A_31, %mul3A_32 : i32
        %get3A_34 = arith.index_cast %mul3A_33 : i32 to index
        %get3A_35 = tpu.vector_load %arg7[%get3A_34] {strides = array<i32>} : memref<1024xi32, #tpu.memory_space<vmem>>, vector<16xi32>,
        %gather3A_36 = tpu.vector_load_idx %arg6[%get3A_35] : memref<50176xf32, #tpu.memory_space<vmem>>[vector<16xi32>], vector<16xf32>,
        %get3A_37 = arith.index_cast %mul3A_33 : i32 to index
        %get3A_38 = tpu.vector_load %arg8[%get3A_37] {strides = array<i32>} : memref<1024xi32, #tpu.memory_space<vmem>>, vector<16xi32>,
        %gather3A_39 = tpu.vector_load_idx %arg6[%get3A_38] : memref<50176xf32, #tpu.memory_space<vmem>>[vector<16xi32>], vector<16xf32>,
        %add3A_40 = arith.addf %gather3A_36, %gather3A_39 : vector<16xf32>
        %mul3A_41 = arith.constant 5.000000e-01 : f32
        %mul3A_42 = vector.broadcast %mul3A_41 : f32 to vector<16xf32>
        %mul3A_43 = arith.mulf %mul3A_42, %add3A_40 : vector<16xf32>
        %swap3A_44 = arith.index_cast %mul3A_33 : i32 to index
        %swap3A_45 = tpu.vector_load %arg9[%swap3A_44] {strides = array<i32>} : memref<1024xf32, #tpu.memory_space<vmem>>, vector<16xf32>,
        tpu.vector_store %arg9[%swap3A_44], %mul3A_43 {strides = array<i32>} : memref<1024xf32, #tpu.memory_space<vmem>>, vector<16xf32>,
        %scan3A_46 = arith.constant 2 : i32
        %scan3A_47 = arith.addi %scan3A_18, %scan3A_46 : i32
        %mul3A_48 = arith.constant 16 : i32
        %mul3A_49 = arith.muli %scan3A_47, %mul3A_48 : i32
        %get3A_50 = arith.index_cast %mul3A_49 : i32 to index
        %get3A_51 = tpu.vector_load %arg7[%get3A_50] {strides = array<i32>} : memref<1024xi32, #tpu.memory_space<vmem>>, vector<16xi32>,
        %gather3A_52 = tpu.vector_load_idx %arg6[%get3A_51] : memref<50176xf32, #tpu.memory_space<vmem>>[vector<16xi32>], vector<16xf32>,
        %get3A_53 = arith.index_cast %mul3A_49 : i32 to index
        %get3A_54 = tpu.vector_load %arg8[%get3A_53] {strides = array<i32>} : memref<1024xi32, #tpu.memory_space<vmem>>, vector<16xi32>,
        %gather3A_55 = tpu.vector_load_idx %arg6[%get3A_54] : memref<50176xf32, #tpu.memory_space<vmem>>[vector<16xi32>], vector<16xf32>,
        %add3A_56 = arith.addf %gather3A_52, %gather3A_55 : vector<16xf32>
        %mul3A_57 = arith.constant 5.000000e-01 : f32
        %mul3A_58 = vector.broadcast %mul3A_57 : f32 to vector<16xf32>
        %mul3A_59 = arith.mulf %mul3A_58, %add3A_56 : vector<16xf32>
        %swap3A_60 = arith.index_cast %mul3A_49 : i32 to index
        %swap3A_61 = tpu.vector_load %arg9[%swap3A_60] {strides = array<i32>} : memref<1024xf32, #tpu.memory_space<vmem>>, vector<16xf32>,
        tpu.vector_store %arg9[%swap3A_60], %mul3A_59 {strides = array<i32>} : memref<1024xf32, #tpu.memory_space<vmem>>, vector<16xf32>,
        %scan3A_62 = arith.constant 3 : i32
        %scan3A_63 = arith.addi %scan3A_18, %scan3A_62 : i32
        %mul3A_64 = arith.constant 16 : i32
        %mul3A_65 = arith.muli %scan3A_63, %mul3A_64 : i32
        %get3A_66 = arith.index_cast %mul3A_65 : i32 to index
        %get3A_67 = tpu.vector_load %arg7[%get3A_66] {strides = array<i32>} : memref<1024xi32, #tpu.memory_space<vmem>>, vector<16xi32>,
        %gather3A_68 = tpu.vector_load_idx %arg6[%get3A_67] : memref<50176xf32, #tpu.memory_space<vmem>>[vector<16xi32>], vector<16xf32>,
        %get3A_69 = arith.index_cast %mul3A_65 : i32 to index
        %get3A_70 = tpu.vector_load %arg8[%get3A_69] {strides = array<i32>} : memref<1024xi32, #tpu.memory_space<vmem>>, vector<16xi32>,
        %gather3A_71 = tpu.vector_load_idx %arg6[%get3A_70] : memref<50176xf32, #tpu.memory_space<vmem>>[vector<16xi32>], vector<16xf32>,
        %add3A_72 = arith.addf %gather3A_68, %gather3A_71 : vector<16xf32>
        %mul3A_73 = arith.constant 5.000000e-01 : f32
        %mul3A_74 = vector.broadcast %mul3A_73 : f32 to vector<16xf32>
        %mul3A_75 = arith.mulf %mul3A_74, %add3A_72 : vector<16xf32>
        %swap3A_76 = arith.index_cast %mul3A_65 : i32 to index
        %swap3A_77 = tpu.vector_load %arg9[%swap3A_76] {strides = array<i32>} : memref<1024xf32, #tpu.memory_space<vmem>>, vector<16xf32>,
        tpu.vector_store %arg9[%swap3A_76], %mul3A_75 {strides = array<i32>} : memref<1024xf32, #tpu.memory_space<vmem>>, vector<16xf32>,
        %scan3A_78 = arith.constant 4 : i32
        %scan3A_79 = arith.addi %scan3A_18, %scan3A_78 : i32
        %mul3A_80 = arith.constant 16 : i32
        %mul3A_81 = arith.muli %scan3A_79, %mul3A_80 : i32
        %get3A_82 = arith.index_cast %mul3A_81 : i32 to index
        %get3A_83 = tpu.vector_load %arg7[%get3A_82] {strides = array<i32>} : memref<1024xi32, #tpu.memory_space<vmem>>, vector<16xi32>,
        %gather3A_84 = tpu.vector_load_idx %arg6[%get3A_83] : memref<50176xf32, #tpu.memory_space<vmem>>[vector<16xi32>], vector<16xf32>,
        %get3A_85 = arith.index_cast %mul3A_81 : i32 to index
        %get3A_86 = tpu.vector_load %arg8[%get3A_85] {strides = array<i32>} : memref<1024xi32, #tpu.memory_space<vmem>>, vector<16xi32>,
        %gather3A_87 = tpu.vector_load_idx %arg6[%get3A_86] : memref<50176xf32, #tpu.memory_space<vmem>>[vector<16xi32>], vector<16xf32>,
        %add3A_88 = arith.addf %gather3A_84, %gather3A_87 : vector<16xf32>
        %mul3A_89 = arith.constant 5.000000e-01 : f32
        %mul3A_90 = vector.broadcast %mul3A_89 : f32 to vector<16xf32>
        %mul3A_91 = arith.mulf %mul3A_90, %add3A_88 : vector<16xf32>
        %swap3A_92 = arith.index_cast %mul3A_81 : i32 to index
        %swap3A_93 = tpu.vector_load %arg9[%swap3A_92] {strides = array<i32>} : memref<1024xf32, #tpu.memory_space<vmem>>, vector<16xf32>,
        tpu.vector_store %arg9[%swap3A_92], %mul3A_91 {strides = array<i32>} : memref<1024xf32, #tpu.memory_space<vmem>>, vector<16xf32>,
        %scan3A_94 = arith.constant 5 : i32
        %scan3A_95 = arith.addi %scan3A_18, %scan3A_94 : i32
        %mul3A_96 = arith.constant 16 : i32
        %mul3A_97 = arith.muli %scan3A_95, %mul3A_96 : i32
        %get3A_98 = arith.index_cast %mul3A_97 : i32 to index
        %get3A_99 = tpu.vector_load %arg7[%get3A_98] {strides = array<i32>} : memref<1024xi32, #tpu.memory_space<vmem>>, vector<16xi32>,
        %gather3A_100 = tpu.vector_load_idx %arg6[%get3A_99] : memref<50176xf32, #tpu.memory_space<vmem>>[vector<16xi32>], vector<16xf32>,
        %get3A_101 = arith.index_cast %mul3A_97 : i32 to index
        %get3A_102 = tpu.vector_load %arg8[%get3A_101] {strides = array<i32>} : memref<1024xi32, #tpu.memory_space<vmem>>, vector<16xi32>,
        %gather3A_103 = tpu.vector_load_idx %arg6[%get3A_102] : memref<50176xf32, #tpu.memory_space<vmem>>[vector<16xi32>], vector<16xf32>,
        %add3A_104 = arith.addf %gather3A_100, %gather3A_103 : vector<16xf32>
        %mul3A_105 = arith.constant 5.000000e-01 : f32
        %mul3A_106 = vector.broadcast %mul3A_105 : f32 to vector<16xf32>
        %mul3A_107 = arith.mulf %mul3A_106, %add3A_104 : vector<16xf32>
        %swap3A_108 = arith.index_cast %mul3A_97 : i32 to index
        %swap3A_109 = tpu.vector_load %arg9[%swap3A_108] {strides = array<i32>} : memref<1024xf32, #tpu.memory_space<vmem>>, vector<16xf32>,
        tpu.vector_store %arg9[%swap3A_108], %mul3A_107 {strides = array<i32>} : memref<1024xf32, #tpu.memory_space<vmem>>, vector<16xf32>,
        %scan3A_110 = arith.constant 6 : i32
        %scan3A_111 = arith.addi %scan3A_18, %scan3A_110 : i32
        %mul3A_112 = arith.constant 16 : i32
        %mul3A_113 = arith.muli %scan3A_111, %mul3A_112 : i32
        %get3A_114 = arith.index_cast %mul3A_113 : i32 to index
        %get3A_115 = tpu.vector_load %arg7[%get3A_114] {strides = array<i32>} : memref<1024xi32, #tpu.memory_space<vmem>>, vector<16xi32>,
        %gather3A_116 = tpu.vector_load_idx %arg6[%get3A_115] : memref<50176xf32, #tpu.memory_space<vmem>>[vector<16xi32>], vector<16xf32>,
        %get3A_117 = arith.index_cast %mul3A_113 : i32 to index
        %get3A_118 = tpu.vector_load %arg8[%get3A_117] {strides = array<i32>} : memref<1024xi32, #tpu.memory_space<vmem>>, vector<16xi32>,
        %gather3A_119 = tpu.vector_load_idx %arg6[%get3A_118] : memref<50176xf32, #tpu.memory_space<vmem>>[vector<16xi32>], vector<16xf32>,
        %add3A_120 = arith.addf %gather3A_116, %gather3A_119 : vector<16xf32>
        %mul3A_121 = arith.constant 5.000000e-01 : f32
        %mul3A_122 = vector.broadcast %mul3A_121 : f32 to vector<16xf32>
        %mul3A_123 = arith.mulf %mul3A_122, %add3A_120 : vector<16xf32>
        %swap3A_124 = arith.index_cast %mul3A_113 : i32 to index
        %swap3A_125 = tpu.vector_load %arg9[%swap3A_124] {strides = array<i32>} : memref<1024xf32, #tpu.memory_space<vmem>>, vector<16xf32>,
        tpu.vector_store %arg9[%swap3A_124], %mul3A_123 {strides = array<i32>} : memref<1024xf32, #tpu.memory_space<vmem>>, vector<16xf32>,
        %scan3A_126 = arith.constant 7 : i32
        %scan3A_127 = arith.addi %scan3A_18, %scan3A_126 : i32
        %mul3A_128 = arith.constant 16 : i32
        %mul3A_129 = arith.muli %scan3A_127, %mul3A_128 : i32
        %get3A_130 = arith.index_cast %mul3A_129 : i32 to index
        %get3A_131 = tpu.vector_load %arg7[%get3A_130] {strides = array<i32>} : memref<1024xi32, #tpu.memory_space<vmem>>, vector<16xi32>,
        %gather3A_132 = tpu.vector_load_idx %arg6[%get3A_131] : memref<50176xf32, #tpu.memory_space<vmem>>[vector<16xi32>], vector<16xf32>,
        %get3A_133 = arith.index_cast %mul3A_129 : i32 to index
        %get3A_134 = tpu.vector_load %arg8[%get3A_133] {strides = array<i32>} : memref<1024xi32, #tpu.memory_space<vmem>>, vector<16xi32>,
        %gather3A_135 = tpu.vector_load_idx %arg6[%get3A_134] : memref<50176xf32, #tpu.memory_space<vmem>>[vector<16xi32>], vector<16xf32>,
        %add3A_136 = arith.addf %gather3A_132, %gather3A_135 : vector<16xf32>
        %mul3A_137 = arith.constant 5.000000e-01 : f32
        %mul3A_138 = vector.broadcast %mul3A_137 : f32 to vector<16xf32>
        %mul3A_139 = arith.mulf %mul3A_138, %add3A_136 : vector<16xf32>
        %swap3A_140 = arith.index_cast %mul3A_129 : i32 to index
        %swap3A_141 = tpu.vector_load %arg9[%swap3A_140] {strides = array<i32>} : memref<1024xf32, #tpu.memory_space<vmem>>, vector<16xf32>,
        tpu.vector_store %arg9[%swap3A_140], %mul3A_139 {strides = array<i32>} : memref<1024xf32, #tpu.memory_space<vmem>>, vector<16xf32>,
      }
      %scan3A_17 = arith.constant 64 : i32
      "tpu.region"() ({
        %run_scoped3A = tpu.sem_alloc : memref<!tpu.dma_semaphore, #tpu.memory_space<semaphore_mem>>
        %dma_start3A = tpu.memref_slice %arg5[%add3A_11] : memref<819200xf32, #tpu.memory_space<hbm>> -> memref<1024xf32, #tpu.memory_space<hbm>>
        %dma_start3A_18 = tpu.memref_slice %arg5[%add3A_11] : memref<819200xf32, #tpu.memory_space<hbm>> -> memref<1024xf32, #tpu.memory_space<hbm>>
        tpu.enqueue_dma source(%arg9 : memref<1024xf32, #tpu.memory_space<vmem>>) target(%dma_start3A_18 : memref<1024xf32, #tpu.memory_space<hbm>>) target_semaphore(%run_scoped3A : memref<!tpu.dma_semaphore, #tpu.memory_space<semaphore_mem>>)
        %dma_wait3A = tpu.memref_slice %arg5[%add3A_11] : memref<819200xf32, #tpu.memory_space<hbm>> -> memref<1024xf32, #tpu.memory_space<hbm>>
        %dma_wait3A_19 = tpu.memref_slice %arg5[%add3A_11] : memref<819200xf32, #tpu.memory_space<hbm>> -> memref<1024xf32, #tpu.memory_space<hbm>>
        tpu.wait_dma2 semaphore(%run_scoped3A : memref<!tpu.dma_semaphore, #tpu.memory_space<semaphore_mem>>) src(%arg9 : memref<1024xf32, #tpu.memory_space<vmem>>) dst(%dma_wait3A_19 : memref<1024xf32, #tpu.memory_space<hbm>>)
        tpu.yield
      }) : () -> ()
    }
    %scan3A_7 = arith.constant 25 : i32
    return
  }
}

#map = affine_map<(d0, d1) -> (0)>
#map1 = affine_map<(d0, d1) -> (0, 0)>
module attributes {stable_mosaic.version = 14 : i64} {
  func.func @_edge_body(%arg0: i32, %arg1: i32, %arg2: memref<819200xi32, #tpu.memory_space<hbm>>, %arg3: memref<819200xi32, #tpu.memory_space<hbm>>, %arg4: memref<819200xf32, #tpu.memory_space<hbm>>, %arg5: memref<50176xf32, #tpu.memory_space<hbm>>, %arg6: memref<50176xf32, #tpu.memory_space<hbm>>, %arg7: memref<50176x32xf32, #tpu.memory_space<hbm>>, %arg8: memref<100352x32xf32, #tpu.memory_space<hbm>>, %arg9: memref<100352xf32, #tpu.memory_space<hbm>>, %arg10: memref<100352xf32, #tpu.memory_space<hbm>>, %arg11: memref<100352xf32, #tpu.memory_space<hbm>>, %arg12: memref<128x32xf32, #tpu.memory_space<vmem>>, %arg13: memref<128xi32, #tpu.memory_space<vmem>>, %arg14: memref<128xi32, #tpu.memory_space<vmem>>, %arg15: memref<128xf32, #tpu.memory_space<vmem>>, %arg16: memref<128xf32, #tpu.memory_space<vmem>>, %arg17: memref<128xf32, #tpu.memory_space<vmem>>, %arg18: memref<128xf32, #tpu.memory_space<vmem>>, %arg19: memref<128xf32, #tpu.memory_space<vmem>>, %arg20: memref<128x32xf32, #tpu.memory_space<vmem>>, %arg21: memref<128xi32, #tpu.memory_space<vmem>>, %arg22: memref<128xi32, #tpu.memory_space<vmem>>, %arg23: memref<128xf32, #tpu.memory_space<vmem>>, %arg24: memref<128xf32, #tpu.memory_space<vmem>>, %arg25: memref<128xf32, #tpu.memory_space<vmem>>, %arg26: memref<128xf32, #tpu.memory_space<vmem>>, %arg27: memref<50176x32xf32, #tpu.memory_space<vmem_shared>>, %arg28: memref<50176xf32, #tpu.memory_space<vmem_shared>>, %arg29: memref<50176xf32, #tpu.memory_space<vmem_shared>>, %arg30: memref<50176xf32, #tpu.memory_space<vmem_shared>>, %arg31: memref<!tpu.dma_semaphore, #tpu.memory_space<semaphore_mem>>, %arg32: memref<!tpu.dma_semaphore, #tpu.memory_space<semaphore_mem>>, %arg33: memref<!tpu.dma_semaphore, #tpu.memory_space<semaphore_mem>>, %arg34: memref<!tpu.dma_semaphore, #tpu.memory_space<semaphore_mem>>) attributes {dimension_semantics = [#tpu.dimension_semantics<core_parallel>, #tpu.dimension_semantics<subcore_parallel>], iteration_bounds = array<i64: 2, 16>, scalar_prefetch = 0 : i64, scratch_operands = 23 : i64, tpu.core_type = #tpu.core_type<sc_vector_subcore>, window_params = [{transform_indices = #map}, {transform_indices = #map}, {transform_indices = #map}, {transform_indices = #map}, {transform_indices = #map}, {transform_indices = #map1}, {transform_indices = #map1}, {transform_indices = #map}, {transform_indices = #map}, {transform_indices = #map}]} {
    %broadcast_in_dim3A = arith.constant 0.000000e+00 : f32
    %broadcast_in_dim3A_0 = vector.broadcast %broadcast_in_dim3A : f32 to vector<16xf32>
    %broadcast_in_dim3A_1 = arith.constant 1.000000e+00 : f32
    %broadcast_in_dim3A_2 = vector.broadcast %broadcast_in_dim3A_1 : f32 to vector<16xf32>
    %scan3A = arith.constant 0 : i32
    %scan3A_3 = arith.constant 0 : i32
    %scan3A_4 = arith.constant 128 : i32
    %scan3A_5 = arith.addi %scan3A_3, %scan3A_4 : i32
    %scan3A_6 = arith.constant 1 : i32
    scf.for %scan3A_262 = %scan3A_3 to %scan3A_5 step %scan3A_6  : i32 {
      %swap3A = arith.index_cast %scan3A_262 : i32 to index
      %swap3A_263 = arith.constant 0 : index
      %swap3A_264 = tpu.vector_load %arg12[%swap3A, %swap3A_263] {strides = array<i32>} : memref<128x32xf32, #tpu.memory_space<vmem>>, vector<16xf32>,
      tpu.vector_store %arg12[%swap3A, %swap3A_263], %broadcast_in_dim3A_0 {strides = array<i32>} : memref<128x32xf32, #tpu.memory_space<vmem>>, vector<16xf32>,
      %swap3A_265 = arith.index_cast %scan3A_262 : i32 to index
      %swap3A_266 = arith.constant 16 : index
      %swap3A_267 = tpu.vector_load %arg12[%swap3A_265, %swap3A_266] {strides = array<i32>} : memref<128x32xf32, #tpu.memory_space<vmem>>, vector<16xf32>,
      tpu.vector_store %arg12[%swap3A_265, %swap3A_266], %broadcast_in_dim3A_0 {strides = array<i32>} : memref<128x32xf32, #tpu.memory_space<vmem>>, vector<16xf32>,
    }
    %scan3A_7 = arith.constant 128 : i32
    %scan3A_8 = arith.constant 0 : i32
    %scan3A_9 = arith.constant 0 : i32
    %scan3A_10 = arith.constant 8 : i32
    %scan3A_11 = arith.addi %scan3A_9, %scan3A_10 : i32
    %scan3A_12 = arith.constant 1 : i32
    scf.for %scan3A_262 = %scan3A_9 to %scan3A_11 step %scan3A_12  : i32 {
      %mul3A_263 = arith.constant 16 : i32
      %mul3A_264 = arith.muli %scan3A_262, %mul3A_263 : i32
      %swap3A = arith.index_cast %mul3A_264 : i32 to index
      %swap3A_265 = tpu.vector_load %arg16[%swap3A] {strides = array<i32>} : memref<128xf32, #tpu.memory_space<vmem>>, vector<16xf32>,
      tpu.vector_store %arg16[%swap3A], %broadcast_in_dim3A_0 {strides = array<i32>} : memref<128xf32, #tpu.memory_space<vmem>>, vector<16xf32>,
      %swap3A_266 = arith.index_cast %mul3A_264 : i32 to index
      %swap3A_267 = tpu.vector_load %arg17[%swap3A_266] {strides = array<i32>} : memref<128xf32, #tpu.memory_space<vmem>>, vector<16xf32>,
      tpu.vector_store %arg17[%swap3A_266], %broadcast_in_dim3A_2 {strides = array<i32>} : memref<128xf32, #tpu.memory_space<vmem>>, vector<16xf32>,
    }
    %scan3A_13 = arith.constant 8 : i32
    %mul3A = arith.constant 3136 : i32
    %mul3A_14 = arith.muli %arg1, %mul3A : i32
    %add3A = arith.constant 0 : i32
    %add3A_15 = arith.addi %mul3A_14, %add3A : i32
    "tpu.region"() ({
      %run_scoped3A = tpu.sem_alloc : memref<!tpu.dma_semaphore, #tpu.memory_space<semaphore_mem>>
      %dma_start3A_262 = arith.constant 0 : i32
      %dma_start3A_263 = tpu.memref_slice %arg27[%add3A_15, %dma_start3A_262] : memref<50176x32xf32, #tpu.memory_space<vmem_shared>> -> memref<128x32xf32, #tpu.memory_space<vmem_shared>>
      %dma_start3A_264 = arith.constant 0 : i32
      %dma_start3A_265 = tpu.memref_slice %arg27[%add3A_15, %dma_start3A_264] : memref<50176x32xf32, #tpu.memory_space<vmem_shared>> -> memref<128x32xf32, #tpu.memory_space<vmem_shared>>
      tpu.enqueue_dma source(%arg12 : memref<128x32xf32, #tpu.memory_space<vmem>>) target(%dma_start3A_265 : memref<128x32xf32, #tpu.memory_space<vmem_shared>>) target_semaphore(%run_scoped3A : memref<!tpu.dma_semaphore, #tpu.memory_space<semaphore_mem>>)
      %dma_wait3A_266 = arith.constant 0 : i32
      %dma_wait3A_267 = tpu.memref_slice %arg27[%add3A_15, %dma_wait3A_266] : memref<50176x32xf32, #tpu.memory_space<vmem_shared>> -> memref<128x32xf32, #tpu.memory_space<vmem_shared>>
      %dma_wait3A_268 = arith.constant 0 : i32
      %dma_wait3A_269 = tpu.memref_slice %arg27[%add3A_15, %dma_wait3A_268] : memref<50176x32xf32, #tpu.memory_space<vmem_shared>> -> memref<128x32xf32, #tpu.memory_space<vmem_shared>>
      tpu.wait_dma2 semaphore(%run_scoped3A : memref<!tpu.dma_semaphore, #tpu.memory_space<semaphore_mem>>) src(%arg12 : memref<128x32xf32, #tpu.memory_space<vmem>>) dst(%dma_wait3A_269 : memref<128x32xf32, #tpu.memory_space<vmem_shared>>)
      tpu.yield
    }) : () -> ()
    %add3A_16 = arith.constant 0 : i32
    %add3A_17 = arith.addi %mul3A_14, %add3A_16 : i32
    "tpu.region"() ({
      %run_scoped3A = tpu.sem_alloc : memref<!tpu.dma_semaphore, #tpu.memory_space<semaphore_mem>>
      %dma_start3A_262 = tpu.memref_slice %arg28[%add3A_17] : memref<50176xf32, #tpu.memory_space<vmem_shared>> -> memref<128xf32, #tpu.memory_space<vmem_shared>>
      %dma_start3A_263 = tpu.memref_slice %arg28[%add3A_17] : memref<50176xf32, #tpu.memory_space<vmem_shared>> -> memref<128xf32, #tpu.memory_space<vmem_shared>>
      tpu.enqueue_dma source(%arg16 : memref<128xf32, #tpu.memory_space<vmem>>) target(%dma_start3A_263 : memref<128xf32, #tpu.memory_space<vmem_shared>>) target_semaphore(%run_scoped3A : memref<!tpu.dma_semaphore, #tpu.memory_space<semaphore_mem>>)
      %dma_wait3A_264 = tpu.memref_slice %arg28[%add3A_17] : memref<50176xf32, #tpu.memory_space<vmem_shared>> -> memref<128xf32, #tpu.memory_space<vmem_shared>>
      %dma_wait3A_265 = tpu.memref_slice %arg28[%add3A_17] : memref<50176xf32, #tpu.memory_space<vmem_shared>> -> memref<128xf32, #tpu.memory_space<vmem_shared>>
      tpu.wait_dma2 semaphore(%run_scoped3A : memref<!tpu.dma_semaphore, #tpu.memory_space<semaphore_mem>>) src(%arg16 : memref<128xf32, #tpu.memory_space<vmem>>) dst(%dma_wait3A_265 : memref<128xf32, #tpu.memory_space<vmem_shared>>)
      tpu.yield
    }) : () -> ()
    %add3A_18 = arith.constant 0 : i32
    %add3A_19 = arith.addi %mul3A_14, %add3A_18 : i32
    "tpu.region"() ({
      %run_scoped3A = tpu.sem_alloc : memref<!tpu.dma_semaphore, #tpu.memory_space<semaphore_mem>>
      %dma_start3A_262 = tpu.memref_slice %arg29[%add3A_19] : memref<50176xf32, #tpu.memory_space<vmem_shared>> -> memref<128xf32, #tpu.memory_space<vmem_shared>>
      %dma_start3A_263 = tpu.memref_slice %arg29[%add3A_19] : memref<50176xf32, #tpu.memory_space<vmem_shared>> -> memref<128xf32, #tpu.memory_space<vmem_shared>>
      tpu.enqueue_dma source(%arg16 : memref<128xf32, #tpu.memory_space<vmem>>) target(%dma_start3A_263 : memref<128xf32, #tpu.memory_space<vmem_shared>>) target_semaphore(%run_scoped3A : memref<!tpu.dma_semaphore, #tpu.memory_space<semaphore_mem>>)
      %dma_wait3A_264 = tpu.memref_slice %arg29[%add3A_19] : memref<50176xf32, #tpu.memory_space<vmem_shared>> -> memref<128xf32, #tpu.memory_space<vmem_shared>>
      %dma_wait3A_265 = tpu.memref_slice %arg29[%add3A_19] : memref<50176xf32, #tpu.memory_space<vmem_shared>> -> memref<128xf32, #tpu.memory_space<vmem_shared>>
      tpu.wait_dma2 semaphore(%run_scoped3A : memref<!tpu.dma_semaphore, #tpu.memory_space<semaphore_mem>>) src(%arg16 : memref<128xf32, #tpu.memory_space<vmem>>) dst(%dma_wait3A_265 : memref<128xf32, #tpu.memory_space<vmem_shared>>)
      tpu.yield
    }) : () -> ()
    %add3A_20 = arith.constant 0 : i32
    %add3A_21 = arith.addi %mul3A_14, %add3A_20 : i32
    "tpu.region"() ({
      %run_scoped3A = tpu.sem_alloc : memref<!tpu.dma_semaphore, #tpu.memory_space<semaphore_mem>>
      %dma_start3A_262 = tpu.memref_slice %arg30[%add3A_21] : memref<50176xf32, #tpu.memory_space<vmem_shared>> -> memref<128xf32, #tpu.memory_space<vmem_shared>>
      %dma_start3A_263 = tpu.memref_slice %arg30[%add3A_21] : memref<50176xf32, #tpu.memory_space<vmem_shared>> -> memref<128xf32, #tpu.memory_space<vmem_shared>>
      tpu.enqueue_dma source(%arg16 : memref<128xf32, #tpu.memory_space<vmem>>) target(%dma_start3A_263 : memref<128xf32, #tpu.memory_space<vmem_shared>>) target_semaphore(%run_scoped3A : memref<!tpu.dma_semaphore, #tpu.memory_space<semaphore_mem>>)
      %dma_wait3A_264 = tpu.memref_slice %arg30[%add3A_21] : memref<50176xf32, #tpu.memory_space<vmem_shared>> -> memref<128xf32, #tpu.memory_space<vmem_shared>>
      %dma_wait3A_265 = tpu.memref_slice %arg30[%add3A_21] : memref<50176xf32, #tpu.memory_space<vmem_shared>> -> memref<128xf32, #tpu.memory_space<vmem_shared>>
      tpu.wait_dma2 semaphore(%run_scoped3A : memref<!tpu.dma_semaphore, #tpu.memory_space<semaphore_mem>>) src(%arg16 : memref<128xf32, #tpu.memory_space<vmem>>) dst(%dma_wait3A_265 : memref<128xf32, #tpu.memory_space<vmem_shared>>)
      tpu.yield
    }) : () -> ()
    %add3A_22 = arith.constant 128 : i32
    %add3A_23 = arith.addi %mul3A_14, %add3A_22 : i32
    "tpu.region"() ({
      %run_scoped3A = tpu.sem_alloc : memref<!tpu.dma_semaphore, #tpu.memory_space<semaphore_mem>>
      %dma_start3A_262 = arith.constant 0 : i32
      %dma_start3A_263 = tpu.memref_slice %arg27[%add3A_23, %dma_start3A_262] : memref<50176x32xf32, #tpu.memory_space<vmem_shared>> -> memref<128x32xf32, #tpu.memory_space<vmem_shared>>
      %dma_start3A_264 = arith.constant 0 : i32
      %dma_start3A_265 = tpu.memref_slice %arg27[%add3A_23, %dma_start3A_264] : memref<50176x32xf32, #tpu.memory_space<vmem_shared>> -> memref<128x32xf32, #tpu.memory_space<vmem_shared>>
      tpu.enqueue_dma source(%arg12 : memref<128x32xf32, #tpu.memory_space<vmem>>) target(%dma_start3A_265 : memref<128x32xf32, #tpu.memory_space<vmem_shared>>) target_semaphore(%run_scoped3A : memref<!tpu.dma_semaphore, #tpu.memory_space<semaphore_mem>>)
      %dma_wait3A_266 = arith.constant 0 : i32
      %dma_wait3A_267 = tpu.memref_slice %arg27[%add3A_23, %dma_wait3A_266] : memref<50176x32xf32, #tpu.memory_space<vmem_shared>> -> memref<128x32xf32, #tpu.memory_space<vmem_shared>>
      %dma_wait3A_268 = arith.constant 0 : i32
      %dma_wait3A_269 = tpu.memref_slice %arg27[%add3A_23, %dma_wait3A_268] : memref<50176x32xf32, #tpu.memory_space<vmem_shared>> -> memref<128x32xf32, #tpu.memory_space<vmem_shared>>
      tpu.wait_dma2 semaphore(%run_scoped3A : memref<!tpu.dma_semaphore, #tpu.memory_space<semaphore_mem>>) src(%arg12 : memref<128x32xf32, #tpu.memory_space<vmem>>) dst(%dma_wait3A_269 : memref<128x32xf32, #tpu.memory_space<vmem_shared>>)
      tpu.yield
    }) : () -> ()
    %add3A_24 = arith.constant 128 : i32
    %add3A_25 = arith.addi %mul3A_14, %add3A_24 : i32
    "tpu.region"() ({
      %run_scoped3A = tpu.sem_alloc : memref<!tpu.dma_semaphore, #tpu.memory_space<semaphore_mem>>
      %dma_start3A_262 = tpu.memref_slice %arg28[%add3A_25] : memref<50176xf32, #tpu.memory_space<vmem_shared>> -> memref<128xf32, #tpu.memory_space<vmem_shared>>
      %dma_start3A_263 = tpu.memref_slice %arg28[%add3A_25] : memref<50176xf32, #tpu.memory_space<vmem_shared>> -> memref<128xf32, #tpu.memory_space<vmem_shared>>
      tpu.enqueue_dma source(%arg16 : memref<128xf32, #tpu.memory_space<vmem>>) target(%dma_start3A_263 : memref<128xf32, #tpu.memory_space<vmem_shared>>) target_semaphore(%run_scoped3A : memref<!tpu.dma_semaphore, #tpu.memory_space<semaphore_mem>>)
      %dma_wait3A_264 = tpu.memref_slice %arg28[%add3A_25] : memref<50176xf32, #tpu.memory_space<vmem_shared>> -> memref<128xf32, #tpu.memory_space<vmem_shared>>
      %dma_wait3A_265 = tpu.memref_slice %arg28[%add3A_25] : memref<50176xf32, #tpu.memory_space<vmem_shared>> -> memref<128xf32, #tpu.memory_space<vmem_shared>>
      tpu.wait_dma2 semaphore(%run_scoped3A : memref<!tpu.dma_semaphore, #tpu.memory_space<semaphore_mem>>) src(%arg16 : memref<128xf32, #tpu.memory_space<vmem>>) dst(%dma_wait3A_265 : memref<128xf32, #tpu.memory_space<vmem_shared>>)
      tpu.yield
    }) : () -> ()
    %add3A_26 = arith.constant 128 : i32
    %add3A_27 = arith.addi %mul3A_14, %add3A_26 : i32
    "tpu.region"() ({
      %run_scoped3A = tpu.sem_alloc : memref<!tpu.dma_semaphore, #tpu.memory_space<semaphore_mem>>
      %dma_start3A_262 = tpu.memref_slice %arg29[%add3A_27] : memref<50176xf32, #tpu.memory_space<vmem_shared>> -> memref<128xf32, #tpu.memory_space<vmem_shared>>
      %dma_start3A_263 = tpu.memref_slice %arg29[%add3A_27] : memref<50176xf32, #tpu.memory_space<vmem_shared>> -> memref<128xf32, #tpu.memory_space<vmem_shared>>
      tpu.enqueue_dma source(%arg16 : memref<128xf32, #tpu.memory_space<vmem>>) target(%dma_start3A_263 : memref<128xf32, #tpu.memory_space<vmem_shared>>) target_semaphore(%run_scoped3A : memref<!tpu.dma_semaphore, #tpu.memory_space<semaphore_mem>>)
      %dma_wait3A_264 = tpu.memref_slice %arg29[%add3A_27] : memref<50176xf32, #tpu.memory_space<vmem_shared>> -> memref<128xf32, #tpu.memory_space<vmem_shared>>
      %dma_wait3A_265 = tpu.memref_slice %arg29[%add3A_27] : memref<50176xf32, #tpu.memory_space<vmem_shared>> -> memref<128xf32, #tpu.memory_space<vmem_shared>>
      tpu.wait_dma2 semaphore(%run_scoped3A : memref<!tpu.dma_semaphore, #tpu.memory_space<semaphore_mem>>) src(%arg16 : memref<128xf32, #tpu.memory_space<vmem>>) dst(%dma_wait3A_265 : memref<128xf32, #tpu.memory_space<vmem_shared>>)
      tpu.yield
    }) : () -> ()
    %add3A_28 = arith.constant 128 : i32
    %add3A_29 = arith.addi %mul3A_14, %add3A_28 : i32
    "tpu.region"() ({
      %run_scoped3A = tpu.sem_alloc : memref<!tpu.dma_semaphore, #tpu.memory_space<semaphore_mem>>
      %dma_start3A_262 = tpu.memref_slice %arg30[%add3A_29] : memref<50176xf32, #tpu.memory_space<vmem_shared>> -> memref<128xf32, #tpu.memory_space<vmem_shared>>
      %dma_start3A_263 = tpu.memref_slice %arg30[%add3A_29] : memref<50176xf32, #tpu.memory_space<vmem_shared>> -> memref<128xf32, #tpu.memory_space<vmem_shared>>
      tpu.enqueue_dma source(%arg16 : memref<128xf32, #tpu.memory_space<vmem>>) target(%dma_start3A_263 : memref<128xf32, #tpu.memory_space<vmem_shared>>) target_semaphore(%run_scoped3A : memref<!tpu.dma_semaphore, #tpu.memory_space<semaphore_mem>>)
      %dma_wait3A_264 = tpu.memref_slice %arg30[%add3A_29] : memref<50176xf32, #tpu.memory_space<vmem_shared>> -> memref<128xf32, #tpu.memory_space<vmem_shared>>
      %dma_wait3A_265 = tpu.memref_slice %arg30[%add3A_29] : memref<50176xf32, #tpu.memory_space<vmem_shared>> -> memref<128xf32, #tpu.memory_space<vmem_shared>>
      tpu.wait_dma2 semaphore(%run_scoped3A : memref<!tpu.dma_semaphore, #tpu.memory_space<semaphore_mem>>) src(%arg16 : memref<128xf32, #tpu.memory_space<vmem>>) dst(%dma_wait3A_265 : memref<128xf32, #tpu.memory_space<vmem_shared>>)
      tpu.yield
    }) : () -> ()
    %add3A_30 = arith.constant 256 : i32
    %add3A_31 = arith.addi %mul3A_14, %add3A_30 : i32
    "tpu.region"() ({
      %run_scoped3A = tpu.sem_alloc : memref<!tpu.dma_semaphore, #tpu.memory_space<semaphore_mem>>
      %dma_start3A_262 = arith.constant 0 : i32
      %dma_start3A_263 = tpu.memref_slice %arg27[%add3A_31, %dma_start3A_262] : memref<50176x32xf32, #tpu.memory_space<vmem_shared>> -> memref<128x32xf32, #tpu.memory_space<vmem_shared>>
      %dma_start3A_264 = arith.constant 0 : i32
      %dma_start3A_265 = tpu.memref_slice %arg27[%add3A_31, %dma_start3A_264] : memref<50176x32xf32, #tpu.memory_space<vmem_shared>> -> memref<128x32xf32, #tpu.memory_space<vmem_shared>>
      tpu.enqueue_dma source(%arg12 : memref<128x32xf32, #tpu.memory_space<vmem>>) target(%dma_start3A_265 : memref<128x32xf32, #tpu.memory_space<vmem_shared>>) target_semaphore(%run_scoped3A : memref<!tpu.dma_semaphore, #tpu.memory_space<semaphore_mem>>)
      %dma_wait3A_266 = arith.constant 0 : i32
      %dma_wait3A_267 = tpu.memref_slice %arg27[%add3A_31, %dma_wait3A_266] : memref<50176x32xf32, #tpu.memory_space<vmem_shared>> -> memref<128x32xf32, #tpu.memory_space<vmem_shared>>
      %dma_wait3A_268 = arith.constant 0 : i32
      %dma_wait3A_269 = tpu.memref_slice %arg27[%add3A_31, %dma_wait3A_268] : memref<50176x32xf32, #tpu.memory_space<vmem_shared>> -> memref<128x32xf32, #tpu.memory_space<vmem_shared>>
      tpu.wait_dma2 semaphore(%run_scoped3A : memref<!tpu.dma_semaphore, #tpu.memory_space<semaphore_mem>>) src(%arg12 : memref<128x32xf32, #tpu.memory_space<vmem>>) dst(%dma_wait3A_269 : memref<128x32xf32, #tpu.memory_space<vmem_shared>>)
      tpu.yield
    }) : () -> ()
    %add3A_32 = arith.constant 256 : i32
    %add3A_33 = arith.addi %mul3A_14, %add3A_32 : i32
    "tpu.region"() ({
      %run_scoped3A = tpu.sem_alloc : memref<!tpu.dma_semaphore, #tpu.memory_space<semaphore_mem>>
      %dma_start3A_262 = tpu.memref_slice %arg28[%add3A_33] : memref<50176xf32, #tpu.memory_space<vmem_shared>> -> memref<128xf32, #tpu.memory_space<vmem_shared>>
      %dma_start3A_263 = tpu.memref_slice %arg28[%add3A_33] : memref<50176xf32, #tpu.memory_space<vmem_shared>> -> memref<128xf32, #tpu.memory_space<vmem_shared>>
      tpu.enqueue_dma source(%arg16 : memref<128xf32, #tpu.memory_space<vmem>>) target(%dma_start3A_263 : memref<128xf32, #tpu.memory_space<vmem_shared>>) target_semaphore(%run_scoped3A : memref<!tpu.dma_semaphore, #tpu.memory_space<semaphore_mem>>)
      %dma_wait3A_264 = tpu.memref_slice %arg28[%add3A_33] : memref<50176xf32, #tpu.memory_space<vmem_shared>> -> memref<128xf32, #tpu.memory_space<vmem_shared>>
      %dma_wait3A_265 = tpu.memref_slice %arg28[%add3A_33] : memref<50176xf32, #tpu.memory_space<vmem_shared>> -> memref<128xf32, #tpu.memory_space<vmem_shared>>
      tpu.wait_dma2 semaphore(%run_scoped3A : memref<!tpu.dma_semaphore, #tpu.memory_space<semaphore_mem>>) src(%arg16 : memref<128xf32, #tpu.memory_space<vmem>>) dst(%dma_wait3A_265 : memref<128xf32, #tpu.memory_space<vmem_shared>>)
      tpu.yield
    }) : () -> ()
    %add3A_34 = arith.constant 256 : i32
    %add3A_35 = arith.addi %mul3A_14, %add3A_34 : i32
    "tpu.region"() ({
      %run_scoped3A = tpu.sem_alloc : memref<!tpu.dma_semaphore, #tpu.memory_space<semaphore_mem>>
      %dma_start3A_262 = tpu.memref_slice %arg29[%add3A_35] : memref<50176xf32, #tpu.memory_space<vmem_shared>> -> memref<128xf32, #tpu.memory_space<vmem_shared>>
      %dma_start3A_263 = tpu.memref_slice %arg29[%add3A_35] : memref<50176xf32, #tpu.memory_space<vmem_shared>> -> memref<128xf32, #tpu.memory_space<vmem_shared>>
      tpu.enqueue_dma source(%arg16 : memref<128xf32, #tpu.memory_space<vmem>>) target(%dma_start3A_263 : memref<128xf32, #tpu.memory_space<vmem_shared>>) target_semaphore(%run_scoped3A : memref<!tpu.dma_semaphore, #tpu.memory_space<semaphore_mem>>)
      %dma_wait3A_264 = tpu.memref_slice %arg29[%add3A_35] : memref<50176xf32, #tpu.memory_space<vmem_shared>> -> memref<128xf32, #tpu.memory_space<vmem_shared>>
      %dma_wait3A_265 = tpu.memref_slice %arg29[%add3A_35] : memref<50176xf32, #tpu.memory_space<vmem_shared>> -> memref<128xf32, #tpu.memory_space<vmem_shared>>
      tpu.wait_dma2 semaphore(%run_scoped3A : memref<!tpu.dma_semaphore, #tpu.memory_space<semaphore_mem>>) src(%arg16 : memref<128xf32, #tpu.memory_space<vmem>>) dst(%dma_wait3A_265 : memref<128xf32, #tpu.memory_space<vmem_shared>>)
      tpu.yield
    }) : () -> ()
    %add3A_36 = arith.constant 256 : i32
    %add3A_37 = arith.addi %mul3A_14, %add3A_36 : i32
    "tpu.region"() ({
      %run_scoped3A = tpu.sem_alloc : memref<!tpu.dma_semaphore, #tpu.memory_space<semaphore_mem>>
      %dma_start3A_262 = tpu.memref_slice %arg30[%add3A_37] : memref<50176xf32, #tpu.memory_space<vmem_shared>> -> memref<128xf32, #tpu.memory_space<vmem_shared>>
      %dma_start3A_263 = tpu.memref_slice %arg30[%add3A_37] : memref<50176xf32, #tpu.memory_space<vmem_shared>> -> memref<128xf32, #tpu.memory_space<vmem_shared>>
      tpu.enqueue_dma source(%arg16 : memref<128xf32, #tpu.memory_space<vmem>>) target(%dma_start3A_263 : memref<128xf32, #tpu.memory_space<vmem_shared>>) target_semaphore(%run_scoped3A : memref<!tpu.dma_semaphore, #tpu.memory_space<semaphore_mem>>)
      %dma_wait3A_264 = tpu.memref_slice %arg30[%add3A_37] : memref<50176xf32, #tpu.memory_space<vmem_shared>> -> memref<128xf32, #tpu.memory_space<vmem_shared>>
      %dma_wait3A_265 = tpu.memref_slice %arg30[%add3A_37] : memref<50176xf32, #tpu.memory_space<vmem_shared>> -> memref<128xf32, #tpu.memory_space<vmem_shared>>
      tpu.wait_dma2 semaphore(%run_scoped3A : memref<!tpu.dma_semaphore, #tpu.memory_space<semaphore_mem>>) src(%arg16 : memref<128xf32, #tpu.memory_space<vmem>>) dst(%dma_wait3A_265 : memref<128xf32, #tpu.memory_space<vmem_shared>>)
      tpu.yield
    }) : () -> ()
    %add3A_38 = arith.constant 384 : i32
    %add3A_39 = arith.addi %mul3A_14, %add3A_38 : i32
    "tpu.region"() ({
      %run_scoped3A = tpu.sem_alloc : memref<!tpu.dma_semaphore, #tpu.memory_space<semaphore_mem>>
      %dma_start3A_262 = arith.constant 0 : i32
      %dma_start3A_263 = tpu.memref_slice %arg27[%add3A_39, %dma_start3A_262] : memref<50176x32xf32, #tpu.memory_space<vmem_shared>> -> memref<128x32xf32, #tpu.memory_space<vmem_shared>>
      %dma_start3A_264 = arith.constant 0 : i32
      %dma_start3A_265 = tpu.memref_slice %arg27[%add3A_39, %dma_start3A_264] : memref<50176x32xf32, #tpu.memory_space<vmem_shared>> -> memref<128x32xf32, #tpu.memory_space<vmem_shared>>
      tpu.enqueue_dma source(%arg12 : memref<128x32xf32, #tpu.memory_space<vmem>>) target(%dma_start3A_265 : memref<128x32xf32, #tpu.memory_space<vmem_shared>>) target_semaphore(%run_scoped3A : memref<!tpu.dma_semaphore, #tpu.memory_space<semaphore_mem>>)
      %dma_wait3A_266 = arith.constant 0 : i32
      %dma_wait3A_267 = tpu.memref_slice %arg27[%add3A_39, %dma_wait3A_266] : memref<50176x32xf32, #tpu.memory_space<vmem_shared>> -> memref<128x32xf32, #tpu.memory_space<vmem_shared>>
      %dma_wait3A_268 = arith.constant 0 : i32
      %dma_wait3A_269 = tpu.memref_slice %arg27[%add3A_39, %dma_wait3A_268] : memref<50176x32xf32, #tpu.memory_space<vmem_shared>> -> memref<128x32xf32, #tpu.memory_space<vmem_shared>>
      tpu.wait_dma2 semaphore(%run_scoped3A : memref<!tpu.dma_semaphore, #tpu.memory_space<semaphore_mem>>) src(%arg12 : memref<128x32xf32, #tpu.memory_space<vmem>>) dst(%dma_wait3A_269 : memref<128x32xf32, #tpu.memory_space<vmem_shared>>)
      tpu.yield
    }) : () -> ()
    %add3A_40 = arith.constant 384 : i32
    %add3A_41 = arith.addi %mul3A_14, %add3A_40 : i32
    "tpu.region"() ({
      %run_scoped3A = tpu.sem_alloc : memref<!tpu.dma_semaphore, #tpu.memory_space<semaphore_mem>>
      %dma_start3A_262 = tpu.memref_slice %arg28[%add3A_41] : memref<50176xf32, #tpu.memory_space<vmem_shared>> -> memref<128xf32, #tpu.memory_space<vmem_shared>>
      %dma_start3A_263 = tpu.memref_slice %arg28[%add3A_41] : memref<50176xf32, #tpu.memory_space<vmem_shared>> -> memref<128xf32, #tpu.memory_space<vmem_shared>>
      tpu.enqueue_dma source(%arg16 : memref<128xf32, #tpu.memory_space<vmem>>) target(%dma_start3A_263 : memref<128xf32, #tpu.memory_space<vmem_shared>>) target_semaphore(%run_scoped3A : memref<!tpu.dma_semaphore, #tpu.memory_space<semaphore_mem>>)
      %dma_wait3A_264 = tpu.memref_slice %arg28[%add3A_41] : memref<50176xf32, #tpu.memory_space<vmem_shared>> -> memref<128xf32, #tpu.memory_space<vmem_shared>>
      %dma_wait3A_265 = tpu.memref_slice %arg28[%add3A_41] : memref<50176xf32, #tpu.memory_space<vmem_shared>> -> memref<128xf32, #tpu.memory_space<vmem_shared>>
      tpu.wait_dma2 semaphore(%run_scoped3A : memref<!tpu.dma_semaphore, #tpu.memory_space<semaphore_mem>>) src(%arg16 : memref<128xf32, #tpu.memory_space<vmem>>) dst(%dma_wait3A_265 : memref<128xf32, #tpu.memory_space<vmem_shared>>)
      tpu.yield
    }) : () -> ()
    %add3A_42 = arith.constant 384 : i32
    %add3A_43 = arith.addi %mul3A_14, %add3A_42 : i32
    "tpu.region"() ({
      %run_scoped3A = tpu.sem_alloc : memref<!tpu.dma_semaphore, #tpu.memory_space<semaphore_mem>>
      %dma_start3A_262 = tpu.memref_slice %arg29[%add3A_43] : memref<50176xf32, #tpu.memory_space<vmem_shared>> -> memref<128xf32, #tpu.memory_space<vmem_shared>>
      %dma_start3A_263 = tpu.memref_slice %arg29[%add3A_43] : memref<50176xf32, #tpu.memory_space<vmem_shared>> -> memref<128xf32, #tpu.memory_space<vmem_shared>>
      tpu.enqueue_dma source(%arg16 : memref<128xf32, #tpu.memory_space<vmem>>) target(%dma_start3A_263 : memref<128xf32, #tpu.memory_space<vmem_shared>>) target_semaphore(%run_scoped3A : memref<!tpu.dma_semaphore, #tpu.memory_space<semaphore_mem>>)
      %dma_wait3A_264 = tpu.memref_slice %arg29[%add3A_43] : memref<50176xf32, #tpu.memory_space<vmem_shared>> -> memref<128xf32, #tpu.memory_space<vmem_shared>>
      %dma_wait3A_265 = tpu.memref_slice %arg29[%add3A_43] : memref<50176xf32, #tpu.memory_space<vmem_shared>> -> memref<128xf32, #tpu.memory_space<vmem_shared>>
      tpu.wait_dma2 semaphore(%run_scoped3A : memref<!tpu.dma_semaphore, #tpu.memory_space<semaphore_mem>>) src(%arg16 : memref<128xf32, #tpu.memory_space<vmem>>) dst(%dma_wait3A_265 : memref<128xf32, #tpu.memory_space<vmem_shared>>)
      tpu.yield
    }) : () -> ()
    %add3A_44 = arith.constant 384 : i32
    %add3A_45 = arith.addi %mul3A_14, %add3A_44 : i32
    "tpu.region"() ({
      %run_scoped3A = tpu.sem_alloc : memref<!tpu.dma_semaphore, #tpu.memory_space<semaphore_mem>>
      %dma_start3A_262 = tpu.memref_slice %arg30[%add3A_45] : memref<50176xf32, #tpu.memory_space<vmem_shared>> -> memref<128xf32, #tpu.memory_space<vmem_shared>>
      %dma_start3A_263 = tpu.memref_slice %arg30[%add3A_45] : memref<50176xf32, #tpu.memory_space<vmem_shared>> -> memref<128xf32, #tpu.memory_space<vmem_shared>>
      tpu.enqueue_dma source(%arg16 : memref<128xf32, #tpu.memory_space<vmem>>) target(%dma_start3A_263 : memref<128xf32, #tpu.memory_space<vmem_shared>>) target_semaphore(%run_scoped3A : memref<!tpu.dma_semaphore, #tpu.memory_space<semaphore_mem>>)
      %dma_wait3A_264 = tpu.memref_slice %arg30[%add3A_45] : memref<50176xf32, #tpu.memory_space<vmem_shared>> -> memref<128xf32, #tpu.memory_space<vmem_shared>>
      %dma_wait3A_265 = tpu.memref_slice %arg30[%add3A_45] : memref<50176xf32, #tpu.memory_space<vmem_shared>> -> memref<128xf32, #tpu.memory_space<vmem_shared>>
      tpu.wait_dma2 semaphore(%run_scoped3A : memref<!tpu.dma_semaphore, #tpu.memory_space<semaphore_mem>>) src(%arg16 : memref<128xf32, #tpu.memory_space<vmem>>) dst(%dma_wait3A_265 : memref<128xf32, #tpu.memory_space<vmem_shared>>)
      tpu.yield
    }) : () -> ()
    %add3A_46 = arith.constant 512 : i32
    %add3A_47 = arith.addi %mul3A_14, %add3A_46 : i32
    "tpu.region"() ({
      %run_scoped3A = tpu.sem_alloc : memref<!tpu.dma_semaphore, #tpu.memory_space<semaphore_mem>>
      %dma_start3A_262 = arith.constant 0 : i32
      %dma_start3A_263 = tpu.memref_slice %arg27[%add3A_47, %dma_start3A_262] : memref<50176x32xf32, #tpu.memory_space<vmem_shared>> -> memref<128x32xf32, #tpu.memory_space<vmem_shared>>
      %dma_start3A_264 = arith.constant 0 : i32
      %dma_start3A_265 = tpu.memref_slice %arg27[%add3A_47, %dma_start3A_264] : memref<50176x32xf32, #tpu.memory_space<vmem_shared>> -> memref<128x32xf32, #tpu.memory_space<vmem_shared>>
      tpu.enqueue_dma source(%arg12 : memref<128x32xf32, #tpu.memory_space<vmem>>) target(%dma_start3A_265 : memref<128x32xf32, #tpu.memory_space<vmem_shared>>) target_semaphore(%run_scoped3A : memref<!tpu.dma_semaphore, #tpu.memory_space<semaphore_mem>>)
      %dma_wait3A_266 = arith.constant 0 : i32
      %dma_wait3A_267 = tpu.memref_slice %arg27[%add3A_47, %dma_wait3A_266] : memref<50176x32xf32, #tpu.memory_space<vmem_shared>> -> memref<128x32xf32, #tpu.memory_space<vmem_shared>>
      %dma_wait3A_268 = arith.constant 0 : i32
      %dma_wait3A_269 = tpu.memref_slice %arg27[%add3A_47, %dma_wait3A_268] : memref<50176x32xf32, #tpu.memory_space<vmem_shared>> -> memref<128x32xf32, #tpu.memory_space<vmem_shared>>
      tpu.wait_dma2 semaphore(%run_scoped3A : memref<!tpu.dma_semaphore, #tpu.memory_space<semaphore_mem>>) src(%arg12 : memref<128x32xf32, #tpu.memory_space<vmem>>) dst(%dma_wait3A_269 : memref<128x32xf32, #tpu.memory_space<vmem_shared>>)
      tpu.yield
    }) : () -> ()
    %add3A_48 = arith.constant 512 : i32
    %add3A_49 = arith.addi %mul3A_14, %add3A_48 : i32
    "tpu.region"() ({
      %run_scoped3A = tpu.sem_alloc : memref<!tpu.dma_semaphore, #tpu.memory_space<semaphore_mem>>
      %dma_start3A_262 = tpu.memref_slice %arg28[%add3A_49] : memref<50176xf32, #tpu.memory_space<vmem_shared>> -> memref<128xf32, #tpu.memory_space<vmem_shared>>
      %dma_start3A_263 = tpu.memref_slice %arg28[%add3A_49] : memref<50176xf32, #tpu.memory_space<vmem_shared>> -> memref<128xf32, #tpu.memory_space<vmem_shared>>
      tpu.enqueue_dma source(%arg16 : memref<128xf32, #tpu.memory_space<vmem>>) target(%dma_start3A_263 : memref<128xf32, #tpu.memory_space<vmem_shared>>) target_semaphore(%run_scoped3A : memref<!tpu.dma_semaphore, #tpu.memory_space<semaphore_mem>>)
      %dma_wait3A_264 = tpu.memref_slice %arg28[%add3A_49] : memref<50176xf32, #tpu.memory_space<vmem_shared>> -> memref<128xf32, #tpu.memory_space<vmem_shared>>
      %dma_wait3A_265 = tpu.memref_slice %arg28[%add3A_49] : memref<50176xf32, #tpu.memory_space<vmem_shared>> -> memref<128xf32, #tpu.memory_space<vmem_shared>>
      tpu.wait_dma2 semaphore(%run_scoped3A : memref<!tpu.dma_semaphore, #tpu.memory_space<semaphore_mem>>) src(%arg16 : memref<128xf32, #tpu.memory_space<vmem>>) dst(%dma_wait3A_265 : memref<128xf32, #tpu.memory_space<vmem_shared>>)
      tpu.yield
    }) : () -> ()
    %add3A_50 = arith.constant 512 : i32
    %add3A_51 = arith.addi %mul3A_14, %add3A_50 : i32
    "tpu.region"() ({
      %run_scoped3A = tpu.sem_alloc : memref<!tpu.dma_semaphore, #tpu.memory_space<semaphore_mem>>
      %dma_start3A_262 = tpu.memref_slice %arg29[%add3A_51] : memref<50176xf32, #tpu.memory_space<vmem_shared>> -> memref<128xf32, #tpu.memory_space<vmem_shared>>
      %dma_start3A_263 = tpu.memref_slice %arg29[%add3A_51] : memref<50176xf32, #tpu.memory_space<vmem_shared>> -> memref<128xf32, #tpu.memory_space<vmem_shared>>
      tpu.enqueue_dma source(%arg16 : memref<128xf32, #tpu.memory_space<vmem>>) target(%dma_start3A_263 : memref<128xf32, #tpu.memory_space<vmem_shared>>) target_semaphore(%run_scoped3A : memref<!tpu.dma_semaphore, #tpu.memory_space<semaphore_mem>>)
      %dma_wait3A_264 = tpu.memref_slice %arg29[%add3A_51] : memref<50176xf32, #tpu.memory_space<vmem_shared>> -> memref<128xf32, #tpu.memory_space<vmem_shared>>
      %dma_wait3A_265 = tpu.memref_slice %arg29[%add3A_51] : memref<50176xf32, #tpu.memory_space<vmem_shared>> -> memref<128xf32, #tpu.memory_space<vmem_shared>>
      tpu.wait_dma2 semaphore(%run_scoped3A : memref<!tpu.dma_semaphore, #tpu.memory_space<semaphore_mem>>) src(%arg16 : memref<128xf32, #tpu.memory_space<vmem>>) dst(%dma_wait3A_265 : memref<128xf32, #tpu.memory_space<vmem_shared>>)
      tpu.yield
    }) : () -> ()
    %add3A_52 = arith.constant 512 : i32
    %add3A_53 = arith.addi %mul3A_14, %add3A_52 : i32
    "tpu.region"() ({
      %run_scoped3A = tpu.sem_alloc : memref<!tpu.dma_semaphore, #tpu.memory_space<semaphore_mem>>
      %dma_start3A_262 = tpu.memref_slice %arg30[%add3A_53] : memref<50176xf32, #tpu.memory_space<vmem_shared>> -> memref<128xf32, #tpu.memory_space<vmem_shared>>
      %dma_start3A_263 = tpu.memref_slice %arg30[%add3A_53] : memref<50176xf32, #tpu.memory_space<vmem_shared>> -> memref<128xf32, #tpu.memory_space<vmem_shared>>
      tpu.enqueue_dma source(%arg16 : memref<128xf32, #tpu.memory_space<vmem>>) target(%dma_start3A_263 : memref<128xf32, #tpu.memory_space<vmem_shared>>) target_semaphore(%run_scoped3A : memref<!tpu.dma_semaphore, #tpu.memory_space<semaphore_mem>>)
      %dma_wait3A_264 = tpu.memref_slice %arg30[%add3A_53] : memref<50176xf32, #tpu.memory_space<vmem_shared>> -> memref<128xf32, #tpu.memory_space<vmem_shared>>
      %dma_wait3A_265 = tpu.memref_slice %arg30[%add3A_53] : memref<50176xf32, #tpu.memory_space<vmem_shared>> -> memref<128xf32, #tpu.memory_space<vmem_shared>>
      tpu.wait_dma2 semaphore(%run_scoped3A : memref<!tpu.dma_semaphore, #tpu.memory_space<semaphore_mem>>) src(%arg16 : memref<128xf32, #tpu.memory_space<vmem>>) dst(%dma_wait3A_265 : memref<128xf32, #tpu.memory_space<vmem_shared>>)
      tpu.yield
    }) : () -> ()
    %add3A_54 = arith.constant 640 : i32
    %add3A_55 = arith.addi %mul3A_14, %add3A_54 : i32
    "tpu.region"() ({
      %run_scoped3A = tpu.sem_alloc : memref<!tpu.dma_semaphore, #tpu.memory_space<semaphore_mem>>
      %dma_start3A_262 = arith.constant 0 : i32
      %dma_start3A_263 = tpu.memref_slice %arg27[%add3A_55, %dma_start3A_262] : memref<50176x32xf32, #tpu.memory_space<vmem_shared>> -> memref<128x32xf32, #tpu.memory_space<vmem_shared>>
      %dma_start3A_264 = arith.constant 0 : i32
      %dma_start3A_265 = tpu.memref_slice %arg27[%add3A_55, %dma_start3A_264] : memref<50176x32xf32, #tpu.memory_space<vmem_shared>> -> memref<128x32xf32, #tpu.memory_space<vmem_shared>>
      tpu.enqueue_dma source(%arg12 : memref<128x32xf32, #tpu.memory_space<vmem>>) target(%dma_start3A_265 : memref<128x32xf32, #tpu.memory_space<vmem_shared>>) target_semaphore(%run_scoped3A : memref<!tpu.dma_semaphore, #tpu.memory_space<semaphore_mem>>)
      %dma_wait3A_266 = arith.constant 0 : i32
      %dma_wait3A_267 = tpu.memref_slice %arg27[%add3A_55, %dma_wait3A_266] : memref<50176x32xf32, #tpu.memory_space<vmem_shared>> -> memref<128x32xf32, #tpu.memory_space<vmem_shared>>
      %dma_wait3A_268 = arith.constant 0 : i32
      %dma_wait3A_269 = tpu.memref_slice %arg27[%add3A_55, %dma_wait3A_268] : memref<50176x32xf32, #tpu.memory_space<vmem_shared>> -> memref<128x32xf32, #tpu.memory_space<vmem_shared>>
      tpu.wait_dma2 semaphore(%run_scoped3A : memref<!tpu.dma_semaphore, #tpu.memory_space<semaphore_mem>>) src(%arg12 : memref<128x32xf32, #tpu.memory_space<vmem>>) dst(%dma_wait3A_269 : memref<128x32xf32, #tpu.memory_space<vmem_shared>>)
      tpu.yield
    }) : () -> ()
    %add3A_56 = arith.constant 640 : i32
    %add3A_57 = arith.addi %mul3A_14, %add3A_56 : i32
    "tpu.region"() ({
      %run_scoped3A = tpu.sem_alloc : memref<!tpu.dma_semaphore, #tpu.memory_space<semaphore_mem>>
      %dma_start3A_262 = tpu.memref_slice %arg28[%add3A_57] : memref<50176xf32, #tpu.memory_space<vmem_shared>> -> memref<128xf32, #tpu.memory_space<vmem_shared>>
      %dma_start3A_263 = tpu.memref_slice %arg28[%add3A_57] : memref<50176xf32, #tpu.memory_space<vmem_shared>> -> memref<128xf32, #tpu.memory_space<vmem_shared>>
      tpu.enqueue_dma source(%arg16 : memref<128xf32, #tpu.memory_space<vmem>>) target(%dma_start3A_263 : memref<128xf32, #tpu.memory_space<vmem_shared>>) target_semaphore(%run_scoped3A : memref<!tpu.dma_semaphore, #tpu.memory_space<semaphore_mem>>)
      %dma_wait3A_264 = tpu.memref_slice %arg28[%add3A_57] : memref<50176xf32, #tpu.memory_space<vmem_shared>> -> memref<128xf32, #tpu.memory_space<vmem_shared>>
      %dma_wait3A_265 = tpu.memref_slice %arg28[%add3A_57] : memref<50176xf32, #tpu.memory_space<vmem_shared>> -> memref<128xf32, #tpu.memory_space<vmem_shared>>
      tpu.wait_dma2 semaphore(%run_scoped3A : memref<!tpu.dma_semaphore, #tpu.memory_space<semaphore_mem>>) src(%arg16 : memref<128xf32, #tpu.memory_space<vmem>>) dst(%dma_wait3A_265 : memref<128xf32, #tpu.memory_space<vmem_shared>>)
      tpu.yield
    }) : () -> ()
    %add3A_58 = arith.constant 640 : i32
    %add3A_59 = arith.addi %mul3A_14, %add3A_58 : i32
    "tpu.region"() ({
      %run_scoped3A = tpu.sem_alloc : memref<!tpu.dma_semaphore, #tpu.memory_space<semaphore_mem>>
      %dma_start3A_262 = tpu.memref_slice %arg29[%add3A_59] : memref<50176xf32, #tpu.memory_space<vmem_shared>> -> memref<128xf32, #tpu.memory_space<vmem_shared>>
      %dma_start3A_263 = tpu.memref_slice %arg29[%add3A_59] : memref<50176xf32, #tpu.memory_space<vmem_shared>> -> memref<128xf32, #tpu.memory_space<vmem_shared>>
      tpu.enqueue_dma source(%arg16 : memref<128xf32, #tpu.memory_space<vmem>>) target(%dma_start3A_263 : memref<128xf32, #tpu.memory_space<vmem_shared>>) target_semaphore(%run_scoped3A : memref<!tpu.dma_semaphore, #tpu.memory_space<semaphore_mem>>)
      %dma_wait3A_264 = tpu.memref_slice %arg29[%add3A_59] : memref<50176xf32, #tpu.memory_space<vmem_shared>> -> memref<128xf32, #tpu.memory_space<vmem_shared>>
      %dma_wait3A_265 = tpu.memref_slice %arg29[%add3A_59] : memref<50176xf32, #tpu.memory_space<vmem_shared>> -> memref<128xf32, #tpu.memory_space<vmem_shared>>
      tpu.wait_dma2 semaphore(%run_scoped3A : memref<!tpu.dma_semaphore, #tpu.memory_space<semaphore_mem>>) src(%arg16 : memref<128xf32, #tpu.memory_space<vmem>>) dst(%dma_wait3A_265 : memref<128xf32, #tpu.memory_space<vmem_shared>>)
      tpu.yield
    }) : () -> ()
    %add3A_60 = arith.constant 640 : i32
    %add3A_61 = arith.addi %mul3A_14, %add3A_60 : i32
    "tpu.region"() ({
      %run_scoped3A = tpu.sem_alloc : memref<!tpu.dma_semaphore, #tpu.memory_space<semaphore_mem>>
      %dma_start3A_262 = tpu.memref_slice %arg30[%add3A_61] : memref<50176xf32, #tpu.memory_space<vmem_shared>> -> memref<128xf32, #tpu.memory_space<vmem_shared>>
      %dma_start3A_263 = tpu.memref_slice %arg30[%add3A_61] : memref<50176xf32, #tpu.memory_space<vmem_shared>> -> memref<128xf32, #tpu.memory_space<vmem_shared>>
      tpu.enqueue_dma source(%arg16 : memref<128xf32, #tpu.memory_space<vmem>>) target(%dma_start3A_263 : memref<128xf32, #tpu.memory_space<vmem_shared>>) target_semaphore(%run_scoped3A : memref<!tpu.dma_semaphore, #tpu.memory_space<semaphore_mem>>)
      %dma_wait3A_264 = tpu.memref_slice %arg30[%add3A_61] : memref<50176xf32, #tpu.memory_space<vmem_shared>> -> memref<128xf32, #tpu.memory_space<vmem_shared>>
      %dma_wait3A_265 = tpu.memref_slice %arg30[%add3A_61] : memref<50176xf32, #tpu.memory_space<vmem_shared>> -> memref<128xf32, #tpu.memory_space<vmem_shared>>
      tpu.wait_dma2 semaphore(%run_scoped3A : memref<!tpu.dma_semaphore, #tpu.memory_space<semaphore_mem>>) src(%arg16 : memref<128xf32, #tpu.memory_space<vmem>>) dst(%dma_wait3A_265 : memref<128xf32, #tpu.memory_space<vmem_shared>>)
      tpu.yield
    }) : () -> ()
    %add3A_62 = arith.constant 768 : i32
    %add3A_63 = arith.addi %mul3A_14, %add3A_62 : i32
    "tpu.region"() ({
      %run_scoped3A = tpu.sem_alloc : memref<!tpu.dma_semaphore, #tpu.memory_space<semaphore_mem>>
      %dma_start3A_262 = arith.constant 0 : i32
      %dma_start3A_263 = tpu.memref_slice %arg27[%add3A_63, %dma_start3A_262] : memref<50176x32xf32, #tpu.memory_space<vmem_shared>> -> memref<128x32xf32, #tpu.memory_space<vmem_shared>>
      %dma_start3A_264 = arith.constant 0 : i32
      %dma_start3A_265 = tpu.memref_slice %arg27[%add3A_63, %dma_start3A_264] : memref<50176x32xf32, #tpu.memory_space<vmem_shared>> -> memref<128x32xf32, #tpu.memory_space<vmem_shared>>
      tpu.enqueue_dma source(%arg12 : memref<128x32xf32, #tpu.memory_space<vmem>>) target(%dma_start3A_265 : memref<128x32xf32, #tpu.memory_space<vmem_shared>>) target_semaphore(%run_scoped3A : memref<!tpu.dma_semaphore, #tpu.memory_space<semaphore_mem>>)
      %dma_wait3A_266 = arith.constant 0 : i32
      %dma_wait3A_267 = tpu.memref_slice %arg27[%add3A_63, %dma_wait3A_266] : memref<50176x32xf32, #tpu.memory_space<vmem_shared>> -> memref<128x32xf32, #tpu.memory_space<vmem_shared>>
      %dma_wait3A_268 = arith.constant 0 : i32
      %dma_wait3A_269 = tpu.memref_slice %arg27[%add3A_63, %dma_wait3A_268] : memref<50176x32xf32, #tpu.memory_space<vmem_shared>> -> memref<128x32xf32, #tpu.memory_space<vmem_shared>>
      tpu.wait_dma2 semaphore(%run_scoped3A : memref<!tpu.dma_semaphore, #tpu.memory_space<semaphore_mem>>) src(%arg12 : memref<128x32xf32, #tpu.memory_space<vmem>>) dst(%dma_wait3A_269 : memref<128x32xf32, #tpu.memory_space<vmem_shared>>)
      tpu.yield
    }) : () -> ()
    %add3A_64 = arith.constant 768 : i32
    %add3A_65 = arith.addi %mul3A_14, %add3A_64 : i32
    "tpu.region"() ({
      %run_scoped3A = tpu.sem_alloc : memref<!tpu.dma_semaphore, #tpu.memory_space<semaphore_mem>>
      %dma_start3A_262 = tpu.memref_slice %arg28[%add3A_65] : memref<50176xf32, #tpu.memory_space<vmem_shared>> -> memref<128xf32, #tpu.memory_space<vmem_shared>>
      %dma_start3A_263 = tpu.memref_slice %arg28[%add3A_65] : memref<50176xf32, #tpu.memory_space<vmem_shared>> -> memref<128xf32, #tpu.memory_space<vmem_shared>>
      tpu.enqueue_dma source(%arg16 : memref<128xf32, #tpu.memory_space<vmem>>) target(%dma_start3A_263 : memref<128xf32, #tpu.memory_space<vmem_shared>>) target_semaphore(%run_scoped3A : memref<!tpu.dma_semaphore, #tpu.memory_space<semaphore_mem>>)
      %dma_wait3A_264 = tpu.memref_slice %arg28[%add3A_65] : memref<50176xf32, #tpu.memory_space<vmem_shared>> -> memref<128xf32, #tpu.memory_space<vmem_shared>>
      %dma_wait3A_265 = tpu.memref_slice %arg28[%add3A_65] : memref<50176xf32, #tpu.memory_space<vmem_shared>> -> memref<128xf32, #tpu.memory_space<vmem_shared>>
      tpu.wait_dma2 semaphore(%run_scoped3A : memref<!tpu.dma_semaphore, #tpu.memory_space<semaphore_mem>>) src(%arg16 : memref<128xf32, #tpu.memory_space<vmem>>) dst(%dma_wait3A_265 : memref<128xf32, #tpu.memory_space<vmem_shared>>)
      tpu.yield
    }) : () -> ()
    %add3A_66 = arith.constant 768 : i32
    %add3A_67 = arith.addi %mul3A_14, %add3A_66 : i32
    "tpu.region"() ({
      %run_scoped3A = tpu.sem_alloc : memref<!tpu.dma_semaphore, #tpu.memory_space<semaphore_mem>>
      %dma_start3A_262 = tpu.memref_slice %arg29[%add3A_67] : memref<50176xf32, #tpu.memory_space<vmem_shared>> -> memref<128xf32, #tpu.memory_space<vmem_shared>>
      %dma_start3A_263 = tpu.memref_slice %arg29[%add3A_67] : memref<50176xf32, #tpu.memory_space<vmem_shared>> -> memref<128xf32, #tpu.memory_space<vmem_shared>>
      tpu.enqueue_dma source(%arg16 : memref<128xf32, #tpu.memory_space<vmem>>) target(%dma_start3A_263 : memref<128xf32, #tpu.memory_space<vmem_shared>>) target_semaphore(%run_scoped3A : memref<!tpu.dma_semaphore, #tpu.memory_space<semaphore_mem>>)
      %dma_wait3A_264 = tpu.memref_slice %arg29[%add3A_67] : memref<50176xf32, #tpu.memory_space<vmem_shared>> -> memref<128xf32, #tpu.memory_space<vmem_shared>>
      %dma_wait3A_265 = tpu.memref_slice %arg29[%add3A_67] : memref<50176xf32, #tpu.memory_space<vmem_shared>> -> memref<128xf32, #tpu.memory_space<vmem_shared>>
      tpu.wait_dma2 semaphore(%run_scoped3A : memref<!tpu.dma_semaphore, #tpu.memory_space<semaphore_mem>>) src(%arg16 : memref<128xf32, #tpu.memory_space<vmem>>) dst(%dma_wait3A_265 : memref<128xf32, #tpu.memory_space<vmem_shared>>)
      tpu.yield
    }) : () -> ()
    %add3A_68 = arith.constant 768 : i32
    %add3A_69 = arith.addi %mul3A_14, %add3A_68 : i32
    "tpu.region"() ({
      %run_scoped3A = tpu.sem_alloc : memref<!tpu.dma_semaphore, #tpu.memory_space<semaphore_mem>>
      %dma_start3A_262 = tpu.memref_slice %arg30[%add3A_69] : memref<50176xf32, #tpu.memory_space<vmem_shared>> -> memref<128xf32, #tpu.memory_space<vmem_shared>>
      %dma_start3A_263 = tpu.memref_slice %arg30[%add3A_69] : memref<50176xf32, #tpu.memory_space<vmem_shared>> -> memref<128xf32, #tpu.memory_space<vmem_shared>>
      tpu.enqueue_dma source(%arg16 : memref<128xf32, #tpu.memory_space<vmem>>) target(%dma_start3A_263 : memref<128xf32, #tpu.memory_space<vmem_shared>>) target_semaphore(%run_scoped3A : memref<!tpu.dma_semaphore, #tpu.memory_space<semaphore_mem>>)
      %dma_wait3A_264 = tpu.memref_slice %arg30[%add3A_69] : memref<50176xf32, #tpu.memory_space<vmem_shared>> -> memref<128xf32, #tpu.memory_space<vmem_shared>>
      %dma_wait3A_265 = tpu.memref_slice %arg30[%add3A_69] : memref<50176xf32, #tpu.memory_space<vmem_shared>> -> memref<128xf32, #tpu.memory_space<vmem_shared>>
      tpu.wait_dma2 semaphore(%run_scoped3A : memref<!tpu.dma_semaphore, #tpu.memory_space<semaphore_mem>>) src(%arg16 : memref<128xf32, #tpu.memory_space<vmem>>) dst(%dma_wait3A_265 : memref<128xf32, #tpu.memory_space<vmem_shared>>)
      tpu.yield
    }) : () -> ()
    %add3A_70 = arith.constant 896 : i32
    %add3A_71 = arith.addi %mul3A_14, %add3A_70 : i32
    "tpu.region"() ({
      %run_scoped3A = tpu.sem_alloc : memref<!tpu.dma_semaphore, #tpu.memory_space<semaphore_mem>>
      %dma_start3A_262 = arith.constant 0 : i32
      %dma_start3A_263 = tpu.memref_slice %arg27[%add3A_71, %dma_start3A_262] : memref<50176x32xf32, #tpu.memory_space<vmem_shared>> -> memref<128x32xf32, #tpu.memory_space<vmem_shared>>
      %dma_start3A_264 = arith.constant 0 : i32
      %dma_start3A_265 = tpu.memref_slice %arg27[%add3A_71, %dma_start3A_264] : memref<50176x32xf32, #tpu.memory_space<vmem_shared>> -> memref<128x32xf32, #tpu.memory_space<vmem_shared>>
      tpu.enqueue_dma source(%arg12 : memref<128x32xf32, #tpu.memory_space<vmem>>) target(%dma_start3A_265 : memref<128x32xf32, #tpu.memory_space<vmem_shared>>) target_semaphore(%run_scoped3A : memref<!tpu.dma_semaphore, #tpu.memory_space<semaphore_mem>>)
      %dma_wait3A_266 = arith.constant 0 : i32
      %dma_wait3A_267 = tpu.memref_slice %arg27[%add3A_71, %dma_wait3A_266] : memref<50176x32xf32, #tpu.memory_space<vmem_shared>> -> memref<128x32xf32, #tpu.memory_space<vmem_shared>>
      %dma_wait3A_268 = arith.constant 0 : i32
      %dma_wait3A_269 = tpu.memref_slice %arg27[%add3A_71, %dma_wait3A_268] : memref<50176x32xf32, #tpu.memory_space<vmem_shared>> -> memref<128x32xf32, #tpu.memory_space<vmem_shared>>
      tpu.wait_dma2 semaphore(%run_scoped3A : memref<!tpu.dma_semaphore, #tpu.memory_space<semaphore_mem>>) src(%arg12 : memref<128x32xf32, #tpu.memory_space<vmem>>) dst(%dma_wait3A_269 : memref<128x32xf32, #tpu.memory_space<vmem_shared>>)
      tpu.yield
    }) : () -> ()
    %add3A_72 = arith.constant 896 : i32
    %add3A_73 = arith.addi %mul3A_14, %add3A_72 : i32
    "tpu.region"() ({
      %run_scoped3A = tpu.sem_alloc : memref<!tpu.dma_semaphore, #tpu.memory_space<semaphore_mem>>
      %dma_start3A_262 = tpu.memref_slice %arg28[%add3A_73] : memref<50176xf32, #tpu.memory_space<vmem_shared>> -> memref<128xf32, #tpu.memory_space<vmem_shared>>
      %dma_start3A_263 = tpu.memref_slice %arg28[%add3A_73] : memref<50176xf32, #tpu.memory_space<vmem_shared>> -> memref<128xf32, #tpu.memory_space<vmem_shared>>
      tpu.enqueue_dma source(%arg16 : memref<128xf32, #tpu.memory_space<vmem>>) target(%dma_start3A_263 : memref<128xf32, #tpu.memory_space<vmem_shared>>) target_semaphore(%run_scoped3A : memref<!tpu.dma_semaphore, #tpu.memory_space<semaphore_mem>>)
      %dma_wait3A_264 = tpu.memref_slice %arg28[%add3A_73] : memref<50176xf32, #tpu.memory_space<vmem_shared>> -> memref<128xf32, #tpu.memory_space<vmem_shared>>
      %dma_wait3A_265 = tpu.memref_slice %arg28[%add3A_73] : memref<50176xf32, #tpu.memory_space<vmem_shared>> -> memref<128xf32, #tpu.memory_space<vmem_shared>>
      tpu.wait_dma2 semaphore(%run_scoped3A : memref<!tpu.dma_semaphore, #tpu.memory_space<semaphore_mem>>) src(%arg16 : memref<128xf32, #tpu.memory_space<vmem>>) dst(%dma_wait3A_265 : memref<128xf32, #tpu.memory_space<vmem_shared>>)
      tpu.yield
    }) : () -> ()
    %add3A_74 = arith.constant 896 : i32
    %add3A_75 = arith.addi %mul3A_14, %add3A_74 : i32
    "tpu.region"() ({
      %run_scoped3A = tpu.sem_alloc : memref<!tpu.dma_semaphore, #tpu.memory_space<semaphore_mem>>
      %dma_start3A_262 = tpu.memref_slice %arg29[%add3A_75] : memref<50176xf32, #tpu.memory_space<vmem_shared>> -> memref<128xf32, #tpu.memory_space<vmem_shared>>
      %dma_start3A_263 = tpu.memref_slice %arg29[%add3A_75] : memref<50176xf32, #tpu.memory_space<vmem_shared>> -> memref<128xf32, #tpu.memory_space<vmem_shared>>
      tpu.enqueue_dma source(%arg16 : memref<128xf32, #tpu.memory_space<vmem>>) target(%dma_start3A_263 : memref<128xf32, #tpu.memory_space<vmem_shared>>) target_semaphore(%run_scoped3A : memref<!tpu.dma_semaphore, #tpu.memory_space<semaphore_mem>>)
      %dma_wait3A_264 = tpu.memref_slice %arg29[%add3A_75] : memref<50176xf32, #tpu.memory_space<vmem_shared>> -> memref<128xf32, #tpu.memory_space<vmem_shared>>
      %dma_wait3A_265 = tpu.memref_slice %arg29[%add3A_75] : memref<50176xf32, #tpu.memory_space<vmem_shared>> -> memref<128xf32, #tpu.memory_space<vmem_shared>>
      tpu.wait_dma2 semaphore(%run_scoped3A : memref<!tpu.dma_semaphore, #tpu.memory_space<semaphore_mem>>) src(%arg16 : memref<128xf32, #tpu.memory_space<vmem>>) dst(%dma_wait3A_265 : memref<128xf32, #tpu.memory_space<vmem_shared>>)
      tpu.yield
    }) : () -> ()
    %add3A_76 = arith.constant 896 : i32
    %add3A_77 = arith.addi %mul3A_14, %add3A_76 : i32
    "tpu.region"() ({
      %run_scoped3A = tpu.sem_alloc : memref<!tpu.dma_semaphore, #tpu.memory_space<semaphore_mem>>
      %dma_start3A_262 = tpu.memref_slice %arg30[%add3A_77] : memref<50176xf32, #tpu.memory_space<vmem_shared>> -> memref<128xf32, #tpu.memory_space<vmem_shared>>
      %dma_start3A_263 = tpu.memref_slice %arg30[%add3A_77] : memref<50176xf32, #tpu.memory_space<vmem_shared>> -> memref<128xf32, #tpu.memory_space<vmem_shared>>
      tpu.enqueue_dma source(%arg16 : memref<128xf32, #tpu.memory_space<vmem>>) target(%dma_start3A_263 : memref<128xf32, #tpu.memory_space<vmem_shared>>) target_semaphore(%run_scoped3A : memref<!tpu.dma_semaphore, #tpu.memory_space<semaphore_mem>>)
      %dma_wait3A_264 = tpu.memref_slice %arg30[%add3A_77] : memref<50176xf32, #tpu.memory_space<vmem_shared>> -> memref<128xf32, #tpu.memory_space<vmem_shared>>
      %dma_wait3A_265 = tpu.memref_slice %arg30[%add3A_77] : memref<50176xf32, #tpu.memory_space<vmem_shared>> -> memref<128xf32, #tpu.memory_space<vmem_shared>>
      tpu.wait_dma2 semaphore(%run_scoped3A : memref<!tpu.dma_semaphore, #tpu.memory_space<semaphore_mem>>) src(%arg16 : memref<128xf32, #tpu.memory_space<vmem>>) dst(%dma_wait3A_265 : memref<128xf32, #tpu.memory_space<vmem_shared>>)
      tpu.yield
    }) : () -> ()
    %add3A_78 = arith.constant 1024 : i32
    %add3A_79 = arith.addi %mul3A_14, %add3A_78 : i32
    "tpu.region"() ({
      %run_scoped3A = tpu.sem_alloc : memref<!tpu.dma_semaphore, #tpu.memory_space<semaphore_mem>>
      %dma_start3A_262 = arith.constant 0 : i32
      %dma_start3A_263 = tpu.memref_slice %arg27[%add3A_79, %dma_start3A_262] : memref<50176x32xf32, #tpu.memory_space<vmem_shared>> -> memref<128x32xf32, #tpu.memory_space<vmem_shared>>
      %dma_start3A_264 = arith.constant 0 : i32
      %dma_start3A_265 = tpu.memref_slice %arg27[%add3A_79, %dma_start3A_264] : memref<50176x32xf32, #tpu.memory_space<vmem_shared>> -> memref<128x32xf32, #tpu.memory_space<vmem_shared>>
      tpu.enqueue_dma source(%arg12 : memref<128x32xf32, #tpu.memory_space<vmem>>) target(%dma_start3A_265 : memref<128x32xf32, #tpu.memory_space<vmem_shared>>) target_semaphore(%run_scoped3A : memref<!tpu.dma_semaphore, #tpu.memory_space<semaphore_mem>>)
      %dma_wait3A_266 = arith.constant 0 : i32
      %dma_wait3A_267 = tpu.memref_slice %arg27[%add3A_79, %dma_wait3A_266] : memref<50176x32xf32, #tpu.memory_space<vmem_shared>> -> memref<128x32xf32, #tpu.memory_space<vmem_shared>>
      %dma_wait3A_268 = arith.constant 0 : i32
      %dma_wait3A_269 = tpu.memref_slice %arg27[%add3A_79, %dma_wait3A_268] : memref<50176x32xf32, #tpu.memory_space<vmem_shared>> -> memref<128x32xf32, #tpu.memory_space<vmem_shared>>
      tpu.wait_dma2 semaphore(%run_scoped3A : memref<!tpu.dma_semaphore, #tpu.memory_space<semaphore_mem>>) src(%arg12 : memref<128x32xf32, #tpu.memory_space<vmem>>) dst(%dma_wait3A_269 : memref<128x32xf32, #tpu.memory_space<vmem_shared>>)
      tpu.yield
    }) : () -> ()
    %add3A_80 = arith.constant 1024 : i32
    %add3A_81 = arith.addi %mul3A_14, %add3A_80 : i32
    "tpu.region"() ({
      %run_scoped3A = tpu.sem_alloc : memref<!tpu.dma_semaphore, #tpu.memory_space<semaphore_mem>>
      %dma_start3A_262 = tpu.memref_slice %arg28[%add3A_81] : memref<50176xf32, #tpu.memory_space<vmem_shared>> -> memref<128xf32, #tpu.memory_space<vmem_shared>>
      %dma_start3A_263 = tpu.memref_slice %arg28[%add3A_81] : memref<50176xf32, #tpu.memory_space<vmem_shared>> -> memref<128xf32, #tpu.memory_space<vmem_shared>>
      tpu.enqueue_dma source(%arg16 : memref<128xf32, #tpu.memory_space<vmem>>) target(%dma_start3A_263 : memref<128xf32, #tpu.memory_space<vmem_shared>>) target_semaphore(%run_scoped3A : memref<!tpu.dma_semaphore, #tpu.memory_space<semaphore_mem>>)
      %dma_wait3A_264 = tpu.memref_slice %arg28[%add3A_81] : memref<50176xf32, #tpu.memory_space<vmem_shared>> -> memref<128xf32, #tpu.memory_space<vmem_shared>>
      %dma_wait3A_265 = tpu.memref_slice %arg28[%add3A_81] : memref<50176xf32, #tpu.memory_space<vmem_shared>> -> memref<128xf32, #tpu.memory_space<vmem_shared>>
      tpu.wait_dma2 semaphore(%run_scoped3A : memref<!tpu.dma_semaphore, #tpu.memory_space<semaphore_mem>>) src(%arg16 : memref<128xf32, #tpu.memory_space<vmem>>) dst(%dma_wait3A_265 : memref<128xf32, #tpu.memory_space<vmem_shared>>)
      tpu.yield
    }) : () -> ()
    %add3A_82 = arith.constant 1024 : i32
    %add3A_83 = arith.addi %mul3A_14, %add3A_82 : i32
    "tpu.region"() ({
      %run_scoped3A = tpu.sem_alloc : memref<!tpu.dma_semaphore, #tpu.memory_space<semaphore_mem>>
      %dma_start3A_262 = tpu.memref_slice %arg29[%add3A_83] : memref<50176xf32, #tpu.memory_space<vmem_shared>> -> memref<128xf32, #tpu.memory_space<vmem_shared>>
      %dma_start3A_263 = tpu.memref_slice %arg29[%add3A_83] : memref<50176xf32, #tpu.memory_space<vmem_shared>> -> memref<128xf32, #tpu.memory_space<vmem_shared>>
      tpu.enqueue_dma source(%arg16 : memref<128xf32, #tpu.memory_space<vmem>>) target(%dma_start3A_263 : memref<128xf32, #tpu.memory_space<vmem_shared>>) target_semaphore(%run_scoped3A : memref<!tpu.dma_semaphore, #tpu.memory_space<semaphore_mem>>)
      %dma_wait3A_264 = tpu.memref_slice %arg29[%add3A_83] : memref<50176xf32, #tpu.memory_space<vmem_shared>> -> memref<128xf32, #tpu.memory_space<vmem_shared>>
      %dma_wait3A_265 = tpu.memref_slice %arg29[%add3A_83] : memref<50176xf32, #tpu.memory_space<vmem_shared>> -> memref<128xf32, #tpu.memory_space<vmem_shared>>
      tpu.wait_dma2 semaphore(%run_scoped3A : memref<!tpu.dma_semaphore, #tpu.memory_space<semaphore_mem>>) src(%arg16 : memref<128xf32, #tpu.memory_space<vmem>>) dst(%dma_wait3A_265 : memref<128xf32, #tpu.memory_space<vmem_shared>>)
      tpu.yield
    }) : () -> ()
    %add3A_84 = arith.constant 1024 : i32
    %add3A_85 = arith.addi %mul3A_14, %add3A_84 : i32
    "tpu.region"() ({
      %run_scoped3A = tpu.sem_alloc : memref<!tpu.dma_semaphore, #tpu.memory_space<semaphore_mem>>
      %dma_start3A_262 = tpu.memref_slice %arg30[%add3A_85] : memref<50176xf32, #tpu.memory_space<vmem_shared>> -> memref<128xf32, #tpu.memory_space<vmem_shared>>
      %dma_start3A_263 = tpu.memref_slice %arg30[%add3A_85] : memref<50176xf32, #tpu.memory_space<vmem_shared>> -> memref<128xf32, #tpu.memory_space<vmem_shared>>
      tpu.enqueue_dma source(%arg16 : memref<128xf32, #tpu.memory_space<vmem>>) target(%dma_start3A_263 : memref<128xf32, #tpu.memory_space<vmem_shared>>) target_semaphore(%run_scoped3A : memref<!tpu.dma_semaphore, #tpu.memory_space<semaphore_mem>>)
      %dma_wait3A_264 = tpu.memref_slice %arg30[%add3A_85] : memref<50176xf32, #tpu.memory_space<vmem_shared>> -> memref<128xf32, #tpu.memory_space<vmem_shared>>
      %dma_wait3A_265 = tpu.memref_slice %arg30[%add3A_85] : memref<50176xf32, #tpu.memory_space<vmem_shared>> -> memref<128xf32, #tpu.memory_space<vmem_shared>>
      tpu.wait_dma2 semaphore(%run_scoped3A : memref<!tpu.dma_semaphore, #tpu.memory_space<semaphore_mem>>) src(%arg16 : memref<128xf32, #tpu.memory_space<vmem>>) dst(%dma_wait3A_265 : memref<128xf32, #tpu.memory_space<vmem_shared>>)
      tpu.yield
    }) : () -> ()
    %add3A_86 = arith.constant 1152 : i32
    %add3A_87 = arith.addi %mul3A_14, %add3A_86 : i32
    "tpu.region"() ({
      %run_scoped3A = tpu.sem_alloc : memref<!tpu.dma_semaphore, #tpu.memory_space<semaphore_mem>>
      %dma_start3A_262 = arith.constant 0 : i32
      %dma_start3A_263 = tpu.memref_slice %arg27[%add3A_87, %dma_start3A_262] : memref<50176x32xf32, #tpu.memory_space<vmem_shared>> -> memref<128x32xf32, #tpu.memory_space<vmem_shared>>
      %dma_start3A_264 = arith.constant 0 : i32
      %dma_start3A_265 = tpu.memref_slice %arg27[%add3A_87, %dma_start3A_264] : memref<50176x32xf32, #tpu.memory_space<vmem_shared>> -> memref<128x32xf32, #tpu.memory_space<vmem_shared>>
      tpu.enqueue_dma source(%arg12 : memref<128x32xf32, #tpu.memory_space<vmem>>) target(%dma_start3A_265 : memref<128x32xf32, #tpu.memory_space<vmem_shared>>) target_semaphore(%run_scoped3A : memref<!tpu.dma_semaphore, #tpu.memory_space<semaphore_mem>>)
      %dma_wait3A_266 = arith.constant 0 : i32
      %dma_wait3A_267 = tpu.memref_slice %arg27[%add3A_87, %dma_wait3A_266] : memref<50176x32xf32, #tpu.memory_space<vmem_shared>> -> memref<128x32xf32, #tpu.memory_space<vmem_shared>>
      %dma_wait3A_268 = arith.constant 0 : i32
      %dma_wait3A_269 = tpu.memref_slice %arg27[%add3A_87, %dma_wait3A_268] : memref<50176x32xf32, #tpu.memory_space<vmem_shared>> -> memref<128x32xf32, #tpu.memory_space<vmem_shared>>
      tpu.wait_dma2 semaphore(%run_scoped3A : memref<!tpu.dma_semaphore, #tpu.memory_space<semaphore_mem>>) src(%arg12 : memref<128x32xf32, #tpu.memory_space<vmem>>) dst(%dma_wait3A_269 : memref<128x32xf32, #tpu.memory_space<vmem_shared>>)
      tpu.yield
    }) : () -> ()
    %add3A_88 = arith.constant 1152 : i32
    %add3A_89 = arith.addi %mul3A_14, %add3A_88 : i32
    "tpu.region"() ({
      %run_scoped3A = tpu.sem_alloc : memref<!tpu.dma_semaphore, #tpu.memory_space<semaphore_mem>>
      %dma_start3A_262 = tpu.memref_slice %arg28[%add3A_89] : memref<50176xf32, #tpu.memory_space<vmem_shared>> -> memref<128xf32, #tpu.memory_space<vmem_shared>>
      %dma_start3A_263 = tpu.memref_slice %arg28[%add3A_89] : memref<50176xf32, #tpu.memory_space<vmem_shared>> -> memref<128xf32, #tpu.memory_space<vmem_shared>>
      tpu.enqueue_dma source(%arg16 : memref<128xf32, #tpu.memory_space<vmem>>) target(%dma_start3A_263 : memref<128xf32, #tpu.memory_space<vmem_shared>>) target_semaphore(%run_scoped3A : memref<!tpu.dma_semaphore, #tpu.memory_space<semaphore_mem>>)
      %dma_wait3A_264 = tpu.memref_slice %arg28[%add3A_89] : memref<50176xf32, #tpu.memory_space<vmem_shared>> -> memref<128xf32, #tpu.memory_space<vmem_shared>>
      %dma_wait3A_265 = tpu.memref_slice %arg28[%add3A_89] : memref<50176xf32, #tpu.memory_space<vmem_shared>> -> memref<128xf32, #tpu.memory_space<vmem_shared>>
      tpu.wait_dma2 semaphore(%run_scoped3A : memref<!tpu.dma_semaphore, #tpu.memory_space<semaphore_mem>>) src(%arg16 : memref<128xf32, #tpu.memory_space<vmem>>) dst(%dma_wait3A_265 : memref<128xf32, #tpu.memory_space<vmem_shared>>)
      tpu.yield
    }) : () -> ()
    %add3A_90 = arith.constant 1152 : i32
    %add3A_91 = arith.addi %mul3A_14, %add3A_90 : i32
    "tpu.region"() ({
      %run_scoped3A = tpu.sem_alloc : memref<!tpu.dma_semaphore, #tpu.memory_space<semaphore_mem>>
      %dma_start3A_262 = tpu.memref_slice %arg29[%add3A_91] : memref<50176xf32, #tpu.memory_space<vmem_shared>> -> memref<128xf32, #tpu.memory_space<vmem_shared>>
      %dma_start3A_263 = tpu.memref_slice %arg29[%add3A_91] : memref<50176xf32, #tpu.memory_space<vmem_shared>> -> memref<128xf32, #tpu.memory_space<vmem_shared>>
      tpu.enqueue_dma source(%arg16 : memref<128xf32, #tpu.memory_space<vmem>>) target(%dma_start3A_263 : memref<128xf32, #tpu.memory_space<vmem_shared>>) target_semaphore(%run_scoped3A : memref<!tpu.dma_semaphore, #tpu.memory_space<semaphore_mem>>)
      %dma_wait3A_264 = tpu.memref_slice %arg29[%add3A_91] : memref<50176xf32, #tpu.memory_space<vmem_shared>> -> memref<128xf32, #tpu.memory_space<vmem_shared>>
      %dma_wait3A_265 = tpu.memref_slice %arg29[%add3A_91] : memref<50176xf32, #tpu.memory_space<vmem_shared>> -> memref<128xf32, #tpu.memory_space<vmem_shared>>
      tpu.wait_dma2 semaphore(%run_scoped3A : memref<!tpu.dma_semaphore, #tpu.memory_space<semaphore_mem>>) src(%arg16 : memref<128xf32, #tpu.memory_space<vmem>>) dst(%dma_wait3A_265 : memref<128xf32, #tpu.memory_space<vmem_shared>>)
      tpu.yield
    }) : () -> ()
    %add3A_92 = arith.constant 1152 : i32
    %add3A_93 = arith.addi %mul3A_14, %add3A_92 : i32
    "tpu.region"() ({
      %run_scoped3A = tpu.sem_alloc : memref<!tpu.dma_semaphore, #tpu.memory_space<semaphore_mem>>
      %dma_start3A_262 = tpu.memref_slice %arg30[%add3A_93] : memref<50176xf32, #tpu.memory_space<vmem_shared>> -> memref<128xf32, #tpu.memory_space<vmem_shared>>
      %dma_start3A_263 = tpu.memref_slice %arg30[%add3A_93] : memref<50176xf32, #tpu.memory_space<vmem_shared>> -> memref<128xf32, #tpu.memory_space<vmem_shared>>
      tpu.enqueue_dma source(%arg16 : memref<128xf32, #tpu.memory_space<vmem>>) target(%dma_start3A_263 : memref<128xf32, #tpu.memory_space<vmem_shared>>) target_semaphore(%run_scoped3A : memref<!tpu.dma_semaphore, #tpu.memory_space<semaphore_mem>>)
      %dma_wait3A_264 = tpu.memref_slice %arg30[%add3A_93] : memref<50176xf32, #tpu.memory_space<vmem_shared>> -> memref<128xf32, #tpu.memory_space<vmem_shared>>
      %dma_wait3A_265 = tpu.memref_slice %arg30[%add3A_93] : memref<50176xf32, #tpu.memory_space<vmem_shared>> -> memref<128xf32, #tpu.memory_space<vmem_shared>>
      tpu.wait_dma2 semaphore(%run_scoped3A : memref<!tpu.dma_semaphore, #tpu.memory_space<semaphore_mem>>) src(%arg16 : memref<128xf32, #tpu.memory_space<vmem>>) dst(%dma_wait3A_265 : memref<128xf32, #tpu.memory_space<vmem_shared>>)
      tpu.yield
    }) : () -> ()
    %add3A_94 = arith.constant 1280 : i32
    %add3A_95 = arith.addi %mul3A_14, %add3A_94 : i32
    "tpu.region"() ({
      %run_scoped3A = tpu.sem_alloc : memref<!tpu.dma_semaphore, #tpu.memory_space<semaphore_mem>>
      %dma_start3A_262 = arith.constant 0 : i32
      %dma_start3A_263 = tpu.memref_slice %arg27[%add3A_95, %dma_start3A_262] : memref<50176x32xf32, #tpu.memory_space<vmem_shared>> -> memref<128x32xf32, #tpu.memory_space<vmem_shared>>
      %dma_start3A_264 = arith.constant 0 : i32
      %dma_start3A_265 = tpu.memref_slice %arg27[%add3A_95, %dma_start3A_264] : memref<50176x32xf32, #tpu.memory_space<vmem_shared>> -> memref<128x32xf32, #tpu.memory_space<vmem_shared>>
      tpu.enqueue_dma source(%arg12 : memref<128x32xf32, #tpu.memory_space<vmem>>) target(%dma_start3A_265 : memref<128x32xf32, #tpu.memory_space<vmem_shared>>) target_semaphore(%run_scoped3A : memref<!tpu.dma_semaphore, #tpu.memory_space<semaphore_mem>>)
      %dma_wait3A_266 = arith.constant 0 : i32
      %dma_wait3A_267 = tpu.memref_slice %arg27[%add3A_95, %dma_wait3A_266] : memref<50176x32xf32, #tpu.memory_space<vmem_shared>> -> memref<128x32xf32, #tpu.memory_space<vmem_shared>>
      %dma_wait3A_268 = arith.constant 0 : i32
      %dma_wait3A_269 = tpu.memref_slice %arg27[%add3A_95, %dma_wait3A_268] : memref<50176x32xf32, #tpu.memory_space<vmem_shared>> -> memref<128x32xf32, #tpu.memory_space<vmem_shared>>
      tpu.wait_dma2 semaphore(%run_scoped3A : memref<!tpu.dma_semaphore, #tpu.memory_space<semaphore_mem>>) src(%arg12 : memref<128x32xf32, #tpu.memory_space<vmem>>) dst(%dma_wait3A_269 : memref<128x32xf32, #tpu.memory_space<vmem_shared>>)
      tpu.yield
    }) : () -> ()
    %add3A_96 = arith.constant 1280 : i32
    %add3A_97 = arith.addi %mul3A_14, %add3A_96 : i32
    "tpu.region"() ({
      %run_scoped3A = tpu.sem_alloc : memref<!tpu.dma_semaphore, #tpu.memory_space<semaphore_mem>>
      %dma_start3A_262 = tpu.memref_slice %arg28[%add3A_97] : memref<50176xf32, #tpu.memory_space<vmem_shared>> -> memref<128xf32, #tpu.memory_space<vmem_shared>>
      %dma_start3A_263 = tpu.memref_slice %arg28[%add3A_97] : memref<50176xf32, #tpu.memory_space<vmem_shared>> -> memref<128xf32, #tpu.memory_space<vmem_shared>>
      tpu.enqueue_dma source(%arg16 : memref<128xf32, #tpu.memory_space<vmem>>) target(%dma_start3A_263 : memref<128xf32, #tpu.memory_space<vmem_shared>>) target_semaphore(%run_scoped3A : memref<!tpu.dma_semaphore, #tpu.memory_space<semaphore_mem>>)
      %dma_wait3A_264 = tpu.memref_slice %arg28[%add3A_97] : memref<50176xf32, #tpu.memory_space<vmem_shared>> -> memref<128xf32, #tpu.memory_space<vmem_shared>>
      %dma_wait3A_265 = tpu.memref_slice %arg28[%add3A_97] : memref<50176xf32, #tpu.memory_space<vmem_shared>> -> memref<128xf32, #tpu.memory_space<vmem_shared>>
      tpu.wait_dma2 semaphore(%run_scoped3A : memref<!tpu.dma_semaphore, #tpu.memory_space<semaphore_mem>>) src(%arg16 : memref<128xf32, #tpu.memory_space<vmem>>) dst(%dma_wait3A_265 : memref<128xf32, #tpu.memory_space<vmem_shared>>)
      tpu.yield
    }) : () -> ()
    %add3A_98 = arith.constant 1280 : i32
    %add3A_99 = arith.addi %mul3A_14, %add3A_98 : i32
    "tpu.region"() ({
      %run_scoped3A = tpu.sem_alloc : memref<!tpu.dma_semaphore, #tpu.memory_space<semaphore_mem>>
      %dma_start3A_262 = tpu.memref_slice %arg29[%add3A_99] : memref<50176xf32, #tpu.memory_space<vmem_shared>> -> memref<128xf32, #tpu.memory_space<vmem_shared>>
      %dma_start3A_263 = tpu.memref_slice %arg29[%add3A_99] : memref<50176xf32, #tpu.memory_space<vmem_shared>> -> memref<128xf32, #tpu.memory_space<vmem_shared>>
      tpu.enqueue_dma source(%arg16 : memref<128xf32, #tpu.memory_space<vmem>>) target(%dma_start3A_263 : memref<128xf32, #tpu.memory_space<vmem_shared>>) target_semaphore(%run_scoped3A : memref<!tpu.dma_semaphore, #tpu.memory_space<semaphore_mem>>)
      %dma_wait3A_264 = tpu.memref_slice %arg29[%add3A_99] : memref<50176xf32, #tpu.memory_space<vmem_shared>> -> memref<128xf32, #tpu.memory_space<vmem_shared>>
      %dma_wait3A_265 = tpu.memref_slice %arg29[%add3A_99] : memref<50176xf32, #tpu.memory_space<vmem_shared>> -> memref<128xf32, #tpu.memory_space<vmem_shared>>
      tpu.wait_dma2 semaphore(%run_scoped3A : memref<!tpu.dma_semaphore, #tpu.memory_space<semaphore_mem>>) src(%arg16 : memref<128xf32, #tpu.memory_space<vmem>>) dst(%dma_wait3A_265 : memref<128xf32, #tpu.memory_space<vmem_shared>>)
      tpu.yield
    }) : () -> ()
    %add3A_100 = arith.constant 1280 : i32
    %add3A_101 = arith.addi %mul3A_14, %add3A_100 : i32
    "tpu.region"() ({
      %run_scoped3A = tpu.sem_alloc : memref<!tpu.dma_semaphore, #tpu.memory_space<semaphore_mem>>
      %dma_start3A_262 = tpu.memref_slice %arg30[%add3A_101] : memref<50176xf32, #tpu.memory_space<vmem_shared>> -> memref<128xf32, #tpu.memory_space<vmem_shared>>
      %dma_start3A_263 = tpu.memref_slice %arg30[%add3A_101] : memref<50176xf32, #tpu.memory_space<vmem_shared>> -> memref<128xf32, #tpu.memory_space<vmem_shared>>
      tpu.enqueue_dma source(%arg16 : memref<128xf32, #tpu.memory_space<vmem>>) target(%dma_start3A_263 : memref<128xf32, #tpu.memory_space<vmem_shared>>) target_semaphore(%run_scoped3A : memref<!tpu.dma_semaphore, #tpu.memory_space<semaphore_mem>>)
      %dma_wait3A_264 = tpu.memref_slice %arg30[%add3A_101] : memref<50176xf32, #tpu.memory_space<vmem_shared>> -> memref<128xf32, #tpu.memory_space<vmem_shared>>
      %dma_wait3A_265 = tpu.memref_slice %arg30[%add3A_101] : memref<50176xf32, #tpu.memory_space<vmem_shared>> -> memref<128xf32, #tpu.memory_space<vmem_shared>>
      tpu.wait_dma2 semaphore(%run_scoped3A : memref<!tpu.dma_semaphore, #tpu.memory_space<semaphore_mem>>) src(%arg16 : memref<128xf32, #tpu.memory_space<vmem>>) dst(%dma_wait3A_265 : memref<128xf32, #tpu.memory_space<vmem_shared>>)
      tpu.yield
    }) : () -> ()
    %add3A_102 = arith.constant 1408 : i32
    %add3A_103 = arith.addi %mul3A_14, %add3A_102 : i32
    "tpu.region"() ({
      %run_scoped3A = tpu.sem_alloc : memref<!tpu.dma_semaphore, #tpu.memory_space<semaphore_mem>>
      %dma_start3A_262 = arith.constant 0 : i32
      %dma_start3A_263 = tpu.memref_slice %arg27[%add3A_103, %dma_start3A_262] : memref<50176x32xf32, #tpu.memory_space<vmem_shared>> -> memref<128x32xf32, #tpu.memory_space<vmem_shared>>
      %dma_start3A_264 = arith.constant 0 : i32
      %dma_start3A_265 = tpu.memref_slice %arg27[%add3A_103, %dma_start3A_264] : memref<50176x32xf32, #tpu.memory_space<vmem_shared>> -> memref<128x32xf32, #tpu.memory_space<vmem_shared>>
      tpu.enqueue_dma source(%arg12 : memref<128x32xf32, #tpu.memory_space<vmem>>) target(%dma_start3A_265 : memref<128x32xf32, #tpu.memory_space<vmem_shared>>) target_semaphore(%run_scoped3A : memref<!tpu.dma_semaphore, #tpu.memory_space<semaphore_mem>>)
      %dma_wait3A_266 = arith.constant 0 : i32
      %dma_wait3A_267 = tpu.memref_slice %arg27[%add3A_103, %dma_wait3A_266] : memref<50176x32xf32, #tpu.memory_space<vmem_shared>> -> memref<128x32xf32, #tpu.memory_space<vmem_shared>>
      %dma_wait3A_268 = arith.constant 0 : i32
      %dma_wait3A_269 = tpu.memref_slice %arg27[%add3A_103, %dma_wait3A_268] : memref<50176x32xf32, #tpu.memory_space<vmem_shared>> -> memref<128x32xf32, #tpu.memory_space<vmem_shared>>
      tpu.wait_dma2 semaphore(%run_scoped3A : memref<!tpu.dma_semaphore, #tpu.memory_space<semaphore_mem>>) src(%arg12 : memref<128x32xf32, #tpu.memory_space<vmem>>) dst(%dma_wait3A_269 : memref<128x32xf32, #tpu.memory_space<vmem_shared>>)
      tpu.yield
    }) : () -> ()
    %add3A_104 = arith.constant 1408 : i32
    %add3A_105 = arith.addi %mul3A_14, %add3A_104 : i32
    "tpu.region"() ({
      %run_scoped3A = tpu.sem_alloc : memref<!tpu.dma_semaphore, #tpu.memory_space<semaphore_mem>>
      %dma_start3A_262 = tpu.memref_slice %arg28[%add3A_105] : memref<50176xf32, #tpu.memory_space<vmem_shared>> -> memref<128xf32, #tpu.memory_space<vmem_shared>>
      %dma_start3A_263 = tpu.memref_slice %arg28[%add3A_105] : memref<50176xf32, #tpu.memory_space<vmem_shared>> -> memref<128xf32, #tpu.memory_space<vmem_shared>>
      tpu.enqueue_dma source(%arg16 : memref<128xf32, #tpu.memory_space<vmem>>) target(%dma_start3A_263 : memref<128xf32, #tpu.memory_space<vmem_shared>>) target_semaphore(%run_scoped3A : memref<!tpu.dma_semaphore, #tpu.memory_space<semaphore_mem>>)
      %dma_wait3A_264 = tpu.memref_slice %arg28[%add3A_105] : memref<50176xf32, #tpu.memory_space<vmem_shared>> -> memref<128xf32, #tpu.memory_space<vmem_shared>>
      %dma_wait3A_265 = tpu.memref_slice %arg28[%add3A_105] : memref<50176xf32, #tpu.memory_space<vmem_shared>> -> memref<128xf32, #tpu.memory_space<vmem_shared>>
      tpu.wait_dma2 semaphore(%run_scoped3A : memref<!tpu.dma_semaphore, #tpu.memory_space<semaphore_mem>>) src(%arg16 : memref<128xf32, #tpu.memory_space<vmem>>) dst(%dma_wait3A_265 : memref<128xf32, #tpu.memory_space<vmem_shared>>)
      tpu.yield
    }) : () -> ()
    %add3A_106 = arith.constant 1408 : i32
    %add3A_107 = arith.addi %mul3A_14, %add3A_106 : i32
    "tpu.region"() ({
      %run_scoped3A = tpu.sem_alloc : memref<!tpu.dma_semaphore, #tpu.memory_space<semaphore_mem>>
      %dma_start3A_262 = tpu.memref_slice %arg29[%add3A_107] : memref<50176xf32, #tpu.memory_space<vmem_shared>> -> memref<128xf32, #tpu.memory_space<vmem_shared>>
      %dma_start3A_263 = tpu.memref_slice %arg29[%add3A_107] : memref<50176xf32, #tpu.memory_space<vmem_shared>> -> memref<128xf32, #tpu.memory_space<vmem_shared>>
      tpu.enqueue_dma source(%arg16 : memref<128xf32, #tpu.memory_space<vmem>>) target(%dma_start3A_263 : memref<128xf32, #tpu.memory_space<vmem_shared>>) target_semaphore(%run_scoped3A : memref<!tpu.dma_semaphore, #tpu.memory_space<semaphore_mem>>)
      %dma_wait3A_264 = tpu.memref_slice %arg29[%add3A_107] : memref<50176xf32, #tpu.memory_space<vmem_shared>> -> memref<128xf32, #tpu.memory_space<vmem_shared>>
      %dma_wait3A_265 = tpu.memref_slice %arg29[%add3A_107] : memref<50176xf32, #tpu.memory_space<vmem_shared>> -> memref<128xf32, #tpu.memory_space<vmem_shared>>
      tpu.wait_dma2 semaphore(%run_scoped3A : memref<!tpu.dma_semaphore, #tpu.memory_space<semaphore_mem>>) src(%arg16 : memref<128xf32, #tpu.memory_space<vmem>>) dst(%dma_wait3A_265 : memref<128xf32, #tpu.memory_space<vmem_shared>>)
      tpu.yield
    }) : () -> ()
    %add3A_108 = arith.constant 1408 : i32
    %add3A_109 = arith.addi %mul3A_14, %add3A_108 : i32
    "tpu.region"() ({
      %run_scoped3A = tpu.sem_alloc : memref<!tpu.dma_semaphore, #tpu.memory_space<semaphore_mem>>
      %dma_start3A_262 = tpu.memref_slice %arg30[%add3A_109] : memref<50176xf32, #tpu.memory_space<vmem_shared>> -> memref<128xf32, #tpu.memory_space<vmem_shared>>
      %dma_start3A_263 = tpu.memref_slice %arg30[%add3A_109] : memref<50176xf32, #tpu.memory_space<vmem_shared>> -> memref<128xf32, #tpu.memory_space<vmem_shared>>
      tpu.enqueue_dma source(%arg16 : memref<128xf32, #tpu.memory_space<vmem>>) target(%dma_start3A_263 : memref<128xf32, #tpu.memory_space<vmem_shared>>) target_semaphore(%run_scoped3A : memref<!tpu.dma_semaphore, #tpu.memory_space<semaphore_mem>>)
      %dma_wait3A_264 = tpu.memref_slice %arg30[%add3A_109] : memref<50176xf32, #tpu.memory_space<vmem_shared>> -> memref<128xf32, #tpu.memory_space<vmem_shared>>
      %dma_wait3A_265 = tpu.memref_slice %arg30[%add3A_109] : memref<50176xf32, #tpu.memory_space<vmem_shared>> -> memref<128xf32, #tpu.memory_space<vmem_shared>>
      tpu.wait_dma2 semaphore(%run_scoped3A : memref<!tpu.dma_semaphore, #tpu.memory_space<semaphore_mem>>) src(%arg16 : memref<128xf32, #tpu.memory_space<vmem>>) dst(%dma_wait3A_265 : memref<128xf32, #tpu.memory_space<vmem_shared>>)
      tpu.yield
    }) : () -> ()
    %add3A_110 = arith.constant 1536 : i32
    %add3A_111 = arith.addi %mul3A_14, %add3A_110 : i32
    "tpu.region"() ({
      %run_scoped3A = tpu.sem_alloc : memref<!tpu.dma_semaphore, #tpu.memory_space<semaphore_mem>>
      %dma_start3A_262 = arith.constant 0 : i32
      %dma_start3A_263 = tpu.memref_slice %arg27[%add3A_111, %dma_start3A_262] : memref<50176x32xf32, #tpu.memory_space<vmem_shared>> -> memref<128x32xf32, #tpu.memory_space<vmem_shared>>
      %dma_start3A_264 = arith.constant 0 : i32
      %dma_start3A_265 = tpu.memref_slice %arg27[%add3A_111, %dma_start3A_264] : memref<50176x32xf32, #tpu.memory_space<vmem_shared>> -> memref<128x32xf32, #tpu.memory_space<vmem_shared>>
      tpu.enqueue_dma source(%arg12 : memref<128x32xf32, #tpu.memory_space<vmem>>) target(%dma_start3A_265 : memref<128x32xf32, #tpu.memory_space<vmem_shared>>) target_semaphore(%run_scoped3A : memref<!tpu.dma_semaphore, #tpu.memory_space<semaphore_mem>>)
      %dma_wait3A_266 = arith.constant 0 : i32
      %dma_wait3A_267 = tpu.memref_slice %arg27[%add3A_111, %dma_wait3A_266] : memref<50176x32xf32, #tpu.memory_space<vmem_shared>> -> memref<128x32xf32, #tpu.memory_space<vmem_shared>>
      %dma_wait3A_268 = arith.constant 0 : i32
      %dma_wait3A_269 = tpu.memref_slice %arg27[%add3A_111, %dma_wait3A_268] : memref<50176x32xf32, #tpu.memory_space<vmem_shared>> -> memref<128x32xf32, #tpu.memory_space<vmem_shared>>
      tpu.wait_dma2 semaphore(%run_scoped3A : memref<!tpu.dma_semaphore, #tpu.memory_space<semaphore_mem>>) src(%arg12 : memref<128x32xf32, #tpu.memory_space<vmem>>) dst(%dma_wait3A_269 : memref<128x32xf32, #tpu.memory_space<vmem_shared>>)
      tpu.yield
    }) : () -> ()
    %add3A_112 = arith.constant 1536 : i32
    %add3A_113 = arith.addi %mul3A_14, %add3A_112 : i32
    "tpu.region"() ({
      %run_scoped3A = tpu.sem_alloc : memref<!tpu.dma_semaphore, #tpu.memory_space<semaphore_mem>>
      %dma_start3A_262 = tpu.memref_slice %arg28[%add3A_113] : memref<50176xf32, #tpu.memory_space<vmem_shared>> -> memref<128xf32, #tpu.memory_space<vmem_shared>>
      %dma_start3A_263 = tpu.memref_slice %arg28[%add3A_113] : memref<50176xf32, #tpu.memory_space<vmem_shared>> -> memref<128xf32, #tpu.memory_space<vmem_shared>>
      tpu.enqueue_dma source(%arg16 : memref<128xf32, #tpu.memory_space<vmem>>) target(%dma_start3A_263 : memref<128xf32, #tpu.memory_space<vmem_shared>>) target_semaphore(%run_scoped3A : memref<!tpu.dma_semaphore, #tpu.memory_space<semaphore_mem>>)
      %dma_wait3A_264 = tpu.memref_slice %arg28[%add3A_113] : memref<50176xf32, #tpu.memory_space<vmem_shared>> -> memref<128xf32, #tpu.memory_space<vmem_shared>>
      %dma_wait3A_265 = tpu.memref_slice %arg28[%add3A_113] : memref<50176xf32, #tpu.memory_space<vmem_shared>> -> memref<128xf32, #tpu.memory_space<vmem_shared>>
      tpu.wait_dma2 semaphore(%run_scoped3A : memref<!tpu.dma_semaphore, #tpu.memory_space<semaphore_mem>>) src(%arg16 : memref<128xf32, #tpu.memory_space<vmem>>) dst(%dma_wait3A_265 : memref<128xf32, #tpu.memory_space<vmem_shared>>)
      tpu.yield
    }) : () -> ()
    %add3A_114 = arith.constant 1536 : i32
    %add3A_115 = arith.addi %mul3A_14, %add3A_114 : i32
    "tpu.region"() ({
      %run_scoped3A = tpu.sem_alloc : memref<!tpu.dma_semaphore, #tpu.memory_space<semaphore_mem>>
      %dma_start3A_262 = tpu.memref_slice %arg29[%add3A_115] : memref<50176xf32, #tpu.memory_space<vmem_shared>> -> memref<128xf32, #tpu.memory_space<vmem_shared>>
      %dma_start3A_263 = tpu.memref_slice %arg29[%add3A_115] : memref<50176xf32, #tpu.memory_space<vmem_shared>> -> memref<128xf32, #tpu.memory_space<vmem_shared>>
      tpu.enqueue_dma source(%arg16 : memref<128xf32, #tpu.memory_space<vmem>>) target(%dma_start3A_263 : memref<128xf32, #tpu.memory_space<vmem_shared>>) target_semaphore(%run_scoped3A : memref<!tpu.dma_semaphore, #tpu.memory_space<semaphore_mem>>)
      %dma_wait3A_264 = tpu.memref_slice %arg29[%add3A_115] : memref<50176xf32, #tpu.memory_space<vmem_shared>> -> memref<128xf32, #tpu.memory_space<vmem_shared>>
      %dma_wait3A_265 = tpu.memref_slice %arg29[%add3A_115] : memref<50176xf32, #tpu.memory_space<vmem_shared>> -> memref<128xf32, #tpu.memory_space<vmem_shared>>
      tpu.wait_dma2 semaphore(%run_scoped3A : memref<!tpu.dma_semaphore, #tpu.memory_space<semaphore_mem>>) src(%arg16 : memref<128xf32, #tpu.memory_space<vmem>>) dst(%dma_wait3A_265 : memref<128xf32, #tpu.memory_space<vmem_shared>>)
      tpu.yield
    }) : () -> ()
    %add3A_116 = arith.constant 1536 : i32
    %add3A_117 = arith.addi %mul3A_14, %add3A_116 : i32
    "tpu.region"() ({
      %run_scoped3A = tpu.sem_alloc : memref<!tpu.dma_semaphore, #tpu.memory_space<semaphore_mem>>
      %dma_start3A_262 = tpu.memref_slice %arg30[%add3A_117] : memref<50176xf32, #tpu.memory_space<vmem_shared>> -> memref<128xf32, #tpu.memory_space<vmem_shared>>
      %dma_start3A_263 = tpu.memref_slice %arg30[%add3A_117] : memref<50176xf32, #tpu.memory_space<vmem_shared>> -> memref<128xf32, #tpu.memory_space<vmem_shared>>
      tpu.enqueue_dma source(%arg16 : memref<128xf32, #tpu.memory_space<vmem>>) target(%dma_start3A_263 : memref<128xf32, #tpu.memory_space<vmem_shared>>) target_semaphore(%run_scoped3A : memref<!tpu.dma_semaphore, #tpu.memory_space<semaphore_mem>>)
      %dma_wait3A_264 = tpu.memref_slice %arg30[%add3A_117] : memref<50176xf32, #tpu.memory_space<vmem_shared>> -> memref<128xf32, #tpu.memory_space<vmem_shared>>
      %dma_wait3A_265 = tpu.memref_slice %arg30[%add3A_117] : memref<50176xf32, #tpu.memory_space<vmem_shared>> -> memref<128xf32, #tpu.memory_space<vmem_shared>>
      tpu.wait_dma2 semaphore(%run_scoped3A : memref<!tpu.dma_semaphore, #tpu.memory_space<semaphore_mem>>) src(%arg16 : memref<128xf32, #tpu.memory_space<vmem>>) dst(%dma_wait3A_265 : memref<128xf32, #tpu.memory_space<vmem_shared>>)
      tpu.yield
    }) : () -> ()
    %add3A_118 = arith.constant 1664 : i32
    %add3A_119 = arith.addi %mul3A_14, %add3A_118 : i32
    "tpu.region"() ({
      %run_scoped3A = tpu.sem_alloc : memref<!tpu.dma_semaphore, #tpu.memory_space<semaphore_mem>>
      %dma_start3A_262 = arith.constant 0 : i32
      %dma_start3A_263 = tpu.memref_slice %arg27[%add3A_119, %dma_start3A_262] : memref<50176x32xf32, #tpu.memory_space<vmem_shared>> -> memref<128x32xf32, #tpu.memory_space<vmem_shared>>
      %dma_start3A_264 = arith.constant 0 : i32
      %dma_start3A_265 = tpu.memref_slice %arg27[%add3A_119, %dma_start3A_264] : memref<50176x32xf32, #tpu.memory_space<vmem_shared>> -> memref<128x32xf32, #tpu.memory_space<vmem_shared>>
      tpu.enqueue_dma source(%arg12 : memref<128x32xf32, #tpu.memory_space<vmem>>) target(%dma_start3A_265 : memref<128x32xf32, #tpu.memory_space<vmem_shared>>) target_semaphore(%run_scoped3A : memref<!tpu.dma_semaphore, #tpu.memory_space<semaphore_mem>>)
      %dma_wait3A_266 = arith.constant 0 : i32
      %dma_wait3A_267 = tpu.memref_slice %arg27[%add3A_119, %dma_wait3A_266] : memref<50176x32xf32, #tpu.memory_space<vmem_shared>> -> memref<128x32xf32, #tpu.memory_space<vmem_shared>>
      %dma_wait3A_268 = arith.constant 0 : i32
      %dma_wait3A_269 = tpu.memref_slice %arg27[%add3A_119, %dma_wait3A_268] : memref<50176x32xf32, #tpu.memory_space<vmem_shared>> -> memref<128x32xf32, #tpu.memory_space<vmem_shared>>
      tpu.wait_dma2 semaphore(%run_scoped3A : memref<!tpu.dma_semaphore, #tpu.memory_space<semaphore_mem>>) src(%arg12 : memref<128x32xf32, #tpu.memory_space<vmem>>) dst(%dma_wait3A_269 : memref<128x32xf32, #tpu.memory_space<vmem_shared>>)
      tpu.yield
    }) : () -> ()
    %add3A_120 = arith.constant 1664 : i32
    %add3A_121 = arith.addi %mul3A_14, %add3A_120 : i32
    "tpu.region"() ({
      %run_scoped3A = tpu.sem_alloc : memref<!tpu.dma_semaphore, #tpu.memory_space<semaphore_mem>>
      %dma_start3A_262 = tpu.memref_slice %arg28[%add3A_121] : memref<50176xf32, #tpu.memory_space<vmem_shared>> -> memref<128xf32, #tpu.memory_space<vmem_shared>>
      %dma_start3A_263 = tpu.memref_slice %arg28[%add3A_121] : memref<50176xf32, #tpu.memory_space<vmem_shared>> -> memref<128xf32, #tpu.memory_space<vmem_shared>>
      tpu.enqueue_dma source(%arg16 : memref<128xf32, #tpu.memory_space<vmem>>) target(%dma_start3A_263 : memref<128xf32, #tpu.memory_space<vmem_shared>>) target_semaphore(%run_scoped3A : memref<!tpu.dma_semaphore, #tpu.memory_space<semaphore_mem>>)
      %dma_wait3A_264 = tpu.memref_slice %arg28[%add3A_121] : memref<50176xf32, #tpu.memory_space<vmem_shared>> -> memref<128xf32, #tpu.memory_space<vmem_shared>>
      %dma_wait3A_265 = tpu.memref_slice %arg28[%add3A_121] : memref<50176xf32, #tpu.memory_space<vmem_shared>> -> memref<128xf32, #tpu.memory_space<vmem_shared>>
      tpu.wait_dma2 semaphore(%run_scoped3A : memref<!tpu.dma_semaphore, #tpu.memory_space<semaphore_mem>>) src(%arg16 : memref<128xf32, #tpu.memory_space<vmem>>) dst(%dma_wait3A_265 : memref<128xf32, #tpu.memory_space<vmem_shared>>)
      tpu.yield
    }) : () -> ()
    %add3A_122 = arith.constant 1664 : i32
    %add3A_123 = arith.addi %mul3A_14, %add3A_122 : i32
    "tpu.region"() ({
      %run_scoped3A = tpu.sem_alloc : memref<!tpu.dma_semaphore, #tpu.memory_space<semaphore_mem>>
      %dma_start3A_262 = tpu.memref_slice %arg29[%add3A_123] : memref<50176xf32, #tpu.memory_space<vmem_shared>> -> memref<128xf32, #tpu.memory_space<vmem_shared>>
      %dma_start3A_263 = tpu.memref_slice %arg29[%add3A_123] : memref<50176xf32, #tpu.memory_space<vmem_shared>> -> memref<128xf32, #tpu.memory_space<vmem_shared>>
      tpu.enqueue_dma source(%arg16 : memref<128xf32, #tpu.memory_space<vmem>>) target(%dma_start3A_263 : memref<128xf32, #tpu.memory_space<vmem_shared>>) target_semaphore(%run_scoped3A : memref<!tpu.dma_semaphore, #tpu.memory_space<semaphore_mem>>)
      %dma_wait3A_264 = tpu.memref_slice %arg29[%add3A_123] : memref<50176xf32, #tpu.memory_space<vmem_shared>> -> memref<128xf32, #tpu.memory_space<vmem_shared>>
      %dma_wait3A_265 = tpu.memref_slice %arg29[%add3A_123] : memref<50176xf32, #tpu.memory_space<vmem_shared>> -> memref<128xf32, #tpu.memory_space<vmem_shared>>
      tpu.wait_dma2 semaphore(%run_scoped3A : memref<!tpu.dma_semaphore, #tpu.memory_space<semaphore_mem>>) src(%arg16 : memref<128xf32, #tpu.memory_space<vmem>>) dst(%dma_wait3A_265 : memref<128xf32, #tpu.memory_space<vmem_shared>>)
      tpu.yield
    }) : () -> ()
    %add3A_124 = arith.constant 1664 : i32
    %add3A_125 = arith.addi %mul3A_14, %add3A_124 : i32
    "tpu.region"() ({
      %run_scoped3A = tpu.sem_alloc : memref<!tpu.dma_semaphore, #tpu.memory_space<semaphore_mem>>
      %dma_start3A_262 = tpu.memref_slice %arg30[%add3A_125] : memref<50176xf32, #tpu.memory_space<vmem_shared>> -> memref<128xf32, #tpu.memory_space<vmem_shared>>
      %dma_start3A_263 = tpu.memref_slice %arg30[%add3A_125] : memref<50176xf32, #tpu.memory_space<vmem_shared>> -> memref<128xf32, #tpu.memory_space<vmem_shared>>
      tpu.enqueue_dma source(%arg16 : memref<128xf32, #tpu.memory_space<vmem>>) target(%dma_start3A_263 : memref<128xf32, #tpu.memory_space<vmem_shared>>) target_semaphore(%run_scoped3A : memref<!tpu.dma_semaphore, #tpu.memory_space<semaphore_mem>>)
      %dma_wait3A_264 = tpu.memref_slice %arg30[%add3A_125] : memref<50176xf32, #tpu.memory_space<vmem_shared>> -> memref<128xf32, #tpu.memory_space<vmem_shared>>
      %dma_wait3A_265 = tpu.memref_slice %arg30[%add3A_125] : memref<50176xf32, #tpu.memory_space<vmem_shared>> -> memref<128xf32, #tpu.memory_space<vmem_shared>>
      tpu.wait_dma2 semaphore(%run_scoped3A : memref<!tpu.dma_semaphore, #tpu.memory_space<semaphore_mem>>) src(%arg16 : memref<128xf32, #tpu.memory_space<vmem>>) dst(%dma_wait3A_265 : memref<128xf32, #tpu.memory_space<vmem_shared>>)
      tpu.yield
    }) : () -> ()
    %add3A_126 = arith.constant 1792 : i32
    %add3A_127 = arith.addi %mul3A_14, %add3A_126 : i32
    "tpu.region"() ({
      %run_scoped3A = tpu.sem_alloc : memref<!tpu.dma_semaphore, #tpu.memory_space<semaphore_mem>>
      %dma_start3A_262 = arith.constant 0 : i32
      %dma_start3A_263 = tpu.memref_slice %arg27[%add3A_127, %dma_start3A_262] : memref<50176x32xf32, #tpu.memory_space<vmem_shared>> -> memref<128x32xf32, #tpu.memory_space<vmem_shared>>
      %dma_start3A_264 = arith.constant 0 : i32
      %dma_start3A_265 = tpu.memref_slice %arg27[%add3A_127, %dma_start3A_264] : memref<50176x32xf32, #tpu.memory_space<vmem_shared>> -> memref<128x32xf32, #tpu.memory_space<vmem_shared>>
      tpu.enqueue_dma source(%arg12 : memref<128x32xf32, #tpu.memory_space<vmem>>) target(%dma_start3A_265 : memref<128x32xf32, #tpu.memory_space<vmem_shared>>) target_semaphore(%run_scoped3A : memref<!tpu.dma_semaphore, #tpu.memory_space<semaphore_mem>>)
      %dma_wait3A_266 = arith.constant 0 : i32
      %dma_wait3A_267 = tpu.memref_slice %arg27[%add3A_127, %dma_wait3A_266] : memref<50176x32xf32, #tpu.memory_space<vmem_shared>> -> memref<128x32xf32, #tpu.memory_space<vmem_shared>>
      %dma_wait3A_268 = arith.constant 0 : i32
      %dma_wait3A_269 = tpu.memref_slice %arg27[%add3A_127, %dma_wait3A_268] : memref<50176x32xf32, #tpu.memory_space<vmem_shared>> -> memref<128x32xf32, #tpu.memory_space<vmem_shared>>
      tpu.wait_dma2 semaphore(%run_scoped3A : memref<!tpu.dma_semaphore, #tpu.memory_space<semaphore_mem>>) src(%arg12 : memref<128x32xf32, #tpu.memory_space<vmem>>) dst(%dma_wait3A_269 : memref<128x32xf32, #tpu.memory_space<vmem_shared>>)
      tpu.yield
    }) : () -> ()
    %add3A_128 = arith.constant 1792 : i32
    %add3A_129 = arith.addi %mul3A_14, %add3A_128 : i32
    "tpu.region"() ({
      %run_scoped3A = tpu.sem_alloc : memref<!tpu.dma_semaphore, #tpu.memory_space<semaphore_mem>>
      %dma_start3A_262 = tpu.memref_slice %arg28[%add3A_129] : memref<50176xf32, #tpu.memory_space<vmem_shared>> -> memref<128xf32, #tpu.memory_space<vmem_shared>>
      %dma_start3A_263 = tpu.memref_slice %arg28[%add3A_129] : memref<50176xf32, #tpu.memory_space<vmem_shared>> -> memref<128xf32, #tpu.memory_space<vmem_shared>>
      tpu.enqueue_dma source(%arg16 : memref<128xf32, #tpu.memory_space<vmem>>) target(%dma_start3A_263 : memref<128xf32, #tpu.memory_space<vmem_shared>>) target_semaphore(%run_scoped3A : memref<!tpu.dma_semaphore, #tpu.memory_space<semaphore_mem>>)
      %dma_wait3A_264 = tpu.memref_slice %arg28[%add3A_129] : memref<50176xf32, #tpu.memory_space<vmem_shared>> -> memref<128xf32, #tpu.memory_space<vmem_shared>>
      %dma_wait3A_265 = tpu.memref_slice %arg28[%add3A_129] : memref<50176xf32, #tpu.memory_space<vmem_shared>> -> memref<128xf32, #tpu.memory_space<vmem_shared>>
      tpu.wait_dma2 semaphore(%run_scoped3A : memref<!tpu.dma_semaphore, #tpu.memory_space<semaphore_mem>>) src(%arg16 : memref<128xf32, #tpu.memory_space<vmem>>) dst(%dma_wait3A_265 : memref<128xf32, #tpu.memory_space<vmem_shared>>)
      tpu.yield
    }) : () -> ()
    %add3A_130 = arith.constant 1792 : i32
    %add3A_131 = arith.addi %mul3A_14, %add3A_130 : i32
    "tpu.region"() ({
      %run_scoped3A = tpu.sem_alloc : memref<!tpu.dma_semaphore, #tpu.memory_space<semaphore_mem>>
      %dma_start3A_262 = tpu.memref_slice %arg29[%add3A_131] : memref<50176xf32, #tpu.memory_space<vmem_shared>> -> memref<128xf32, #tpu.memory_space<vmem_shared>>
      %dma_start3A_263 = tpu.memref_slice %arg29[%add3A_131] : memref<50176xf32, #tpu.memory_space<vmem_shared>> -> memref<128xf32, #tpu.memory_space<vmem_shared>>
      tpu.enqueue_dma source(%arg16 : memref<128xf32, #tpu.memory_space<vmem>>) target(%dma_start3A_263 : memref<128xf32, #tpu.memory_space<vmem_shared>>) target_semaphore(%run_scoped3A : memref<!tpu.dma_semaphore, #tpu.memory_space<semaphore_mem>>)
      %dma_wait3A_264 = tpu.memref_slice %arg29[%add3A_131] : memref<50176xf32, #tpu.memory_space<vmem_shared>> -> memref<128xf32, #tpu.memory_space<vmem_shared>>
      %dma_wait3A_265 = tpu.memref_slice %arg29[%add3A_131] : memref<50176xf32, #tpu.memory_space<vmem_shared>> -> memref<128xf32, #tpu.memory_space<vmem_shared>>
      tpu.wait_dma2 semaphore(%run_scoped3A : memref<!tpu.dma_semaphore, #tpu.memory_space<semaphore_mem>>) src(%arg16 : memref<128xf32, #tpu.memory_space<vmem>>) dst(%dma_wait3A_265 : memref<128xf32, #tpu.memory_space<vmem_shared>>)
      tpu.yield
    }) : () -> ()
    %add3A_132 = arith.constant 1792 : i32
    %add3A_133 = arith.addi %mul3A_14, %add3A_132 : i32
    "tpu.region"() ({
      %run_scoped3A = tpu.sem_alloc : memref<!tpu.dma_semaphore, #tpu.memory_space<semaphore_mem>>
      %dma_start3A_262 = tpu.memref_slice %arg30[%add3A_133] : memref<50176xf32, #tpu.memory_space<vmem_shared>> -> memref<128xf32, #tpu.memory_space<vmem_shared>>
      %dma_start3A_263 = tpu.memref_slice %arg30[%add3A_133] : memref<50176xf32, #tpu.memory_space<vmem_shared>> -> memref<128xf32, #tpu.memory_space<vmem_shared>>
      tpu.enqueue_dma source(%arg16 : memref<128xf32, #tpu.memory_space<vmem>>) target(%dma_start3A_263 : memref<128xf32, #tpu.memory_space<vmem_shared>>) target_semaphore(%run_scoped3A : memref<!tpu.dma_semaphore, #tpu.memory_space<semaphore_mem>>)
      %dma_wait3A_264 = tpu.memref_slice %arg30[%add3A_133] : memref<50176xf32, #tpu.memory_space<vmem_shared>> -> memref<128xf32, #tpu.memory_space<vmem_shared>>
      %dma_wait3A_265 = tpu.memref_slice %arg30[%add3A_133] : memref<50176xf32, #tpu.memory_space<vmem_shared>> -> memref<128xf32, #tpu.memory_space<vmem_shared>>
      tpu.wait_dma2 semaphore(%run_scoped3A : memref<!tpu.dma_semaphore, #tpu.memory_space<semaphore_mem>>) src(%arg16 : memref<128xf32, #tpu.memory_space<vmem>>) dst(%dma_wait3A_265 : memref<128xf32, #tpu.memory_space<vmem_shared>>)
      tpu.yield
    }) : () -> ()
    %add3A_134 = arith.constant 1920 : i32
    %add3A_135 = arith.addi %mul3A_14, %add3A_134 : i32
    "tpu.region"() ({
      %run_scoped3A = tpu.sem_alloc : memref<!tpu.dma_semaphore, #tpu.memory_space<semaphore_mem>>
      %dma_start3A_262 = arith.constant 0 : i32
      %dma_start3A_263 = tpu.memref_slice %arg27[%add3A_135, %dma_start3A_262] : memref<50176x32xf32, #tpu.memory_space<vmem_shared>> -> memref<128x32xf32, #tpu.memory_space<vmem_shared>>
      %dma_start3A_264 = arith.constant 0 : i32
      %dma_start3A_265 = tpu.memref_slice %arg27[%add3A_135, %dma_start3A_264] : memref<50176x32xf32, #tpu.memory_space<vmem_shared>> -> memref<128x32xf32, #tpu.memory_space<vmem_shared>>
      tpu.enqueue_dma source(%arg12 : memref<128x32xf32, #tpu.memory_space<vmem>>) target(%dma_start3A_265 : memref<128x32xf32, #tpu.memory_space<vmem_shared>>) target_semaphore(%run_scoped3A : memref<!tpu.dma_semaphore, #tpu.memory_space<semaphore_mem>>)
      %dma_wait3A_266 = arith.constant 0 : i32
      %dma_wait3A_267 = tpu.memref_slice %arg27[%add3A_135, %dma_wait3A_266] : memref<50176x32xf32, #tpu.memory_space<vmem_shared>> -> memref<128x32xf32, #tpu.memory_space<vmem_shared>>
      %dma_wait3A_268 = arith.constant 0 : i32
      %dma_wait3A_269 = tpu.memref_slice %arg27[%add3A_135, %dma_wait3A_268] : memref<50176x32xf32, #tpu.memory_space<vmem_shared>> -> memref<128x32xf32, #tpu.memory_space<vmem_shared>>
      tpu.wait_dma2 semaphore(%run_scoped3A : memref<!tpu.dma_semaphore, #tpu.memory_space<semaphore_mem>>) src(%arg12 : memref<128x32xf32, #tpu.memory_space<vmem>>) dst(%dma_wait3A_269 : memref<128x32xf32, #tpu.memory_space<vmem_shared>>)
      tpu.yield
    }) : () -> ()
    %add3A_136 = arith.constant 1920 : i32
    %add3A_137 = arith.addi %mul3A_14, %add3A_136 : i32
    "tpu.region"() ({
      %run_scoped3A = tpu.sem_alloc : memref<!tpu.dma_semaphore, #tpu.memory_space<semaphore_mem>>
      %dma_start3A_262 = tpu.memref_slice %arg28[%add3A_137] : memref<50176xf32, #tpu.memory_space<vmem_shared>> -> memref<128xf32, #tpu.memory_space<vmem_shared>>
      %dma_start3A_263 = tpu.memref_slice %arg28[%add3A_137] : memref<50176xf32, #tpu.memory_space<vmem_shared>> -> memref<128xf32, #tpu.memory_space<vmem_shared>>
      tpu.enqueue_dma source(%arg16 : memref<128xf32, #tpu.memory_space<vmem>>) target(%dma_start3A_263 : memref<128xf32, #tpu.memory_space<vmem_shared>>) target_semaphore(%run_scoped3A : memref<!tpu.dma_semaphore, #tpu.memory_space<semaphore_mem>>)
      %dma_wait3A_264 = tpu.memref_slice %arg28[%add3A_137] : memref<50176xf32, #tpu.memory_space<vmem_shared>> -> memref<128xf32, #tpu.memory_space<vmem_shared>>
      %dma_wait3A_265 = tpu.memref_slice %arg28[%add3A_137] : memref<50176xf32, #tpu.memory_space<vmem_shared>> -> memref<128xf32, #tpu.memory_space<vmem_shared>>
      tpu.wait_dma2 semaphore(%run_scoped3A : memref<!tpu.dma_semaphore, #tpu.memory_space<semaphore_mem>>) src(%arg16 : memref<128xf32, #tpu.memory_space<vmem>>) dst(%dma_wait3A_265 : memref<128xf32, #tpu.memory_space<vmem_shared>>)
      tpu.yield
    }) : () -> ()
    %add3A_138 = arith.constant 1920 : i32
    %add3A_139 = arith.addi %mul3A_14, %add3A_138 : i32
    "tpu.region"() ({
      %run_scoped3A = tpu.sem_alloc : memref<!tpu.dma_semaphore, #tpu.memory_space<semaphore_mem>>
      %dma_start3A_262 = tpu.memref_slice %arg29[%add3A_139] : memref<50176xf32, #tpu.memory_space<vmem_shared>> -> memref<128xf32, #tpu.memory_space<vmem_shared>>
      %dma_start3A_263 = tpu.memref_slice %arg29[%add3A_139] : memref<50176xf32, #tpu.memory_space<vmem_shared>> -> memref<128xf32, #tpu.memory_space<vmem_shared>>
      tpu.enqueue_dma source(%arg16 : memref<128xf32, #tpu.memory_space<vmem>>) target(%dma_start3A_263 : memref<128xf32, #tpu.memory_space<vmem_shared>>) target_semaphore(%run_scoped3A : memref<!tpu.dma_semaphore, #tpu.memory_space<semaphore_mem>>)
      %dma_wait3A_264 = tpu.memref_slice %arg29[%add3A_139] : memref<50176xf32, #tpu.memory_space<vmem_shared>> -> memref<128xf32, #tpu.memory_space<vmem_shared>>
      %dma_wait3A_265 = tpu.memref_slice %arg29[%add3A_139] : memref<50176xf32, #tpu.memory_space<vmem_shared>> -> memref<128xf32, #tpu.memory_space<vmem_shared>>
      tpu.wait_dma2 semaphore(%run_scoped3A : memref<!tpu.dma_semaphore, #tpu.memory_space<semaphore_mem>>) src(%arg16 : memref<128xf32, #tpu.memory_space<vmem>>) dst(%dma_wait3A_265 : memref<128xf32, #tpu.memory_space<vmem_shared>>)
      tpu.yield
    }) : () -> ()
    %add3A_140 = arith.constant 1920 : i32
    %add3A_141 = arith.addi %mul3A_14, %add3A_140 : i32
    "tpu.region"() ({
      %run_scoped3A = tpu.sem_alloc : memref<!tpu.dma_semaphore, #tpu.memory_space<semaphore_mem>>
      %dma_start3A_262 = tpu.memref_slice %arg30[%add3A_141] : memref<50176xf32, #tpu.memory_space<vmem_shared>> -> memref<128xf32, #tpu.memory_space<vmem_shared>>
      %dma_start3A_263 = tpu.memref_slice %arg30[%add3A_141] : memref<50176xf32, #tpu.memory_space<vmem_shared>> -> memref<128xf32, #tpu.memory_space<vmem_shared>>
      tpu.enqueue_dma source(%arg16 : memref<128xf32, #tpu.memory_space<vmem>>) target(%dma_start3A_263 : memref<128xf32, #tpu.memory_space<vmem_shared>>) target_semaphore(%run_scoped3A : memref<!tpu.dma_semaphore, #tpu.memory_space<semaphore_mem>>)
      %dma_wait3A_264 = tpu.memref_slice %arg30[%add3A_141] : memref<50176xf32, #tpu.memory_space<vmem_shared>> -> memref<128xf32, #tpu.memory_space<vmem_shared>>
      %dma_wait3A_265 = tpu.memref_slice %arg30[%add3A_141] : memref<50176xf32, #tpu.memory_space<vmem_shared>> -> memref<128xf32, #tpu.memory_space<vmem_shared>>
      tpu.wait_dma2 semaphore(%run_scoped3A : memref<!tpu.dma_semaphore, #tpu.memory_space<semaphore_mem>>) src(%arg16 : memref<128xf32, #tpu.memory_space<vmem>>) dst(%dma_wait3A_265 : memref<128xf32, #tpu.memory_space<vmem_shared>>)
      tpu.yield
    }) : () -> ()
    %add3A_142 = arith.constant 2048 : i32
    %add3A_143 = arith.addi %mul3A_14, %add3A_142 : i32
    "tpu.region"() ({
      %run_scoped3A = tpu.sem_alloc : memref<!tpu.dma_semaphore, #tpu.memory_space<semaphore_mem>>
      %dma_start3A_262 = arith.constant 0 : i32
      %dma_start3A_263 = tpu.memref_slice %arg27[%add3A_143, %dma_start3A_262] : memref<50176x32xf32, #tpu.memory_space<vmem_shared>> -> memref<128x32xf32, #tpu.memory_space<vmem_shared>>
      %dma_start3A_264 = arith.constant 0 : i32
      %dma_start3A_265 = tpu.memref_slice %arg27[%add3A_143, %dma_start3A_264] : memref<50176x32xf32, #tpu.memory_space<vmem_shared>> -> memref<128x32xf32, #tpu.memory_space<vmem_shared>>
      tpu.enqueue_dma source(%arg12 : memref<128x32xf32, #tpu.memory_space<vmem>>) target(%dma_start3A_265 : memref<128x32xf32, #tpu.memory_space<vmem_shared>>) target_semaphore(%run_scoped3A : memref<!tpu.dma_semaphore, #tpu.memory_space<semaphore_mem>>)
      %dma_wait3A_266 = arith.constant 0 : i32
      %dma_wait3A_267 = tpu.memref_slice %arg27[%add3A_143, %dma_wait3A_266] : memref<50176x32xf32, #tpu.memory_space<vmem_shared>> -> memref<128x32xf32, #tpu.memory_space<vmem_shared>>
      %dma_wait3A_268 = arith.constant 0 : i32
      %dma_wait3A_269 = tpu.memref_slice %arg27[%add3A_143, %dma_wait3A_268] : memref<50176x32xf32, #tpu.memory_space<vmem_shared>> -> memref<128x32xf32, #tpu.memory_space<vmem_shared>>
      tpu.wait_dma2 semaphore(%run_scoped3A : memref<!tpu.dma_semaphore, #tpu.memory_space<semaphore_mem>>) src(%arg12 : memref<128x32xf32, #tpu.memory_space<vmem>>) dst(%dma_wait3A_269 : memref<128x32xf32, #tpu.memory_space<vmem_shared>>)
      tpu.yield
    }) : () -> ()
    %add3A_144 = arith.constant 2048 : i32
    %add3A_145 = arith.addi %mul3A_14, %add3A_144 : i32
    "tpu.region"() ({
      %run_scoped3A = tpu.sem_alloc : memref<!tpu.dma_semaphore, #tpu.memory_space<semaphore_mem>>
      %dma_start3A_262 = tpu.memref_slice %arg28[%add3A_145] : memref<50176xf32, #tpu.memory_space<vmem_shared>> -> memref<128xf32, #tpu.memory_space<vmem_shared>>
      %dma_start3A_263 = tpu.memref_slice %arg28[%add3A_145] : memref<50176xf32, #tpu.memory_space<vmem_shared>> -> memref<128xf32, #tpu.memory_space<vmem_shared>>
      tpu.enqueue_dma source(%arg16 : memref<128xf32, #tpu.memory_space<vmem>>) target(%dma_start3A_263 : memref<128xf32, #tpu.memory_space<vmem_shared>>) target_semaphore(%run_scoped3A : memref<!tpu.dma_semaphore, #tpu.memory_space<semaphore_mem>>)
      %dma_wait3A_264 = tpu.memref_slice %arg28[%add3A_145] : memref<50176xf32, #tpu.memory_space<vmem_shared>> -> memref<128xf32, #tpu.memory_space<vmem_shared>>
      %dma_wait3A_265 = tpu.memref_slice %arg28[%add3A_145] : memref<50176xf32, #tpu.memory_space<vmem_shared>> -> memref<128xf32, #tpu.memory_space<vmem_shared>>
      tpu.wait_dma2 semaphore(%run_scoped3A : memref<!tpu.dma_semaphore, #tpu.memory_space<semaphore_mem>>) src(%arg16 : memref<128xf32, #tpu.memory_space<vmem>>) dst(%dma_wait3A_265 : memref<128xf32, #tpu.memory_space<vmem_shared>>)
      tpu.yield
    }) : () -> ()
    %add3A_146 = arith.constant 2048 : i32
    %add3A_147 = arith.addi %mul3A_14, %add3A_146 : i32
    "tpu.region"() ({
      %run_scoped3A = tpu.sem_alloc : memref<!tpu.dma_semaphore, #tpu.memory_space<semaphore_mem>>
      %dma_start3A_262 = tpu.memref_slice %arg29[%add3A_147] : memref<50176xf32, #tpu.memory_space<vmem_shared>> -> memref<128xf32, #tpu.memory_space<vmem_shared>>
      %dma_start3A_263 = tpu.memref_slice %arg29[%add3A_147] : memref<50176xf32, #tpu.memory_space<vmem_shared>> -> memref<128xf32, #tpu.memory_space<vmem_shared>>
      tpu.enqueue_dma source(%arg16 : memref<128xf32, #tpu.memory_space<vmem>>) target(%dma_start3A_263 : memref<128xf32, #tpu.memory_space<vmem_shared>>) target_semaphore(%run_scoped3A : memref<!tpu.dma_semaphore, #tpu.memory_space<semaphore_mem>>)
      %dma_wait3A_264 = tpu.memref_slice %arg29[%add3A_147] : memref<50176xf32, #tpu.memory_space<vmem_shared>> -> memref<128xf32, #tpu.memory_space<vmem_shared>>
      %dma_wait3A_265 = tpu.memref_slice %arg29[%add3A_147] : memref<50176xf32, #tpu.memory_space<vmem_shared>> -> memref<128xf32, #tpu.memory_space<vmem_shared>>
      tpu.wait_dma2 semaphore(%run_scoped3A : memref<!tpu.dma_semaphore, #tpu.memory_space<semaphore_mem>>) src(%arg16 : memref<128xf32, #tpu.memory_space<vmem>>) dst(%dma_wait3A_265 : memref<128xf32, #tpu.memory_space<vmem_shared>>)
      tpu.yield
    }) : () -> ()
    %add3A_148 = arith.constant 2048 : i32
    %add3A_149 = arith.addi %mul3A_14, %add3A_148 : i32
    "tpu.region"() ({
      %run_scoped3A = tpu.sem_alloc : memref<!tpu.dma_semaphore, #tpu.memory_space<semaphore_mem>>
      %dma_start3A_262 = tpu.memref_slice %arg30[%add3A_149] : memref<50176xf32, #tpu.memory_space<vmem_shared>> -> memref<128xf32, #tpu.memory_space<vmem_shared>>
      %dma_start3A_263 = tpu.memref_slice %arg30[%add3A_149] : memref<50176xf32, #tpu.memory_space<vmem_shared>> -> memref<128xf32, #tpu.memory_space<vmem_shared>>
      tpu.enqueue_dma source(%arg16 : memref<128xf32, #tpu.memory_space<vmem>>) target(%dma_start3A_263 : memref<128xf32, #tpu.memory_space<vmem_shared>>) target_semaphore(%run_scoped3A : memref<!tpu.dma_semaphore, #tpu.memory_space<semaphore_mem>>)
      %dma_wait3A_264 = tpu.memref_slice %arg30[%add3A_149] : memref<50176xf32, #tpu.memory_space<vmem_shared>> -> memref<128xf32, #tpu.memory_space<vmem_shared>>
      %dma_wait3A_265 = tpu.memref_slice %arg30[%add3A_149] : memref<50176xf32, #tpu.memory_space<vmem_shared>> -> memref<128xf32, #tpu.memory_space<vmem_shared>>
      tpu.wait_dma2 semaphore(%run_scoped3A : memref<!tpu.dma_semaphore, #tpu.memory_space<semaphore_mem>>) src(%arg16 : memref<128xf32, #tpu.memory_space<vmem>>) dst(%dma_wait3A_265 : memref<128xf32, #tpu.memory_space<vmem_shared>>)
      tpu.yield
    }) : () -> ()
    %add3A_150 = arith.constant 2176 : i32
    %add3A_151 = arith.addi %mul3A_14, %add3A_150 : i32
    "tpu.region"() ({
      %run_scoped3A = tpu.sem_alloc : memref<!tpu.dma_semaphore, #tpu.memory_space<semaphore_mem>>
      %dma_start3A_262 = arith.constant 0 : i32
      %dma_start3A_263 = tpu.memref_slice %arg27[%add3A_151, %dma_start3A_262] : memref<50176x32xf32, #tpu.memory_space<vmem_shared>> -> memref<128x32xf32, #tpu.memory_space<vmem_shared>>
      %dma_start3A_264 = arith.constant 0 : i32
      %dma_start3A_265 = tpu.memref_slice %arg27[%add3A_151, %dma_start3A_264] : memref<50176x32xf32, #tpu.memory_space<vmem_shared>> -> memref<128x32xf32, #tpu.memory_space<vmem_shared>>
      tpu.enqueue_dma source(%arg12 : memref<128x32xf32, #tpu.memory_space<vmem>>) target(%dma_start3A_265 : memref<128x32xf32, #tpu.memory_space<vmem_shared>>) target_semaphore(%run_scoped3A : memref<!tpu.dma_semaphore, #tpu.memory_space<semaphore_mem>>)
      %dma_wait3A_266 = arith.constant 0 : i32
      %dma_wait3A_267 = tpu.memref_slice %arg27[%add3A_151, %dma_wait3A_266] : memref<50176x32xf32, #tpu.memory_space<vmem_shared>> -> memref<128x32xf32, #tpu.memory_space<vmem_shared>>
      %dma_wait3A_268 = arith.constant 0 : i32
      %dma_wait3A_269 = tpu.memref_slice %arg27[%add3A_151, %dma_wait3A_268] : memref<50176x32xf32, #tpu.memory_space<vmem_shared>> -> memref<128x32xf32, #tpu.memory_space<vmem_shared>>
      tpu.wait_dma2 semaphore(%run_scoped3A : memref<!tpu.dma_semaphore, #tpu.memory_space<semaphore_mem>>) src(%arg12 : memref<128x32xf32, #tpu.memory_space<vmem>>) dst(%dma_wait3A_269 : memref<128x32xf32, #tpu.memory_space<vmem_shared>>)
      tpu.yield
    }) : () -> ()
    %add3A_152 = arith.constant 2176 : i32
    %add3A_153 = arith.addi %mul3A_14, %add3A_152 : i32
    "tpu.region"() ({
      %run_scoped3A = tpu.sem_alloc : memref<!tpu.dma_semaphore, #tpu.memory_space<semaphore_mem>>
      %dma_start3A_262 = tpu.memref_slice %arg28[%add3A_153] : memref<50176xf32, #tpu.memory_space<vmem_shared>> -> memref<128xf32, #tpu.memory_space<vmem_shared>>
      %dma_start3A_263 = tpu.memref_slice %arg28[%add3A_153] : memref<50176xf32, #tpu.memory_space<vmem_shared>> -> memref<128xf32, #tpu.memory_space<vmem_shared>>
      tpu.enqueue_dma source(%arg16 : memref<128xf32, #tpu.memory_space<vmem>>) target(%dma_start3A_263 : memref<128xf32, #tpu.memory_space<vmem_shared>>) target_semaphore(%run_scoped3A : memref<!tpu.dma_semaphore, #tpu.memory_space<semaphore_mem>>)
      %dma_wait3A_264 = tpu.memref_slice %arg28[%add3A_153] : memref<50176xf32, #tpu.memory_space<vmem_shared>> -> memref<128xf32, #tpu.memory_space<vmem_shared>>
      %dma_wait3A_265 = tpu.memref_slice %arg28[%add3A_153] : memref<50176xf32, #tpu.memory_space<vmem_shared>> -> memref<128xf32, #tpu.memory_space<vmem_shared>>
      tpu.wait_dma2 semaphore(%run_scoped3A : memref<!tpu.dma_semaphore, #tpu.memory_space<semaphore_mem>>) src(%arg16 : memref<128xf32, #tpu.memory_space<vmem>>) dst(%dma_wait3A_265 : memref<128xf32, #tpu.memory_space<vmem_shared>>)
      tpu.yield
    }) : () -> ()
    %add3A_154 = arith.constant 2176 : i32
    %add3A_155 = arith.addi %mul3A_14, %add3A_154 : i32
    "tpu.region"() ({
      %run_scoped3A = tpu.sem_alloc : memref<!tpu.dma_semaphore, #tpu.memory_space<semaphore_mem>>
      %dma_start3A_262 = tpu.memref_slice %arg29[%add3A_155] : memref<50176xf32, #tpu.memory_space<vmem_shared>> -> memref<128xf32, #tpu.memory_space<vmem_shared>>
      %dma_start3A_263 = tpu.memref_slice %arg29[%add3A_155] : memref<50176xf32, #tpu.memory_space<vmem_shared>> -> memref<128xf32, #tpu.memory_space<vmem_shared>>
      tpu.enqueue_dma source(%arg16 : memref<128xf32, #tpu.memory_space<vmem>>) target(%dma_start3A_263 : memref<128xf32, #tpu.memory_space<vmem_shared>>) target_semaphore(%run_scoped3A : memref<!tpu.dma_semaphore, #tpu.memory_space<semaphore_mem>>)
      %dma_wait3A_264 = tpu.memref_slice %arg29[%add3A_155] : memref<50176xf32, #tpu.memory_space<vmem_shared>> -> memref<128xf32, #tpu.memory_space<vmem_shared>>
      %dma_wait3A_265 = tpu.memref_slice %arg29[%add3A_155] : memref<50176xf32, #tpu.memory_space<vmem_shared>> -> memref<128xf32, #tpu.memory_space<vmem_shared>>
      tpu.wait_dma2 semaphore(%run_scoped3A : memref<!tpu.dma_semaphore, #tpu.memory_space<semaphore_mem>>) src(%arg16 : memref<128xf32, #tpu.memory_space<vmem>>) dst(%dma_wait3A_265 : memref<128xf32, #tpu.memory_space<vmem_shared>>)
      tpu.yield
    }) : () -> ()
    %add3A_156 = arith.constant 2176 : i32
    %add3A_157 = arith.addi %mul3A_14, %add3A_156 : i32
    "tpu.region"() ({
      %run_scoped3A = tpu.sem_alloc : memref<!tpu.dma_semaphore, #tpu.memory_space<semaphore_mem>>
      %dma_start3A_262 = tpu.memref_slice %arg30[%add3A_157] : memref<50176xf32, #tpu.memory_space<vmem_shared>> -> memref<128xf32, #tpu.memory_space<vmem_shared>>
      %dma_start3A_263 = tpu.memref_slice %arg30[%add3A_157] : memref<50176xf32, #tpu.memory_space<vmem_shared>> -> memref<128xf32, #tpu.memory_space<vmem_shared>>
      tpu.enqueue_dma source(%arg16 : memref<128xf32, #tpu.memory_space<vmem>>) target(%dma_start3A_263 : memref<128xf32, #tpu.memory_space<vmem_shared>>) target_semaphore(%run_scoped3A : memref<!tpu.dma_semaphore, #tpu.memory_space<semaphore_mem>>)
      %dma_wait3A_264 = tpu.memref_slice %arg30[%add3A_157] : memref<50176xf32, #tpu.memory_space<vmem_shared>> -> memref<128xf32, #tpu.memory_space<vmem_shared>>
      %dma_wait3A_265 = tpu.memref_slice %arg30[%add3A_157] : memref<50176xf32, #tpu.memory_space<vmem_shared>> -> memref<128xf32, #tpu.memory_space<vmem_shared>>
      tpu.wait_dma2 semaphore(%run_scoped3A : memref<!tpu.dma_semaphore, #tpu.memory_space<semaphore_mem>>) src(%arg16 : memref<128xf32, #tpu.memory_space<vmem>>) dst(%dma_wait3A_265 : memref<128xf32, #tpu.memory_space<vmem_shared>>)
      tpu.yield
    }) : () -> ()
    %add3A_158 = arith.constant 2304 : i32
    %add3A_159 = arith.addi %mul3A_14, %add3A_158 : i32
    "tpu.region"() ({
      %run_scoped3A = tpu.sem_alloc : memref<!tpu.dma_semaphore, #tpu.memory_space<semaphore_mem>>
      %dma_start3A_262 = arith.constant 0 : i32
      %dma_start3A_263 = tpu.memref_slice %arg27[%add3A_159, %dma_start3A_262] : memref<50176x32xf32, #tpu.memory_space<vmem_shared>> -> memref<128x32xf32, #tpu.memory_space<vmem_shared>>
      %dma_start3A_264 = arith.constant 0 : i32
      %dma_start3A_265 = tpu.memref_slice %arg27[%add3A_159, %dma_start3A_264] : memref<50176x32xf32, #tpu.memory_space<vmem_shared>> -> memref<128x32xf32, #tpu.memory_space<vmem_shared>>
      tpu.enqueue_dma source(%arg12 : memref<128x32xf32, #tpu.memory_space<vmem>>) target(%dma_start3A_265 : memref<128x32xf32, #tpu.memory_space<vmem_shared>>) target_semaphore(%run_scoped3A : memref<!tpu.dma_semaphore, #tpu.memory_space<semaphore_mem>>)
      %dma_wait3A_266 = arith.constant 0 : i32
      %dma_wait3A_267 = tpu.memref_slice %arg27[%add3A_159, %dma_wait3A_266] : memref<50176x32xf32, #tpu.memory_space<vmem_shared>> -> memref<128x32xf32, #tpu.memory_space<vmem_shared>>
      %dma_wait3A_268 = arith.constant 0 : i32
      %dma_wait3A_269 = tpu.memref_slice %arg27[%add3A_159, %dma_wait3A_268] : memref<50176x32xf32, #tpu.memory_space<vmem_shared>> -> memref<128x32xf32, #tpu.memory_space<vmem_shared>>
      tpu.wait_dma2 semaphore(%run_scoped3A : memref<!tpu.dma_semaphore, #tpu.memory_space<semaphore_mem>>) src(%arg12 : memref<128x32xf32, #tpu.memory_space<vmem>>) dst(%dma_wait3A_269 : memref<128x32xf32, #tpu.memory_space<vmem_shared>>)
      tpu.yield
    }) : () -> ()
    %add3A_160 = arith.constant 2304 : i32
    %add3A_161 = arith.addi %mul3A_14, %add3A_160 : i32
    "tpu.region"() ({
      %run_scoped3A = tpu.sem_alloc : memref<!tpu.dma_semaphore, #tpu.memory_space<semaphore_mem>>
      %dma_start3A_262 = tpu.memref_slice %arg28[%add3A_161] : memref<50176xf32, #tpu.memory_space<vmem_shared>> -> memref<128xf32, #tpu.memory_space<vmem_shared>>
      %dma_start3A_263 = tpu.memref_slice %arg28[%add3A_161] : memref<50176xf32, #tpu.memory_space<vmem_shared>> -> memref<128xf32, #tpu.memory_space<vmem_shared>>
      tpu.enqueue_dma source(%arg16 : memref<128xf32, #tpu.memory_space<vmem>>) target(%dma_start3A_263 : memref<128xf32, #tpu.memory_space<vmem_shared>>) target_semaphore(%run_scoped3A : memref<!tpu.dma_semaphore, #tpu.memory_space<semaphore_mem>>)
      %dma_wait3A_264 = tpu.memref_slice %arg28[%add3A_161] : memref<50176xf32, #tpu.memory_space<vmem_shared>> -> memref<128xf32, #tpu.memory_space<vmem_shared>>
      %dma_wait3A_265 = tpu.memref_slice %arg28[%add3A_161] : memref<50176xf32, #tpu.memory_space<vmem_shared>> -> memref<128xf32, #tpu.memory_space<vmem_shared>>
      tpu.wait_dma2 semaphore(%run_scoped3A : memref<!tpu.dma_semaphore, #tpu.memory_space<semaphore_mem>>) src(%arg16 : memref<128xf32, #tpu.memory_space<vmem>>) dst(%dma_wait3A_265 : memref<128xf32, #tpu.memory_space<vmem_shared>>)
      tpu.yield
    }) : () -> ()
    %add3A_162 = arith.constant 2304 : i32
    %add3A_163 = arith.addi %mul3A_14, %add3A_162 : i32
    "tpu.region"() ({
      %run_scoped3A = tpu.sem_alloc : memref<!tpu.dma_semaphore, #tpu.memory_space<semaphore_mem>>
      %dma_start3A_262 = tpu.memref_slice %arg29[%add3A_163] : memref<50176xf32, #tpu.memory_space<vmem_shared>> -> memref<128xf32, #tpu.memory_space<vmem_shared>>
      %dma_start3A_263 = tpu.memref_slice %arg29[%add3A_163] : memref<50176xf32, #tpu.memory_space<vmem_shared>> -> memref<128xf32, #tpu.memory_space<vmem_shared>>
      tpu.enqueue_dma source(%arg16 : memref<128xf32, #tpu.memory_space<vmem>>) target(%dma_start3A_263 : memref<128xf32, #tpu.memory_space<vmem_shared>>) target_semaphore(%run_scoped3A : memref<!tpu.dma_semaphore, #tpu.memory_space<semaphore_mem>>)
      %dma_wait3A_264 = tpu.memref_slice %arg29[%add3A_163] : memref<50176xf32, #tpu.memory_space<vmem_shared>> -> memref<128xf32, #tpu.memory_space<vmem_shared>>
      %dma_wait3A_265 = tpu.memref_slice %arg29[%add3A_163] : memref<50176xf32, #tpu.memory_space<vmem_shared>> -> memref<128xf32, #tpu.memory_space<vmem_shared>>
      tpu.wait_dma2 semaphore(%run_scoped3A : memref<!tpu.dma_semaphore, #tpu.memory_space<semaphore_mem>>) src(%arg16 : memref<128xf32, #tpu.memory_space<vmem>>) dst(%dma_wait3A_265 : memref<128xf32, #tpu.memory_space<vmem_shared>>)
      tpu.yield
    }) : () -> ()
    %add3A_164 = arith.constant 2304 : i32
    %add3A_165 = arith.addi %mul3A_14, %add3A_164 : i32
    "tpu.region"() ({
      %run_scoped3A = tpu.sem_alloc : memref<!tpu.dma_semaphore, #tpu.memory_space<semaphore_mem>>
      %dma_start3A_262 = tpu.memref_slice %arg30[%add3A_165] : memref<50176xf32, #tpu.memory_space<vmem_shared>> -> memref<128xf32, #tpu.memory_space<vmem_shared>>
      %dma_start3A_263 = tpu.memref_slice %arg30[%add3A_165] : memref<50176xf32, #tpu.memory_space<vmem_shared>> -> memref<128xf32, #tpu.memory_space<vmem_shared>>
      tpu.enqueue_dma source(%arg16 : memref<128xf32, #tpu.memory_space<vmem>>) target(%dma_start3A_263 : memref<128xf32, #tpu.memory_space<vmem_shared>>) target_semaphore(%run_scoped3A : memref<!tpu.dma_semaphore, #tpu.memory_space<semaphore_mem>>)
      %dma_wait3A_264 = tpu.memref_slice %arg30[%add3A_165] : memref<50176xf32, #tpu.memory_space<vmem_shared>> -> memref<128xf32, #tpu.memory_space<vmem_shared>>
      %dma_wait3A_265 = tpu.memref_slice %arg30[%add3A_165] : memref<50176xf32, #tpu.memory_space<vmem_shared>> -> memref<128xf32, #tpu.memory_space<vmem_shared>>
      tpu.wait_dma2 semaphore(%run_scoped3A : memref<!tpu.dma_semaphore, #tpu.memory_space<semaphore_mem>>) src(%arg16 : memref<128xf32, #tpu.memory_space<vmem>>) dst(%dma_wait3A_265 : memref<128xf32, #tpu.memory_space<vmem_shared>>)
      tpu.yield
    }) : () -> ()
    %add3A_166 = arith.constant 2432 : i32
    %add3A_167 = arith.addi %mul3A_14, %add3A_166 : i32
    "tpu.region"() ({
      %run_scoped3A = tpu.sem_alloc : memref<!tpu.dma_semaphore, #tpu.memory_space<semaphore_mem>>
      %dma_start3A_262 = arith.constant 0 : i32
      %dma_start3A_263 = tpu.memref_slice %arg27[%add3A_167, %dma_start3A_262] : memref<50176x32xf32, #tpu.memory_space<vmem_shared>> -> memref<128x32xf32, #tpu.memory_space<vmem_shared>>
      %dma_start3A_264 = arith.constant 0 : i32
      %dma_start3A_265 = tpu.memref_slice %arg27[%add3A_167, %dma_start3A_264] : memref<50176x32xf32, #tpu.memory_space<vmem_shared>> -> memref<128x32xf32, #tpu.memory_space<vmem_shared>>
      tpu.enqueue_dma source(%arg12 : memref<128x32xf32, #tpu.memory_space<vmem>>) target(%dma_start3A_265 : memref<128x32xf32, #tpu.memory_space<vmem_shared>>) target_semaphore(%run_scoped3A : memref<!tpu.dma_semaphore, #tpu.memory_space<semaphore_mem>>)
      %dma_wait3A_266 = arith.constant 0 : i32
      %dma_wait3A_267 = tpu.memref_slice %arg27[%add3A_167, %dma_wait3A_266] : memref<50176x32xf32, #tpu.memory_space<vmem_shared>> -> memref<128x32xf32, #tpu.memory_space<vmem_shared>>
      %dma_wait3A_268 = arith.constant 0 : i32
      %dma_wait3A_269 = tpu.memref_slice %arg27[%add3A_167, %dma_wait3A_268] : memref<50176x32xf32, #tpu.memory_space<vmem_shared>> -> memref<128x32xf32, #tpu.memory_space<vmem_shared>>
      tpu.wait_dma2 semaphore(%run_scoped3A : memref<!tpu.dma_semaphore, #tpu.memory_space<semaphore_mem>>) src(%arg12 : memref<128x32xf32, #tpu.memory_space<vmem>>) dst(%dma_wait3A_269 : memref<128x32xf32, #tpu.memory_space<vmem_shared>>)
      tpu.yield
    }) : () -> ()
    %add3A_168 = arith.constant 2432 : i32
    %add3A_169 = arith.addi %mul3A_14, %add3A_168 : i32
    "tpu.region"() ({
      %run_scoped3A = tpu.sem_alloc : memref<!tpu.dma_semaphore, #tpu.memory_space<semaphore_mem>>
      %dma_start3A_262 = tpu.memref_slice %arg28[%add3A_169] : memref<50176xf32, #tpu.memory_space<vmem_shared>> -> memref<128xf32, #tpu.memory_space<vmem_shared>>
      %dma_start3A_263 = tpu.memref_slice %arg28[%add3A_169] : memref<50176xf32, #tpu.memory_space<vmem_shared>> -> memref<128xf32, #tpu.memory_space<vmem_shared>>
      tpu.enqueue_dma source(%arg16 : memref<128xf32, #tpu.memory_space<vmem>>) target(%dma_start3A_263 : memref<128xf32, #tpu.memory_space<vmem_shared>>) target_semaphore(%run_scoped3A : memref<!tpu.dma_semaphore, #tpu.memory_space<semaphore_mem>>)
      %dma_wait3A_264 = tpu.memref_slice %arg28[%add3A_169] : memref<50176xf32, #tpu.memory_space<vmem_shared>> -> memref<128xf32, #tpu.memory_space<vmem_shared>>
      %dma_wait3A_265 = tpu.memref_slice %arg28[%add3A_169] : memref<50176xf32, #tpu.memory_space<vmem_shared>> -> memref<128xf32, #tpu.memory_space<vmem_shared>>
      tpu.wait_dma2 semaphore(%run_scoped3A : memref<!tpu.dma_semaphore, #tpu.memory_space<semaphore_mem>>) src(%arg16 : memref<128xf32, #tpu.memory_space<vmem>>) dst(%dma_wait3A_265 : memref<128xf32, #tpu.memory_space<vmem_shared>>)
      tpu.yield
    }) : () -> ()
    %add3A_170 = arith.constant 2432 : i32
    %add3A_171 = arith.addi %mul3A_14, %add3A_170 : i32
    "tpu.region"() ({
      %run_scoped3A = tpu.sem_alloc : memref<!tpu.dma_semaphore, #tpu.memory_space<semaphore_mem>>
      %dma_start3A_262 = tpu.memref_slice %arg29[%add3A_171] : memref<50176xf32, #tpu.memory_space<vmem_shared>> -> memref<128xf32, #tpu.memory_space<vmem_shared>>
      %dma_start3A_263 = tpu.memref_slice %arg29[%add3A_171] : memref<50176xf32, #tpu.memory_space<vmem_shared>> -> memref<128xf32, #tpu.memory_space<vmem_shared>>
      tpu.enqueue_dma source(%arg16 : memref<128xf32, #tpu.memory_space<vmem>>) target(%dma_start3A_263 : memref<128xf32, #tpu.memory_space<vmem_shared>>) target_semaphore(%run_scoped3A : memref<!tpu.dma_semaphore, #tpu.memory_space<semaphore_mem>>)
      %dma_wait3A_264 = tpu.memref_slice %arg29[%add3A_171] : memref<50176xf32, #tpu.memory_space<vmem_shared>> -> memref<128xf32, #tpu.memory_space<vmem_shared>>
      %dma_wait3A_265 = tpu.memref_slice %arg29[%add3A_171] : memref<50176xf32, #tpu.memory_space<vmem_shared>> -> memref<128xf32, #tpu.memory_space<vmem_shared>>
      tpu.wait_dma2 semaphore(%run_scoped3A : memref<!tpu.dma_semaphore, #tpu.memory_space<semaphore_mem>>) src(%arg16 : memref<128xf32, #tpu.memory_space<vmem>>) dst(%dma_wait3A_265 : memref<128xf32, #tpu.memory_space<vmem_shared>>)
      tpu.yield
    }) : () -> ()
    %add3A_172 = arith.constant 2432 : i32
    %add3A_173 = arith.addi %mul3A_14, %add3A_172 : i32
    "tpu.region"() ({
      %run_scoped3A = tpu.sem_alloc : memref<!tpu.dma_semaphore, #tpu.memory_space<semaphore_mem>>
      %dma_start3A_262 = tpu.memref_slice %arg30[%add3A_173] : memref<50176xf32, #tpu.memory_space<vmem_shared>> -> memref<128xf32, #tpu.memory_space<vmem_shared>>
      %dma_start3A_263 = tpu.memref_slice %arg30[%add3A_173] : memref<50176xf32, #tpu.memory_space<vmem_shared>> -> memref<128xf32, #tpu.memory_space<vmem_shared>>
      tpu.enqueue_dma source(%arg16 : memref<128xf32, #tpu.memory_space<vmem>>) target(%dma_start3A_263 : memref<128xf32, #tpu.memory_space<vmem_shared>>) target_semaphore(%run_scoped3A : memref<!tpu.dma_semaphore, #tpu.memory_space<semaphore_mem>>)
      %dma_wait3A_264 = tpu.memref_slice %arg30[%add3A_173] : memref<50176xf32, #tpu.memory_space<vmem_shared>> -> memref<128xf32, #tpu.memory_space<vmem_shared>>
      %dma_wait3A_265 = tpu.memref_slice %arg30[%add3A_173] : memref<50176xf32, #tpu.memory_space<vmem_shared>> -> memref<128xf32, #tpu.memory_space<vmem_shared>>
      tpu.wait_dma2 semaphore(%run_scoped3A : memref<!tpu.dma_semaphore, #tpu.memory_space<semaphore_mem>>) src(%arg16 : memref<128xf32, #tpu.memory_space<vmem>>) dst(%dma_wait3A_265 : memref<128xf32, #tpu.memory_space<vmem_shared>>)
      tpu.yield
    }) : () -> ()
    %add3A_174 = arith.constant 2560 : i32
    %add3A_175 = arith.addi %mul3A_14, %add3A_174 : i32
    "tpu.region"() ({
      %run_scoped3A = tpu.sem_alloc : memref<!tpu.dma_semaphore, #tpu.memory_space<semaphore_mem>>
      %dma_start3A_262 = arith.constant 0 : i32
      %dma_start3A_263 = tpu.memref_slice %arg27[%add3A_175, %dma_start3A_262] : memref<50176x32xf32, #tpu.memory_space<vmem_shared>> -> memref<128x32xf32, #tpu.memory_space<vmem_shared>>
      %dma_start3A_264 = arith.constant 0 : i32
      %dma_start3A_265 = tpu.memref_slice %arg27[%add3A_175, %dma_start3A_264] : memref<50176x32xf32, #tpu.memory_space<vmem_shared>> -> memref<128x32xf32, #tpu.memory_space<vmem_shared>>
      tpu.enqueue_dma source(%arg12 : memref<128x32xf32, #tpu.memory_space<vmem>>) target(%dma_start3A_265 : memref<128x32xf32, #tpu.memory_space<vmem_shared>>) target_semaphore(%run_scoped3A : memref<!tpu.dma_semaphore, #tpu.memory_space<semaphore_mem>>)
      %dma_wait3A_266 = arith.constant 0 : i32
      %dma_wait3A_267 = tpu.memref_slice %arg27[%add3A_175, %dma_wait3A_266] : memref<50176x32xf32, #tpu.memory_space<vmem_shared>> -> memref<128x32xf32, #tpu.memory_space<vmem_shared>>
      %dma_wait3A_268 = arith.constant 0 : i32
      %dma_wait3A_269 = tpu.memref_slice %arg27[%add3A_175, %dma_wait3A_268] : memref<50176x32xf32, #tpu.memory_space<vmem_shared>> -> memref<128x32xf32, #tpu.memory_space<vmem_shared>>
      tpu.wait_dma2 semaphore(%run_scoped3A : memref<!tpu.dma_semaphore, #tpu.memory_space<semaphore_mem>>) src(%arg12 : memref<128x32xf32, #tpu.memory_space<vmem>>) dst(%dma_wait3A_269 : memref<128x32xf32, #tpu.memory_space<vmem_shared>>)
      tpu.yield
    }) : () -> ()
    %add3A_176 = arith.constant 2560 : i32
    %add3A_177 = arith.addi %mul3A_14, %add3A_176 : i32
    "tpu.region"() ({
      %run_scoped3A = tpu.sem_alloc : memref<!tpu.dma_semaphore, #tpu.memory_space<semaphore_mem>>
      %dma_start3A_262 = tpu.memref_slice %arg28[%add3A_177] : memref<50176xf32, #tpu.memory_space<vmem_shared>> -> memref<128xf32, #tpu.memory_space<vmem_shared>>
      %dma_start3A_263 = tpu.memref_slice %arg28[%add3A_177] : memref<50176xf32, #tpu.memory_space<vmem_shared>> -> memref<128xf32, #tpu.memory_space<vmem_shared>>
      tpu.enqueue_dma source(%arg16 : memref<128xf32, #tpu.memory_space<vmem>>) target(%dma_start3A_263 : memref<128xf32, #tpu.memory_space<vmem_shared>>) target_semaphore(%run_scoped3A : memref<!tpu.dma_semaphore, #tpu.memory_space<semaphore_mem>>)
      %dma_wait3A_264 = tpu.memref_slice %arg28[%add3A_177] : memref<50176xf32, #tpu.memory_space<vmem_shared>> -> memref<128xf32, #tpu.memory_space<vmem_shared>>
      %dma_wait3A_265 = tpu.memref_slice %arg28[%add3A_177] : memref<50176xf32, #tpu.memory_space<vmem_shared>> -> memref<128xf32, #tpu.memory_space<vmem_shared>>
      tpu.wait_dma2 semaphore(%run_scoped3A : memref<!tpu.dma_semaphore, #tpu.memory_space<semaphore_mem>>) src(%arg16 : memref<128xf32, #tpu.memory_space<vmem>>) dst(%dma_wait3A_265 : memref<128xf32, #tpu.memory_space<vmem_shared>>)
      tpu.yield
    }) : () -> ()
    %add3A_178 = arith.constant 2560 : i32
    %add3A_179 = arith.addi %mul3A_14, %add3A_178 : i32
    "tpu.region"() ({
      %run_scoped3A = tpu.sem_alloc : memref<!tpu.dma_semaphore, #tpu.memory_space<semaphore_mem>>
      %dma_start3A_262 = tpu.memref_slice %arg29[%add3A_179] : memref<50176xf32, #tpu.memory_space<vmem_shared>> -> memref<128xf32, #tpu.memory_space<vmem_shared>>
      %dma_start3A_263 = tpu.memref_slice %arg29[%add3A_179] : memref<50176xf32, #tpu.memory_space<vmem_shared>> -> memref<128xf32, #tpu.memory_space<vmem_shared>>
      tpu.enqueue_dma source(%arg16 : memref<128xf32, #tpu.memory_space<vmem>>) target(%dma_start3A_263 : memref<128xf32, #tpu.memory_space<vmem_shared>>) target_semaphore(%run_scoped3A : memref<!tpu.dma_semaphore, #tpu.memory_space<semaphore_mem>>)
      %dma_wait3A_264 = tpu.memref_slice %arg29[%add3A_179] : memref<50176xf32, #tpu.memory_space<vmem_shared>> -> memref<128xf32, #tpu.memory_space<vmem_shared>>
      %dma_wait3A_265 = tpu.memref_slice %arg29[%add3A_179] : memref<50176xf32, #tpu.memory_space<vmem_shared>> -> memref<128xf32, #tpu.memory_space<vmem_shared>>
      tpu.wait_dma2 semaphore(%run_scoped3A : memref<!tpu.dma_semaphore, #tpu.memory_space<semaphore_mem>>) src(%arg16 : memref<128xf32, #tpu.memory_space<vmem>>) dst(%dma_wait3A_265 : memref<128xf32, #tpu.memory_space<vmem_shared>>)
      tpu.yield
    }) : () -> ()
    %add3A_180 = arith.constant 2560 : i32
    %add3A_181 = arith.addi %mul3A_14, %add3A_180 : i32
    "tpu.region"() ({
      %run_scoped3A = tpu.sem_alloc : memref<!tpu.dma_semaphore, #tpu.memory_space<semaphore_mem>>
      %dma_start3A_262 = tpu.memref_slice %arg30[%add3A_181] : memref<50176xf32, #tpu.memory_space<vmem_shared>> -> memref<128xf32, #tpu.memory_space<vmem_shared>>
      %dma_start3A_263 = tpu.memref_slice %arg30[%add3A_181] : memref<50176xf32, #tpu.memory_space<vmem_shared>> -> memref<128xf32, #tpu.memory_space<vmem_shared>>
      tpu.enqueue_dma source(%arg16 : memref<128xf32, #tpu.memory_space<vmem>>) target(%dma_start3A_263 : memref<128xf32, #tpu.memory_space<vmem_shared>>) target_semaphore(%run_scoped3A : memref<!tpu.dma_semaphore, #tpu.memory_space<semaphore_mem>>)
      %dma_wait3A_264 = tpu.memref_slice %arg30[%add3A_181] : memref<50176xf32, #tpu.memory_space<vmem_shared>> -> memref<128xf32, #tpu.memory_space<vmem_shared>>
      %dma_wait3A_265 = tpu.memref_slice %arg30[%add3A_181] : memref<50176xf32, #tpu.memory_space<vmem_shared>> -> memref<128xf32, #tpu.memory_space<vmem_shared>>
      tpu.wait_dma2 semaphore(%run_scoped3A : memref<!tpu.dma_semaphore, #tpu.memory_space<semaphore_mem>>) src(%arg16 : memref<128xf32, #tpu.memory_space<vmem>>) dst(%dma_wait3A_265 : memref<128xf32, #tpu.memory_space<vmem_shared>>)
      tpu.yield
    }) : () -> ()
    %add3A_182 = arith.constant 2688 : i32
    %add3A_183 = arith.addi %mul3A_14, %add3A_182 : i32
    "tpu.region"() ({
      %run_scoped3A = tpu.sem_alloc : memref<!tpu.dma_semaphore, #tpu.memory_space<semaphore_mem>>
      %dma_start3A_262 = arith.constant 0 : i32
      %dma_start3A_263 = tpu.memref_slice %arg27[%add3A_183, %dma_start3A_262] : memref<50176x32xf32, #tpu.memory_space<vmem_shared>> -> memref<128x32xf32, #tpu.memory_space<vmem_shared>>
      %dma_start3A_264 = arith.constant 0 : i32
      %dma_start3A_265 = tpu.memref_slice %arg27[%add3A_183, %dma_start3A_264] : memref<50176x32xf32, #tpu.memory_space<vmem_shared>> -> memref<128x32xf32, #tpu.memory_space<vmem_shared>>
      tpu.enqueue_dma source(%arg12 : memref<128x32xf32, #tpu.memory_space<vmem>>) target(%dma_start3A_265 : memref<128x32xf32, #tpu.memory_space<vmem_shared>>) target_semaphore(%run_scoped3A : memref<!tpu.dma_semaphore, #tpu.memory_space<semaphore_mem>>)
      %dma_wait3A_266 = arith.constant 0 : i32
      %dma_wait3A_267 = tpu.memref_slice %arg27[%add3A_183, %dma_wait3A_266] : memref<50176x32xf32, #tpu.memory_space<vmem_shared>> -> memref<128x32xf32, #tpu.memory_space<vmem_shared>>
      %dma_wait3A_268 = arith.constant 0 : i32
      %dma_wait3A_269 = tpu.memref_slice %arg27[%add3A_183, %dma_wait3A_268] : memref<50176x32xf32, #tpu.memory_space<vmem_shared>> -> memref<128x32xf32, #tpu.memory_space<vmem_shared>>
      tpu.wait_dma2 semaphore(%run_scoped3A : memref<!tpu.dma_semaphore, #tpu.memory_space<semaphore_mem>>) src(%arg12 : memref<128x32xf32, #tpu.memory_space<vmem>>) dst(%dma_wait3A_269 : memref<128x32xf32, #tpu.memory_space<vmem_shared>>)
      tpu.yield
    }) : () -> ()
    %add3A_184 = arith.constant 2688 : i32
    %add3A_185 = arith.addi %mul3A_14, %add3A_184 : i32
    "tpu.region"() ({
      %run_scoped3A = tpu.sem_alloc : memref<!tpu.dma_semaphore, #tpu.memory_space<semaphore_mem>>
      %dma_start3A_262 = tpu.memref_slice %arg28[%add3A_185] : memref<50176xf32, #tpu.memory_space<vmem_shared>> -> memref<128xf32, #tpu.memory_space<vmem_shared>>
      %dma_start3A_263 = tpu.memref_slice %arg28[%add3A_185] : memref<50176xf32, #tpu.memory_space<vmem_shared>> -> memref<128xf32, #tpu.memory_space<vmem_shared>>
      tpu.enqueue_dma source(%arg16 : memref<128xf32, #tpu.memory_space<vmem>>) target(%dma_start3A_263 : memref<128xf32, #tpu.memory_space<vmem_shared>>) target_semaphore(%run_scoped3A : memref<!tpu.dma_semaphore, #tpu.memory_space<semaphore_mem>>)
      %dma_wait3A_264 = tpu.memref_slice %arg28[%add3A_185] : memref<50176xf32, #tpu.memory_space<vmem_shared>> -> memref<128xf32, #tpu.memory_space<vmem_shared>>
      %dma_wait3A_265 = tpu.memref_slice %arg28[%add3A_185] : memref<50176xf32, #tpu.memory_space<vmem_shared>> -> memref<128xf32, #tpu.memory_space<vmem_shared>>
      tpu.wait_dma2 semaphore(%run_scoped3A : memref<!tpu.dma_semaphore, #tpu.memory_space<semaphore_mem>>) src(%arg16 : memref<128xf32, #tpu.memory_space<vmem>>) dst(%dma_wait3A_265 : memref<128xf32, #tpu.memory_space<vmem_shared>>)
      tpu.yield
    }) : () -> ()
    %add3A_186 = arith.constant 2688 : i32
    %add3A_187 = arith.addi %mul3A_14, %add3A_186 : i32
    "tpu.region"() ({
      %run_scoped3A = tpu.sem_alloc : memref<!tpu.dma_semaphore, #tpu.memory_space<semaphore_mem>>
      %dma_start3A_262 = tpu.memref_slice %arg29[%add3A_187] : memref<50176xf32, #tpu.memory_space<vmem_shared>> -> memref<128xf32, #tpu.memory_space<vmem_shared>>
      %dma_start3A_263 = tpu.memref_slice %arg29[%add3A_187] : memref<50176xf32, #tpu.memory_space<vmem_shared>> -> memref<128xf32, #tpu.memory_space<vmem_shared>>
      tpu.enqueue_dma source(%arg16 : memref<128xf32, #tpu.memory_space<vmem>>) target(%dma_start3A_263 : memref<128xf32, #tpu.memory_space<vmem_shared>>) target_semaphore(%run_scoped3A : memref<!tpu.dma_semaphore, #tpu.memory_space<semaphore_mem>>)
      %dma_wait3A_264 = tpu.memref_slice %arg29[%add3A_187] : memref<50176xf32, #tpu.memory_space<vmem_shared>> -> memref<128xf32, #tpu.memory_space<vmem_shared>>
      %dma_wait3A_265 = tpu.memref_slice %arg29[%add3A_187] : memref<50176xf32, #tpu.memory_space<vmem_shared>> -> memref<128xf32, #tpu.memory_space<vmem_shared>>
      tpu.wait_dma2 semaphore(%run_scoped3A : memref<!tpu.dma_semaphore, #tpu.memory_space<semaphore_mem>>) src(%arg16 : memref<128xf32, #tpu.memory_space<vmem>>) dst(%dma_wait3A_265 : memref<128xf32, #tpu.memory_space<vmem_shared>>)
      tpu.yield
    }) : () -> ()
    %add3A_188 = arith.constant 2688 : i32
    %add3A_189 = arith.addi %mul3A_14, %add3A_188 : i32
    "tpu.region"() ({
      %run_scoped3A = tpu.sem_alloc : memref<!tpu.dma_semaphore, #tpu.memory_space<semaphore_mem>>
      %dma_start3A_262 = tpu.memref_slice %arg30[%add3A_189] : memref<50176xf32, #tpu.memory_space<vmem_shared>> -> memref<128xf32, #tpu.memory_space<vmem_shared>>
      %dma_start3A_263 = tpu.memref_slice %arg30[%add3A_189] : memref<50176xf32, #tpu.memory_space<vmem_shared>> -> memref<128xf32, #tpu.memory_space<vmem_shared>>
      tpu.enqueue_dma source(%arg16 : memref<128xf32, #tpu.memory_space<vmem>>) target(%dma_start3A_263 : memref<128xf32, #tpu.memory_space<vmem_shared>>) target_semaphore(%run_scoped3A : memref<!tpu.dma_semaphore, #tpu.memory_space<semaphore_mem>>)
      %dma_wait3A_264 = tpu.memref_slice %arg30[%add3A_189] : memref<50176xf32, #tpu.memory_space<vmem_shared>> -> memref<128xf32, #tpu.memory_space<vmem_shared>>
      %dma_wait3A_265 = tpu.memref_slice %arg30[%add3A_189] : memref<50176xf32, #tpu.memory_space<vmem_shared>> -> memref<128xf32, #tpu.memory_space<vmem_shared>>
      tpu.wait_dma2 semaphore(%run_scoped3A : memref<!tpu.dma_semaphore, #tpu.memory_space<semaphore_mem>>) src(%arg16 : memref<128xf32, #tpu.memory_space<vmem>>) dst(%dma_wait3A_265 : memref<128xf32, #tpu.memory_space<vmem_shared>>)
      tpu.yield
    }) : () -> ()
    %add3A_190 = arith.constant 2816 : i32
    %add3A_191 = arith.addi %mul3A_14, %add3A_190 : i32
    "tpu.region"() ({
      %run_scoped3A = tpu.sem_alloc : memref<!tpu.dma_semaphore, #tpu.memory_space<semaphore_mem>>
      %dma_start3A_262 = arith.constant 0 : i32
      %dma_start3A_263 = tpu.memref_slice %arg27[%add3A_191, %dma_start3A_262] : memref<50176x32xf32, #tpu.memory_space<vmem_shared>> -> memref<128x32xf32, #tpu.memory_space<vmem_shared>>
      %dma_start3A_264 = arith.constant 0 : i32
      %dma_start3A_265 = tpu.memref_slice %arg27[%add3A_191, %dma_start3A_264] : memref<50176x32xf32, #tpu.memory_space<vmem_shared>> -> memref<128x32xf32, #tpu.memory_space<vmem_shared>>
      tpu.enqueue_dma source(%arg12 : memref<128x32xf32, #tpu.memory_space<vmem>>) target(%dma_start3A_265 : memref<128x32xf32, #tpu.memory_space<vmem_shared>>) target_semaphore(%run_scoped3A : memref<!tpu.dma_semaphore, #tpu.memory_space<semaphore_mem>>)
      %dma_wait3A_266 = arith.constant 0 : i32
      %dma_wait3A_267 = tpu.memref_slice %arg27[%add3A_191, %dma_wait3A_266] : memref<50176x32xf32, #tpu.memory_space<vmem_shared>> -> memref<128x32xf32, #tpu.memory_space<vmem_shared>>
      %dma_wait3A_268 = arith.constant 0 : i32
      %dma_wait3A_269 = tpu.memref_slice %arg27[%add3A_191, %dma_wait3A_268] : memref<50176x32xf32, #tpu.memory_space<vmem_shared>> -> memref<128x32xf32, #tpu.memory_space<vmem_shared>>
      tpu.wait_dma2 semaphore(%run_scoped3A : memref<!tpu.dma_semaphore, #tpu.memory_space<semaphore_mem>>) src(%arg12 : memref<128x32xf32, #tpu.memory_space<vmem>>) dst(%dma_wait3A_269 : memref<128x32xf32, #tpu.memory_space<vmem_shared>>)
      tpu.yield
    }) : () -> ()
    %add3A_192 = arith.constant 2816 : i32
    %add3A_193 = arith.addi %mul3A_14, %add3A_192 : i32
    "tpu.region"() ({
      %run_scoped3A = tpu.sem_alloc : memref<!tpu.dma_semaphore, #tpu.memory_space<semaphore_mem>>
      %dma_start3A_262 = tpu.memref_slice %arg28[%add3A_193] : memref<50176xf32, #tpu.memory_space<vmem_shared>> -> memref<128xf32, #tpu.memory_space<vmem_shared>>
      %dma_start3A_263 = tpu.memref_slice %arg28[%add3A_193] : memref<50176xf32, #tpu.memory_space<vmem_shared>> -> memref<128xf32, #tpu.memory_space<vmem_shared>>
      tpu.enqueue_dma source(%arg16 : memref<128xf32, #tpu.memory_space<vmem>>) target(%dma_start3A_263 : memref<128xf32, #tpu.memory_space<vmem_shared>>) target_semaphore(%run_scoped3A : memref<!tpu.dma_semaphore, #tpu.memory_space<semaphore_mem>>)
      %dma_wait3A_264 = tpu.memref_slice %arg28[%add3A_193] : memref<50176xf32, #tpu.memory_space<vmem_shared>> -> memref<128xf32, #tpu.memory_space<vmem_shared>>
      %dma_wait3A_265 = tpu.memref_slice %arg28[%add3A_193] : memref<50176xf32, #tpu.memory_space<vmem_shared>> -> memref<128xf32, #tpu.memory_space<vmem_shared>>
      tpu.wait_dma2 semaphore(%run_scoped3A : memref<!tpu.dma_semaphore, #tpu.memory_space<semaphore_mem>>) src(%arg16 : memref<128xf32, #tpu.memory_space<vmem>>) dst(%dma_wait3A_265 : memref<128xf32, #tpu.memory_space<vmem_shared>>)
      tpu.yield
    }) : () -> ()
    %add3A_194 = arith.constant 2816 : i32
    %add3A_195 = arith.addi %mul3A_14, %add3A_194 : i32
    "tpu.region"() ({
      %run_scoped3A = tpu.sem_alloc : memref<!tpu.dma_semaphore, #tpu.memory_space<semaphore_mem>>
      %dma_start3A_262 = tpu.memref_slice %arg29[%add3A_195] : memref<50176xf32, #tpu.memory_space<vmem_shared>> -> memref<128xf32, #tpu.memory_space<vmem_shared>>
      %dma_start3A_263 = tpu.memref_slice %arg29[%add3A_195] : memref<50176xf32, #tpu.memory_space<vmem_shared>> -> memref<128xf32, #tpu.memory_space<vmem_shared>>
      tpu.enqueue_dma source(%arg16 : memref<128xf32, #tpu.memory_space<vmem>>) target(%dma_start3A_263 : memref<128xf32, #tpu.memory_space<vmem_shared>>) target_semaphore(%run_scoped3A : memref<!tpu.dma_semaphore, #tpu.memory_space<semaphore_mem>>)
      %dma_wait3A_264 = tpu.memref_slice %arg29[%add3A_195] : memref<50176xf32, #tpu.memory_space<vmem_shared>> -> memref<128xf32, #tpu.memory_space<vmem_shared>>
      %dma_wait3A_265 = tpu.memref_slice %arg29[%add3A_195] : memref<50176xf32, #tpu.memory_space<vmem_shared>> -> memref<128xf32, #tpu.memory_space<vmem_shared>>
      tpu.wait_dma2 semaphore(%run_scoped3A : memref<!tpu.dma_semaphore, #tpu.memory_space<semaphore_mem>>) src(%arg16 : memref<128xf32, #tpu.memory_space<vmem>>) dst(%dma_wait3A_265 : memref<128xf32, #tpu.memory_space<vmem_shared>>)
      tpu.yield
    }) : () -> ()
    %add3A_196 = arith.constant 2816 : i32
    %add3A_197 = arith.addi %mul3A_14, %add3A_196 : i32
    "tpu.region"() ({
      %run_scoped3A = tpu.sem_alloc : memref<!tpu.dma_semaphore, #tpu.memory_space<semaphore_mem>>
      %dma_start3A_262 = tpu.memref_slice %arg30[%add3A_197] : memref<50176xf32, #tpu.memory_space<vmem_shared>> -> memref<128xf32, #tpu.memory_space<vmem_shared>>
      %dma_start3A_263 = tpu.memref_slice %arg30[%add3A_197] : memref<50176xf32, #tpu.memory_space<vmem_shared>> -> memref<128xf32, #tpu.memory_space<vmem_shared>>
      tpu.enqueue_dma source(%arg16 : memref<128xf32, #tpu.memory_space<vmem>>) target(%dma_start3A_263 : memref<128xf32, #tpu.memory_space<vmem_shared>>) target_semaphore(%run_scoped3A : memref<!tpu.dma_semaphore, #tpu.memory_space<semaphore_mem>>)
      %dma_wait3A_264 = tpu.memref_slice %arg30[%add3A_197] : memref<50176xf32, #tpu.memory_space<vmem_shared>> -> memref<128xf32, #tpu.memory_space<vmem_shared>>
      %dma_wait3A_265 = tpu.memref_slice %arg30[%add3A_197] : memref<50176xf32, #tpu.memory_space<vmem_shared>> -> memref<128xf32, #tpu.memory_space<vmem_shared>>
      tpu.wait_dma2 semaphore(%run_scoped3A : memref<!tpu.dma_semaphore, #tpu.memory_space<semaphore_mem>>) src(%arg16 : memref<128xf32, #tpu.memory_space<vmem>>) dst(%dma_wait3A_265 : memref<128xf32, #tpu.memory_space<vmem_shared>>)
      tpu.yield
    }) : () -> ()
    %add3A_198 = arith.constant 2944 : i32
    %add3A_199 = arith.addi %mul3A_14, %add3A_198 : i32
    "tpu.region"() ({
      %run_scoped3A = tpu.sem_alloc : memref<!tpu.dma_semaphore, #tpu.memory_space<semaphore_mem>>
      %dma_start3A_262 = arith.constant 0 : i32
      %dma_start3A_263 = tpu.memref_slice %arg27[%add3A_199, %dma_start3A_262] : memref<50176x32xf32, #tpu.memory_space<vmem_shared>> -> memref<128x32xf32, #tpu.memory_space<vmem_shared>>
      %dma_start3A_264 = arith.constant 0 : i32
      %dma_start3A_265 = tpu.memref_slice %arg27[%add3A_199, %dma_start3A_264] : memref<50176x32xf32, #tpu.memory_space<vmem_shared>> -> memref<128x32xf32, #tpu.memory_space<vmem_shared>>
      tpu.enqueue_dma source(%arg12 : memref<128x32xf32, #tpu.memory_space<vmem>>) target(%dma_start3A_265 : memref<128x32xf32, #tpu.memory_space<vmem_shared>>) target_semaphore(%run_scoped3A : memref<!tpu.dma_semaphore, #tpu.memory_space<semaphore_mem>>)
      %dma_wait3A_266 = arith.constant 0 : i32
      %dma_wait3A_267 = tpu.memref_slice %arg27[%add3A_199, %dma_wait3A_266] : memref<50176x32xf32, #tpu.memory_space<vmem_shared>> -> memref<128x32xf32, #tpu.memory_space<vmem_shared>>
      %dma_wait3A_268 = arith.constant 0 : i32
      %dma_wait3A_269 = tpu.memref_slice %arg27[%add3A_199, %dma_wait3A_268] : memref<50176x32xf32, #tpu.memory_space<vmem_shared>> -> memref<128x32xf32, #tpu.memory_space<vmem_shared>>
      tpu.wait_dma2 semaphore(%run_scoped3A : memref<!tpu.dma_semaphore, #tpu.memory_space<semaphore_mem>>) src(%arg12 : memref<128x32xf32, #tpu.memory_space<vmem>>) dst(%dma_wait3A_269 : memref<128x32xf32, #tpu.memory_space<vmem_shared>>)
      tpu.yield
    }) : () -> ()
    %add3A_200 = arith.constant 2944 : i32
    %add3A_201 = arith.addi %mul3A_14, %add3A_200 : i32
    "tpu.region"() ({
      %run_scoped3A = tpu.sem_alloc : memref<!tpu.dma_semaphore, #tpu.memory_space<semaphore_mem>>
      %dma_start3A_262 = tpu.memref_slice %arg28[%add3A_201] : memref<50176xf32, #tpu.memory_space<vmem_shared>> -> memref<128xf32, #tpu.memory_space<vmem_shared>>
      %dma_start3A_263 = tpu.memref_slice %arg28[%add3A_201] : memref<50176xf32, #tpu.memory_space<vmem_shared>> -> memref<128xf32, #tpu.memory_space<vmem_shared>>
      tpu.enqueue_dma source(%arg16 : memref<128xf32, #tpu.memory_space<vmem>>) target(%dma_start3A_263 : memref<128xf32, #tpu.memory_space<vmem_shared>>) target_semaphore(%run_scoped3A : memref<!tpu.dma_semaphore, #tpu.memory_space<semaphore_mem>>)
      %dma_wait3A_264 = tpu.memref_slice %arg28[%add3A_201] : memref<50176xf32, #tpu.memory_space<vmem_shared>> -> memref<128xf32, #tpu.memory_space<vmem_shared>>
      %dma_wait3A_265 = tpu.memref_slice %arg28[%add3A_201] : memref<50176xf32, #tpu.memory_space<vmem_shared>> -> memref<128xf32, #tpu.memory_space<vmem_shared>>
      tpu.wait_dma2 semaphore(%run_scoped3A : memref<!tpu.dma_semaphore, #tpu.memory_space<semaphore_mem>>) src(%arg16 : memref<128xf32, #tpu.memory_space<vmem>>) dst(%dma_wait3A_265 : memref<128xf32, #tpu.memory_space<vmem_shared>>)
      tpu.yield
    }) : () -> ()
    %add3A_202 = arith.constant 2944 : i32
    %add3A_203 = arith.addi %mul3A_14, %add3A_202 : i32
    "tpu.region"() ({
      %run_scoped3A = tpu.sem_alloc : memref<!tpu.dma_semaphore, #tpu.memory_space<semaphore_mem>>
      %dma_start3A_262 = tpu.memref_slice %arg29[%add3A_203] : memref<50176xf32, #tpu.memory_space<vmem_shared>> -> memref<128xf32, #tpu.memory_space<vmem_shared>>
      %dma_start3A_263 = tpu.memref_slice %arg29[%add3A_203] : memref<50176xf32, #tpu.memory_space<vmem_shared>> -> memref<128xf32, #tpu.memory_space<vmem_shared>>
      tpu.enqueue_dma source(%arg16 : memref<128xf32, #tpu.memory_space<vmem>>) target(%dma_start3A_263 : memref<128xf32, #tpu.memory_space<vmem_shared>>) target_semaphore(%run_scoped3A : memref<!tpu.dma_semaphore, #tpu.memory_space<semaphore_mem>>)
      %dma_wait3A_264 = tpu.memref_slice %arg29[%add3A_203] : memref<50176xf32, #tpu.memory_space<vmem_shared>> -> memref<128xf32, #tpu.memory_space<vmem_shared>>
      %dma_wait3A_265 = tpu.memref_slice %arg29[%add3A_203] : memref<50176xf32, #tpu.memory_space<vmem_shared>> -> memref<128xf32, #tpu.memory_space<vmem_shared>>
      tpu.wait_dma2 semaphore(%run_scoped3A : memref<!tpu.dma_semaphore, #tpu.memory_space<semaphore_mem>>) src(%arg16 : memref<128xf32, #tpu.memory_space<vmem>>) dst(%dma_wait3A_265 : memref<128xf32, #tpu.memory_space<vmem_shared>>)
      tpu.yield
    }) : () -> ()
    %add3A_204 = arith.constant 2944 : i32
    %add3A_205 = arith.addi %mul3A_14, %add3A_204 : i32
    "tpu.region"() ({
      %run_scoped3A = tpu.sem_alloc : memref<!tpu.dma_semaphore, #tpu.memory_space<semaphore_mem>>
      %dma_start3A_262 = tpu.memref_slice %arg30[%add3A_205] : memref<50176xf32, #tpu.memory_space<vmem_shared>> -> memref<128xf32, #tpu.memory_space<vmem_shared>>
      %dma_start3A_263 = tpu.memref_slice %arg30[%add3A_205] : memref<50176xf32, #tpu.memory_space<vmem_shared>> -> memref<128xf32, #tpu.memory_space<vmem_shared>>
      tpu.enqueue_dma source(%arg16 : memref<128xf32, #tpu.memory_space<vmem>>) target(%dma_start3A_263 : memref<128xf32, #tpu.memory_space<vmem_shared>>) target_semaphore(%run_scoped3A : memref<!tpu.dma_semaphore, #tpu.memory_space<semaphore_mem>>)
      %dma_wait3A_264 = tpu.memref_slice %arg30[%add3A_205] : memref<50176xf32, #tpu.memory_space<vmem_shared>> -> memref<128xf32, #tpu.memory_space<vmem_shared>>
      %dma_wait3A_265 = tpu.memref_slice %arg30[%add3A_205] : memref<50176xf32, #tpu.memory_space<vmem_shared>> -> memref<128xf32, #tpu.memory_space<vmem_shared>>
      tpu.wait_dma2 semaphore(%run_scoped3A : memref<!tpu.dma_semaphore, #tpu.memory_space<semaphore_mem>>) src(%arg16 : memref<128xf32, #tpu.memory_space<vmem>>) dst(%dma_wait3A_265 : memref<128xf32, #tpu.memory_space<vmem_shared>>)
      tpu.yield
    }) : () -> ()
    %add3A_206 = arith.constant 3072 : i32
    %add3A_207 = arith.addi %mul3A_14, %add3A_206 : i32
    "tpu.region"() ({
      %run_scoped3A = tpu.sem_alloc : memref<!tpu.dma_semaphore, #tpu.memory_space<semaphore_mem>>
      %dma_start3A_262 = arith.constant 0 : i32
      %dma_start3A_263 = arith.constant 0 : i32
      %dma_start3A_264 = tpu.memref_slice %arg12[%dma_start3A_262, %dma_start3A_263] : memref<128x32xf32, #tpu.memory_space<vmem>> -> memref<64x32xf32, #tpu.memory_space<vmem>>
      %dma_start3A_265 = arith.constant 0 : i32
      %dma_start3A_266 = tpu.memref_slice %arg27[%add3A_207, %dma_start3A_265] : memref<50176x32xf32, #tpu.memory_space<vmem_shared>> -> memref<64x32xf32, #tpu.memory_space<vmem_shared>>
      %dma_start3A_267 = arith.constant 0 : i32
      %dma_start3A_268 = tpu.memref_slice %arg27[%add3A_207, %dma_start3A_267] : memref<50176x32xf32, #tpu.memory_space<vmem_shared>> -> memref<64x32xf32, #tpu.memory_space<vmem_shared>>
      %dma_start3A_269 = arith.constant 0 : i32
      %dma_start3A_270 = arith.constant 0 : i32
      %dma_start3A_271 = tpu.memref_slice %arg12[%dma_start3A_269, %dma_start3A_270] : memref<128x32xf32, #tpu.memory_space<vmem>> -> memref<64x32xf32, #tpu.memory_space<vmem>>
      tpu.enqueue_dma source(%dma_start3A_271 : memref<64x32xf32, #tpu.memory_space<vmem>>) target(%dma_start3A_268 : memref<64x32xf32, #tpu.memory_space<vmem_shared>>) target_semaphore(%run_scoped3A : memref<!tpu.dma_semaphore, #tpu.memory_space<semaphore_mem>>)
      %dma_wait3A_272 = arith.constant 0 : i32
      %dma_wait3A_273 = arith.constant 0 : i32
      %dma_wait3A_274 = tpu.memref_slice %arg12[%dma_wait3A_272, %dma_wait3A_273] : memref<128x32xf32, #tpu.memory_space<vmem>> -> memref<64x32xf32, #tpu.memory_space<vmem>>
      %dma_wait3A_275 = arith.constant 0 : i32
      %dma_wait3A_276 = tpu.memref_slice %arg27[%add3A_207, %dma_wait3A_275] : memref<50176x32xf32, #tpu.memory_space<vmem_shared>> -> memref<64x32xf32, #tpu.memory_space<vmem_shared>>
      %dma_wait3A_277 = arith.constant 0 : i32
      %dma_wait3A_278 = tpu.memref_slice %arg27[%add3A_207, %dma_wait3A_277] : memref<50176x32xf32, #tpu.memory_space<vmem_shared>> -> memref<64x32xf32, #tpu.memory_space<vmem_shared>>
      %dma_wait3A_279 = arith.constant 0 : i32
      %dma_wait3A_280 = arith.constant 0 : i32
      %dma_wait3A_281 = tpu.memref_slice %arg12[%dma_wait3A_279, %dma_wait3A_280] : memref<128x32xf32, #tpu.memory_space<vmem>> -> memref<64x32xf32, #tpu.memory_space<vmem>>
      tpu.wait_dma2 semaphore(%run_scoped3A : memref<!tpu.dma_semaphore, #tpu.memory_space<semaphore_mem>>) src(%dma_wait3A_281 : memref<64x32xf32, #tpu.memory_space<vmem>>) dst(%dma_wait3A_278 : memref<64x32xf32, #tpu.memory_space<vmem_shared>>)
      tpu.yield
    }) : () -> ()
    "tpu.region"() ({
      %run_scoped3A = tpu.sem_alloc : memref<!tpu.dma_semaphore, #tpu.memory_space<semaphore_mem>>
      %dma_start3A_262 = arith.constant 0 : i32
      %dma_start3A_263 = tpu.memref_slice %arg16[%dma_start3A_262] : memref<128xf32, #tpu.memory_space<vmem>> -> memref<64xf32, #tpu.memory_space<vmem>>
      %dma_start3A_264 = tpu.memref_slice %arg28[%add3A_207] : memref<50176xf32, #tpu.memory_space<vmem_shared>> -> memref<64xf32, #tpu.memory_space<vmem_shared>>
      %dma_start3A_265 = tpu.memref_slice %arg28[%add3A_207] : memref<50176xf32, #tpu.memory_space<vmem_shared>> -> memref<64xf32, #tpu.memory_space<vmem_shared>>
      %dma_start3A_266 = arith.constant 0 : i32
      %dma_start3A_267 = tpu.memref_slice %arg16[%dma_start3A_266] : memref<128xf32, #tpu.memory_space<vmem>> -> memref<64xf32, #tpu.memory_space<vmem>>
      tpu.enqueue_dma source(%dma_start3A_267 : memref<64xf32, #tpu.memory_space<vmem>>) target(%dma_start3A_265 : memref<64xf32, #tpu.memory_space<vmem_shared>>) target_semaphore(%run_scoped3A : memref<!tpu.dma_semaphore, #tpu.memory_space<semaphore_mem>>)
      %dma_wait3A_268 = arith.constant 0 : i32
      %dma_wait3A_269 = tpu.memref_slice %arg16[%dma_wait3A_268] : memref<128xf32, #tpu.memory_space<vmem>> -> memref<64xf32, #tpu.memory_space<vmem>>
      %dma_wait3A_270 = tpu.memref_slice %arg28[%add3A_207] : memref<50176xf32, #tpu.memory_space<vmem_shared>> -> memref<64xf32, #tpu.memory_space<vmem_shared>>
      %dma_wait3A_271 = tpu.memref_slice %arg28[%add3A_207] : memref<50176xf32, #tpu.memory_space<vmem_shared>> -> memref<64xf32, #tpu.memory_space<vmem_shared>>
      %dma_wait3A_272 = arith.constant 0 : i32
      %dma_wait3A_273 = tpu.memref_slice %arg16[%dma_wait3A_272] : memref<128xf32, #tpu.memory_space<vmem>> -> memref<64xf32, #tpu.memory_space<vmem>>
      tpu.wait_dma2 semaphore(%run_scoped3A : memref<!tpu.dma_semaphore, #tpu.memory_space<semaphore_mem>>) src(%dma_wait3A_273 : memref<64xf32, #tpu.memory_space<vmem>>) dst(%dma_wait3A_271 : memref<64xf32, #tpu.memory_space<vmem_shared>>)
      tpu.yield
    }) : () -> ()
    "tpu.region"() ({
      %run_scoped3A = tpu.sem_alloc : memref<!tpu.dma_semaphore, #tpu.memory_space<semaphore_mem>>
      %dma_start3A_262 = arith.constant 0 : i32
      %dma_start3A_263 = tpu.memref_slice %arg16[%dma_start3A_262] : memref<128xf32, #tpu.memory_space<vmem>> -> memref<64xf32, #tpu.memory_space<vmem>>
      %dma_start3A_264 = tpu.memref_slice %arg29[%add3A_207] : memref<50176xf32, #tpu.memory_space<vmem_shared>> -> memref<64xf32, #tpu.memory_space<vmem_shared>>
      %dma_start3A_265 = tpu.memref_slice %arg29[%add3A_207] : memref<50176xf32, #tpu.memory_space<vmem_shared>> -> memref<64xf32, #tpu.memory_space<vmem_shared>>
      %dma_start3A_266 = arith.constant 0 : i32
      %dma_start3A_267 = tpu.memref_slice %arg16[%dma_start3A_266] : memref<128xf32, #tpu.memory_space<vmem>> -> memref<64xf32, #tpu.memory_space<vmem>>
      tpu.enqueue_dma source(%dma_start3A_267 : memref<64xf32, #tpu.memory_space<vmem>>) target(%dma_start3A_265 : memref<64xf32, #tpu.memory_space<vmem_shared>>) target_semaphore(%run_scoped3A : memref<!tpu.dma_semaphore, #tpu.memory_space<semaphore_mem>>)
      %dma_wait3A_268 = arith.constant 0 : i32
      %dma_wait3A_269 = tpu.memref_slice %arg16[%dma_wait3A_268] : memref<128xf32, #tpu.memory_space<vmem>> -> memref<64xf32, #tpu.memory_space<vmem>>
      %dma_wait3A_270 = tpu.memref_slice %arg29[%add3A_207] : memref<50176xf32, #tpu.memory_space<vmem_shared>> -> memref<64xf32, #tpu.memory_space<vmem_shared>>
      %dma_wait3A_271 = tpu.memref_slice %arg29[%add3A_207] : memref<50176xf32, #tpu.memory_space<vmem_shared>> -> memref<64xf32, #tpu.memory_space<vmem_shared>>
      %dma_wait3A_272 = arith.constant 0 : i32
      %dma_wait3A_273 = tpu.memref_slice %arg16[%dma_wait3A_272] : memref<128xf32, #tpu.memory_space<vmem>> -> memref<64xf32, #tpu.memory_space<vmem>>
      tpu.wait_dma2 semaphore(%run_scoped3A : memref<!tpu.dma_semaphore, #tpu.memory_space<semaphore_mem>>) src(%dma_wait3A_273 : memref<64xf32, #tpu.memory_space<vmem>>) dst(%dma_wait3A_271 : memref<64xf32, #tpu.memory_space<vmem_shared>>)
      tpu.yield
    }) : () -> ()
    "tpu.region"() ({
      %run_scoped3A = tpu.sem_alloc : memref<!tpu.dma_semaphore, #tpu.memory_space<semaphore_mem>>
      %dma_start3A_262 = arith.constant 0 : i32
      %dma_start3A_263 = tpu.memref_slice %arg16[%dma_start3A_262] : memref<128xf32, #tpu.memory_space<vmem>> -> memref<64xf32, #tpu.memory_space<vmem>>
      %dma_start3A_264 = tpu.memref_slice %arg30[%add3A_207] : memref<50176xf32, #tpu.memory_space<vmem_shared>> -> memref<64xf32, #tpu.memory_space<vmem_shared>>
      %dma_start3A_265 = tpu.memref_slice %arg30[%add3A_207] : memref<50176xf32, #tpu.memory_space<vmem_shared>> -> memref<64xf32, #tpu.memory_space<vmem_shared>>
      %dma_start3A_266 = arith.constant 0 : i32
      %dma_start3A_267 = tpu.memref_slice %arg16[%dma_start3A_266] : memref<128xf32, #tpu.memory_space<vmem>> -> memref<64xf32, #tpu.memory_space<vmem>>
      tpu.enqueue_dma source(%dma_start3A_267 : memref<64xf32, #tpu.memory_space<vmem>>) target(%dma_start3A_265 : memref<64xf32, #tpu.memory_space<vmem_shared>>) target_semaphore(%run_scoped3A : memref<!tpu.dma_semaphore, #tpu.memory_space<semaphore_mem>>)
      %dma_wait3A_268 = arith.constant 0 : i32
      %dma_wait3A_269 = tpu.memref_slice %arg16[%dma_wait3A_268] : memref<128xf32, #tpu.memory_space<vmem>> -> memref<64xf32, #tpu.memory_space<vmem>>
      %dma_wait3A_270 = tpu.memref_slice %arg30[%add3A_207] : memref<50176xf32, #tpu.memory_space<vmem_shared>> -> memref<64xf32, #tpu.memory_space<vmem_shared>>
      %dma_wait3A_271 = tpu.memref_slice %arg30[%add3A_207] : memref<50176xf32, #tpu.memory_space<vmem_shared>> -> memref<64xf32, #tpu.memory_space<vmem_shared>>
      %dma_wait3A_272 = arith.constant 0 : i32
      %dma_wait3A_273 = tpu.memref_slice %arg16[%dma_wait3A_272] : memref<128xf32, #tpu.memory_space<vmem>> -> memref<64xf32, #tpu.memory_space<vmem>>
      tpu.wait_dma2 semaphore(%run_scoped3A : memref<!tpu.dma_semaphore, #tpu.memory_space<semaphore_mem>>) src(%dma_wait3A_273 : memref<64xf32, #tpu.memory_space<vmem>>) dst(%dma_wait3A_271 : memref<64xf32, #tpu.memory_space<vmem_shared>>)
      tpu.yield
    }) : () -> ()
    %barrier3A = arith.constant 0 : index
    tpu.barrier barrier_id(%barrier3A)
    %mul3A_208 = arith.constant 16 : i32
    %mul3A_209 = arith.muli %arg0, %mul3A_208 : i32
    %add3A_210 = arith.addi %mul3A_209, %arg1 : i32
    %mul3A_211 = arith.constant 25600 : i32
    %mul3A_212 = arith.muli %add3A_210, %mul3A_211 : i32
    %add3A_213 = arith.constant 0 : i32
    %add3A_214 = arith.addi %mul3A_212, %add3A_213 : i32
    %dma_start3A = tpu.memref_slice %arg2[%add3A_214] : memref<819200xi32, #tpu.memory_space<hbm>> -> memref<128xi32, #tpu.memory_space<hbm>>
    %dma_start3A_215 = tpu.memref_slice %arg2[%add3A_214] : memref<819200xi32, #tpu.memory_space<hbm>> -> memref<128xi32, #tpu.memory_space<hbm>>
    tpu.enqueue_dma source(%dma_start3A_215 : memref<128xi32, #tpu.memory_space<hbm>>) target(%arg13 : memref<128xi32, #tpu.memory_space<vmem>>) target_semaphore(%arg31 : memref<!tpu.dma_semaphore, #tpu.memory_space<semaphore_mem>>)
    %dma_start3A_216 = tpu.memref_slice %arg3[%add3A_214] : memref<819200xi32, #tpu.memory_space<hbm>> -> memref<128xi32, #tpu.memory_space<hbm>>
    %dma_start3A_217 = tpu.memref_slice %arg3[%add3A_214] : memref<819200xi32, #tpu.memory_space<hbm>> -> memref<128xi32, #tpu.memory_space<hbm>>
    tpu.enqueue_dma source(%dma_start3A_217 : memref<128xi32, #tpu.memory_space<hbm>>) target(%arg14 : memref<128xi32, #tpu.memory_space<vmem>>) target_semaphore(%arg31 : memref<!tpu.dma_semaphore, #tpu.memory_space<semaphore_mem>>)
    %dma_start3A_218 = tpu.memref_slice %arg4[%add3A_214] : memref<819200xf32, #tpu.memory_space<hbm>> -> memref<128xf32, #tpu.memory_space<hbm>>
    %dma_start3A_219 = tpu.memref_slice %arg4[%add3A_214] : memref<819200xf32, #tpu.memory_space<hbm>> -> memref<128xf32, #tpu.memory_space<hbm>>
    tpu.enqueue_dma source(%dma_start3A_219 : memref<128xf32, #tpu.memory_space<hbm>>) target(%arg15 : memref<128xf32, #tpu.memory_space<vmem>>) target_semaphore(%arg31 : memref<!tpu.dma_semaphore, #tpu.memory_space<semaphore_mem>>)
    %dma_wait3A = arith.constant 0 : i32
    %dma_wait3A_220 = tpu.memref_slice %arg2[%dma_wait3A] : memref<819200xi32, #tpu.memory_space<hbm>> -> memref<128xi32, #tpu.memory_space<hbm>>
    %dma_wait3A_221 = arith.constant 0 : i32
    %dma_wait3A_222 = tpu.memref_slice %arg2[%dma_wait3A_221] : memref<819200xi32, #tpu.memory_space<hbm>> -> memref<128xi32, #tpu.memory_space<hbm>>
    tpu.wait_dma2 semaphore(%arg31 : memref<!tpu.dma_semaphore, #tpu.memory_space<semaphore_mem>>) src(%dma_wait3A_222 : memref<128xi32, #tpu.memory_space<hbm>>) dst(%arg13 : memref<128xi32, #tpu.memory_space<vmem>>)
    %dma_wait3A_223 = arith.constant 0 : i32
    %dma_wait3A_224 = tpu.memref_slice %arg3[%dma_wait3A_223] : memref<819200xi32, #tpu.memory_space<hbm>> -> memref<128xi32, #tpu.memory_space<hbm>>
    %dma_wait3A_225 = arith.constant 0 : i32
    %dma_wait3A_226 = tpu.memref_slice %arg3[%dma_wait3A_225] : memref<819200xi32, #tpu.memory_space<hbm>> -> memref<128xi32, #tpu.memory_space<hbm>>
    tpu.wait_dma2 semaphore(%arg31 : memref<!tpu.dma_semaphore, #tpu.memory_space<semaphore_mem>>) src(%dma_wait3A_226 : memref<128xi32, #tpu.memory_space<hbm>>) dst(%arg14 : memref<128xi32, #tpu.memory_space<vmem>>)
    %dma_wait3A_227 = arith.constant 0 : i32
    %dma_wait3A_228 = tpu.memref_slice %arg4[%dma_wait3A_227] : memref<819200xf32, #tpu.memory_space<hbm>> -> memref<128xf32, #tpu.memory_space<hbm>>
    %dma_wait3A_229 = arith.constant 0 : i32
    %dma_wait3A_230 = tpu.memref_slice %arg4[%dma_wait3A_229] : memref<819200xf32, #tpu.memory_space<hbm>> -> memref<128xf32, #tpu.memory_space<hbm>>
    tpu.wait_dma2 semaphore(%arg31 : memref<!tpu.dma_semaphore, #tpu.memory_space<semaphore_mem>>) src(%dma_wait3A_230 : memref<128xf32, #tpu.memory_space<hbm>>) dst(%arg15 : memref<128xf32, #tpu.memory_space<vmem>>)
    %dma_start3A_231 = arith.constant 0 : i32
    %dma_start3A_232 = arith.constant 0 : i32
    %dma_start3A_233 = tpu.memref_slice %arg7[%dma_start3A_231, %dma_start3A_232] : memref<50176x32xf32, #tpu.memory_space<hbm>> -> memref<50176x32xf32, #tpu.memory_space<hbm>>
    tpu.enqueue_indirect_dma source(%dma_start3A_233 : memref<50176x32xf32, #tpu.memory_space<hbm>>) target(%arg12 : memref<128x32xf32, #tpu.memory_space<vmem>>) offsets(%arg13 : memref<128xi32, #tpu.memory_space<vmem>>) semaphore(%arg33 : memref<!tpu.dma_semaphore, #tpu.memory_space<semaphore_mem>>)
    %dma_start3A_234 = arith.constant 0 : i32
    %dma_start3A_235 = tpu.memref_slice %arg5[%dma_start3A_234] : memref<50176xf32, #tpu.memory_space<hbm>> -> memref<50176xf32, #tpu.memory_space<hbm>>
    tpu.enqueue_indirect_dma source(%dma_start3A_235 : memref<50176xf32, #tpu.memory_space<hbm>>) target(%arg18 : memref<128xf32, #tpu.memory_space<vmem>>) offsets(%arg13 : memref<128xi32, #tpu.memory_space<vmem>>) semaphore(%arg33 : memref<!tpu.dma_semaphore, #tpu.memory_space<semaphore_mem>>)
    %dma_start3A_236 = arith.constant 0 : i32
    %dma_start3A_237 = tpu.memref_slice %arg6[%dma_start3A_236] : memref<50176xf32, #tpu.memory_space<hbm>> -> memref<50176xf32, #tpu.memory_space<hbm>>
    tpu.enqueue_indirect_dma source(%dma_start3A_237 : memref<50176xf32, #tpu.memory_space<hbm>>) target(%arg19 : memref<128xf32, #tpu.memory_space<vmem>>) offsets(%arg14 : memref<128xi32, #tpu.memory_space<vmem>>) semaphore(%arg33 : memref<!tpu.dma_semaphore, #tpu.memory_space<semaphore_mem>>)
    %scan3A_238 = arith.constant 0 : i32
    %scan3A_239 = arith.constant 0 : i32
    %scan3A_240 = arith.constant 100 : i32
    %scan3A_241 = arith.addi %scan3A_239, %scan3A_240 : i32
    %scan3A_242 = arith.constant 1 : i32
    scf.for %scan3A_262 = %scan3A_239 to %scan3A_241 step %scan3A_242  : i32 {
      %mul3A_263 = arith.constant 2 : i32
      %mul3A_264 = arith.muli %mul3A_263, %scan3A_262 : i32
      %add3A_265 = arith.constant 0 : i32
      %add3A_266 = arith.addi %mul3A_264, %add3A_265 : i32
      %add3A_267 = arith.constant 1 : i32
      %add3A_268 = arith.addi %add3A_266, %add3A_267 : i32
      %rem3A = arith.constant 200 : i32
      %rem3A_269 = arith.remsi %add3A_268, %rem3A : i32
      %mul3A_270 = arith.constant 128 : i32
      %mul3A_271 = arith.muli %rem3A_269, %mul3A_270 : i32
      %add3A_272 = arith.addi %mul3A_212, %mul3A_271 : i32
      %dma_start3A_273 = tpu.memref_slice %arg2[%add3A_272] : memref<819200xi32, #tpu.memory_space<hbm>> -> memref<128xi32, #tpu.memory_space<hbm>>
      %dma_start3A_274 = tpu.memref_slice %arg2[%add3A_272] : memref<819200xi32, #tpu.memory_space<hbm>> -> memref<128xi32, #tpu.memory_space<hbm>>
      tpu.enqueue_dma source(%dma_start3A_274 : memref<128xi32, #tpu.memory_space<hbm>>) target(%arg21 : memref<128xi32, #tpu.memory_space<vmem>>) target_semaphore(%arg32 : memref<!tpu.dma_semaphore, #tpu.memory_space<semaphore_mem>>)
      %dma_start3A_275 = tpu.memref_slice %arg3[%add3A_272] : memref<819200xi32, #tpu.memory_space<hbm>> -> memref<128xi32, #tpu.memory_space<hbm>>
      %dma_start3A_276 = tpu.memref_slice %arg3[%add3A_272] : memref<819200xi32, #tpu.memory_space<hbm>> -> memref<128xi32, #tpu.memory_space<hbm>>
      tpu.enqueue_dma source(%dma_start3A_276 : memref<128xi32, #tpu.memory_space<hbm>>) target(%arg22 : memref<128xi32, #tpu.memory_space<vmem>>) target_semaphore(%arg32 : memref<!tpu.dma_semaphore, #tpu.memory_space<semaphore_mem>>)
      %dma_start3A_277 = tpu.memref_slice %arg4[%add3A_272] : memref<819200xf32, #tpu.memory_space<hbm>> -> memref<128xf32, #tpu.memory_space<hbm>>
      %dma_start3A_278 = tpu.memref_slice %arg4[%add3A_272] : memref<819200xf32, #tpu.memory_space<hbm>> -> memref<128xf32, #tpu.memory_space<hbm>>
      tpu.enqueue_dma source(%dma_start3A_278 : memref<128xf32, #tpu.memory_space<hbm>>) target(%arg23 : memref<128xf32, #tpu.memory_space<vmem>>) target_semaphore(%arg32 : memref<!tpu.dma_semaphore, #tpu.memory_space<semaphore_mem>>)
      %dma_wait3A_279 = arith.constant 0 : i32
      %dma_wait3A_280 = arith.constant 0 : i32
      %dma_wait3A_281 = tpu.memref_slice %arg7[%dma_wait3A_279, %dma_wait3A_280] : memref<50176x32xf32, #tpu.memory_space<hbm>> -> memref<128x32xf32, #tpu.memory_space<hbm>>
      %dma_wait3A_282 = arith.constant 0 : i32
      %dma_wait3A_283 = arith.constant 0 : i32
      %dma_wait3A_284 = tpu.memref_slice %arg7[%dma_wait3A_282, %dma_wait3A_283] : memref<50176x32xf32, #tpu.memory_space<hbm>> -> memref<128x32xf32, #tpu.memory_space<hbm>>
      tpu.wait_dma2 semaphore(%arg33 : memref<!tpu.dma_semaphore, #tpu.memory_space<semaphore_mem>>) src(%dma_wait3A_284 : memref<128x32xf32, #tpu.memory_space<hbm>>) dst(%arg12 : memref<128x32xf32, #tpu.memory_space<vmem>>)
      %dma_wait3A_285 = arith.constant 0 : i32
      %dma_wait3A_286 = tpu.memref_slice %arg5[%dma_wait3A_285] : memref<50176xf32, #tpu.memory_space<hbm>> -> memref<128xf32, #tpu.memory_space<hbm>>
      %dma_wait3A_287 = arith.constant 0 : i32
      %dma_wait3A_288 = tpu.memref_slice %arg5[%dma_wait3A_287] : memref<50176xf32, #tpu.memory_space<hbm>> -> memref<128xf32, #tpu.memory_space<hbm>>
      tpu.wait_dma2 semaphore(%arg33 : memref<!tpu.dma_semaphore, #tpu.memory_space<semaphore_mem>>) src(%dma_wait3A_288 : memref<128xf32, #tpu.memory_space<hbm>>) dst(%arg18 : memref<128xf32, #tpu.memory_space<vmem>>)
      %dma_wait3A_289 = arith.constant 0 : i32
      %dma_wait3A_290 = tpu.memref_slice %arg6[%dma_wait3A_289] : memref<50176xf32, #tpu.memory_space<hbm>> -> memref<128xf32, #tpu.memory_space<hbm>>
      %dma_wait3A_291 = arith.constant 0 : i32
      %dma_wait3A_292 = tpu.memref_slice %arg6[%dma_wait3A_291] : memref<50176xf32, #tpu.memory_space<hbm>> -> memref<128xf32, #tpu.memory_space<hbm>>
      tpu.wait_dma2 semaphore(%arg33 : memref<!tpu.dma_semaphore, #tpu.memory_space<semaphore_mem>>) src(%dma_wait3A_292 : memref<128xf32, #tpu.memory_space<hbm>>) dst(%arg19 : memref<128xf32, #tpu.memory_space<vmem>>)
      %scan3A_293 = arith.constant 0 : i32
      %scan3A_294 = arith.constant 0 : i32
      %mul3A_295 = arith.constant 16 : i32
      %mul3A_296 = arith.muli %scan3A_294, %mul3A_295 : i32
      %get3A = arith.index_cast %mul3A_296 : i32 to index
      %get3A_297 = tpu.vector_load %arg18[%get3A] {strides = array<i32>} : memref<128xf32, #tpu.memory_space<vmem>>, vector<16xf32>,
      %get3A_298 = arith.index_cast %mul3A_296 : i32 to index
      %get3A_299 = tpu.vector_load %arg19[%get3A_298] {strides = array<i32>} : memref<128xf32, #tpu.memory_space<vmem>>, vector<16xf32>,
      %add3A_300 = arith.addf %get3A_297, %get3A_299 : vector<16xf32>
      %get3A_301 = arith.index_cast %mul3A_296 : i32 to index
      %get3A_302 = tpu.vector_load %arg15[%get3A_301] {strides = array<i32>} : memref<128xf32, #tpu.memory_space<vmem>>, vector<16xf32>,
      %add3A_303 = arith.addf %add3A_300, %get3A_302 : vector<16xf32>
      %ge3A = arith.constant 0.000000e+00 : f32
      %ge3A_304 = vector.broadcast %ge3A : f32 to vector<16xf32>
      %ge3A_305 = arith.cmpf oge, %add3A_303, %ge3A_304 : vector<16xf32>
      %mul3A_306 = arith.constant 2.000000e-01 : f32
      %mul3A_307 = vector.broadcast %mul3A_306 : f32 to vector<16xf32>
      %mul3A_308 = arith.mulf %mul3A_307, %add3A_303 : vector<16xf32>
      %select_n3A = arith.select %ge3A_305, %add3A_303, %mul3A_308 : vector<16xi1>, vector<16xf32>
      %exp3A = math.exp %select_n3A : vector<16xf32>
      %swap3A = arith.index_cast %mul3A_296 : i32 to index
      %swap3A_309 = tpu.vector_load %arg16[%swap3A] {strides = array<i32>} : memref<128xf32, #tpu.memory_space<vmem>>, vector<16xf32>,
      tpu.vector_store %arg16[%swap3A], %exp3A {strides = array<i32>} : memref<128xf32, #tpu.memory_space<vmem>>, vector<16xf32>,
      %scan3A_310 = arith.constant 1 : i32
      %mul3A_311 = arith.constant 16 : i32
      %mul3A_312 = arith.muli %scan3A_310, %mul3A_311 : i32
      %get3A_313 = arith.index_cast %mul3A_312 : i32 to index
      %get3A_314 = tpu.vector_load %arg18[%get3A_313] {strides = array<i32>} : memref<128xf32, #tpu.memory_space<vmem>>, vector<16xf32>,
      %get3A_315 = arith.index_cast %mul3A_312 : i32 to index
      %get3A_316 = tpu.vector_load %arg19[%get3A_315] {strides = array<i32>} : memref<128xf32, #tpu.memory_space<vmem>>, vector<16xf32>,
      %add3A_317 = arith.addf %get3A_314, %get3A_316 : vector<16xf32>
      %get3A_318 = arith.index_cast %mul3A_312 : i32 to index
      %get3A_319 = tpu.vector_load %arg15[%get3A_318] {strides = array<i32>} : memref<128xf32, #tpu.memory_space<vmem>>, vector<16xf32>,
      %add3A_320 = arith.addf %add3A_317, %get3A_319 : vector<16xf32>
      %ge3A_321 = arith.constant 0.000000e+00 : f32
      %ge3A_322 = vector.broadcast %ge3A_321 : f32 to vector<16xf32>
      %ge3A_323 = arith.cmpf oge, %add3A_320, %ge3A_322 : vector<16xf32>
      %mul3A_324 = arith.constant 2.000000e-01 : f32
      %mul3A_325 = vector.broadcast %mul3A_324 : f32 to vector<16xf32>
      %mul3A_326 = arith.mulf %mul3A_325, %add3A_320 : vector<16xf32>
      %select_n3A_327 = arith.select %ge3A_323, %add3A_320, %mul3A_326 : vector<16xi1>, vector<16xf32>
      %exp3A_328 = math.exp %select_n3A_327 : vector<16xf32>
      %swap3A_329 = arith.index_cast %mul3A_312 : i32 to index
      %swap3A_330 = tpu.vector_load %arg16[%swap3A_329] {strides = array<i32>} : memref<128xf32, #tpu.memory_space<vmem>>, vector<16xf32>,
      tpu.vector_store %arg16[%swap3A_329], %exp3A_328 {strides = array<i32>} : memref<128xf32, #tpu.memory_space<vmem>>, vector<16xf32>,
      %scan3A_331 = arith.constant 2 : i32
      %mul3A_332 = arith.constant 16 : i32
      %mul3A_333 = arith.muli %scan3A_331, %mul3A_332 : i32
      %get3A_334 = arith.index_cast %mul3A_333 : i32 to index
      %get3A_335 = tpu.vector_load %arg18[%get3A_334] {strides = array<i32>} : memref<128xf32, #tpu.memory_space<vmem>>, vector<16xf32>,
      %get3A_336 = arith.index_cast %mul3A_333 : i32 to index
      %get3A_337 = tpu.vector_load %arg19[%get3A_336] {strides = array<i32>} : memref<128xf32, #tpu.memory_space<vmem>>, vector<16xf32>,
      %add3A_338 = arith.addf %get3A_335, %get3A_337 : vector<16xf32>
      %get3A_339 = arith.index_cast %mul3A_333 : i32 to index
      %get3A_340 = tpu.vector_load %arg15[%get3A_339] {strides = array<i32>} : memref<128xf32, #tpu.memory_space<vmem>>, vector<16xf32>,
      %add3A_341 = arith.addf %add3A_338, %get3A_340 : vector<16xf32>
      %ge3A_342 = arith.constant 0.000000e+00 : f32
      %ge3A_343 = vector.broadcast %ge3A_342 : f32 to vector<16xf32>
      %ge3A_344 = arith.cmpf oge, %add3A_341, %ge3A_343 : vector<16xf32>
      %mul3A_345 = arith.constant 2.000000e-01 : f32
      %mul3A_346 = vector.broadcast %mul3A_345 : f32 to vector<16xf32>
      %mul3A_347 = arith.mulf %mul3A_346, %add3A_341 : vector<16xf32>
      %select_n3A_348 = arith.select %ge3A_344, %add3A_341, %mul3A_347 : vector<16xi1>, vector<16xf32>
      %exp3A_349 = math.exp %select_n3A_348 : vector<16xf32>
      %swap3A_350 = arith.index_cast %mul3A_333 : i32 to index
      %swap3A_351 = tpu.vector_load %arg16[%swap3A_350] {strides = array<i32>} : memref<128xf32, #tpu.memory_space<vmem>>, vector<16xf32>,
      tpu.vector_store %arg16[%swap3A_350], %exp3A_349 {strides = array<i32>} : memref<128xf32, #tpu.memory_space<vmem>>, vector<16xf32>,
      %scan3A_352 = arith.constant 3 : i32
      %mul3A_353 = arith.constant 16 : i32
      %mul3A_354 = arith.muli %scan3A_352, %mul3A_353 : i32
      %get3A_355 = arith.index_cast %mul3A_354 : i32 to index
      %get3A_356 = tpu.vector_load %arg18[%get3A_355] {strides = array<i32>} : memref<128xf32, #tpu.memory_space<vmem>>, vector<16xf32>,
      %get3A_357 = arith.index_cast %mul3A_354 : i32 to index
      %get3A_358 = tpu.vector_load %arg19[%get3A_357] {strides = array<i32>} : memref<128xf32, #tpu.memory_space<vmem>>, vector<16xf32>,
      %add3A_359 = arith.addf %get3A_356, %get3A_358 : vector<16xf32>
      %get3A_360 = arith.index_cast %mul3A_354 : i32 to index
      %get3A_361 = tpu.vector_load %arg15[%get3A_360] {strides = array<i32>} : memref<128xf32, #tpu.memory_space<vmem>>, vector<16xf32>,
      %add3A_362 = arith.addf %add3A_359, %get3A_361 : vector<16xf32>
      %ge3A_363 = arith.constant 0.000000e+00 : f32
      %ge3A_364 = vector.broadcast %ge3A_363 : f32 to vector<16xf32>
      %ge3A_365 = arith.cmpf oge, %add3A_362, %ge3A_364 : vector<16xf32>
      %mul3A_366 = arith.constant 2.000000e-01 : f32
      %mul3A_367 = vector.broadcast %mul3A_366 : f32 to vector<16xf32>
      %mul3A_368 = arith.mulf %mul3A_367, %add3A_362 : vector<16xf32>
      %select_n3A_369 = arith.select %ge3A_365, %add3A_362, %mul3A_368 : vector<16xi1>, vector<16xf32>
      %exp3A_370 = math.exp %select_n3A_369 : vector<16xf32>
      %swap3A_371 = arith.index_cast %mul3A_354 : i32 to index
      %swap3A_372 = tpu.vector_load %arg16[%swap3A_371] {strides = array<i32>} : memref<128xf32, #tpu.memory_space<vmem>>, vector<16xf32>,
      tpu.vector_store %arg16[%swap3A_371], %exp3A_370 {strides = array<i32>} : memref<128xf32, #tpu.memory_space<vmem>>, vector<16xf32>,
      %scan3A_373 = arith.constant 4 : i32
      %mul3A_374 = arith.constant 16 : i32
      %mul3A_375 = arith.muli %scan3A_373, %mul3A_374 : i32
      %get3A_376 = arith.index_cast %mul3A_375 : i32 to index
      %get3A_377 = tpu.vector_load %arg18[%get3A_376] {strides = array<i32>} : memref<128xf32, #tpu.memory_space<vmem>>, vector<16xf32>,
      %get3A_378 = arith.index_cast %mul3A_375 : i32 to index
      %get3A_379 = tpu.vector_load %arg19[%get3A_378] {strides = array<i32>} : memref<128xf32, #tpu.memory_space<vmem>>, vector<16xf32>,
      %add3A_380 = arith.addf %get3A_377, %get3A_379 : vector<16xf32>
      %get3A_381 = arith.index_cast %mul3A_375 : i32 to index
      %get3A_382 = tpu.vector_load %arg15[%get3A_381] {strides = array<i32>} : memref<128xf32, #tpu.memory_space<vmem>>, vector<16xf32>,
      %add3A_383 = arith.addf %add3A_380, %get3A_382 : vector<16xf32>
      %ge3A_384 = arith.constant 0.000000e+00 : f32
      %ge3A_385 = vector.broadcast %ge3A_384 : f32 to vector<16xf32>
      %ge3A_386 = arith.cmpf oge, %add3A_383, %ge3A_385 : vector<16xf32>
      %mul3A_387 = arith.constant 2.000000e-01 : f32
      %mul3A_388 = vector.broadcast %mul3A_387 : f32 to vector<16xf32>
      %mul3A_389 = arith.mulf %mul3A_388, %add3A_383 : vector<16xf32>
      %select_n3A_390 = arith.select %ge3A_386, %add3A_383, %mul3A_389 : vector<16xi1>, vector<16xf32>
      %exp3A_391 = math.exp %select_n3A_390 : vector<16xf32>
      %swap3A_392 = arith.index_cast %mul3A_375 : i32 to index
      %swap3A_393 = tpu.vector_load %arg16[%swap3A_392] {strides = array<i32>} : memref<128xf32, #tpu.memory_space<vmem>>, vector<16xf32>,
      tpu.vector_store %arg16[%swap3A_392], %exp3A_391 {strides = array<i32>} : memref<128xf32, #tpu.memory_space<vmem>>, vector<16xf32>,
      %scan3A_394 = arith.constant 5 : i32
      %mul3A_395 = arith.constant 16 : i32
      %mul3A_396 = arith.muli %scan3A_394, %mul3A_395 : i32
      %get3A_397 = arith.index_cast %mul3A_396 : i32 to index
      %get3A_398 = tpu.vector_load %arg18[%get3A_397] {strides = array<i32>} : memref<128xf32, #tpu.memory_space<vmem>>, vector<16xf32>,
      %get3A_399 = arith.index_cast %mul3A_396 : i32 to index
      %get3A_400 = tpu.vector_load %arg19[%get3A_399] {strides = array<i32>} : memref<128xf32, #tpu.memory_space<vmem>>, vector<16xf32>,
      %add3A_401 = arith.addf %get3A_398, %get3A_400 : vector<16xf32>
      %get3A_402 = arith.index_cast %mul3A_396 : i32 to index
      %get3A_403 = tpu.vector_load %arg15[%get3A_402] {strides = array<i32>} : memref<128xf32, #tpu.memory_space<vmem>>, vector<16xf32>,
      %add3A_404 = arith.addf %add3A_401, %get3A_403 : vector<16xf32>
      %ge3A_405 = arith.constant 0.000000e+00 : f32
      %ge3A_406 = vector.broadcast %ge3A_405 : f32 to vector<16xf32>
      %ge3A_407 = arith.cmpf oge, %add3A_404, %ge3A_406 : vector<16xf32>
      %mul3A_408 = arith.constant 2.000000e-01 : f32
      %mul3A_409 = vector.broadcast %mul3A_408 : f32 to vector<16xf32>
      %mul3A_410 = arith.mulf %mul3A_409, %add3A_404 : vector<16xf32>
      %select_n3A_411 = arith.select %ge3A_407, %add3A_404, %mul3A_410 : vector<16xi1>, vector<16xf32>
      %exp3A_412 = math.exp %select_n3A_411 : vector<16xf32>
      %swap3A_413 = arith.index_cast %mul3A_396 : i32 to index
      %swap3A_414 = tpu.vector_load %arg16[%swap3A_413] {strides = array<i32>} : memref<128xf32, #tpu.memory_space<vmem>>, vector<16xf32>,
      tpu.vector_store %arg16[%swap3A_413], %exp3A_412 {strides = array<i32>} : memref<128xf32, #tpu.memory_space<vmem>>, vector<16xf32>,
      %scan3A_415 = arith.constant 6 : i32
      %mul3A_416 = arith.constant 16 : i32
      %mul3A_417 = arith.muli %scan3A_415, %mul3A_416 : i32
      %get3A_418 = arith.index_cast %mul3A_417 : i32 to index
      %get3A_419 = tpu.vector_load %arg18[%get3A_418] {strides = array<i32>} : memref<128xf32, #tpu.memory_space<vmem>>, vector<16xf32>,
      %get3A_420 = arith.index_cast %mul3A_417 : i32 to index
      %get3A_421 = tpu.vector_load %arg19[%get3A_420] {strides = array<i32>} : memref<128xf32, #tpu.memory_space<vmem>>, vector<16xf32>,
      %add3A_422 = arith.addf %get3A_419, %get3A_421 : vector<16xf32>
      %get3A_423 = arith.index_cast %mul3A_417 : i32 to index
      %get3A_424 = tpu.vector_load %arg15[%get3A_423] {strides = array<i32>} : memref<128xf32, #tpu.memory_space<vmem>>, vector<16xf32>,
      %add3A_425 = arith.addf %add3A_422, %get3A_424 : vector<16xf32>
      %ge3A_426 = arith.constant 0.000000e+00 : f32
      %ge3A_427 = vector.broadcast %ge3A_426 : f32 to vector<16xf32>
      %ge3A_428 = arith.cmpf oge, %add3A_425, %ge3A_427 : vector<16xf32>
      %mul3A_429 = arith.constant 2.000000e-01 : f32
      %mul3A_430 = vector.broadcast %mul3A_429 : f32 to vector<16xf32>
      %mul3A_431 = arith.mulf %mul3A_430, %add3A_425 : vector<16xf32>
      %select_n3A_432 = arith.select %ge3A_428, %add3A_425, %mul3A_431 : vector<16xi1>, vector<16xf32>
      %exp3A_433 = math.exp %select_n3A_432 : vector<16xf32>
      %swap3A_434 = arith.index_cast %mul3A_417 : i32 to index
      %swap3A_435 = tpu.vector_load %arg16[%swap3A_434] {strides = array<i32>} : memref<128xf32, #tpu.memory_space<vmem>>, vector<16xf32>,
      tpu.vector_store %arg16[%swap3A_434], %exp3A_433 {strides = array<i32>} : memref<128xf32, #tpu.memory_space<vmem>>, vector<16xf32>,
      %scan3A_436 = arith.constant 7 : i32
      %mul3A_437 = arith.constant 16 : i32
      %mul3A_438 = arith.muli %scan3A_436, %mul3A_437 : i32
      %get3A_439 = arith.index_cast %mul3A_438 : i32 to index
      %get3A_440 = tpu.vector_load %arg18[%get3A_439] {strides = array<i32>} : memref<128xf32, #tpu.memory_space<vmem>>, vector<16xf32>,
      %get3A_441 = arith.index_cast %mul3A_438 : i32 to index
      %get3A_442 = tpu.vector_load %arg19[%get3A_441] {strides = array<i32>} : memref<128xf32, #tpu.memory_space<vmem>>, vector<16xf32>,
      %add3A_443 = arith.addf %get3A_440, %get3A_442 : vector<16xf32>
      %get3A_444 = arith.index_cast %mul3A_438 : i32 to index
      %get3A_445 = tpu.vector_load %arg15[%get3A_444] {strides = array<i32>} : memref<128xf32, #tpu.memory_space<vmem>>, vector<16xf32>,
      %add3A_446 = arith.addf %add3A_443, %get3A_445 : vector<16xf32>
      %ge3A_447 = arith.constant 0.000000e+00 : f32
      %ge3A_448 = vector.broadcast %ge3A_447 : f32 to vector<16xf32>
      %ge3A_449 = arith.cmpf oge, %add3A_446, %ge3A_448 : vector<16xf32>
      %mul3A_450 = arith.constant 2.000000e-01 : f32
      %mul3A_451 = vector.broadcast %mul3A_450 : f32 to vector<16xf32>
      %mul3A_452 = arith.mulf %mul3A_451, %add3A_446 : vector<16xf32>
      %select_n3A_453 = arith.select %ge3A_449, %add3A_446, %mul3A_452 : vector<16xi1>, vector<16xf32>
      %exp3A_454 = math.exp %select_n3A_453 : vector<16xf32>
      %swap3A_455 = arith.index_cast %mul3A_438 : i32 to index
      %swap3A_456 = tpu.vector_load %arg16[%swap3A_455] {strides = array<i32>} : memref<128xf32, #tpu.memory_space<vmem>>, vector<16xf32>,
      tpu.vector_store %arg16[%swap3A_455], %exp3A_454 {strides = array<i32>} : memref<128xf32, #tpu.memory_space<vmem>>, vector<16xf32>,
      %scan3A_457 = arith.constant 8 : i32
      %scan3A_458 = arith.constant 0 : i32
      %scan3A_459 = arith.constant 0 : i32
      %scan3A_460 = arith.constant 128 : i32
      %scan3A_461 = arith.addi %scan3A_459, %scan3A_460 : i32
      %scan3A_462 = arith.constant 8 : i32
      scf.for %scan3A_709 = %scan3A_459 to %scan3A_461 step %scan3A_462  : i32 {
        %broadcast_in_dim3A_710 = vector.broadcast %scan3A_709 : i32 to vector<16xi32>
        %gather3A = tpu.vector_load_idx %arg16[%broadcast_in_dim3A_710] : memref<128xf32, #tpu.memory_space<vmem>>[vector<16xi32>], vector<16xf32>,
        %get3A_711 = arith.index_cast %scan3A_709 : i32 to index
        %get3A_712 = arith.constant 0 : index
        %get3A_713 = tpu.vector_load %arg12[%get3A_711, %get3A_712] {strides = array<i32>} : memref<128x32xf32, #tpu.memory_space<vmem>>, vector<16xf32>,
        %mul3A_714 = arith.mulf %get3A_713, %gather3A : vector<16xf32>
        %swap3A_715 = arith.index_cast %scan3A_709 : i32 to index
        %swap3A_716 = arith.constant 0 : index
        %swap3A_717 = tpu.vector_load %arg12[%swap3A_715, %swap3A_716] {strides = array<i32>} : memref<128x32xf32, #tpu.memory_space<vmem>>, vector<16xf32>,
        tpu.vector_store %arg12[%swap3A_715, %swap3A_716], %mul3A_714 {strides = array<i32>} : memref<128x32xf32, #tpu.memory_space<vmem>>, vector<16xf32>,
        %get3A_718 = arith.index_cast %scan3A_709 : i32 to index
        %get3A_719 = arith.constant 16 : index
        %get3A_720 = tpu.vector_load %arg12[%get3A_718, %get3A_719] {strides = array<i32>} : memref<128x32xf32, #tpu.memory_space<vmem>>, vector<16xf32>,
        %mul3A_721 = arith.mulf %get3A_720, %gather3A : vector<16xf32>
        %swap3A_722 = arith.index_cast %scan3A_709 : i32 to index
        %swap3A_723 = arith.constant 16 : index
        %swap3A_724 = tpu.vector_load %arg12[%swap3A_722, %swap3A_723] {strides = array<i32>} : memref<128x32xf32, #tpu.memory_space<vmem>>, vector<16xf32>,
        tpu.vector_store %arg12[%swap3A_722, %swap3A_723], %mul3A_721 {strides = array<i32>} : memref<128x32xf32, #tpu.memory_space<vmem>>, vector<16xf32>,
        %scan3A_725 = arith.constant 1 : i32
        %scan3A_726 = arith.addi %scan3A_709, %scan3A_725 : i32
        %broadcast_in_dim3A_727 = vector.broadcast %scan3A_726 : i32 to vector<16xi32>
        %gather3A_728 = tpu.vector_load_idx %arg16[%broadcast_in_dim3A_727] : memref<128xf32, #tpu.memory_space<vmem>>[vector<16xi32>], vector<16xf32>,
        %get3A_729 = arith.index_cast %scan3A_726 : i32 to index
        %get3A_730 = arith.constant 0 : index
        %get3A_731 = tpu.vector_load %arg12[%get3A_729, %get3A_730] {strides = array<i32>} : memref<128x32xf32, #tpu.memory_space<vmem>>, vector<16xf32>,
        %mul3A_732 = arith.mulf %get3A_731, %gather3A_728 : vector<16xf32>
        %swap3A_733 = arith.index_cast %scan3A_726 : i32 to index
        %swap3A_734 = arith.constant 0 : index
        %swap3A_735 = tpu.vector_load %arg12[%swap3A_733, %swap3A_734] {strides = array<i32>} : memref<128x32xf32, #tpu.memory_space<vmem>>, vector<16xf32>,
        tpu.vector_store %arg12[%swap3A_733, %swap3A_734], %mul3A_732 {strides = array<i32>} : memref<128x32xf32, #tpu.memory_space<vmem>>, vector<16xf32>,
        %get3A_736 = arith.index_cast %scan3A_726 : i32 to index
        %get3A_737 = arith.constant 16 : index
        %get3A_738 = tpu.vector_load %arg12[%get3A_736, %get3A_737] {strides = array<i32>} : memref<128x32xf32, #tpu.memory_space<vmem>>, vector<16xf32>,
        %mul3A_739 = arith.mulf %get3A_738, %gather3A_728 : vector<16xf32>
        %swap3A_740 = arith.index_cast %scan3A_726 : i32 to index
        %swap3A_741 = arith.constant 16 : index
        %swap3A_742 = tpu.vector_load %arg12[%swap3A_740, %swap3A_741] {strides = array<i32>} : memref<128x32xf32, #tpu.memory_space<vmem>>, vector<16xf32>,
        tpu.vector_store %arg12[%swap3A_740, %swap3A_741], %mul3A_739 {strides = array<i32>} : memref<128x32xf32, #tpu.memory_space<vmem>>, vector<16xf32>,
        %scan3A_743 = arith.constant 2 : i32
        %scan3A_744 = arith.addi %scan3A_709, %scan3A_743 : i32
        %broadcast_in_dim3A_745 = vector.broadcast %scan3A_744 : i32 to vector<16xi32>
        %gather3A_746 = tpu.vector_load_idx %arg16[%broadcast_in_dim3A_745] : memref<128xf32, #tpu.memory_space<vmem>>[vector<16xi32>], vector<16xf32>,
        %get3A_747 = arith.index_cast %scan3A_744 : i32 to index
        %get3A_748 = arith.constant 0 : index
        %get3A_749 = tpu.vector_load %arg12[%get3A_747, %get3A_748] {strides = array<i32>} : memref<128x32xf32, #tpu.memory_space<vmem>>, vector<16xf32>,
        %mul3A_750 = arith.mulf %get3A_749, %gather3A_746 : vector<16xf32>
        %swap3A_751 = arith.index_cast %scan3A_744 : i32 to index
        %swap3A_752 = arith.constant 0 : index
        %swap3A_753 = tpu.vector_load %arg12[%swap3A_751, %swap3A_752] {strides = array<i32>} : memref<128x32xf32, #tpu.memory_space<vmem>>, vector<16xf32>,
        tpu.vector_store %arg12[%swap3A_751, %swap3A_752], %mul3A_750 {strides = array<i32>} : memref<128x32xf32, #tpu.memory_space<vmem>>, vector<16xf32>,
        %get3A_754 = arith.index_cast %scan3A_744 : i32 to index
        %get3A_755 = arith.constant 16 : index
        %get3A_756 = tpu.vector_load %arg12[%get3A_754, %get3A_755] {strides = array<i32>} : memref<128x32xf32, #tpu.memory_space<vmem>>, vector<16xf32>,
        %mul3A_757 = arith.mulf %get3A_756, %gather3A_746 : vector<16xf32>
        %swap3A_758 = arith.index_cast %scan3A_744 : i32 to index
        %swap3A_759 = arith.constant 16 : index
        %swap3A_760 = tpu.vector_load %arg12[%swap3A_758, %swap3A_759] {strides = array<i32>} : memref<128x32xf32, #tpu.memory_space<vmem>>, vector<16xf32>,
        tpu.vector_store %arg12[%swap3A_758, %swap3A_759], %mul3A_757 {strides = array<i32>} : memref<128x32xf32, #tpu.memory_space<vmem>>, vector<16xf32>,
        %scan3A_761 = arith.constant 3 : i32
        %scan3A_762 = arith.addi %scan3A_709, %scan3A_761 : i32
        %broadcast_in_dim3A_763 = vector.broadcast %scan3A_762 : i32 to vector<16xi32>
        %gather3A_764 = tpu.vector_load_idx %arg16[%broadcast_in_dim3A_763] : memref<128xf32, #tpu.memory_space<vmem>>[vector<16xi32>], vector<16xf32>,
        %get3A_765 = arith.index_cast %scan3A_762 : i32 to index
        %get3A_766 = arith.constant 0 : index
        %get3A_767 = tpu.vector_load %arg12[%get3A_765, %get3A_766] {strides = array<i32>} : memref<128x32xf32, #tpu.memory_space<vmem>>, vector<16xf32>,
        %mul3A_768 = arith.mulf %get3A_767, %gather3A_764 : vector<16xf32>
        %swap3A_769 = arith.index_cast %scan3A_762 : i32 to index
        %swap3A_770 = arith.constant 0 : index
        %swap3A_771 = tpu.vector_load %arg12[%swap3A_769, %swap3A_770] {strides = array<i32>} : memref<128x32xf32, #tpu.memory_space<vmem>>, vector<16xf32>,
        tpu.vector_store %arg12[%swap3A_769, %swap3A_770], %mul3A_768 {strides = array<i32>} : memref<128x32xf32, #tpu.memory_space<vmem>>, vector<16xf32>,
        %get3A_772 = arith.index_cast %scan3A_762 : i32 to index
        %get3A_773 = arith.constant 16 : index
        %get3A_774 = tpu.vector_load %arg12[%get3A_772, %get3A_773] {strides = array<i32>} : memref<128x32xf32, #tpu.memory_space<vmem>>, vector<16xf32>,
        %mul3A_775 = arith.mulf %get3A_774, %gather3A_764 : vector<16xf32>
        %swap3A_776 = arith.index_cast %scan3A_762 : i32 to index
        %swap3A_777 = arith.constant 16 : index
        %swap3A_778 = tpu.vector_load %arg12[%swap3A_776, %swap3A_777] {strides = array<i32>} : memref<128x32xf32, #tpu.memory_space<vmem>>, vector<16xf32>,
        tpu.vector_store %arg12[%swap3A_776, %swap3A_777], %mul3A_775 {strides = array<i32>} : memref<128x32xf32, #tpu.memory_space<vmem>>, vector<16xf32>,
        %scan3A_779 = arith.constant 4 : i32
        %scan3A_780 = arith.addi %scan3A_709, %scan3A_779 : i32
        %broadcast_in_dim3A_781 = vector.broadcast %scan3A_780 : i32 to vector<16xi32>
        %gather3A_782 = tpu.vector_load_idx %arg16[%broadcast_in_dim3A_781] : memref<128xf32, #tpu.memory_space<vmem>>[vector<16xi32>], vector<16xf32>,
        %get3A_783 = arith.index_cast %scan3A_780 : i32 to index
        %get3A_784 = arith.constant 0 : index
        %get3A_785 = tpu.vector_load %arg12[%get3A_783, %get3A_784] {strides = array<i32>} : memref<128x32xf32, #tpu.memory_space<vmem>>, vector<16xf32>,
        %mul3A_786 = arith.mulf %get3A_785, %gather3A_782 : vector<16xf32>
        %swap3A_787 = arith.index_cast %scan3A_780 : i32 to index
        %swap3A_788 = arith.constant 0 : index
        %swap3A_789 = tpu.vector_load %arg12[%swap3A_787, %swap3A_788] {strides = array<i32>} : memref<128x32xf32, #tpu.memory_space<vmem>>, vector<16xf32>,
        tpu.vector_store %arg12[%swap3A_787, %swap3A_788], %mul3A_786 {strides = array<i32>} : memref<128x32xf32, #tpu.memory_space<vmem>>, vector<16xf32>,
        %get3A_790 = arith.index_cast %scan3A_780 : i32 to index
        %get3A_791 = arith.constant 16 : index
        %get3A_792 = tpu.vector_load %arg12[%get3A_790, %get3A_791] {strides = array<i32>} : memref<128x32xf32, #tpu.memory_space<vmem>>, vector<16xf32>,
        %mul3A_793 = arith.mulf %get3A_792, %gather3A_782 : vector<16xf32>
        %swap3A_794 = arith.index_cast %scan3A_780 : i32 to index
        %swap3A_795 = arith.constant 16 : index
        %swap3A_796 = tpu.vector_load %arg12[%swap3A_794, %swap3A_795] {strides = array<i32>} : memref<128x32xf32, #tpu.memory_space<vmem>>, vector<16xf32>,
        tpu.vector_store %arg12[%swap3A_794, %swap3A_795], %mul3A_793 {strides = array<i32>} : memref<128x32xf32, #tpu.memory_space<vmem>>, vector<16xf32>,
        %scan3A_797 = arith.constant 5 : i32
        %scan3A_798 = arith.addi %scan3A_709, %scan3A_797 : i32
        %broadcast_in_dim3A_799 = vector.broadcast %scan3A_798 : i32 to vector<16xi32>
        %gather3A_800 = tpu.vector_load_idx %arg16[%broadcast_in_dim3A_799] : memref<128xf32, #tpu.memory_space<vmem>>[vector<16xi32>], vector<16xf32>,
        %get3A_801 = arith.index_cast %scan3A_798 : i32 to index
        %get3A_802 = arith.constant 0 : index
        %get3A_803 = tpu.vector_load %arg12[%get3A_801, %get3A_802] {strides = array<i32>} : memref<128x32xf32, #tpu.memory_space<vmem>>, vector<16xf32>,
        %mul3A_804 = arith.mulf %get3A_803, %gather3A_800 : vector<16xf32>
        %swap3A_805 = arith.index_cast %scan3A_798 : i32 to index
        %swap3A_806 = arith.constant 0 : index
        %swap3A_807 = tpu.vector_load %arg12[%swap3A_805, %swap3A_806] {strides = array<i32>} : memref<128x32xf32, #tpu.memory_space<vmem>>, vector<16xf32>,
        tpu.vector_store %arg12[%swap3A_805, %swap3A_806], %mul3A_804 {strides = array<i32>} : memref<128x32xf32, #tpu.memory_space<vmem>>, vector<16xf32>,
        %get3A_808 = arith.index_cast %scan3A_798 : i32 to index
        %get3A_809 = arith.constant 16 : index
        %get3A_810 = tpu.vector_load %arg12[%get3A_808, %get3A_809] {strides = array<i32>} : memref<128x32xf32, #tpu.memory_space<vmem>>, vector<16xf32>,
        %mul3A_811 = arith.mulf %get3A_810, %gather3A_800 : vector<16xf32>
        %swap3A_812 = arith.index_cast %scan3A_798 : i32 to index
        %swap3A_813 = arith.constant 16 : index
        %swap3A_814 = tpu.vector_load %arg12[%swap3A_812, %swap3A_813] {strides = array<i32>} : memref<128x32xf32, #tpu.memory_space<vmem>>, vector<16xf32>,
        tpu.vector_store %arg12[%swap3A_812, %swap3A_813], %mul3A_811 {strides = array<i32>} : memref<128x32xf32, #tpu.memory_space<vmem>>, vector<16xf32>,
        %scan3A_815 = arith.constant 6 : i32
        %scan3A_816 = arith.addi %scan3A_709, %scan3A_815 : i32
        %broadcast_in_dim3A_817 = vector.broadcast %scan3A_816 : i32 to vector<16xi32>
        %gather3A_818 = tpu.vector_load_idx %arg16[%broadcast_in_dim3A_817] : memref<128xf32, #tpu.memory_space<vmem>>[vector<16xi32>], vector<16xf32>,
        %get3A_819 = arith.index_cast %scan3A_816 : i32 to index
        %get3A_820 = arith.constant 0 : index
        %get3A_821 = tpu.vector_load %arg12[%get3A_819, %get3A_820] {strides = array<i32>} : memref<128x32xf32, #tpu.memory_space<vmem>>, vector<16xf32>,
        %mul3A_822 = arith.mulf %get3A_821, %gather3A_818 : vector<16xf32>
        %swap3A_823 = arith.index_cast %scan3A_816 : i32 to index
        %swap3A_824 = arith.constant 0 : index
        %swap3A_825 = tpu.vector_load %arg12[%swap3A_823, %swap3A_824] {strides = array<i32>} : memref<128x32xf32, #tpu.memory_space<vmem>>, vector<16xf32>,
        tpu.vector_store %arg12[%swap3A_823, %swap3A_824], %mul3A_822 {strides = array<i32>} : memref<128x32xf32, #tpu.memory_space<vmem>>, vector<16xf32>,
        %get3A_826 = arith.index_cast %scan3A_816 : i32 to index
        %get3A_827 = arith.constant 16 : index
        %get3A_828 = tpu.vector_load %arg12[%get3A_826, %get3A_827] {strides = array<i32>} : memref<128x32xf32, #tpu.memory_space<vmem>>, vector<16xf32>,
        %mul3A_829 = arith.mulf %get3A_828, %gather3A_818 : vector<16xf32>
        %swap3A_830 = arith.index_cast %scan3A_816 : i32 to index
        %swap3A_831 = arith.constant 16 : index
        %swap3A_832 = tpu.vector_load %arg12[%swap3A_830, %swap3A_831] {strides = array<i32>} : memref<128x32xf32, #tpu.memory_space<vmem>>, vector<16xf32>,
        tpu.vector_store %arg12[%swap3A_830, %swap3A_831], %mul3A_829 {strides = array<i32>} : memref<128x32xf32, #tpu.memory_space<vmem>>, vector<16xf32>,
        %scan3A_833 = arith.constant 7 : i32
        %scan3A_834 = arith.addi %scan3A_709, %scan3A_833 : i32
        %broadcast_in_dim3A_835 = vector.broadcast %scan3A_834 : i32 to vector<16xi32>
        %gather3A_836 = tpu.vector_load_idx %arg16[%broadcast_in_dim3A_835] : memref<128xf32, #tpu.memory_space<vmem>>[vector<16xi32>], vector<16xf32>,
        %get3A_837 = arith.index_cast %scan3A_834 : i32 to index
        %get3A_838 = arith.constant 0 : index
        %get3A_839 = tpu.vector_load %arg12[%get3A_837, %get3A_838] {strides = array<i32>} : memref<128x32xf32, #tpu.memory_space<vmem>>, vector<16xf32>,
        %mul3A_840 = arith.mulf %get3A_839, %gather3A_836 : vector<16xf32>
        %swap3A_841 = arith.index_cast %scan3A_834 : i32 to index
        %swap3A_842 = arith.constant 0 : index
        %swap3A_843 = tpu.vector_load %arg12[%swap3A_841, %swap3A_842] {strides = array<i32>} : memref<128x32xf32, #tpu.memory_space<vmem>>, vector<16xf32>,
        tpu.vector_store %arg12[%swap3A_841, %swap3A_842], %mul3A_840 {strides = array<i32>} : memref<128x32xf32, #tpu.memory_space<vmem>>, vector<16xf32>,
        %get3A_844 = arith.index_cast %scan3A_834 : i32 to index
        %get3A_845 = arith.constant 16 : index
        %get3A_846 = tpu.vector_load %arg12[%get3A_844, %get3A_845] {strides = array<i32>} : memref<128x32xf32, #tpu.memory_space<vmem>>, vector<16xf32>,
        %mul3A_847 = arith.mulf %get3A_846, %gather3A_836 : vector<16xf32>
        %swap3A_848 = arith.index_cast %scan3A_834 : i32 to index
        %swap3A_849 = arith.constant 16 : index
        %swap3A_850 = tpu.vector_load %arg12[%swap3A_848, %swap3A_849] {strides = array<i32>} : memref<128x32xf32, #tpu.memory_space<vmem>>, vector<16xf32>,
        tpu.vector_store %arg12[%swap3A_848, %swap3A_849], %mul3A_847 {strides = array<i32>} : memref<128x32xf32, #tpu.memory_space<vmem>>, vector<16xf32>,
      }
      %scan3A_463 = arith.constant 128 : i32
      %dma_wait3A_464 = arith.constant 0 : i32
      %dma_wait3A_465 = tpu.memref_slice %arg2[%dma_wait3A_464] : memref<819200xi32, #tpu.memory_space<hbm>> -> memref<128xi32, #tpu.memory_space<hbm>>
      %dma_wait3A_466 = arith.constant 0 : i32
      %dma_wait3A_467 = tpu.memref_slice %arg2[%dma_wait3A_466] : memref<819200xi32, #tpu.memory_space<hbm>> -> memref<128xi32, #tpu.memory_space<hbm>>
      tpu.wait_dma2 semaphore(%arg32 : memref<!tpu.dma_semaphore, #tpu.memory_space<semaphore_mem>>) src(%dma_wait3A_467 : memref<128xi32, #tpu.memory_space<hbm>>) dst(%arg21 : memref<128xi32, #tpu.memory_space<vmem>>)
      %dma_wait3A_468 = arith.constant 0 : i32
      %dma_wait3A_469 = tpu.memref_slice %arg3[%dma_wait3A_468] : memref<819200xi32, #tpu.memory_space<hbm>> -> memref<128xi32, #tpu.memory_space<hbm>>
      %dma_wait3A_470 = arith.constant 0 : i32
      %dma_wait3A_471 = tpu.memref_slice %arg3[%dma_wait3A_470] : memref<819200xi32, #tpu.memory_space<hbm>> -> memref<128xi32, #tpu.memory_space<hbm>>
      tpu.wait_dma2 semaphore(%arg32 : memref<!tpu.dma_semaphore, #tpu.memory_space<semaphore_mem>>) src(%dma_wait3A_471 : memref<128xi32, #tpu.memory_space<hbm>>) dst(%arg22 : memref<128xi32, #tpu.memory_space<vmem>>)
      %dma_wait3A_472 = arith.constant 0 : i32
      %dma_wait3A_473 = tpu.memref_slice %arg4[%dma_wait3A_472] : memref<819200xf32, #tpu.memory_space<hbm>> -> memref<128xf32, #tpu.memory_space<hbm>>
      %dma_wait3A_474 = arith.constant 0 : i32
      %dma_wait3A_475 = tpu.memref_slice %arg4[%dma_wait3A_474] : memref<819200xf32, #tpu.memory_space<hbm>> -> memref<128xf32, #tpu.memory_space<hbm>>
      tpu.wait_dma2 semaphore(%arg32 : memref<!tpu.dma_semaphore, #tpu.memory_space<semaphore_mem>>) src(%dma_wait3A_475 : memref<128xf32, #tpu.memory_space<hbm>>) dst(%arg23 : memref<128xf32, #tpu.memory_space<vmem>>)
      %dma_start3A_476 = arith.constant 0 : i32
      %dma_start3A_477 = arith.constant 0 : i32
      %dma_start3A_478 = tpu.memref_slice %arg7[%dma_start3A_476, %dma_start3A_477] : memref<50176x32xf32, #tpu.memory_space<hbm>> -> memref<50176x32xf32, #tpu.memory_space<hbm>>
      tpu.enqueue_indirect_dma source(%dma_start3A_478 : memref<50176x32xf32, #tpu.memory_space<hbm>>) target(%arg20 : memref<128x32xf32, #tpu.memory_space<vmem>>) offsets(%arg21 : memref<128xi32, #tpu.memory_space<vmem>>) semaphore(%arg34 : memref<!tpu.dma_semaphore, #tpu.memory_space<semaphore_mem>>)
      %dma_start3A_479 = arith.constant 0 : i32
      %dma_start3A_480 = tpu.memref_slice %arg5[%dma_start3A_479] : memref<50176xf32, #tpu.memory_space<hbm>> -> memref<50176xf32, #tpu.memory_space<hbm>>
      tpu.enqueue_indirect_dma source(%dma_start3A_480 : memref<50176xf32, #tpu.memory_space<hbm>>) target(%arg25 : memref<128xf32, #tpu.memory_space<vmem>>) offsets(%arg21 : memref<128xi32, #tpu.memory_space<vmem>>) semaphore(%arg34 : memref<!tpu.dma_semaphore, #tpu.memory_space<semaphore_mem>>)
      %dma_start3A_481 = arith.constant 0 : i32
      %dma_start3A_482 = tpu.memref_slice %arg6[%dma_start3A_481] : memref<50176xf32, #tpu.memory_space<hbm>> -> memref<50176xf32, #tpu.memory_space<hbm>>
      tpu.enqueue_indirect_dma source(%dma_start3A_482 : memref<50176xf32, #tpu.memory_space<hbm>>) target(%arg26 : memref<128xf32, #tpu.memory_space<vmem>>) offsets(%arg22 : memref<128xi32, #tpu.memory_space<vmem>>) semaphore(%arg34 : memref<!tpu.dma_semaphore, #tpu.memory_space<semaphore_mem>>)
      "tpu.region"() ({
        %run_scoped3A = tpu.sem_alloc : memref<!tpu.dma_semaphore, #tpu.memory_space<semaphore_mem>>
        %dma_start3A_709 = arith.constant 0 : i32
        %dma_start3A_710 = arith.constant 0 : i32
        %dma_start3A_711 = tpu.memref_slice %arg27[%dma_start3A_709, %dma_start3A_710] : memref<50176x32xf32, #tpu.memory_space<vmem_shared>> -> memref<50176x32xf32, #tpu.memory_space<vmem_shared>>
        tpu.enqueue_indirect_dma source(%arg12 : memref<128x32xf32, #tpu.memory_space<vmem>>) target(%dma_start3A_711 : memref<50176x32xf32, #tpu.memory_space<vmem_shared>>) offsets(%arg14 : memref<128xi32, #tpu.memory_space<vmem>>) semaphore(%run_scoped3A : memref<!tpu.dma_semaphore, #tpu.memory_space<semaphore_mem>>) {add = true}
        %dma_wait3A_712 = arith.constant 0 : i32
        %dma_wait3A_713 = arith.constant 0 : i32
        %dma_wait3A_714 = tpu.memref_slice %arg27[%dma_wait3A_712, %dma_wait3A_713] : memref<50176x32xf32, #tpu.memory_space<vmem_shared>> -> memref<50176x32xf32, #tpu.memory_space<vmem_shared>>
        tpu.wait_indirect_dma semaphore(%run_scoped3A : memref<!tpu.dma_semaphore, #tpu.memory_space<semaphore_mem>>) src(%arg12 : memref<128x32xf32, #tpu.memory_space<vmem>>) dst(%dma_wait3A_714 : memref<50176x32xf32, #tpu.memory_space<vmem_shared>>)
        tpu.yield
      }) : () -> ()
      "tpu.region"() ({
        %run_scoped3A = tpu.sem_alloc : memref<!tpu.dma_semaphore, #tpu.memory_space<semaphore_mem>>
        %dma_start3A_709 = arith.constant 0 : i32
        %dma_start3A_710 = tpu.memref_slice %arg28[%dma_start3A_709] : memref<50176xf32, #tpu.memory_space<vmem_shared>> -> memref<50176xf32, #tpu.memory_space<vmem_shared>>
        tpu.enqueue_indirect_dma source(%arg16 : memref<128xf32, #tpu.memory_space<vmem>>) target(%dma_start3A_710 : memref<50176xf32, #tpu.memory_space<vmem_shared>>) offsets(%arg14 : memref<128xi32, #tpu.memory_space<vmem>>) semaphore(%run_scoped3A : memref<!tpu.dma_semaphore, #tpu.memory_space<semaphore_mem>>) {add = true}
        %dma_wait3A_711 = arith.constant 0 : i32
        %dma_wait3A_712 = tpu.memref_slice %arg28[%dma_wait3A_711] : memref<50176xf32, #tpu.memory_space<vmem_shared>> -> memref<50176xf32, #tpu.memory_space<vmem_shared>>
        tpu.wait_indirect_dma semaphore(%run_scoped3A : memref<!tpu.dma_semaphore, #tpu.memory_space<semaphore_mem>>) src(%arg16 : memref<128xf32, #tpu.memory_space<vmem>>) dst(%dma_wait3A_712 : memref<50176xf32, #tpu.memory_space<vmem_shared>>)
        tpu.yield
      }) : () -> ()
      "tpu.region"() ({
        %run_scoped3A = tpu.sem_alloc : memref<!tpu.dma_semaphore, #tpu.memory_space<semaphore_mem>>
        %dma_start3A_709 = arith.constant 0 : i32
        %dma_start3A_710 = tpu.memref_slice %arg29[%dma_start3A_709] : memref<50176xf32, #tpu.memory_space<vmem_shared>> -> memref<50176xf32, #tpu.memory_space<vmem_shared>>
        tpu.enqueue_indirect_dma source(%arg17 : memref<128xf32, #tpu.memory_space<vmem>>) target(%dma_start3A_710 : memref<50176xf32, #tpu.memory_space<vmem_shared>>) offsets(%arg14 : memref<128xi32, #tpu.memory_space<vmem>>) semaphore(%run_scoped3A : memref<!tpu.dma_semaphore, #tpu.memory_space<semaphore_mem>>) {add = true}
        %dma_wait3A_711 = arith.constant 0 : i32
        %dma_wait3A_712 = tpu.memref_slice %arg29[%dma_wait3A_711] : memref<50176xf32, #tpu.memory_space<vmem_shared>> -> memref<50176xf32, #tpu.memory_space<vmem_shared>>
        tpu.wait_indirect_dma semaphore(%run_scoped3A : memref<!tpu.dma_semaphore, #tpu.memory_space<semaphore_mem>>) src(%arg17 : memref<128xf32, #tpu.memory_space<vmem>>) dst(%dma_wait3A_712 : memref<50176xf32, #tpu.memory_space<vmem_shared>>)
        tpu.yield
      }) : () -> ()
      "tpu.region"() ({
        %run_scoped3A = tpu.sem_alloc : memref<!tpu.dma_semaphore, #tpu.memory_space<semaphore_mem>>
        %dma_start3A_709 = arith.constant 0 : i32
        %dma_start3A_710 = tpu.memref_slice %arg30[%dma_start3A_709] : memref<50176xf32, #tpu.memory_space<vmem_shared>> -> memref<50176xf32, #tpu.memory_space<vmem_shared>>
        tpu.enqueue_indirect_dma source(%arg15 : memref<128xf32, #tpu.memory_space<vmem>>) target(%dma_start3A_710 : memref<50176xf32, #tpu.memory_space<vmem_shared>>) offsets(%arg14 : memref<128xi32, #tpu.memory_space<vmem>>) semaphore(%run_scoped3A : memref<!tpu.dma_semaphore, #tpu.memory_space<semaphore_mem>>) {add = true}
        %dma_wait3A_711 = arith.constant 0 : i32
        %dma_wait3A_712 = tpu.memref_slice %arg30[%dma_wait3A_711] : memref<50176xf32, #tpu.memory_space<vmem_shared>> -> memref<50176xf32, #tpu.memory_space<vmem_shared>>
        tpu.wait_indirect_dma semaphore(%run_scoped3A : memref<!tpu.dma_semaphore, #tpu.memory_space<semaphore_mem>>) src(%arg15 : memref<128xf32, #tpu.memory_space<vmem>>) dst(%dma_wait3A_712 : memref<50176xf32, #tpu.memory_space<vmem_shared>>)
        tpu.yield
      }) : () -> ()
      %mul3A_483 = arith.constant 2 : i32
      %mul3A_484 = arith.muli %mul3A_483, %scan3A_262 : i32
      %add3A_485 = arith.constant 1 : i32
      %add3A_486 = arith.addi %mul3A_484, %add3A_485 : i32
      %add3A_487 = arith.constant 1 : i32
      %add3A_488 = arith.addi %add3A_486, %add3A_487 : i32
      %rem3A_489 = arith.constant 200 : i32
      %rem3A_490 = arith.remsi %add3A_488, %rem3A_489 : i32
      %mul3A_491 = arith.constant 128 : i32
      %mul3A_492 = arith.muli %rem3A_490, %mul3A_491 : i32
      %add3A_493 = arith.addi %mul3A_212, %mul3A_492 : i32
      %dma_start3A_494 = tpu.memref_slice %arg2[%add3A_493] : memref<819200xi32, #tpu.memory_space<hbm>> -> memref<128xi32, #tpu.memory_space<hbm>>
      %dma_start3A_495 = tpu.memref_slice %arg2[%add3A_493] : memref<819200xi32, #tpu.memory_space<hbm>> -> memref<128xi32, #tpu.memory_space<hbm>>
      tpu.enqueue_dma source(%dma_start3A_495 : memref<128xi32, #tpu.memory_space<hbm>>) target(%arg13 : memref<128xi32, #tpu.memory_space<vmem>>) target_semaphore(%arg31 : memref<!tpu.dma_semaphore, #tpu.memory_space<semaphore_mem>>)
      %dma_start3A_496 = tpu.memref_slice %arg3[%add3A_493] : memref<819200xi32, #tpu.memory_space<hbm>> -> memref<128xi32, #tpu.memory_space<hbm>>
      %dma_start3A_497 = tpu.memref_slice %arg3[%add3A_493] : memref<819200xi32, #tpu.memory_space<hbm>> -> memref<128xi32, #tpu.memory_space<hbm>>
      tpu.enqueue_dma source(%dma_start3A_497 : memref<128xi32, #tpu.memory_space<hbm>>) target(%arg14 : memref<128xi32, #tpu.memory_space<vmem>>) target_semaphore(%arg31 : memref<!tpu.dma_semaphore, #tpu.memory_space<semaphore_mem>>)
      %dma_start3A_498 = tpu.memref_slice %arg4[%add3A_493] : memref<819200xf32, #tpu.memory_space<hbm>> -> memref<128xf32, #tpu.memory_space<hbm>>
      %dma_start3A_499 = tpu.memref_slice %arg4[%add3A_493] : memref<819200xf32, #tpu.memory_space<hbm>> -> memref<128xf32, #tpu.memory_space<hbm>>
      tpu.enqueue_dma source(%dma_start3A_499 : memref<128xf32, #tpu.memory_space<hbm>>) target(%arg15 : memref<128xf32, #tpu.memory_space<vmem>>) target_semaphore(%arg31 : memref<!tpu.dma_semaphore, #tpu.memory_space<semaphore_mem>>)
      %dma_wait3A_500 = arith.constant 0 : i32
      %dma_wait3A_501 = arith.constant 0 : i32
      %dma_wait3A_502 = tpu.memref_slice %arg7[%dma_wait3A_500, %dma_wait3A_501] : memref<50176x32xf32, #tpu.memory_space<hbm>> -> memref<128x32xf32, #tpu.memory_space<hbm>>
      %dma_wait3A_503 = arith.constant 0 : i32
      %dma_wait3A_504 = arith.constant 0 : i32
      %dma_wait3A_505 = tpu.memref_slice %arg7[%dma_wait3A_503, %dma_wait3A_504] : memref<50176x32xf32, #tpu.memory_space<hbm>> -> memref<128x32xf32, #tpu.memory_space<hbm>>
      tpu.wait_dma2 semaphore(%arg34 : memref<!tpu.dma_semaphore, #tpu.memory_space<semaphore_mem>>) src(%dma_wait3A_505 : memref<128x32xf32, #tpu.memory_space<hbm>>) dst(%arg20 : memref<128x32xf32, #tpu.memory_space<vmem>>)
      %dma_wait3A_506 = arith.constant 0 : i32
      %dma_wait3A_507 = tpu.memref_slice %arg5[%dma_wait3A_506] : memref<50176xf32, #tpu.memory_space<hbm>> -> memref<128xf32, #tpu.memory_space<hbm>>
      %dma_wait3A_508 = arith.constant 0 : i32
      %dma_wait3A_509 = tpu.memref_slice %arg5[%dma_wait3A_508] : memref<50176xf32, #tpu.memory_space<hbm>> -> memref<128xf32, #tpu.memory_space<hbm>>
      tpu.wait_dma2 semaphore(%arg34 : memref<!tpu.dma_semaphore, #tpu.memory_space<semaphore_mem>>) src(%dma_wait3A_509 : memref<128xf32, #tpu.memory_space<hbm>>) dst(%arg25 : memref<128xf32, #tpu.memory_space<vmem>>)
      %dma_wait3A_510 = arith.constant 0 : i32
      %dma_wait3A_511 = tpu.memref_slice %arg6[%dma_wait3A_510] : memref<50176xf32, #tpu.memory_space<hbm>> -> memref<128xf32, #tpu.memory_space<hbm>>
      %dma_wait3A_512 = arith.constant 0 : i32
      %dma_wait3A_513 = tpu.memref_slice %arg6[%dma_wait3A_512] : memref<50176xf32, #tpu.memory_space<hbm>> -> memref<128xf32, #tpu.memory_space<hbm>>
      tpu.wait_dma2 semaphore(%arg34 : memref<!tpu.dma_semaphore, #tpu.memory_space<semaphore_mem>>) src(%dma_wait3A_513 : memref<128xf32, #tpu.memory_space<hbm>>) dst(%arg26 : memref<128xf32, #tpu.memory_space<vmem>>)
      %scan3A_514 = arith.constant 0 : i32
      %scan3A_515 = arith.constant 0 : i32
      %mul3A_516 = arith.constant 16 : i32
      %mul3A_517 = arith.muli %scan3A_515, %mul3A_516 : i32
      %get3A_518 = arith.index_cast %mul3A_517 : i32 to index
      %get3A_519 = tpu.vector_load %arg25[%get3A_518] {strides = array<i32>} : memref<128xf32, #tpu.memory_space<vmem>>, vector<16xf32>,
      %get3A_520 = arith.index_cast %mul3A_517 : i32 to index
      %get3A_521 = tpu.vector_load %arg26[%get3A_520] {strides = array<i32>} : memref<128xf32, #tpu.memory_space<vmem>>, vector<16xf32>,
      %add3A_522 = arith.addf %get3A_519, %get3A_521 : vector<16xf32>
      %get3A_523 = arith.index_cast %mul3A_517 : i32 to index
      %get3A_524 = tpu.vector_load %arg23[%get3A_523] {strides = array<i32>} : memref<128xf32, #tpu.memory_space<vmem>>, vector<16xf32>,
      %add3A_525 = arith.addf %add3A_522, %get3A_524 : vector<16xf32>
      %ge3A_526 = arith.constant 0.000000e+00 : f32
      %ge3A_527 = vector.broadcast %ge3A_526 : f32 to vector<16xf32>
      %ge3A_528 = arith.cmpf oge, %add3A_525, %ge3A_527 : vector<16xf32>
      %mul3A_529 = arith.constant 2.000000e-01 : f32
      %mul3A_530 = vector.broadcast %mul3A_529 : f32 to vector<16xf32>
      %mul3A_531 = arith.mulf %mul3A_530, %add3A_525 : vector<16xf32>
      %select_n3A_532 = arith.select %ge3A_528, %add3A_525, %mul3A_531 : vector<16xi1>, vector<16xf32>
      %exp3A_533 = math.exp %select_n3A_532 : vector<16xf32>
      %swap3A_534 = arith.index_cast %mul3A_517 : i32 to index
      %swap3A_535 = tpu.vector_load %arg24[%swap3A_534] {strides = array<i32>} : memref<128xf32, #tpu.memory_space<vmem>>, vector<16xf32>,
      tpu.vector_store %arg24[%swap3A_534], %exp3A_533 {strides = array<i32>} : memref<128xf32, #tpu.memory_space<vmem>>, vector<16xf32>,
      %scan3A_536 = arith.constant 1 : i32
      %mul3A_537 = arith.constant 16 : i32
      %mul3A_538 = arith.muli %scan3A_536, %mul3A_537 : i32
      %get3A_539 = arith.index_cast %mul3A_538 : i32 to index
      %get3A_540 = tpu.vector_load %arg25[%get3A_539] {strides = array<i32>} : memref<128xf32, #tpu.memory_space<vmem>>, vector<16xf32>,
      %get3A_541 = arith.index_cast %mul3A_538 : i32 to index
      %get3A_542 = tpu.vector_load %arg26[%get3A_541] {strides = array<i32>} : memref<128xf32, #tpu.memory_space<vmem>>, vector<16xf32>,
      %add3A_543 = arith.addf %get3A_540, %get3A_542 : vector<16xf32>
      %get3A_544 = arith.index_cast %mul3A_538 : i32 to index
      %get3A_545 = tpu.vector_load %arg23[%get3A_544] {strides = array<i32>} : memref<128xf32, #tpu.memory_space<vmem>>, vector<16xf32>,
      %add3A_546 = arith.addf %add3A_543, %get3A_545 : vector<16xf32>
      %ge3A_547 = arith.constant 0.000000e+00 : f32
      %ge3A_548 = vector.broadcast %ge3A_547 : f32 to vector<16xf32>
      %ge3A_549 = arith.cmpf oge, %add3A_546, %ge3A_548 : vector<16xf32>
      %mul3A_550 = arith.constant 2.000000e-01 : f32
      %mul3A_551 = vector.broadcast %mul3A_550 : f32 to vector<16xf32>
      %mul3A_552 = arith.mulf %mul3A_551, %add3A_546 : vector<16xf32>
      %select_n3A_553 = arith.select %ge3A_549, %add3A_546, %mul3A_552 : vector<16xi1>, vector<16xf32>
      %exp3A_554 = math.exp %select_n3A_553 : vector<16xf32>
      %swap3A_555 = arith.index_cast %mul3A_538 : i32 to index
      %swap3A_556 = tpu.vector_load %arg24[%swap3A_555] {strides = array<i32>} : memref<128xf32, #tpu.memory_space<vmem>>, vector<16xf32>,
      tpu.vector_store %arg24[%swap3A_555], %exp3A_554 {strides = array<i32>} : memref<128xf32, #tpu.memory_space<vmem>>, vector<16xf32>,
      %scan3A_557 = arith.constant 2 : i32
      %mul3A_558 = arith.constant 16 : i32
      %mul3A_559 = arith.muli %scan3A_557, %mul3A_558 : i32
      %get3A_560 = arith.index_cast %mul3A_559 : i32 to index
      %get3A_561 = tpu.vector_load %arg25[%get3A_560] {strides = array<i32>} : memref<128xf32, #tpu.memory_space<vmem>>, vector<16xf32>,
      %get3A_562 = arith.index_cast %mul3A_559 : i32 to index
      %get3A_563 = tpu.vector_load %arg26[%get3A_562] {strides = array<i32>} : memref<128xf32, #tpu.memory_space<vmem>>, vector<16xf32>,
      %add3A_564 = arith.addf %get3A_561, %get3A_563 : vector<16xf32>
      %get3A_565 = arith.index_cast %mul3A_559 : i32 to index
      %get3A_566 = tpu.vector_load %arg23[%get3A_565] {strides = array<i32>} : memref<128xf32, #tpu.memory_space<vmem>>, vector<16xf32>,
      %add3A_567 = arith.addf %add3A_564, %get3A_566 : vector<16xf32>
      %ge3A_568 = arith.constant 0.000000e+00 : f32
      %ge3A_569 = vector.broadcast %ge3A_568 : f32 to vector<16xf32>
      %ge3A_570 = arith.cmpf oge, %add3A_567, %ge3A_569 : vector<16xf32>
      %mul3A_571 = arith.constant 2.000000e-01 : f32
      %mul3A_572 = vector.broadcast %mul3A_571 : f32 to vector<16xf32>
      %mul3A_573 = arith.mulf %mul3A_572, %add3A_567 : vector<16xf32>
      %select_n3A_574 = arith.select %ge3A_570, %add3A_567, %mul3A_573 : vector<16xi1>, vector<16xf32>
      %exp3A_575 = math.exp %select_n3A_574 : vector<16xf32>
      %swap3A_576 = arith.index_cast %mul3A_559 : i32 to index
      %swap3A_577 = tpu.vector_load %arg24[%swap3A_576] {strides = array<i32>} : memref<128xf32, #tpu.memory_space<vmem>>, vector<16xf32>,
      tpu.vector_store %arg24[%swap3A_576], %exp3A_575 {strides = array<i32>} : memref<128xf32, #tpu.memory_space<vmem>>, vector<16xf32>,
      %scan3A_578 = arith.constant 3 : i32
      %mul3A_579 = arith.constant 16 : i32
      %mul3A_580 = arith.muli %scan3A_578, %mul3A_579 : i32
      %get3A_581 = arith.index_cast %mul3A_580 : i32 to index
      %get3A_582 = tpu.vector_load %arg25[%get3A_581] {strides = array<i32>} : memref<128xf32, #tpu.memory_space<vmem>>, vector<16xf32>,
      %get3A_583 = arith.index_cast %mul3A_580 : i32 to index
      %get3A_584 = tpu.vector_load %arg26[%get3A_583] {strides = array<i32>} : memref<128xf32, #tpu.memory_space<vmem>>, vector<16xf32>,
      %add3A_585 = arith.addf %get3A_582, %get3A_584 : vector<16xf32>
      %get3A_586 = arith.index_cast %mul3A_580 : i32 to index
      %get3A_587 = tpu.vector_load %arg23[%get3A_586] {strides = array<i32>} : memref<128xf32, #tpu.memory_space<vmem>>, vector<16xf32>,
      %add3A_588 = arith.addf %add3A_585, %get3A_587 : vector<16xf32>
      %ge3A_589 = arith.constant 0.000000e+00 : f32
      %ge3A_590 = vector.broadcast %ge3A_589 : f32 to vector<16xf32>
      %ge3A_591 = arith.cmpf oge, %add3A_588, %ge3A_590 : vector<16xf32>
      %mul3A_592 = arith.constant 2.000000e-01 : f32
      %mul3A_593 = vector.broadcast %mul3A_592 : f32 to vector<16xf32>
      %mul3A_594 = arith.mulf %mul3A_593, %add3A_588 : vector<16xf32>
      %select_n3A_595 = arith.select %ge3A_591, %add3A_588, %mul3A_594 : vector<16xi1>, vector<16xf32>
      %exp3A_596 = math.exp %select_n3A_595 : vector<16xf32>
      %swap3A_597 = arith.index_cast %mul3A_580 : i32 to index
      %swap3A_598 = tpu.vector_load %arg24[%swap3A_597] {strides = array<i32>} : memref<128xf32, #tpu.memory_space<vmem>>, vector<16xf32>,
      tpu.vector_store %arg24[%swap3A_597], %exp3A_596 {strides = array<i32>} : memref<128xf32, #tpu.memory_space<vmem>>, vector<16xf32>,
      %scan3A_599 = arith.constant 4 : i32
      %mul3A_600 = arith.constant 16 : i32
      %mul3A_601 = arith.muli %scan3A_599, %mul3A_600 : i32
      %get3A_602 = arith.index_cast %mul3A_601 : i32 to index
      %get3A_603 = tpu.vector_load %arg25[%get3A_602] {strides = array<i32>} : memref<128xf32, #tpu.memory_space<vmem>>, vector<16xf32>,
      %get3A_604 = arith.index_cast %mul3A_601 : i32 to index
      %get3A_605 = tpu.vector_load %arg26[%get3A_604] {strides = array<i32>} : memref<128xf32, #tpu.memory_space<vmem>>, vector<16xf32>,
      %add3A_606 = arith.addf %get3A_603, %get3A_605 : vector<16xf32>
      %get3A_607 = arith.index_cast %mul3A_601 : i32 to index
      %get3A_608 = tpu.vector_load %arg23[%get3A_607] {strides = array<i32>} : memref<128xf32, #tpu.memory_space<vmem>>, vector<16xf32>,
      %add3A_609 = arith.addf %add3A_606, %get3A_608 : vector<16xf32>
      %ge3A_610 = arith.constant 0.000000e+00 : f32
      %ge3A_611 = vector.broadcast %ge3A_610 : f32 to vector<16xf32>
      %ge3A_612 = arith.cmpf oge, %add3A_609, %ge3A_611 : vector<16xf32>
      %mul3A_613 = arith.constant 2.000000e-01 : f32
      %mul3A_614 = vector.broadcast %mul3A_613 : f32 to vector<16xf32>
      %mul3A_615 = arith.mulf %mul3A_614, %add3A_609 : vector<16xf32>
      %select_n3A_616 = arith.select %ge3A_612, %add3A_609, %mul3A_615 : vector<16xi1>, vector<16xf32>
      %exp3A_617 = math.exp %select_n3A_616 : vector<16xf32>
      %swap3A_618 = arith.index_cast %mul3A_601 : i32 to index
      %swap3A_619 = tpu.vector_load %arg24[%swap3A_618] {strides = array<i32>} : memref<128xf32, #tpu.memory_space<vmem>>, vector<16xf32>,
      tpu.vector_store %arg24[%swap3A_618], %exp3A_617 {strides = array<i32>} : memref<128xf32, #tpu.memory_space<vmem>>, vector<16xf32>,
      %scan3A_620 = arith.constant 5 : i32
      %mul3A_621 = arith.constant 16 : i32
      %mul3A_622 = arith.muli %scan3A_620, %mul3A_621 : i32
      %get3A_623 = arith.index_cast %mul3A_622 : i32 to index
      %get3A_624 = tpu.vector_load %arg25[%get3A_623] {strides = array<i32>} : memref<128xf32, #tpu.memory_space<vmem>>, vector<16xf32>,
      %get3A_625 = arith.index_cast %mul3A_622 : i32 to index
      %get3A_626 = tpu.vector_load %arg26[%get3A_625] {strides = array<i32>} : memref<128xf32, #tpu.memory_space<vmem>>, vector<16xf32>,
      %add3A_627 = arith.addf %get3A_624, %get3A_626 : vector<16xf32>
      %get3A_628 = arith.index_cast %mul3A_622 : i32 to index
      %get3A_629 = tpu.vector_load %arg23[%get3A_628] {strides = array<i32>} : memref<128xf32, #tpu.memory_space<vmem>>, vector<16xf32>,
      %add3A_630 = arith.addf %add3A_627, %get3A_629 : vector<16xf32>
      %ge3A_631 = arith.constant 0.000000e+00 : f32
      %ge3A_632 = vector.broadcast %ge3A_631 : f32 to vector<16xf32>
      %ge3A_633 = arith.cmpf oge, %add3A_630, %ge3A_632 : vector<16xf32>
      %mul3A_634 = arith.constant 2.000000e-01 : f32
      %mul3A_635 = vector.broadcast %mul3A_634 : f32 to vector<16xf32>
      %mul3A_636 = arith.mulf %mul3A_635, %add3A_630 : vector<16xf32>
      %select_n3A_637 = arith.select %ge3A_633, %add3A_630, %mul3A_636 : vector<16xi1>, vector<16xf32>
      %exp3A_638 = math.exp %select_n3A_637 : vector<16xf32>
      %swap3A_639 = arith.index_cast %mul3A_622 : i32 to index
      %swap3A_640 = tpu.vector_load %arg24[%swap3A_639] {strides = array<i32>} : memref<128xf32, #tpu.memory_space<vmem>>, vector<16xf32>,
      tpu.vector_store %arg24[%swap3A_639], %exp3A_638 {strides = array<i32>} : memref<128xf32, #tpu.memory_space<vmem>>, vector<16xf32>,
      %scan3A_641 = arith.constant 6 : i32
      %mul3A_642 = arith.constant 16 : i32
      %mul3A_643 = arith.muli %scan3A_641, %mul3A_642 : i32
      %get3A_644 = arith.index_cast %mul3A_643 : i32 to index
      %get3A_645 = tpu.vector_load %arg25[%get3A_644] {strides = array<i32>} : memref<128xf32, #tpu.memory_space<vmem>>, vector<16xf32>,
      %get3A_646 = arith.index_cast %mul3A_643 : i32 to index
      %get3A_647 = tpu.vector_load %arg26[%get3A_646] {strides = array<i32>} : memref<128xf32, #tpu.memory_space<vmem>>, vector<16xf32>,
      %add3A_648 = arith.addf %get3A_645, %get3A_647 : vector<16xf32>
      %get3A_649 = arith.index_cast %mul3A_643 : i32 to index
      %get3A_650 = tpu.vector_load %arg23[%get3A_649] {strides = array<i32>} : memref<128xf32, #tpu.memory_space<vmem>>, vector<16xf32>,
      %add3A_651 = arith.addf %add3A_648, %get3A_650 : vector<16xf32>
      %ge3A_652 = arith.constant 0.000000e+00 : f32
      %ge3A_653 = vector.broadcast %ge3A_652 : f32 to vector<16xf32>
      %ge3A_654 = arith.cmpf oge, %add3A_651, %ge3A_653 : vector<16xf32>
      %mul3A_655 = arith.constant 2.000000e-01 : f32
      %mul3A_656 = vector.broadcast %mul3A_655 : f32 to vector<16xf32>
      %mul3A_657 = arith.mulf %mul3A_656, %add3A_651 : vector<16xf32>
      %select_n3A_658 = arith.select %ge3A_654, %add3A_651, %mul3A_657 : vector<16xi1>, vector<16xf32>
      %exp3A_659 = math.exp %select_n3A_658 : vector<16xf32>
      %swap3A_660 = arith.index_cast %mul3A_643 : i32 to index
      %swap3A_661 = tpu.vector_load %arg24[%swap3A_660] {strides = array<i32>} : memref<128xf32, #tpu.memory_space<vmem>>, vector<16xf32>,
      tpu.vector_store %arg24[%swap3A_660], %exp3A_659 {strides = array<i32>} : memref<128xf32, #tpu.memory_space<vmem>>, vector<16xf32>,
      %scan3A_662 = arith.constant 7 : i32
      %mul3A_663 = arith.constant 16 : i32
      %mul3A_664 = arith.muli %scan3A_662, %mul3A_663 : i32
      %get3A_665 = arith.index_cast %mul3A_664 : i32 to index
      %get3A_666 = tpu.vector_load %arg25[%get3A_665] {strides = array<i32>} : memref<128xf32, #tpu.memory_space<vmem>>, vector<16xf32>,
      %get3A_667 = arith.index_cast %mul3A_664 : i32 to index
      %get3A_668 = tpu.vector_load %arg26[%get3A_667] {strides = array<i32>} : memref<128xf32, #tpu.memory_space<vmem>>, vector<16xf32>,
      %add3A_669 = arith.addf %get3A_666, %get3A_668 : vector<16xf32>
      %get3A_670 = arith.index_cast %mul3A_664 : i32 to index
      %get3A_671 = tpu.vector_load %arg23[%get3A_670] {strides = array<i32>} : memref<128xf32, #tpu.memory_space<vmem>>, vector<16xf32>,
      %add3A_672 = arith.addf %add3A_669, %get3A_671 : vector<16xf32>
      %ge3A_673 = arith.constant 0.000000e+00 : f32
      %ge3A_674 = vector.broadcast %ge3A_673 : f32 to vector<16xf32>
      %ge3A_675 = arith.cmpf oge, %add3A_672, %ge3A_674 : vector<16xf32>
      %mul3A_676 = arith.constant 2.000000e-01 : f32
      %mul3A_677 = vector.broadcast %mul3A_676 : f32 to vector<16xf32>
      %mul3A_678 = arith.mulf %mul3A_677, %add3A_672 : vector<16xf32>
      %select_n3A_679 = arith.select %ge3A_675, %add3A_672, %mul3A_678 : vector<16xi1>, vector<16xf32>
      %exp3A_680 = math.exp %select_n3A_679 : vector<16xf32>
      %swap3A_681 = arith.index_cast %mul3A_664 : i32 to index
      %swap3A_682 = tpu.vector_load %arg24[%swap3A_681] {strides = array<i32>} : memref<128xf32, #tpu.memory_space<vmem>>, vector<16xf32>,
      tpu.vector_store %arg24[%swap3A_681], %exp3A_680 {strides = array<i32>} : memref<128xf32, #tpu.memory_space<vmem>>, vector<16xf32>,
      %scan3A_683 = arith.constant 8 : i32
      %scan3A_684 = arith.constant 0 : i32
      %scan3A_685 = arith.constant 0 : i32
      %scan3A_686 = arith.constant 128 : i32
      %scan3A_687 = arith.addi %scan3A_685, %scan3A_686 : i32
      %scan3A_688 = arith.constant 8 : i32
      scf.for %scan3A_709 = %scan3A_685 to %scan3A_687 step %scan3A_688  : i32 {
        %broadcast_in_dim3A_710 = vector.broadcast %scan3A_709 : i32 to vector<16xi32>
        %gather3A = tpu.vector_load_idx %arg24[%broadcast_in_dim3A_710] : memref<128xf32, #tpu.memory_space<vmem>>[vector<16xi32>], vector<16xf32>,
        %get3A_711 = arith.index_cast %scan3A_709 : i32 to index
        %get3A_712 = arith.constant 0 : index
        %get3A_713 = tpu.vector_load %arg20[%get3A_711, %get3A_712] {strides = array<i32>} : memref<128x32xf32, #tpu.memory_space<vmem>>, vector<16xf32>,
        %mul3A_714 = arith.mulf %get3A_713, %gather3A : vector<16xf32>
        %swap3A_715 = arith.index_cast %scan3A_709 : i32 to index
        %swap3A_716 = arith.constant 0 : index
        %swap3A_717 = tpu.vector_load %arg20[%swap3A_715, %swap3A_716] {strides = array<i32>} : memref<128x32xf32, #tpu.memory_space<vmem>>, vector<16xf32>,
        tpu.vector_store %arg20[%swap3A_715, %swap3A_716], %mul3A_714 {strides = array<i32>} : memref<128x32xf32, #tpu.memory_space<vmem>>, vector<16xf32>,
        %get3A_718 = arith.index_cast %scan3A_709 : i32 to index
        %get3A_719 = arith.constant 16 : index
        %get3A_720 = tpu.vector_load %arg20[%get3A_718, %get3A_719] {strides = array<i32>} : memref<128x32xf32, #tpu.memory_space<vmem>>, vector<16xf32>,
        %mul3A_721 = arith.mulf %get3A_720, %gather3A : vector<16xf32>
        %swap3A_722 = arith.index_cast %scan3A_709 : i32 to index
        %swap3A_723 = arith.constant 16 : index
        %swap3A_724 = tpu.vector_load %arg20[%swap3A_722, %swap3A_723] {strides = array<i32>} : memref<128x32xf32, #tpu.memory_space<vmem>>, vector<16xf32>,
        tpu.vector_store %arg20[%swap3A_722, %swap3A_723], %mul3A_721 {strides = array<i32>} : memref<128x32xf32, #tpu.memory_space<vmem>>, vector<16xf32>,
        %scan3A_725 = arith.constant 1 : i32
        %scan3A_726 = arith.addi %scan3A_709, %scan3A_725 : i32
        %broadcast_in_dim3A_727 = vector.broadcast %scan3A_726 : i32 to vector<16xi32>
        %gather3A_728 = tpu.vector_load_idx %arg24[%broadcast_in_dim3A_727] : memref<128xf32, #tpu.memory_space<vmem>>[vector<16xi32>], vector<16xf32>,
        %get3A_729 = arith.index_cast %scan3A_726 : i32 to index
        %get3A_730 = arith.constant 0 : index
        %get3A_731 = tpu.vector_load %arg20[%get3A_729, %get3A_730] {strides = array<i32>} : memref<128x32xf32, #tpu.memory_space<vmem>>, vector<16xf32>,
        %mul3A_732 = arith.mulf %get3A_731, %gather3A_728 : vector<16xf32>
        %swap3A_733 = arith.index_cast %scan3A_726 : i32 to index
        %swap3A_734 = arith.constant 0 : index
        %swap3A_735 = tpu.vector_load %arg20[%swap3A_733, %swap3A_734] {strides = array<i32>} : memref<128x32xf32, #tpu.memory_space<vmem>>, vector<16xf32>,
        tpu.vector_store %arg20[%swap3A_733, %swap3A_734], %mul3A_732 {strides = array<i32>} : memref<128x32xf32, #tpu.memory_space<vmem>>, vector<16xf32>,
        %get3A_736 = arith.index_cast %scan3A_726 : i32 to index
        %get3A_737 = arith.constant 16 : index
        %get3A_738 = tpu.vector_load %arg20[%get3A_736, %get3A_737] {strides = array<i32>} : memref<128x32xf32, #tpu.memory_space<vmem>>, vector<16xf32>,
        %mul3A_739 = arith.mulf %get3A_738, %gather3A_728 : vector<16xf32>
        %swap3A_740 = arith.index_cast %scan3A_726 : i32 to index
        %swap3A_741 = arith.constant 16 : index
        %swap3A_742 = tpu.vector_load %arg20[%swap3A_740, %swap3A_741] {strides = array<i32>} : memref<128x32xf32, #tpu.memory_space<vmem>>, vector<16xf32>,
        tpu.vector_store %arg20[%swap3A_740, %swap3A_741], %mul3A_739 {strides = array<i32>} : memref<128x32xf32, #tpu.memory_space<vmem>>, vector<16xf32>,
        %scan3A_743 = arith.constant 2 : i32
        %scan3A_744 = arith.addi %scan3A_709, %scan3A_743 : i32
        %broadcast_in_dim3A_745 = vector.broadcast %scan3A_744 : i32 to vector<16xi32>
        %gather3A_746 = tpu.vector_load_idx %arg24[%broadcast_in_dim3A_745] : memref<128xf32, #tpu.memory_space<vmem>>[vector<16xi32>], vector<16xf32>,
        %get3A_747 = arith.index_cast %scan3A_744 : i32 to index
        %get3A_748 = arith.constant 0 : index
        %get3A_749 = tpu.vector_load %arg20[%get3A_747, %get3A_748] {strides = array<i32>} : memref<128x32xf32, #tpu.memory_space<vmem>>, vector<16xf32>,
        %mul3A_750 = arith.mulf %get3A_749, %gather3A_746 : vector<16xf32>
        %swap3A_751 = arith.index_cast %scan3A_744 : i32 to index
        %swap3A_752 = arith.constant 0 : index
        %swap3A_753 = tpu.vector_load %arg20[%swap3A_751, %swap3A_752] {strides = array<i32>} : memref<128x32xf32, #tpu.memory_space<vmem>>, vector<16xf32>,
        tpu.vector_store %arg20[%swap3A_751, %swap3A_752], %mul3A_750 {strides = array<i32>} : memref<128x32xf32, #tpu.memory_space<vmem>>, vector<16xf32>,
        %get3A_754 = arith.index_cast %scan3A_744 : i32 to index
        %get3A_755 = arith.constant 16 : index
        %get3A_756 = tpu.vector_load %arg20[%get3A_754, %get3A_755] {strides = array<i32>} : memref<128x32xf32, #tpu.memory_space<vmem>>, vector<16xf32>,
        %mul3A_757 = arith.mulf %get3A_756, %gather3A_746 : vector<16xf32>
        %swap3A_758 = arith.index_cast %scan3A_744 : i32 to index
        %swap3A_759 = arith.constant 16 : index
        %swap3A_760 = tpu.vector_load %arg20[%swap3A_758, %swap3A_759] {strides = array<i32>} : memref<128x32xf32, #tpu.memory_space<vmem>>, vector<16xf32>,
        tpu.vector_store %arg20[%swap3A_758, %swap3A_759], %mul3A_757 {strides = array<i32>} : memref<128x32xf32, #tpu.memory_space<vmem>>, vector<16xf32>,
        %scan3A_761 = arith.constant 3 : i32
        %scan3A_762 = arith.addi %scan3A_709, %scan3A_761 : i32
        %broadcast_in_dim3A_763 = vector.broadcast %scan3A_762 : i32 to vector<16xi32>
        %gather3A_764 = tpu.vector_load_idx %arg24[%broadcast_in_dim3A_763] : memref<128xf32, #tpu.memory_space<vmem>>[vector<16xi32>], vector<16xf32>,
        %get3A_765 = arith.index_cast %scan3A_762 : i32 to index
        %get3A_766 = arith.constant 0 : index
        %get3A_767 = tpu.vector_load %arg20[%get3A_765, %get3A_766] {strides = array<i32>} : memref<128x32xf32, #tpu.memory_space<vmem>>, vector<16xf32>,
        %mul3A_768 = arith.mulf %get3A_767, %gather3A_764 : vector<16xf32>
        %swap3A_769 = arith.index_cast %scan3A_762 : i32 to index
        %swap3A_770 = arith.constant 0 : index
        %swap3A_771 = tpu.vector_load %arg20[%swap3A_769, %swap3A_770] {strides = array<i32>} : memref<128x32xf32, #tpu.memory_space<vmem>>, vector<16xf32>,
        tpu.vector_store %arg20[%swap3A_769, %swap3A_770], %mul3A_768 {strides = array<i32>} : memref<128x32xf32, #tpu.memory_space<vmem>>, vector<16xf32>,
        %get3A_772 = arith.index_cast %scan3A_762 : i32 to index
        %get3A_773 = arith.constant 16 : index
        %get3A_774 = tpu.vector_load %arg20[%get3A_772, %get3A_773] {strides = array<i32>} : memref<128x32xf32, #tpu.memory_space<vmem>>, vector<16xf32>,
        %mul3A_775 = arith.mulf %get3A_774, %gather3A_764 : vector<16xf32>
        %swap3A_776 = arith.index_cast %scan3A_762 : i32 to index
        %swap3A_777 = arith.constant 16 : index
        %swap3A_778 = tpu.vector_load %arg20[%swap3A_776, %swap3A_777] {strides = array<i32>} : memref<128x32xf32, #tpu.memory_space<vmem>>, vector<16xf32>,
        tpu.vector_store %arg20[%swap3A_776, %swap3A_777], %mul3A_775 {strides = array<i32>} : memref<128x32xf32, #tpu.memory_space<vmem>>, vector<16xf32>,
        %scan3A_779 = arith.constant 4 : i32
        %scan3A_780 = arith.addi %scan3A_709, %scan3A_779 : i32
        %broadcast_in_dim3A_781 = vector.broadcast %scan3A_780 : i32 to vector<16xi32>
        %gather3A_782 = tpu.vector_load_idx %arg24[%broadcast_in_dim3A_781] : memref<128xf32, #tpu.memory_space<vmem>>[vector<16xi32>], vector<16xf32>,
        %get3A_783 = arith.index_cast %scan3A_780 : i32 to index
        %get3A_784 = arith.constant 0 : index
        %get3A_785 = tpu.vector_load %arg20[%get3A_783, %get3A_784] {strides = array<i32>} : memref<128x32xf32, #tpu.memory_space<vmem>>, vector<16xf32>,
        %mul3A_786 = arith.mulf %get3A_785, %gather3A_782 : vector<16xf32>
        %swap3A_787 = arith.index_cast %scan3A_780 : i32 to index
        %swap3A_788 = arith.constant 0 : index
        %swap3A_789 = tpu.vector_load %arg20[%swap3A_787, %swap3A_788] {strides = array<i32>} : memref<128x32xf32, #tpu.memory_space<vmem>>, vector<16xf32>,
        tpu.vector_store %arg20[%swap3A_787, %swap3A_788], %mul3A_786 {strides = array<i32>} : memref<128x32xf32, #tpu.memory_space<vmem>>, vector<16xf32>,
        %get3A_790 = arith.index_cast %scan3A_780 : i32 to index
        %get3A_791 = arith.constant 16 : index
        %get3A_792 = tpu.vector_load %arg20[%get3A_790, %get3A_791] {strides = array<i32>} : memref<128x32xf32, #tpu.memory_space<vmem>>, vector<16xf32>,
        %mul3A_793 = arith.mulf %get3A_792, %gather3A_782 : vector<16xf32>
        %swap3A_794 = arith.index_cast %scan3A_780 : i32 to index
        %swap3A_795 = arith.constant 16 : index
        %swap3A_796 = tpu.vector_load %arg20[%swap3A_794, %swap3A_795] {strides = array<i32>} : memref<128x32xf32, #tpu.memory_space<vmem>>, vector<16xf32>,
        tpu.vector_store %arg20[%swap3A_794, %swap3A_795], %mul3A_793 {strides = array<i32>} : memref<128x32xf32, #tpu.memory_space<vmem>>, vector<16xf32>,
        %scan3A_797 = arith.constant 5 : i32
        %scan3A_798 = arith.addi %scan3A_709, %scan3A_797 : i32
        %broadcast_in_dim3A_799 = vector.broadcast %scan3A_798 : i32 to vector<16xi32>
        %gather3A_800 = tpu.vector_load_idx %arg24[%broadcast_in_dim3A_799] : memref<128xf32, #tpu.memory_space<vmem>>[vector<16xi32>], vector<16xf32>,
        %get3A_801 = arith.index_cast %scan3A_798 : i32 to index
        %get3A_802 = arith.constant 0 : index
        %get3A_803 = tpu.vector_load %arg20[%get3A_801, %get3A_802] {strides = array<i32>} : memref<128x32xf32, #tpu.memory_space<vmem>>, vector<16xf32>,
        %mul3A_804 = arith.mulf %get3A_803, %gather3A_800 : vector<16xf32>
        %swap3A_805 = arith.index_cast %scan3A_798 : i32 to index
        %swap3A_806 = arith.constant 0 : index
        %swap3A_807 = tpu.vector_load %arg20[%swap3A_805, %swap3A_806] {strides = array<i32>} : memref<128x32xf32, #tpu.memory_space<vmem>>, vector<16xf32>,
        tpu.vector_store %arg20[%swap3A_805, %swap3A_806], %mul3A_804 {strides = array<i32>} : memref<128x32xf32, #tpu.memory_space<vmem>>, vector<16xf32>,
        %get3A_808 = arith.index_cast %scan3A_798 : i32 to index
        %get3A_809 = arith.constant 16 : index
        %get3A_810 = tpu.vector_load %arg20[%get3A_808, %get3A_809] {strides = array<i32>} : memref<128x32xf32, #tpu.memory_space<vmem>>, vector<16xf32>,
        %mul3A_811 = arith.mulf %get3A_810, %gather3A_800 : vector<16xf32>
        %swap3A_812 = arith.index_cast %scan3A_798 : i32 to index
        %swap3A_813 = arith.constant 16 : index
        %swap3A_814 = tpu.vector_load %arg20[%swap3A_812, %swap3A_813] {strides = array<i32>} : memref<128x32xf32, #tpu.memory_space<vmem>>, vector<16xf32>,
        tpu.vector_store %arg20[%swap3A_812, %swap3A_813], %mul3A_811 {strides = array<i32>} : memref<128x32xf32, #tpu.memory_space<vmem>>, vector<16xf32>,
        %scan3A_815 = arith.constant 6 : i32
        %scan3A_816 = arith.addi %scan3A_709, %scan3A_815 : i32
        %broadcast_in_dim3A_817 = vector.broadcast %scan3A_816 : i32 to vector<16xi32>
        %gather3A_818 = tpu.vector_load_idx %arg24[%broadcast_in_dim3A_817] : memref<128xf32, #tpu.memory_space<vmem>>[vector<16xi32>], vector<16xf32>,
        %get3A_819 = arith.index_cast %scan3A_816 : i32 to index
        %get3A_820 = arith.constant 0 : index
        %get3A_821 = tpu.vector_load %arg20[%get3A_819, %get3A_820] {strides = array<i32>} : memref<128x32xf32, #tpu.memory_space<vmem>>, vector<16xf32>,
        %mul3A_822 = arith.mulf %get3A_821, %gather3A_818 : vector<16xf32>
        %swap3A_823 = arith.index_cast %scan3A_816 : i32 to index
        %swap3A_824 = arith.constant 0 : index
        %swap3A_825 = tpu.vector_load %arg20[%swap3A_823, %swap3A_824] {strides = array<i32>} : memref<128x32xf32, #tpu.memory_space<vmem>>, vector<16xf32>,
        tpu.vector_store %arg20[%swap3A_823, %swap3A_824], %mul3A_822 {strides = array<i32>} : memref<128x32xf32, #tpu.memory_space<vmem>>, vector<16xf32>,
        %get3A_826 = arith.index_cast %scan3A_816 : i32 to index
        %get3A_827 = arith.constant 16 : index
        %get3A_828 = tpu.vector_load %arg20[%get3A_826, %get3A_827] {strides = array<i32>} : memref<128x32xf32, #tpu.memory_space<vmem>>, vector<16xf32>,
        %mul3A_829 = arith.mulf %get3A_828, %gather3A_818 : vector<16xf32>
        %swap3A_830 = arith.index_cast %scan3A_816 : i32 to index
        %swap3A_831 = arith.constant 16 : index
        %swap3A_832 = tpu.vector_load %arg20[%swap3A_830, %swap3A_831] {strides = array<i32>} : memref<128x32xf32, #tpu.memory_space<vmem>>, vector<16xf32>,
        tpu.vector_store %arg20[%swap3A_830, %swap3A_831], %mul3A_829 {strides = array<i32>} : memref<128x32xf32, #tpu.memory_space<vmem>>, vector<16xf32>,
        %scan3A_833 = arith.constant 7 : i32
        %scan3A_834 = arith.addi %scan3A_709, %scan3A_833 : i32
        %broadcast_in_dim3A_835 = vector.broadcast %scan3A_834 : i32 to vector<16xi32>
        %gather3A_836 = tpu.vector_load_idx %arg24[%broadcast_in_dim3A_835] : memref<128xf32, #tpu.memory_space<vmem>>[vector<16xi32>], vector<16xf32>,
        %get3A_837 = arith.index_cast %scan3A_834 : i32 to index
        %get3A_838 = arith.constant 0 : index
        %get3A_839 = tpu.vector_load %arg20[%get3A_837, %get3A_838] {strides = array<i32>} : memref<128x32xf32, #tpu.memory_space<vmem>>, vector<16xf32>,
        %mul3A_840 = arith.mulf %get3A_839, %gather3A_836 : vector<16xf32>
        %swap3A_841 = arith.index_cast %scan3A_834 : i32 to index
        %swap3A_842 = arith.constant 0 : index
        %swap3A_843 = tpu.vector_load %arg20[%swap3A_841, %swap3A_842] {strides = array<i32>} : memref<128x32xf32, #tpu.memory_space<vmem>>, vector<16xf32>,
        tpu.vector_store %arg20[%swap3A_841, %swap3A_842], %mul3A_840 {strides = array<i32>} : memref<128x32xf32, #tpu.memory_space<vmem>>, vector<16xf32>,
        %get3A_844 = arith.index_cast %scan3A_834 : i32 to index
        %get3A_845 = arith.constant 16 : index
        %get3A_846 = tpu.vector_load %arg20[%get3A_844, %get3A_845] {strides = array<i32>} : memref<128x32xf32, #tpu.memory_space<vmem>>, vector<16xf32>,
        %mul3A_847 = arith.mulf %get3A_846, %gather3A_836 : vector<16xf32>
        %swap3A_848 = arith.index_cast %scan3A_834 : i32 to index
        %swap3A_849 = arith.constant 16 : index
        %swap3A_850 = tpu.vector_load %arg20[%swap3A_848, %swap3A_849] {strides = array<i32>} : memref<128x32xf32, #tpu.memory_space<vmem>>, vector<16xf32>,
        tpu.vector_store %arg20[%swap3A_848, %swap3A_849], %mul3A_847 {strides = array<i32>} : memref<128x32xf32, #tpu.memory_space<vmem>>, vector<16xf32>,
      }
      %scan3A_689 = arith.constant 128 : i32
      %dma_wait3A_690 = arith.constant 0 : i32
      %dma_wait3A_691 = tpu.memref_slice %arg2[%dma_wait3A_690] : memref<819200xi32, #tpu.memory_space<hbm>> -> memref<128xi32, #tpu.memory_space<hbm>>
      %dma_wait3A_692 = arith.constant 0 : i32
      %dma_wait3A_693 = tpu.memref_slice %arg2[%dma_wait3A_692] : memref<819200xi32, #tpu.memory_space<hbm>> -> memref<128xi32, #tpu.memory_space<hbm>>
      tpu.wait_dma2 semaphore(%arg31 : memref<!tpu.dma_semaphore, #tpu.memory_space<semaphore_mem>>) src(%dma_wait3A_693 : memref<128xi32, #tpu.memory_space<hbm>>) dst(%arg13 : memref<128xi32, #tpu.memory_space<vmem>>)
      %dma_wait3A_694 = arith.constant 0 : i32
      %dma_wait3A_695 = tpu.memref_slice %arg3[%dma_wait3A_694] : memref<819200xi32, #tpu.memory_space<hbm>> -> memref<128xi32, #tpu.memory_space<hbm>>
      %dma_wait3A_696 = arith.constant 0 : i32
      %dma_wait3A_697 = tpu.memref_slice %arg3[%dma_wait3A_696] : memref<819200xi32, #tpu.memory_space<hbm>> -> memref<128xi32, #tpu.memory_space<hbm>>
      tpu.wait_dma2 semaphore(%arg31 : memref<!tpu.dma_semaphore, #tpu.memory_space<semaphore_mem>>) src(%dma_wait3A_697 : memref<128xi32, #tpu.memory_space<hbm>>) dst(%arg14 : memref<128xi32, #tpu.memory_space<vmem>>)
      %dma_wait3A_698 = arith.constant 0 : i32
      %dma_wait3A_699 = tpu.memref_slice %arg4[%dma_wait3A_698] : memref<819200xf32, #tpu.memory_space<hbm>> -> memref<128xf32, #tpu.memory_space<hbm>>
      %dma_wait3A_700 = arith.constant 0 : i32
      %dma_wait3A_701 = tpu.memref_slice %arg4[%dma_wait3A_700] : memref<819200xf32, #tpu.memory_space<hbm>> -> memref<128xf32, #tpu.memory_space<hbm>>
      tpu.wait_dma2 semaphore(%arg31 : memref<!tpu.dma_semaphore, #tpu.memory_space<semaphore_mem>>) src(%dma_wait3A_701 : memref<128xf32, #tpu.memory_space<hbm>>) dst(%arg15 : memref<128xf32, #tpu.memory_space<vmem>>)
      %dma_start3A_702 = arith.constant 0 : i32
      %dma_start3A_703 = arith.constant 0 : i32
      %dma_start3A_704 = tpu.memref_slice %arg7[%dma_start3A_702, %dma_start3A_703] : memref<50176x32xf32, #tpu.memory_space<hbm>> -> memref<50176x32xf32, #tpu.memory_space<hbm>>
      tpu.enqueue_indirect_dma source(%dma_start3A_704 : memref<50176x32xf32, #tpu.memory_space<hbm>>) target(%arg12 : memref<128x32xf32, #tpu.memory_space<vmem>>) offsets(%arg13 : memref<128xi32, #tpu.memory_space<vmem>>) semaphore(%arg33 : memref<!tpu.dma_semaphore, #tpu.memory_space<semaphore_mem>>)
      %dma_start3A_705 = arith.constant 0 : i32
      %dma_start3A_706 = tpu.memref_slice %arg5[%dma_start3A_705] : memref<50176xf32, #tpu.memory_space<hbm>> -> memref<50176xf32, #tpu.memory_space<hbm>>
      tpu.enqueue_indirect_dma source(%dma_start3A_706 : memref<50176xf32, #tpu.memory_space<hbm>>) target(%arg18 : memref<128xf32, #tpu.memory_space<vmem>>) offsets(%arg13 : memref<128xi32, #tpu.memory_space<vmem>>) semaphore(%arg33 : memref<!tpu.dma_semaphore, #tpu.memory_space<semaphore_mem>>)
      %dma_start3A_707 = arith.constant 0 : i32
      %dma_start3A_708 = tpu.memref_slice %arg6[%dma_start3A_707] : memref<50176xf32, #tpu.memory_space<hbm>> -> memref<50176xf32, #tpu.memory_space<hbm>>
      tpu.enqueue_indirect_dma source(%dma_start3A_708 : memref<50176xf32, #tpu.memory_space<hbm>>) target(%arg19 : memref<128xf32, #tpu.memory_space<vmem>>) offsets(%arg14 : memref<128xi32, #tpu.memory_space<vmem>>) semaphore(%arg33 : memref<!tpu.dma_semaphore, #tpu.memory_space<semaphore_mem>>)
      "tpu.region"() ({
        %run_scoped3A = tpu.sem_alloc : memref<!tpu.dma_semaphore, #tpu.memory_space<semaphore_mem>>
        %dma_start3A_709 = arith.constant 0 : i32
        %dma_start3A_710 = arith.constant 0 : i32
        %dma_start3A_711 = tpu.memref_slice %arg27[%dma_start3A_709, %dma_start3A_710] : memref<50176x32xf32, #tpu.memory_space<vmem_shared>> -> memref<50176x32xf32, #tpu.memory_space<vmem_shared>>
        tpu.enqueue_indirect_dma source(%arg20 : memref<128x32xf32, #tpu.memory_space<vmem>>) target(%dma_start3A_711 : memref<50176x32xf32, #tpu.memory_space<vmem_shared>>) offsets(%arg22 : memref<128xi32, #tpu.memory_space<vmem>>) semaphore(%run_scoped3A : memref<!tpu.dma_semaphore, #tpu.memory_space<semaphore_mem>>) {add = true}
        %dma_wait3A_712 = arith.constant 0 : i32
        %dma_wait3A_713 = arith.constant 0 : i32
        %dma_wait3A_714 = tpu.memref_slice %arg27[%dma_wait3A_712, %dma_wait3A_713] : memref<50176x32xf32, #tpu.memory_space<vmem_shared>> -> memref<50176x32xf32, #tpu.memory_space<vmem_shared>>
        tpu.wait_indirect_dma semaphore(%run_scoped3A : memref<!tpu.dma_semaphore, #tpu.memory_space<semaphore_mem>>) src(%arg20 : memref<128x32xf32, #tpu.memory_space<vmem>>) dst(%dma_wait3A_714 : memref<50176x32xf32, #tpu.memory_space<vmem_shared>>)
        tpu.yield
      }) : () -> ()
      "tpu.region"() ({
        %run_scoped3A = tpu.sem_alloc : memref<!tpu.dma_semaphore, #tpu.memory_space<semaphore_mem>>
        %dma_start3A_709 = arith.constant 0 : i32
        %dma_start3A_710 = tpu.memref_slice %arg28[%dma_start3A_709] : memref<50176xf32, #tpu.memory_space<vmem_shared>> -> memref<50176xf32, #tpu.memory_space<vmem_shared>>
        tpu.enqueue_indirect_dma source(%arg24 : memref<128xf32, #tpu.memory_space<vmem>>) target(%dma_start3A_710 : memref<50176xf32, #tpu.memory_space<vmem_shared>>) offsets(%arg22 : memref<128xi32, #tpu.memory_space<vmem>>) semaphore(%run_scoped3A : memref<!tpu.dma_semaphore, #tpu.memory_space<semaphore_mem>>) {add = true}
        %dma_wait3A_711 = arith.constant 0 : i32
        %dma_wait3A_712 = tpu.memref_slice %arg28[%dma_wait3A_711] : memref<50176xf32, #tpu.memory_space<vmem_shared>> -> memref<50176xf32, #tpu.memory_space<vmem_shared>>
        tpu.wait_indirect_dma semaphore(%run_scoped3A : memref<!tpu.dma_semaphore, #tpu.memory_space<semaphore_mem>>) src(%arg24 : memref<128xf32, #tpu.memory_space<vmem>>) dst(%dma_wait3A_712 : memref<50176xf32, #tpu.memory_space<vmem_shared>>)
        tpu.yield
      }) : () -> ()
      "tpu.region"() ({
        %run_scoped3A = tpu.sem_alloc : memref<!tpu.dma_semaphore, #tpu.memory_space<semaphore_mem>>
        %dma_start3A_709 = arith.constant 0 : i32
        %dma_start3A_710 = tpu.memref_slice %arg29[%dma_start3A_709] : memref<50176xf32, #tpu.memory_space<vmem_shared>> -> memref<50176xf32, #tpu.memory_space<vmem_shared>>
        tpu.enqueue_indirect_dma source(%arg17 : memref<128xf32, #tpu.memory_space<vmem>>) target(%dma_start3A_710 : memref<50176xf32, #tpu.memory_space<vmem_shared>>) offsets(%arg22 : memref<128xi32, #tpu.memory_space<vmem>>) semaphore(%run_scoped3A : memref<!tpu.dma_semaphore, #tpu.memory_space<semaphore_mem>>) {add = true}
        %dma_wait3A_711 = arith.constant 0 : i32
        %dma_wait3A_712 = tpu.memref_slice %arg29[%dma_wait3A_711] : memref<50176xf32, #tpu.memory_space<vmem_shared>> -> memref<50176xf32, #tpu.memory_space<vmem_shared>>
        tpu.wait_indirect_dma semaphore(%run_scoped3A : memref<!tpu.dma_semaphore, #tpu.memory_space<semaphore_mem>>) src(%arg17 : memref<128xf32, #tpu.memory_space<vmem>>) dst(%dma_wait3A_712 : memref<50176xf32, #tpu.memory_space<vmem_shared>>)
        tpu.yield
      }) : () -> ()
      "tpu.region"() ({
        %run_scoped3A = tpu.sem_alloc : memref<!tpu.dma_semaphore, #tpu.memory_space<semaphore_mem>>
        %dma_start3A_709 = arith.constant 0 : i32
        %dma_start3A_710 = tpu.memref_slice %arg30[%dma_start3A_709] : memref<50176xf32, #tpu.memory_space<vmem_shared>> -> memref<50176xf32, #tpu.memory_space<vmem_shared>>
        tpu.enqueue_indirect_dma source(%arg23 : memref<128xf32, #tpu.memory_space<vmem>>) target(%dma_start3A_710 : memref<50176xf32, #tpu.memory_space<vmem_shared>>) offsets(%arg22 : memref<128xi32, #tpu.memory_space<vmem>>) semaphore(%run_scoped3A : memref<!tpu.dma_semaphore, #tpu.memory_space<semaphore_mem>>) {add = true}
        %dma_wait3A_711 = arith.constant 0 : i32
        %dma_wait3A_712 = tpu.memref_slice %arg30[%dma_wait3A_711] : memref<50176xf32, #tpu.memory_space<vmem_shared>> -> memref<50176xf32, #tpu.memory_space<vmem_shared>>
        tpu.wait_indirect_dma semaphore(%run_scoped3A : memref<!tpu.dma_semaphore, #tpu.memory_space<semaphore_mem>>) src(%arg23 : memref<128xf32, #tpu.memory_space<vmem>>) dst(%dma_wait3A_712 : memref<50176xf32, #tpu.memory_space<vmem_shared>>)
        tpu.yield
      }) : () -> ()
    }
    %scan3A_243 = arith.constant 100 : i32
    %dma_wait3A_244 = arith.constant 0 : i32
    %dma_wait3A_245 = arith.constant 0 : i32
    %dma_wait3A_246 = tpu.memref_slice %arg7[%dma_wait3A_244, %dma_wait3A_245] : memref<50176x32xf32, #tpu.memory_space<hbm>> -> memref<128x32xf32, #tpu.memory_space<hbm>>
    %dma_wait3A_247 = arith.constant 0 : i32
    %dma_wait3A_248 = arith.constant 0 : i32
    %dma_wait3A_249 = tpu.memref_slice %arg7[%dma_wait3A_247, %dma_wait3A_248] : memref<50176x32xf32, #tpu.memory_space<hbm>> -> memref<128x32xf32, #tpu.memory_space<hbm>>
    tpu.wait_dma2 semaphore(%arg33 : memref<!tpu.dma_semaphore, #tpu.memory_space<semaphore_mem>>) src(%dma_wait3A_249 : memref<128x32xf32, #tpu.memory_space<hbm>>) dst(%arg12 : memref<128x32xf32, #tpu.memory_space<vmem>>)
    %dma_wait3A_250 = arith.constant 0 : i32
    %dma_wait3A_251 = tpu.memref_slice %arg5[%dma_wait3A_250] : memref<50176xf32, #tpu.memory_space<hbm>> -> memref<128xf32, #tpu.memory_space<hbm>>
    %dma_wait3A_252 = arith.constant 0 : i32
    %dma_wait3A_253 = tpu.memref_slice %arg5[%dma_wait3A_252] : memref<50176xf32, #tpu.memory_space<hbm>> -> memref<128xf32, #tpu.memory_space<hbm>>
    tpu.wait_dma2 semaphore(%arg33 : memref<!tpu.dma_semaphore, #tpu.memory_space<semaphore_mem>>) src(%dma_wait3A_253 : memref<128xf32, #tpu.memory_space<hbm>>) dst(%arg18 : memref<128xf32, #tpu.memory_space<vmem>>)
    %dma_wait3A_254 = arith.constant 0 : i32
    %dma_wait3A_255 = tpu.memref_slice %arg6[%dma_wait3A_254] : memref<50176xf32, #tpu.memory_space<hbm>> -> memref<128xf32, #tpu.memory_space<hbm>>
    %dma_wait3A_256 = arith.constant 0 : i32
    %dma_wait3A_257 = tpu.memref_slice %arg6[%dma_wait3A_256] : memref<50176xf32, #tpu.memory_space<hbm>> -> memref<128xf32, #tpu.memory_space<hbm>>
    tpu.wait_dma2 semaphore(%arg33 : memref<!tpu.dma_semaphore, #tpu.memory_space<semaphore_mem>>) src(%dma_wait3A_257 : memref<128xf32, #tpu.memory_space<hbm>>) dst(%arg19 : memref<128xf32, #tpu.memory_space<vmem>>)
    %barrier3A_258 = arith.constant 0 : index
    tpu.barrier barrier_id(%barrier3A_258)
    %mul3A_259 = arith.constant 50176 : i32
    %mul3A_260 = arith.muli %arg0, %mul3A_259 : i32
    %add3A_261 = arith.addi %mul3A_260, %mul3A_14 : i32
    "tpu.region"() ({
      %run_scoped3A = tpu.sem_alloc : memref<!tpu.dma_semaphore, #tpu.memory_space<semaphore_mem>>
      %dma_start3A_262 = arith.constant 0 : i32
      %dma_start3A_263 = tpu.memref_slice %arg8[%add3A_261, %dma_start3A_262] : memref<100352x32xf32, #tpu.memory_space<hbm>> -> memref<3136x32xf32, #tpu.memory_space<hbm>>
      %dma_start3A_264 = arith.constant 0 : i32
      %dma_start3A_265 = tpu.memref_slice %arg27[%mul3A_14, %dma_start3A_264] : memref<50176x32xf32, #tpu.memory_space<vmem_shared>> -> memref<3136x32xf32, #tpu.memory_space<vmem_shared>>
      tpu.enqueue_dma source(%dma_start3A_265 : memref<3136x32xf32, #tpu.memory_space<vmem_shared>>) target(%dma_start3A_263 : memref<3136x32xf32, #tpu.memory_space<hbm>>) target_semaphore(%run_scoped3A : memref<!tpu.dma_semaphore, #tpu.memory_space<semaphore_mem>>)
      %dma_wait3A_266 = arith.constant 0 : i32
      %dma_wait3A_267 = tpu.memref_slice %arg8[%add3A_261, %dma_wait3A_266] : memref<100352x32xf32, #tpu.memory_space<hbm>> -> memref<3136x32xf32, #tpu.memory_space<hbm>>
      %dma_wait3A_268 = arith.constant 0 : i32
      %dma_wait3A_269 = tpu.memref_slice %arg27[%mul3A_14, %dma_wait3A_268] : memref<50176x32xf32, #tpu.memory_space<vmem_shared>> -> memref<3136x32xf32, #tpu.memory_space<vmem_shared>>
      tpu.wait_dma2 semaphore(%run_scoped3A : memref<!tpu.dma_semaphore, #tpu.memory_space<semaphore_mem>>) src(%dma_wait3A_269 : memref<3136x32xf32, #tpu.memory_space<vmem_shared>>) dst(%dma_wait3A_267 : memref<3136x32xf32, #tpu.memory_space<hbm>>)
      tpu.yield
    }) : () -> ()
    "tpu.region"() ({
      %run_scoped3A = tpu.sem_alloc : memref<!tpu.dma_semaphore, #tpu.memory_space<semaphore_mem>>
      %dma_start3A_262 = tpu.memref_slice %arg9[%add3A_261] : memref<100352xf32, #tpu.memory_space<hbm>> -> memref<3136xf32, #tpu.memory_space<hbm>>
      %dma_start3A_263 = tpu.memref_slice %arg28[%mul3A_14] : memref<50176xf32, #tpu.memory_space<vmem_shared>> -> memref<3136xf32, #tpu.memory_space<vmem_shared>>
      tpu.enqueue_dma source(%dma_start3A_263 : memref<3136xf32, #tpu.memory_space<vmem_shared>>) target(%dma_start3A_262 : memref<3136xf32, #tpu.memory_space<hbm>>) target_semaphore(%run_scoped3A : memref<!tpu.dma_semaphore, #tpu.memory_space<semaphore_mem>>)
      %dma_wait3A_264 = tpu.memref_slice %arg9[%add3A_261] : memref<100352xf32, #tpu.memory_space<hbm>> -> memref<3136xf32, #tpu.memory_space<hbm>>
      %dma_wait3A_265 = tpu.memref_slice %arg28[%mul3A_14] : memref<50176xf32, #tpu.memory_space<vmem_shared>> -> memref<3136xf32, #tpu.memory_space<vmem_shared>>
      tpu.wait_dma2 semaphore(%run_scoped3A : memref<!tpu.dma_semaphore, #tpu.memory_space<semaphore_mem>>) src(%dma_wait3A_265 : memref<3136xf32, #tpu.memory_space<vmem_shared>>) dst(%dma_wait3A_264 : memref<3136xf32, #tpu.memory_space<hbm>>)
      tpu.yield
    }) : () -> ()
    "tpu.region"() ({
      %run_scoped3A = tpu.sem_alloc : memref<!tpu.dma_semaphore, #tpu.memory_space<semaphore_mem>>
      %dma_start3A_262 = tpu.memref_slice %arg10[%add3A_261] : memref<100352xf32, #tpu.memory_space<hbm>> -> memref<3136xf32, #tpu.memory_space<hbm>>
      %dma_start3A_263 = tpu.memref_slice %arg29[%mul3A_14] : memref<50176xf32, #tpu.memory_space<vmem_shared>> -> memref<3136xf32, #tpu.memory_space<vmem_shared>>
      tpu.enqueue_dma source(%dma_start3A_263 : memref<3136xf32, #tpu.memory_space<vmem_shared>>) target(%dma_start3A_262 : memref<3136xf32, #tpu.memory_space<hbm>>) target_semaphore(%run_scoped3A : memref<!tpu.dma_semaphore, #tpu.memory_space<semaphore_mem>>)
      %dma_wait3A_264 = tpu.memref_slice %arg10[%add3A_261] : memref<100352xf32, #tpu.memory_space<hbm>> -> memref<3136xf32, #tpu.memory_space<hbm>>
      %dma_wait3A_265 = tpu.memref_slice %arg29[%mul3A_14] : memref<50176xf32, #tpu.memory_space<vmem_shared>> -> memref<3136xf32, #tpu.memory_space<vmem_shared>>
      tpu.wait_dma2 semaphore(%run_scoped3A : memref<!tpu.dma_semaphore, #tpu.memory_space<semaphore_mem>>) src(%dma_wait3A_265 : memref<3136xf32, #tpu.memory_space<vmem_shared>>) dst(%dma_wait3A_264 : memref<3136xf32, #tpu.memory_space<hbm>>)
      tpu.yield
    }) : () -> ()
    "tpu.region"() ({
      %run_scoped3A = tpu.sem_alloc : memref<!tpu.dma_semaphore, #tpu.memory_space<semaphore_mem>>
      %dma_start3A_262 = tpu.memref_slice %arg11[%add3A_261] : memref<100352xf32, #tpu.memory_space<hbm>> -> memref<3136xf32, #tpu.memory_space<hbm>>
      %dma_start3A_263 = tpu.memref_slice %arg30[%mul3A_14] : memref<50176xf32, #tpu.memory_space<vmem_shared>> -> memref<3136xf32, #tpu.memory_space<vmem_shared>>
      tpu.enqueue_dma source(%dma_start3A_263 : memref<3136xf32, #tpu.memory_space<vmem_shared>>) target(%dma_start3A_262 : memref<3136xf32, #tpu.memory_space<hbm>>) target_semaphore(%run_scoped3A : memref<!tpu.dma_semaphore, #tpu.memory_space<semaphore_mem>>)
      %dma_wait3A_264 = tpu.memref_slice %arg11[%add3A_261] : memref<100352xf32, #tpu.memory_space<hbm>> -> memref<3136xf32, #tpu.memory_space<hbm>>
      %dma_wait3A_265 = tpu.memref_slice %arg30[%mul3A_14] : memref<50176xf32, #tpu.memory_space<vmem_shared>> -> memref<3136xf32, #tpu.memory_space<vmem_shared>>
      tpu.wait_dma2 semaphore(%run_scoped3A : memref<!tpu.dma_semaphore, #tpu.memory_space<semaphore_mem>>) src(%dma_wait3A_265 : memref<3136xf32, #tpu.memory_space<vmem_shared>>) dst(%dma_wait3A_264 : memref<3136xf32, #tpu.memory_space<hbm>>)
      tpu.yield
    }) : () -> ()
    return
  }
}

module attributes {stable_mosaic.version = 14 : i64} {
  func.func @_mm_body(%arg0: i32, %arg1: memref<400x503xf32, #tpu.memory_space<vmem>>, %arg2: memref<503x128xf32, #tpu.memory_space<vmem>>, %arg3: memref<400x128xf32, #tpu.memory_space<vmem>>) attributes {dimension_semantics = [#tpu.dimension_semantics<arbitrary>], iteration_bounds = array<i64: 125>, scalar_prefetch = 0 : i64, scratch_operands = 0 : i64, tpu.core_type = #tpu.core_type<tc>, window_params = [{transform_indices = @transform_0, window_bounds = array<i64: 400, 503>}, {pipeline_mode = #tpu.pipeline_mode<synchronous>, transform_indices = @transform_1, window_bounds = array<i64: 503, 128>}, {transform_indices = @transform_2, window_bounds = array<i64: 400, 128>}]} {
    %get3A = arith.constant 0 : index
    %get3A_0 = arith.constant 0 : index
    %get3A_1 = vector.load %arg1[%get3A, %get3A_0] : memref<400x503xf32, #tpu.memory_space<vmem>>, vector<400x503xf32>
    %get3A_2 = arith.constant 0 : index
    %get3A_3 = arith.constant 0 : index
    %get3A_4 = vector.load %arg2[%get3A_2, %get3A_3] : memref<503x128xf32, #tpu.memory_space<vmem>>, vector<503x128xf32>
    %dot_general3A = arith.constant dense<0.000000e+00> : vector<400x128xf32>
    %dot_general3A_5 = tpu.matmul %get3A_1, %get3A_4, %dot_general3A {dimension_numbers = #tpu.dot_dimension_numbers<[1], [0], [0], [1], [0, 0, 1, 1], [], []>, precision = #tpu.contract_precision<fp32>, transpose_lhs_hint = false} : vector<400x503xf32>, vector<503x128xf32>, vector<400x128xf32> -> vector<400x128xf32>
    %swap3A = arith.constant 0 : index
    %swap3A_6 = arith.constant 0 : index
    %swap3A_7 = vector.load %arg3[%swap3A, %swap3A_6] : memref<400x128xf32, #tpu.memory_space<vmem>>, vector<400x128xf32>
    tpu.vector_store %arg3[%swap3A, %swap3A_6], %dot_general3A_5 {strides = array<i32>} : memref<400x128xf32, #tpu.memory_space<vmem>>, vector<400x128xf32>,
    return
  }
  func.func @transform_0(%arg0: i32) -> (i32, i32) {
    %c0_i32 = arith.constant 0 : i32
    %c0_i32_0 = arith.constant 0 : i32
    return %arg0, %c0_i32 : i32, i32
  }
  func.func @transform_1(%arg0: i32) -> (i32, i32) {
    %c0_i32 = arith.constant 0 : i32
    %c0_i32_0 = arith.constant 0 : i32
    %c0_i32_1 = arith.constant 0 : i32
    return %c0_i32, %c0_i32_0 : i32, i32
  }
  func.func @transform_2(%arg0: i32) -> (i32, i32) {
    %c0_i32 = arith.constant 0 : i32
    %c0_i32_0 = arith.constant 0 : i32
    return %arg0, %c0_i32 : i32, i32
  }
}

module attributes {stable_mosaic.version = 14 : i64} {
  func.func @_epilogue_body(%arg0: i32, %arg1: memref<2x512x32xf32, #tpu.memory_space<vmem>>, %arg2: memref<512x8xf32, #tpu.memory_space<vmem>>, %arg3: memref<512x32xf32, #tpu.memory_space<vmem>>, %arg4: memref<512x1xf32, #tpu.memory_space<vmem>>, %arg5: memref<4x32xf32, #tpu.memory_space<vmem>>, %arg6: memref<512x1xf32, #tpu.memory_space<vmem>>, %arg7: memref<512x1xf32, #tpu.memory_space<vmem>>) attributes {dimension_semantics = [#tpu.dimension_semantics<arbitrary>], iteration_bounds = array<i64: 98>, scalar_prefetch = 0 : i64, scratch_operands = 0 : i64, tpu.core_type = #tpu.core_type<tc>, window_params = [{transform_indices = @transform_0, window_bounds = array<i64: 2, 512, 32>}, {transform_indices = @transform_1, window_bounds = array<i64: 512, 8>}, {transform_indices = @transform_2, window_bounds = array<i64: 512, 32>}, {transform_indices = @transform_3, window_bounds = array<i64: 512, 1>}, {pipeline_mode = #tpu.pipeline_mode<synchronous>, transform_indices = @transform_4, window_bounds = array<i64: 4, 32>}, {transform_indices = @transform_5, window_bounds = array<i64: 512, 1>}, {transform_indices = @transform_6, window_bounds = array<i64: 512, 1>}]} {
    %get3A = arith.constant 0 : index
    %get3A_0 = arith.constant 0 : index
    %get3A_1 = vector.load %arg2[%get3A, %get3A_0] : memref<512x8xf32, #tpu.memory_space<vmem>>, vector<512x8xf32>
    %slice3A = vector.extract_strided_slice %get3A_1 {offsets = [0, 0], sizes = [512, 1], strides = [1, 1]} : vector<512x8xf32> to vector<512x1xf32>
    %slice3A_2 = vector.extract_strided_slice %get3A_1 {offsets = [0, 1], sizes = [512, 1], strides = [1, 1]} : vector<512x8xf32> to vector<512x1xf32>
    %add3A = arith.addf %slice3A, %slice3A_2 : vector<512x1xf32>
    %slice3A_3 = vector.extract_strided_slice %get3A_1 {offsets = [0, 2], sizes = [512, 1], strides = [1, 1]} : vector<512x8xf32> to vector<512x1xf32>
    %slice3A_4 = vector.extract_strided_slice %get3A_1 {offsets = [0, 3], sizes = [512, 1], strides = [1, 1]} : vector<512x8xf32> to vector<512x1xf32>
    %add3A_5 = arith.addf %slice3A_3, %slice3A_4 : vector<512x1xf32>
    %slice3A_6 = vector.extract_strided_slice %get3A_1 {offsets = [0, 4], sizes = [512, 1], strides = [1, 1]} : vector<512x8xf32> to vector<512x1xf32>
    %slice3A_7 = vector.extract_strided_slice %get3A_1 {offsets = [0, 5], sizes = [512, 1], strides = [1, 1]} : vector<512x8xf32> to vector<512x1xf32>
    %add3A_8 = arith.addf %slice3A_6, %slice3A_7 : vector<512x1xf32>
    %slice3A_9 = vector.extract_strided_slice %get3A_1 {offsets = [0, 6], sizes = [512, 1], strides = [1, 1]} : vector<512x8xf32> to vector<512x1xf32>
    %slice3A_10 = vector.extract_strided_slice %get3A_1 {offsets = [0, 7], sizes = [512, 1], strides = [1, 1]} : vector<512x8xf32> to vector<512x1xf32>
    %add3A_11 = arith.addf %slice3A_9, %slice3A_10 : vector<512x1xf32>
    %max3A = arith.constant 1.000000e+00 : f32
    %max3A_12 = vector.broadcast %max3A : f32 to vector<512x1xf32>
    %max3A_13 = arith.maximumf %add3A_5, %max3A_12 : vector<512x1xf32>
    %div3A = arith.divf %add3A_8, %max3A_13 : vector<512x1xf32>
    %add3A_14 = arith.addf %add3A_11, %div3A : vector<512x1xf32>
    %ge3A = arith.constant 0.000000e+00 : f32
    %ge3A_15 = vector.broadcast %ge3A : f32 to vector<512x1xf32>
    %ge3A_16 = arith.cmpf oge, %add3A_14, %ge3A_15 : vector<512x1xf32>
    %mul3A = arith.constant 2.000000e-01 : f32
    %mul3A_17 = vector.broadcast %mul3A : f32 to vector<512x1xf32>
    %mul3A_18 = arith.mulf %mul3A_17, %add3A_14 : vector<512x1xf32>
    %select_n3A = arith.select %ge3A_16, %add3A_14, %mul3A_18 : vector<512x1xi1>, vector<512x1xf32>
    %exp3A = math.exp %select_n3A : vector<512x1xf32>
    %get3A_19 = arith.constant 0 : index
    %get3A_20 = arith.constant 0 : index
    %get3A_21 = vector.load %arg3[%get3A_19, %get3A_20] : memref<512x32xf32, #tpu.memory_space<vmem>>, vector<512x32xf32>
    %get3A_22 = arith.constant 0 : index
    %get3A_23 = arith.constant 0 : index
    %get3A_24 = arith.constant 0 : index
    %get3A_25 = vector.load %arg1[%get3A_22, %get3A_23, %get3A_24] : memref<2x512x32xf32, #tpu.memory_space<vmem>>, vector<1x512x32xf32>
    %get3A_26 = vector.shape_cast %get3A_25 : vector<1x512x32xf32> to vector<512x32xf32>
    %get3A_27 = arith.constant 1 : index
    %get3A_28 = arith.constant 0 : index
    %get3A_29 = arith.constant 0 : index
    %get3A_30 = vector.load %arg1[%get3A_27, %get3A_28, %get3A_29] : memref<2x512x32xf32, #tpu.memory_space<vmem>>, vector<1x512x32xf32>
    %get3A_31 = vector.shape_cast %get3A_30 : vector<1x512x32xf32> to vector<512x32xf32>
    %add3A_32 = arith.addf %get3A_26, %get3A_31 : vector<512x32xf32>
    %mul3A_33 = vector.broadcast %exp3A : vector<512x1xf32> to vector<512x32xf32>
    %mul3A_34 = arith.mulf %mul3A_33, %get3A_21 : vector<512x32xf32>
    %add3A_35 = arith.addf %add3A_32, %mul3A_34 : vector<512x32xf32>
    %add3A_36 = arith.addf %add3A, %exp3A : vector<512x1xf32>
    %add3A_37 = arith.constant 1.000000e-16 : f32
    %add3A_38 = vector.broadcast %add3A_37 : f32 to vector<512x1xf32>
    %add3A_39 = arith.addf %add3A_36, %add3A_38 : vector<512x1xf32>
    %div3A_40 = vector.broadcast %add3A_39 : vector<512x1xf32> to vector<512x32xf32>
    %div3A_41 = arith.divf %add3A_35, %div3A_40 : vector<512x32xf32>
    %get3A_42 = arith.constant 0 : index
    %get3A_43 = arith.constant 0 : index
    %get3A_44 = vector.load %arg5[%get3A_42, %get3A_43] : memref<4x32xf32, #tpu.memory_space<vmem>>, vector<1x32xf32>
    %add3A_45 = vector.broadcast %get3A_44 : vector<1x32xf32> to vector<512x32xf32>
    %add3A_46 = arith.addf %div3A_41, %add3A_45 : vector<512x32xf32>
    %max3A_47 = arith.constant 0.000000e+00 : f32
    %max3A_48 = vector.broadcast %max3A_47 : f32 to vector<512x32xf32>
    %max3A_49 = arith.maximumf %add3A_46, %max3A_48 : vector<512x32xf32>
    %get3A_50 = arith.constant 1 : index
    %get3A_51 = arith.constant 0 : index
    %get3A_52 = vector.load %arg5[%get3A_50, %get3A_51] : memref<4x32xf32, #tpu.memory_space<vmem>>, vector<1x32xf32>
    %mul3A_53 = vector.broadcast %get3A_52 : vector<1x32xf32> to vector<512x32xf32>
    %mul3A_54 = arith.mulf %max3A_49, %mul3A_53 : vector<512x32xf32>
    %reduce_sum3A = arith.constant dense<0.000000e+00> : vector<512xf32>
    %reduce_sum3A_55 = vector.multi_reduction <add>, %mul3A_54, %reduce_sum3A [1] : vector<512x32xf32> to vector<512xf32>
    %broadcast_in_dim3A = vector.shape_cast %reduce_sum3A_55 : vector<512xf32> to vector<512x1xf32>
    %get3A_56 = arith.constant 3 : index
    %get3A_57 = arith.constant 0 : index
    %get3A_58 = vector.load %arg5[%get3A_56, %get3A_57] : memref<4x32xf32, #tpu.memory_space<vmem>>, vector<1x1xf32>
    %add3A_59 = vector.broadcast %get3A_58 : vector<1x1xf32> to vector<512x1xf32>
    %add3A_60 = arith.addf %broadcast_in_dim3A, %add3A_59 : vector<512x1xf32>
    %get3A_61 = arith.constant 0 : index
    %get3A_62 = arith.constant 0 : index
    %get3A_63 = vector.load %arg4[%get3A_61, %get3A_62] : memref<512x1xf32, #tpu.memory_space<vmem>>, vector<512x1xf32>
    %mul3A_64 = arith.mulf %add3A_60, %get3A_63 : vector<512x1xf32>
    %swap3A = arith.constant 0 : index
    %swap3A_65 = arith.constant 0 : index
    %swap3A_66 = vector.load %arg6[%swap3A, %swap3A_65] : memref<512x1xf32, #tpu.memory_space<vmem>>, vector<512x1xf32>
    tpu.vector_store %arg6[%swap3A, %swap3A_65], %mul3A_64 {strides = array<i32>} : memref<512x1xf32, #tpu.memory_space<vmem>>, vector<512x1xf32>,
    %get3A_67 = arith.constant 2 : index
    %get3A_68 = arith.constant 0 : index
    %get3A_69 = vector.load %arg5[%get3A_67, %get3A_68] : memref<4x32xf32, #tpu.memory_space<vmem>>, vector<1x32xf32>
    %mul3A_70 = vector.broadcast %get3A_69 : vector<1x32xf32> to vector<512x32xf32>
    %mul3A_71 = arith.mulf %max3A_49, %mul3A_70 : vector<512x32xf32>
    %reduce_sum3A_72 = arith.constant dense<0.000000e+00> : vector<512xf32>
    %reduce_sum3A_73 = vector.multi_reduction <add>, %mul3A_71, %reduce_sum3A_72 [1] : vector<512x32xf32> to vector<512xf32>
    %broadcast_in_dim3A_74 = vector.shape_cast %reduce_sum3A_73 : vector<512xf32> to vector<512x1xf32>
    %get3A_75 = arith.constant 3 : index
    %get3A_76 = arith.constant 1 : index
    %get3A_77 = vector.load %arg5[%get3A_75, %get3A_76] : memref<4x32xf32, #tpu.memory_space<vmem>>, vector<1x1xf32>
    %add3A_78 = vector.broadcast %get3A_77 : vector<1x1xf32> to vector<512x1xf32>
    %add3A_79 = arith.addf %broadcast_in_dim3A_74, %add3A_78 : vector<512x1xf32>
    %swap3A_80 = arith.constant 0 : index
    %swap3A_81 = arith.constant 0 : index
    %swap3A_82 = vector.load %arg7[%swap3A_80, %swap3A_81] : memref<512x1xf32, #tpu.memory_space<vmem>>, vector<512x1xf32>
    tpu.vector_store %arg7[%swap3A_80, %swap3A_81], %add3A_79 {strides = array<i32>} : memref<512x1xf32, #tpu.memory_space<vmem>>, vector<512x1xf32>,
    return
  }
  func.func @transform_0(%arg0: i32) -> (i32, i32, i32) {
    %c0_i32 = arith.constant 0 : i32
    %c0_i32_0 = arith.constant 0 : i32
    %c0_i32_1 = arith.constant 0 : i32
    return %c0_i32, %arg0, %c0_i32_0 : i32, i32, i32
  }
  func.func @transform_1(%arg0: i32) -> (i32, i32) {
    %c0_i32 = arith.constant 0 : i32
    %c0_i32_0 = arith.constant 0 : i32
    return %arg0, %c0_i32 : i32, i32
  }
  func.func @transform_2(%arg0: i32) -> (i32, i32) {
    %c0_i32 = arith.constant 0 : i32
    %c0_i32_0 = arith.constant 0 : i32
    return %arg0, %c0_i32 : i32, i32
  }
  func.func @transform_3(%arg0: i32) -> (i32, i32) {
    %c0_i32 = arith.constant 0 : i32
    %c0_i32_0 = arith.constant 0 : i32
    return %arg0, %c0_i32 : i32, i32
  }
  func.func @transform_4(%arg0: i32) -> (i32, i32) {
    %c0_i32 = arith.constant 0 : i32
    %c0_i32_0 = arith.constant 0 : i32
    %c0_i32_1 = arith.constant 0 : i32
    return %c0_i32, %c0_i32_0 : i32, i32
  }
  func.func @transform_5(%arg0: i32) -> (i32, i32) {
    %c0_i32 = arith.constant 0 : i32
    %c0_i32_0 = arith.constant 0 : i32
    return %arg0, %c0_i32 : i32, i32
  }
  func.func @transform_6(%arg0: i32) -> (i32, i32) {
    %c0_i32 = arith.constant 0 : i32
    %c0_i32_0 = arith.constant 0 : i32
    return %arg0, %c0_i32 : i32, i32
  }
}

</mosaic_0001>

<sc_bundles>
// kernel: kernel.6.cloned.1.call-start
scs
__scs_entry_jumppad:
0x0: {  	(pc) =	sbr.rel $0x88, $3  }
0x1: {  	(tag) =	ssettag $0x0;
	lr =	simm.s32 $0x1  }
0x2: {  	[smem:$0x3F93] =	sst lr;
	_ =	strace $0xD0000000  }
0x3: {  	_ = 	snop  }
0x4: {  	_ = 	snop  }
0x5: {  	_ = 	snop  }
0x6: {  	_ = 	snop  }
0x7: {  	_ = 	snop  }
__scs_overlays_trampoline_lowered:
0x8: {  	[smem:$0x3FA2] =	sst s0  }
0x9: {  	[smem:$0x3FA3] =	sst s1  }
0xa: {  	[smem:$0x3FA4] =	sst s2  }
0xb: {  	[smem:$0x3FA5] =	sst s3  }
0xc: {  	[smem:$0x3FA6] =	sst s4  }
0xd: {  	[smem:$0x3FA7] =	sst s5  }
0xe: {  	[smem:$0x3FA8] =	sst s6  }
0xf: {  	[smem:$0x3FA9] =	sst s7  }
0x10: {  	[smem:$0x3FAA] =	sst s8  }
0x11: {  	[smem:$0x3FAB] =	sst s9;
	s0 =	simm.s32 @!p0 $0x0  }
0x12: {  	s1 =	sld [smem:$0x3F91];
	s0 =	simm.s32 @p0 $0x1  }
0x13: {  	[smem:$0x3FAC] =	sst s0;
	s0 =	simm.s32 @!p1 $0x0  }
0x14: {  	s2 =	sld [smem:$0x3F90];
	s0 =	simm.s32 @p1 $0x1  }
0x15: {  	[smem:$0x3FAD] =	sst s0;
	s0 =	simm.s32 @!p2 $0x0  }
0x16: {  	s3 =	sld [smem:$0x3FDB];
	s0 =	simm.s32 @p2 $0x1  }
0x17: {  	s4 =	simm.s32 $0x1BF5;
	[smem:$0x3FAF] =	sst s0  }
0x18: {  	s0 =	sld [smem:$0x3F92];
	_ =	swait.ge [sflag:s4], $0x0  }
0x19: {  	s7 =	sld [smem:$0x3F93]  }
0x1a: {  	s8 =	sadd.s32 $0xFFFFE003, lr  }
0x1b: {  	s9 =	sadd.s32 $0xFFFFFEF7, lr;
	s5 =	simm.s32 $0xFFFFFFFF;
	p2 =	slt.u32 s8, $0xFFFFF086  }
0x1c: {  	p1 =	slt.u32 s9, $0xF7A;
	s5 =	simm.s32 @!p2 $0x0  }
0x1d: {  	s5 =	simm.s32 @p1 $0x1;
	p0 =	seq.s32 s7, s2  }
0x1e: {  	s7 =	smul.u32 @!p0 $0xF7A, s2;
	p2 =	seq.s32 @!p0 s5, $0x0  }
0x1f: {  	s9 =	smul.u32 $0xF7A, s1;
	s8 =	simm.s32 @!p0 $0x1BF5;
	p2 =	por !p2, p0  }
0x20: {  	[sflag:s8] =	ssyncset.s32 @!p0 $0xFFFFF086;
	s6 =	sadd.s32 @!p0 s3, s7;
	s7 =	simm.s32 @!p0 $0x108  }
0x21: {  	s3 =	sadd.s32 s3, s9;
	s6 =	sadd.s32 @!p0 $0x88, s6;
	s7 =	simm.s32 @p2 $0x1082  }
0x22: {  	[simem:s7], [sflag:s8] =	dma.local @!p0 [hbm:s6], $0xF7A  }
0x23: {  	s9 =	sor.u32 $0xD0000000, s2;
	s6 =	simm.s32 $0x108;
	_ =	swait.ge @!p0 [sflag:s8], $0x0  }
0x24: {  	s3 =	sadd.s32 $0x88, s3;
	s6 =	simm.s32 @!p1 $0x1082;
	[sflag:s4] =	ssyncset.s32 $0xFFFFF086  }
0x25: {  	[simem:s6], [sflag:s4] =	dma.local [hbm:s3], $0xF7A  }
0x26: {  	[smem:$0x3F93] =	sst s1;
	(tag) =	ssettag s2;
	_ =	strace s9  }
0x27: {  	s1 =	sld [smem:$0x3FA3]  }
0x28: {  	s2 =	sld [smem:$0x3FA4]  }
0x29: {  	s4 =	sld [smem:$0x3FA6]  }
0x2a: {  	p0 =	seq.s32 s5, $0x0;
	s5 =	sld [smem:$0x3FA7]  }
0x2b: {  	s6 =	sld [smem:$0x3FA8]  }
0x2c: {  	s7 =	sld [smem:$0x3FA9]  }
0x2d: {  	s3 =	simm.s32 $0x108;
	s8 =	sld [smem:$0x3FAA]  }
0x2e: {  	s3 =	simm.s32 @!p0 $0x1082;
	s9 =	sld [smem:$0x3FAB]  }
0x2f: {  	lr =	sadd.s32 s0, s3;
	s0 =	sld [smem:$0x3FA2]  }
0x30: {  	s3 =	sld [smem:$0x3FA5]  }
0x31: {  	[smem:$0x3FAE] =	sst s10  }
0x32: {  	s10 =	sld [smem:$0x3FAC];
	_ =	sdelay $0x3  }
0x33: {  	p0 =	seq.s32 s10, $0x1;
	s10 =	sld [smem:$0x3FAE];
	_ =	sdelay $0x3  }
0x34: {  	[smem:$0x3FAE] =	sst s10  }
0x35: {  	s10 =	sld [smem:$0x3FAD];
	_ =	sdelay $0x3  }
0x36: {  	p1 =	seq.s32 s10, $0x1;
	s10 =	sld [smem:$0x3FAE];
	_ =	sdelay $0x3  }
0x37: {  	[smem:$0x3FAE] =	sst s10  }
0x38: {  	s10 =	sld [smem:$0x3FAF]  }
0x39: {  	_ = 	snop;
	(pc) =	sbr.ind lr, $3  }
0x3a: {  	_ = 	snop  }
0x3b: {  	_ = 	snop  }
0x3c: {  	p2 =	seq.s32 s10, $0x1;
	s10 =	sld [smem:$0x3FAE]  }
0x3d: {  	_ =	shalt  }
0x3e: {  	_ =	shalt  }
0x3f: {  	_ =	shalt  }
0x40: {  	_ =	shalt  }
0x41: {  	_ =	shalt  }
0x42: {  	_ =	shalt  }
0x43: {  	_ =	shalt  }
0x44: {  	_ =	shalt  }
0x45: {  	_ =	shalt  }
0x46: {  	_ =	shalt  }
0x47: {  	_ =	shalt  }
0x48: {  	_ =	shalt  }
0x49: {  	_ =	shalt  }
0x4a: {  	_ =	shalt  }
0x4b: {  	_ =	shalt  }
0x4c: {  	_ =	shalt  }
0x4d: {  	_ =	shalt  }
0x4e: {  	_ =	shalt  }
0x4f: {  	_ =	shalt  }
0x50: {  	_ =	shalt  }
0x51: {  	_ =	shalt  }
0x52: {  	_ =	shalt  }
0x53: {  	_ =	shalt  }
0x54: {  	_ =	shalt  }
0x55: {  	_ =	shalt  }
0x56: {  	_ =	shalt  }
0x57: {  	_ =	shalt  }
0x58: {  	_ =	shalt  }
0x59: {  	_ =	shalt  }
0x5a: {  	_ =	shalt  }
0x5b: {  	_ =	shalt  }
0x5c: {  	_ =	shalt  }
0x5d: {  	_ =	shalt  }
0x5e: {  	_ =	shalt  }
0x5f: {  	_ =	shalt  }
0x60: {  	_ =	shalt  }
0x61: {  	_ =	shalt  }
0x62: {  	_ =	shalt  }
0x63: {  	_ =	shalt  }
0x64: {  	_ =	shalt  }
0x65: {  	_ =	shalt  }
0x66: {  	_ =	shalt  }
0x67: {  	_ =	shalt  }
0x68: {  	_ =	shalt  }
0x69: {  	_ =	shalt  }
0x6a: {  	_ =	shalt  }
0x6b: {  	_ =	shalt  }
0x6c: {  	_ =	shalt  }
0x6d: {  	_ =	shalt  }
0x6e: {  	_ =	shalt  }
0x6f: {  	_ =	shalt  }
0x70: {  	_ =	shalt  }
0x71: {  	_ =	shalt  }
0x72: {  	_ =	shalt  }
0x73: {  	_ =	shalt  }
0x74: {  	_ =	shalt  }
0x75: {  	_ =	shalt  }
0x76: {  	_ =	shalt  }
0x77: {  	_ =	shalt  }
0x78: {  	_ =	shalt  }
0x79: {  	_ =	shalt  }
0x7a: {  	_ =	shalt  }
0x7b: {  	_ =	shalt  }
0x7c: {  	_ =	shalt  }
0x7d: {  	_ =	shalt  }
0x7e: {  	_ =	shalt  }
0x7f: {  	_ =	shalt  }
0x80: {  	_ =	shalt  }
0x81: {  	_ =	shalt  }
0x82: {  	_ =	shalt  }
0x83: {  	_ =	shalt  }
0x84: {  	_ =	shalt  }
0x85: {  	_ =	shalt  }
0x86: {  	_ =	shalt  }
0x87: {  	_ =	shalt  }
.Lfunc_end0:
.L_simem_size_0:
called_computation_lowered:
.L_overlay_start_0:
0x88: {  	s2 =	sld [smem:$0x3FD9]  }
0x89: {  	s3 =	sld [smem:$0x3FFE];
	_ =	sdelay $0x1  }
0x8a: {  	s1 =	srdreg.scid  }
0x8b: {  	s0 =	sand.u32 $0x1, s1  }
0x8c: {  	s14 =	sshll.u32 s0, $0xA;
	s2 =	sadd.s32 s3, s2  }
0x8d: {  	s2 =	sadd.s32 s2, s14  }
0x8e: {  	[smem:$0x3FBA] =	sst s2  }
0x8f: {  	_ = 	snop  }
0x90: {  	s2 =	sld [smem:$0x3FD0];
	_ =	sdelay $0x2  }
0x91: {  	s15 =	simm.s32 $0xA;
	s4 =	simm.s32 $0x10  }
0x92: {  	[smem:s4], [sflag:s15] =	dma.local [hbm:s2], $0x1  }
0x93: {  	_ =	swait.eq [sflag:s15], $0x1  }
0x94: {  	[sflag:s15] =	ssyncset.done $0x0  }
0x95: {  	[sflag:s15] =	ssyncadd.s32 $0xFFFFFFFF  }
0x96: {  	s16 =	sld [smem:$0x10];
	(tm) =	ssettm $0x1  }
0x97: {  	s17 =	sld [smem:$0x3FFB];
	_ =	sdelay $0x3  }
0x98: {  	_ =	strace s17  }
0x99: {  	s3 =	sld [smem:$0x3FFC];
	_ =	sdelay $0x3  }
0x9a: {  	_ =	strace s3  }
0x9b: {  	s3 =	sld [smem:$0x3FFD];
	_ =	sdelay $0x3  }
0x9c: {  	_ =	strace s3  }
0x9d: {  	_ =	strace $0x8FFFFFFF  }
0x9e: {  	s18 =	sld [smem:$0x3FDB];
	_ =	sdelay $0x1  }
0x9f: {  	s19 =	simm.s32 $_scs_section_size  }
0xa0: {  	s5 =	simm.s32 $_size__tile_overlayer_lowered;
	s6 =	simm.s32 $_tile_overlayer_lowered  }
0xa1: {  	s22 =	simm.s32 $0x1BFF;
	s21 =	sshll.u32 s6, $0x1;
	s3 =	sadd.s32 s19, s18  }
0xa2: {  	s7 =	simm.s32 $0x0;
	s20 =	sshll.u32 s5, $0x1;
	s5 =	sadd.s32 s21, s3  }
0xa3: {  	[timem:s7], [sflag:s22] =	dma.local [hbm:s5], s20  }
0xa4: {  	_ =	swait.ge [sflag:s22], s20  }
0xa5: {  	s4 =	ssub.s32 $0x0, s20;
	[sflag:s22] =	ssyncset.done $0x0  }
0xa6: {  	[sflag:s22] =	ssyncadd.s32 s4;
	_ =	sdelay $0x1  }
0xa7: {  	s23 =	simm.s32 $0x1B8B  }
0xa8: {  	_ =	swait.ge [sflag:s23], $0x1  }
0xa9: {  	[sflag:s23] =	ssyncset.done $0x0  }
0xaa: {  	s25 =	simm.s32 $0x1B8E;
	s24 =	sld [smem:$0x3FFE];
	[sflag:s23] =	ssyncadd.s32 $0xFFFFFFFF  }
0xab: {  	s26 =	simm.s32 $execute0_lowered;
	[smem:$0x3FD2] =	sst s25  }
0xac: {  	s5 =	sshll.u32 s26, $0x1;
	_ =	strace $0x80000046;
	[dreg:$0x1] =	wrdreg $0xFFFFFFFF  }
0xad: {  	s28 =	simm.s32 $_size_execute0_lowered;
	s3 =	sadd.s32 s3, s5;
	[dreg:$0x0] =	wrdreg $0x0  }
0xae: {  	s5 =	sshll.u32 s28, $0x1;
	[dreg:$0x2] =	wrdreg s3  }
0xaf: {  	[dreg:$0x3] =	wrdreg s5  }
0xb0: {  	[dreg:$0x4] =	wrdreg $0xC0  }
0xb1: {  	_ =	task [dreg:s7], $0x5FFFF  }
0xb2: {  	[dreg:$0x1] =	wrdreg $0xFFFFFFFF  }
0xb3: {  	[dreg:$0x0] =	wrdreg $0x60  }
0xb4: {  	[dreg:$0x2] =	wrdreg s24  }
0xb5: {  	[dreg:$0x3] =	wrdreg s16  }
0xb6: {  	[dreg:$0x4] =	wrdreg $0x26800  }
0xb7: {  	[dreg:$0x5] =	wrdreg $0x1AE800  }
0xb8: {  	[dreg:$0x6] =	wrdreg $0x1BAC00  }
0xb9: {  	[dreg:$0x7] =	wrdreg $0x1C7000  }
0xba: {  	[dreg:$0x8] =	wrdreg $0x9  }
0xbb: {  	_ =	task.clear_ibuf [dreg:s7], $0x9FFFF;
	_ =	strace $0x90000046  }
0xbc: {  	s29 =	simm.s32 $0x9;
	_ =	strace $0x80000048  }
0xbd: {  	_ =	swait.ge [sflag:s29], $0x1  }
0xbe: {  	[sflag:s29] =	ssyncadd.s32 $0xFFFFFFFF  }
0xbf: {  	_ =	strace $0x90000048  }
0xc0: {  	_ =	sfence  }
0xc1: {  	s30 =	sld [smem:$0x0];
	_ =	sdelay $0x2  }
0xc2: {  	s31 =	sshll.u32 s1, $0xD;
	s1 =	sshrl.u32 s1, $0x2  }
0xc3: {  	s3 =	sand.u32 $0x4000, s31;
	s1 =	sadd.s32 s1, s30  }
0xc4: {  	s0 =	sor.u32 s3, s0;
	s1 =	sshll.u32 s1, $0x11  }
0xc5: {  	s0 =	sor.u32 s1, s0  }
0xc6: {  	s0 =	sadd.s32 $0x8F2B, s0  }
0xc7: {  	[sflag:s0] =	ssyncadd.remote.s32 $0x1  }
0xc8: {  	_ =	sfence.sel $0xFFFF  }
0xc9: {  	[dreg:$0x0] =	wrdreg $0xFFFFFFFF;
	(pc) =	sbr.abs _section_cstart, $3  }
0xca: {  	[dreg:$0x1] =	wrdreg $0xFFFFFFFF  }
0xcb: {  	_ =	task.clear_ibuf [dreg:s7], $0x2FFFF;
	_ =	strace $0x9FFFFFFF  }
0xcc: {  	(tm) =	ssettm $0x7FFFFFFF  }
0xcd: {  	_ =	shalt  }
tec
execute0_lowered:
.L_overlay_start_1:
0x0: {  	(tag) =	ssettag $0x1  }
0x1: {  	s2 =	rddreg [dreg:$0x0]  }
0x2: {  	s5 =	rddreg [dreg:$0x1]  }
0x3: {  	s16 =	rddreg [dreg:$0x2]  }
0x4: {  	s17 =	rddreg [dreg:$0x3]  }
0x5: {  	s20 =	rddreg [dreg:$0x4]  }
0x6: {  	s19 =	rddreg [dreg:$0x5];
	s0 =	srdreg.scid  }
0x7: {  	s18 =	stileid.u32;
	s1 =	simm.s32 $0x0;
	s4 =	sand.u32 $0x1, s0  }
0x8: {  	s0 =	smul.u32 $0xC40, s18;
	[smem:$0x7FF] =	sst s1;
	s7 =	sadd.s32 $0x32800, s2  }
0x9: {  	s8 =	sadd.s32 $0x19800, s2;
	s9 =	sadd.s32 $0x800, s2;
	s13 =	smul.u32 $0x62000, s18  }
0xa: {  	s10 =	sadd.s32 $0x4D200, s2;
	s21 =	smul.u32 $0xC400, s4;
	s22 =	ssub.s32 $0x2, s4  }
0xb: {  	_ =	strace $0x80000047;
	s14 =	sshrl.u32 s22, $0x1;
	s15 =	sadd.s32 $0x80, s0  }
0xc: {  	s13 =	sshrl.u32 s13, $0x2;
	s3 =	sadd.s32 s0, s21;
	s25 =	sadd.s32 s15, s17  }
0xd: {  	s23 =	sshll.u32 s15, $0x5;
	s26 =	sadd.s32 s15, s20;
	[dreg:$0x9] =	wrdreg s25  }
0xe: {  	s21 =	sadd.s32 s13, s16;
	s1 =	sshll.u32 s3, $0x2;
	[dreg:$0xa] =	wrdreg s26  }
0xf: {  	s6 =	sshrl.u32 s3, $0x3;
	s24 =	sadd.s32 s23, s16;
	[dreg:$0x7] =	wrdreg s21  }
0x10: {  	s3 =	ssub.s32 s22, s14;
	s14 =	sadd.s32 s15, s19;
	[dreg:$0x8] =	wrdreg s24  }
0x11: {  	s15 =	sadd.s32 $0x100, s0;
	[dreg:$0xb] =	wrdreg s14;
	s5 =	sadd.s32 s5, s6  }
0x12: {  	s11 =	sadd.s32 $0x4B800, s2;
	s24 =	sadd.s32 s15, s17;
	[dreg:$0xc] =	wrdreg s5  }
0x13: {  	s12 =	sadd.s32 $0x112C00, s2;
	s26 =	sadd.s32 s15, s20;
	[dreg:$0xe] =	wrdreg s24  }
0x14: {  	s23 =	sadd.s32 $0x180, s0;
	s13 =	sadd.s32 s15, s19;
	[dreg:$0xf] =	wrdreg s26  }
0x15: {  	s1 =	sadd.s32 s1, s2;
	s14 =	sadd.s32 s23, s17;
	[dreg:$0x10] =	wrdreg s13  }
0x16: {  	s22 =	sshll.u32 s15, $0x5;
	s15 =	sadd.s32 s23, s20;
	[dreg:$0x12] =	wrdreg s14  }
0x17: {  	s2 =	sadd.s32 s6, s2;
	s6 =	sadd.s32 s23, s19;
	[dreg:$0x13] =	wrdreg s15  }
0x18: {  	s5 =	sadd.s32 s22, s16;
	[dreg:$0x14] =	wrdreg s6  }
0x19: {  	s25 =	sshll.u32 s23, $0x5;
	s1 =	sadd.s32 $0x14A000, s1;
	[dreg:$0xd] =	wrdreg s5  }
0x1a: {  	s22 =	sadd.s32 $0x200, s0;
	s5 =	sadd.s32 s25, s16;
	[smem:$0x7F9] =	sst s1  }
0x1b: {  	s24 =	sadd.s32 s22, s17;
	[dreg:$0x11] =	wrdreg s5  }
0x1c: {  	s23 =	sshll.u32 s22, $0x5;
	s26 =	sadd.s32 s22, s20;
	[dreg:$0x16] =	wrdreg s24  }
0x1d: {  	s13 =	sadd.s32 $0x280, s0;
	s6 =	sadd.s32 s23, s16;
	[dreg:$0x17] =	wrdreg s26  }
0x1e: {  	s25 =	sshll.u32 s13, $0x5;
	s5 =	sadd.s32 s22, s19;
	[dreg:$0x15] =	wrdreg s6  }
0x1f: {  	s15 =	sadd.s32 s25, s16;
	[dreg:$0x18] =	wrdreg s5  }
0x20: {  	s22 =	sadd.s32 s13, s17;
	[dreg:$0x19] =	wrdreg s15  }
0x21: {  	s23 =	sadd.s32 s13, s20;
	[dreg:$0x1a] =	wrdreg s22  }
0x22: {  	s24 =	sadd.s32 $0x300, s0;
	s25 =	sadd.s32 s13, s19;
	[dreg:$0x1b] =	wrdreg s23  }
0x23: {  	[dreg:$0x1c] =	wrdreg s25;
	s14 =	sadd.s32 s24, s17  }
0x24: {  	s22 =	sadd.s32 s24, s20;
	[dreg:$0x1e] =	wrdreg s14  }
0x25: {  	s13 =	sadd.s32 $0x380, s0;
	s5 =	sadd.s32 s24, s19;
	[dreg:$0x1f] =	wrdreg s22  }
0x26: {  	s26 =	sshll.u32 s24, $0x5;
	s24 =	sadd.s32 s13, s17;
	[smem:$0x7AA] =	sst s5  }
0x27: {  	s25 =	sadd.s32 s13, s20;
	[smem:$0x7AC] =	sst s24  }
0x28: {  	s15 =	sshll.u32 s13, $0x5;
	s6 =	sadd.s32 s26, s16;
	[smem:$0x7AD] =	sst s25  }
0x29: {  	s23 =	sadd.s32 s15, s16;
	[dreg:$0x1d] =	wrdreg s6  }
0x2a: {  	s26 =	sadd.s32 $0x400, s0;
	s14 =	sadd.s32 s13, s19;
	[smem:$0x7AB] =	sst s23  }
0x2b: {  	[smem:$0x7AE] =	sst s14;
	s23 =	sadd.s32 s26, s17  }
0x2c: {  	s25 =	sadd.s32 s26, s20;
	[smem:$0x7B0] =	sst s23  }
0x2d: {  	s22 =	sadd.s32 $0x480, s0;
	s5 =	sadd.s32 s26, s19;
	[smem:$0x7B1] =	sst s25  }
0x2e: {  	s15 =	sshll.u32 s26, $0x5;
	s14 =	sadd.s32 s22, s20;
	[smem:$0x7B2] =	sst s5  }
0x2f: {  	s24 =	sshll.u32 s22, $0x5;
	s6 =	sadd.s32 s15, s16;
	[smem:$0x7B5] =	sst s14  }
0x30: {  	s26 =	sadd.s32 s24, s16;
	[smem:$0x7AF] =	sst s6  }
0x31: {  	[smem:$0x7B3] =	sst s26;
	s6 =	sadd.s32 s22, s17  }
0x32: {  	s15 =	sadd.s32 $0x500, s0;
	s22 =	sadd.s32 s22, s19;
	[smem:$0x7B4] =	sst s6  }
0x33: {  	s24 =	sadd.s32 s15, s17;
	[smem:$0x7B6] =	sst s22  }
0x34: {  	s13 =	sadd.s32 $0x580, s0;
	s26 =	sadd.s32 s15, s20;
	[smem:$0x7B8] =	sst s24  }
0x35: {  	s25 =	sshll.u32 s13, $0x5;
	s5 =	sadd.s32 s15, s19;
	[smem:$0x7B9] =	sst s26  }
0x36: {  	s23 =	sshll.u32 s15, $0x5;
	s15 =	sadd.s32 s25, s16;
	[smem:$0x7BA] =	sst s5  }
0x37: {  	s25 =	sadd.s32 s13, s19;
	[smem:$0x7BB] =	sst s15  }
0x38: {  	s6 =	sadd.s32 s23, s16;
	[smem:$0x7BE] =	sst s25  }
0x39: {  	s22 =	sadd.s32 s13, s17;
	[smem:$0x7B7] =	sst s6  }
0x3a: {  	s23 =	sadd.s32 s13, s20;
	s24 =	sadd.s32 $0x600, s0;
	[smem:$0x7BC] =	sst s22  }
0x3b: {  	[smem:$0x7BD] =	sst s23;
	s14 =	sadd.s32 s24, s17  }
0x3c: {  	s22 =	sadd.s32 s24, s20;
	[smem:$0x7C0] =	sst s14  }
0x3d: {  	s13 =	sadd.s32 $0x680, s0;
	s5 =	sadd.s32 s24, s19;
	[smem:$0x7C1] =	sst s22  }
0x3e: {  	s26 =	sshll.u32 s24, $0x5;
	s24 =	sadd.s32 s13, s17;
	[smem:$0x7C2] =	sst s5  }
0x3f: {  	s25 =	sadd.s32 s13, s20;
	[smem:$0x7C4] =	sst s24  }
0x40: {  	s15 =	sshll.u32 s13, $0x5;
	s6 =	sadd.s32 s26, s16;
	[smem:$0x7C5] =	sst s25  }
0x41: {  	s23 =	sadd.s32 s15, s16;
	[smem:$0x7BF] =	sst s6  }
0x42: {  	s26 =	sadd.s32 $0x700, s0;
	s14 =	sadd.s32 s13, s19;
	[smem:$0x7C3] =	sst s23  }
0x43: {  	[smem:$0x7C6] =	sst s14;
	s23 =	sadd.s32 s26, s17  }
0x44: {  	s25 =	sadd.s32 s26, s20;
	[smem:$0x7C8] =	sst s23  }
0x45: {  	s22 =	sadd.s32 $0x780, s0;
	s5 =	sadd.s32 s26, s19;
	[smem:$0x7C9] =	sst s25  }
0x46: {  	s15 =	sshll.u32 s26, $0x5;
	s14 =	sadd.s32 s22, s20;
	[smem:$0x7CA] =	sst s5  }
0x47: {  	s24 =	sshll.u32 s22, $0x5;
	s6 =	sadd.s32 s15, s16;
	[smem:$0x7CD] =	sst s14  }
0x48: {  	s26 =	sadd.s32 s24, s16;
	[smem:$0x7C7] =	sst s6  }
0x49: {  	[smem:$0x7CB] =	sst s26;
	s6 =	sadd.s32 s22, s17  }
0x4a: {  	s15 =	sadd.s32 $0x800, s0;
	s22 =	sadd.s32 s22, s19;
	[smem:$0x7CC] =	sst s6  }
0x4b: {  	s24 =	sadd.s32 s15, s17;
	[smem:$0x7CE] =	sst s22  }
0x4c: {  	s13 =	sadd.s32 $0x880, s0;
	s26 =	sadd.s32 s15, s20;
	[smem:$0x7D0] =	sst s24  }
0x4d: {  	s25 =	sshll.u32 s13, $0x5;
	s5 =	sadd.s32 s15, s19;
	[smem:$0x7D1] =	sst s26  }
0x4e: {  	s23 =	sshll.u32 s15, $0x5;
	s15 =	sadd.s32 s25, s16;
	[smem:$0x7D2] =	sst s5  }
0x4f: {  	s25 =	sadd.s32 s13, s19;
	[smem:$0x7D3] =	sst s15  }
0x50: {  	s6 =	sadd.s32 s23, s16;
	[smem:$0x7D6] =	sst s25  }
0x51: {  	s22 =	sadd.s32 s13, s17;
	[smem:$0x7CF] =	sst s6  }
0x52: {  	s23 =	sadd.s32 s13, s20;
	s24 =	sadd.s32 $0x900, s0;
	[smem:$0x7D4] =	sst s22  }
0x53: {  	[smem:$0x7D5] =	sst s23;
	s14 =	sadd.s32 s24, s17  }
0x54: {  	s22 =	sadd.s32 s24, s20;
	[smem:$0x7D8] =	sst s14  }
0x55: {  	s13 =	sadd.s32 $0x980, s0;
	s5 =	sadd.s32 s24, s19;
	[smem:$0x7D9] =	sst s22  }
0x56: {  	s26 =	sshll.u32 s24, $0x5;
	s24 =	sadd.s32 s13, s17;
	[smem:$0x7DA] =	sst s5  }
0x57: {  	s25 =	sadd.s32 s13, s20;
	[smem:$0x7DC] =	sst s24  }
0x58: {  	s15 =	sshll.u32 s13, $0x5;
	s6 =	sadd.s32 s26, s16;
	[smem:$0x7DD] =	sst s25  }
0x59: {  	s23 =	sadd.s32 s15, s16;
	[smem:$0x7D7] =	sst s6  }
0x5a: {  	s26 =	sadd.s32 $0xA00, s0;
	s14 =	sadd.s32 s13, s19;
	[smem:$0x7DB] =	sst s23  }
0x5b: {  	[smem:$0x7DE] =	sst s14;
	s23 =	sadd.s32 s26, s17  }
0x5c: {  	s25 =	sadd.s32 s26, s20;
	[smem:$0x7E0] =	sst s23  }
0x5d: {  	s22 =	sadd.s32 $0xA80, s0;
	s5 =	sadd.s32 s26, s19;
	[smem:$0x7E1] =	sst s25  }
0x5e: {  	s15 =	sshll.u32 s26, $0x5;
	s14 =	sadd.s32 s22, s20;
	[smem:$0x7E2] =	sst s5  }
0x5f: {  	s24 =	sshll.u32 s22, $0x5;
	s6 =	sadd.s32 s15, s16;
	[smem:$0x7E5] =	sst s14  }
0x60: {  	s26 =	sadd.s32 s24, s16;
	[smem:$0x7DF] =	sst s6  }
0x61: {  	s31 =	simm.s32 $0x1200;
	s14 =	sadd.s32 s0, s17;
	[smem:$0x7E3] =	sst s26  }
0x62: {  	s29 =	simm.s32 $0x2500;
	s6 =	sadd.s32 s22, s17;
	[smem:$0x7EC] =	sst s14  }
0x63: {  	s15 =	sadd.s32 $0xB00, s0;
	s22 =	sadd.s32 s22, s19;
	[smem:$0x7E4] =	sst s6  }
0x64: {  	s30 =	simm.s32 $0x0;
	s24 =	sadd.s32 s15, s17;
	[smem:$0x7E6] =	sst s22  }
0x65: {  	s4 =	sshll.u32 s4, $0x4;
	s26 =	sadd.s32 s15, s20;
	[smem:$0x7E8] =	sst s24  }
0x66: {  	s13 =	sadd.s32 $0xB80, s0;
	s5 =	sadd.s32 s15, s19;
	[smem:$0x7E9] =	sst s26  }
0x67: {  	s23 =	sshll.u32 s15, $0x5;
	s15 =	sadd.s32 s0, s20;
	[smem:$0x7EA] =	sst s5  }
0x68: {  	s1 =	simm.s32 $0x0;
	s14 =	sadd.s32 s13, s20;
	[smem:$0x7ED] =	sst s15  }
0x69: {  	s25 =	sshll.u32 s13, $0x5;
	s6 =	sadd.s32 s23, s16;
	[smem:$0x7F0] =	sst s14  }
0x6a: {  	s22 =	sadd.s32 s0, s19;
	s23 =	sadd.s32 $0xC00, s0;
	[smem:$0x7E7] =	sst s6  }
0x6b: {  	s24 =	sor.u32 s18, s4;
	s15 =	sadd.s32 s13, s19;
	[smem:$0x7EE] =	sst s22  }
0x6c: {  	s14 =	simm.s32 $0x1180;
	s6 =	sadd.s32 s25, s16;
	[smem:$0x7F1] =	sst s15  }
0x6d: {  	s0 =	smul.u32 $0x6400, s24;
	s25 =	sadd.s32 s13, s17;
	[smem:$0x7EB] =	sst s6  }
0x6e: {  	s26 =	sshll.u32 s23, $0x5;
	s17 =	sadd.s32 s23, s17;
	[smem:$0x7EF] =	sst s25  }
0x6f: {  	s18 =	sadd.s32 s23, s20;
	s5 =	sadd.s32 s23, s19;
	[smem:$0x7F3] =	sst s17  }
0x70: {  	s24 =	sadd.s32 $0x143C00, s2;
	s15 =	simm.s32 $0x1000;
	[smem:$0x7F4] =	sst s18  }
0x71: {  	s19 =	simm.s32 $0x80;
	s13 =	simm.s32 $0x1380;
	[smem:$0x7F5] =	sst s5  }
0x72: {  	s4 =	sadd.s32 s26, s16;
	[smem:$0x7FA] =	sst s24;
	s25 =	sadd.s32 $0x146E00, s2  }
0x73: {  	s26 =	smax.u32 s3, $0x1;
	s3 =	simm.s32 $0x5;
	s16 =	simm.s32 $0x1080  }
0x74: {  	s17 =	simm.s32 $0x1100;
	s18 =	simm.s32 $0x1;
	[smem:$0x7F2] =	sst s4  }
0x75: {  	s24 =	simm.s32 $0x2480;
	s20 =	sshrl.u32 s0, $0x3;
	[smem:$0x7FB] =	sst s25  }
0x76: {  	[smem:$0x7FC] =	sst s26;
	s28 =	smov.u32 s0;
	s0 =	sor.u32 $0x80, s0  }
0x77: {  	s6 =	simm.s32 $0x4;
	s22 =	sadd.s32 s7, s20;
	[smem:$0x7FD] =	sst s0  }
0x78: {  	s25 =	simm.s32 $0x3;
	s23 =	sadd.s32 s8, s20;
	[smem:$0x7F6] =	sst s22  }
0x79: {  	v2 =	vimm.s32 $0x0;
	vm0 =	vcmask $0x300;
	s26 =	simm.s32 $0x2;
	s4 =	sadd.s32 s9, s20;
	[smem:$0x7F7] =	sst s23  }
0x7a: {  	v0 =	vimm.f32 $0.0e+00;
	v1 =	vimm.f32 $1.000000000e+00;
	v2 =	vsel vm0, $0x3, v2;
	[smem:$0x7F8] =	sst s4;
	s22 =	simm.s32 $0x2380;
	s23 =	simm.s32 $0x2400  }
.LBB2_1:
0x7b: {  	[smem:$0x7A9] =	sst s1;
	s1 =	simm.s32 $0x80;
	s2 =	simm.s32 $0x0  }
.LBB2_2:
0x7c: {  	p0 =	sne.s32 s1, $0x3F80;
	[tilespmem:s2+$0x0] =	vst v0;
	s4 =	smov.u32 s1;
	s1 =	sadd.s32 $0x80, s1  }
.Ltmp0:
0x7d: {  	[tilespmem:s2+$0x10] =	vst v0;
	(pc) =	sbr.rel @p0 .LBB2_2-.Ltmp0, $2  }
0x7e: {  	_ =	sdelay $0x2  }
0x7f: {  	s2 =	sshra.s32 s4, $0x2  }
0x80: {  	[tilespmem:s2+$0x0] =	vst v0  }
0x81: {  	[tilespmem:s2+$0x10] =	vst v0  }
0x82: {  	[tilespmem:$0x1180] =	vst v0  }
0x83: {  	[tilespmem:$0x1200] =	vst v1  }
0x84: {  	[tilespmem:$0x1190] =	vst v0  }
0x85: {  	[tilespmem:$0x1210] =	vst v1  }
0x86: {  	[tilespmem:$0x11A0] =	vst v0  }
0x87: {  	[tilespmem:$0x1220] =	vst v1  }
0x88: {  	[tilespmem:$0x11B0] =	vst v0  }
0x89: {  	[tilespmem:$0x1230] =	vst v1  }
0x8a: {  	[tilespmem:$0x11C0] =	vst v0  }
0x8b: {  	[tilespmem:$0x1240] =	vst v1  }
0x8c: {  	[tilespmem:$0x11D0] =	vst v0  }
0x8d: {  	[tilespmem:$0x1250] =	vst v1  }
0x8e: {  	[tilespmem:$0x11E0] =	vst v0  }
0x8f: {  	[tilespmem:$0x1260] =	vst v1  }
0x90: {  	[tilespmem:$0x11F0] =	vst v0  }
0x91: {  	[tilespmem:$0x1270] =	vst v1  }
0x92: {  	[spmem:s21] =	stream.linear.scatter [tilespmem:s30], [sflag:$0x5], $0x1000, $0x38;
	[tilespmem:$0x1D340] =	vst v63  }
0x93: {  	_ =	swait.ge [sflag:s3], $0x1000  }
0x94: {  	s0 =	sld [smem:$0x7EC]  }
0x95: {  	[sflag:s3] =	ssyncset.done $0x0  }
0x96: {  	[sflag:s3] =	ssyncadd.s32 $0xFFFFF000  }
0x97: {  	[spmem:s0] =	stream.linear.scatter [tilespmem:s14], [sflag:$0x5], $0x80, $0x38;
	[tilespmem:$0x1D340] =	vst v63  }
0x98: {  	_ =	swait.ge [sflag:s3], $0x80  }
0x99: {  	s21 =	sld [smem:$0x7ED]  }
0x9a: {  	[sflag:s3] =	ssyncset.done $0x0  }
0x9b: {  	[sflag:s3] =	ssyncadd.s32 $0xFFFFFF80  }
0x9c: {  	[spmem:s21] =	stream.linear.scatter [tilespmem:s14], [sflag:$0x5], $0x80, $0x38;
	[tilespmem:$0x1D340] =	vst v63  }
0x9d: {  	_ =	swait.ge [sflag:s3], $0x80  }
0x9e: {  	s1 =	sld [smem:$0x7EE]  }
0x9f: {  	[sflag:s3] =	ssyncset.done $0x0  }
0xa0: {  	[sflag:s3] =	ssyncadd.s32 $0xFFFFFF80  }
0xa1: {  	[spmem:s1] =	stream.linear.scatter [tilespmem:s14], [sflag:$0x5], $0x80, $0x38;
	[tilespmem:$0x1D340] =	vst v63  }
0xa2: {  	_ =	swait.ge [sflag:s3], $0x80  }
0xa3: {  	[sflag:s3] =	ssyncset.done $0x0  }
0xa4: {  	s2 =	rddreg [dreg:$0x8];
	[sflag:s3] =	ssyncadd.s32 $0xFFFFFF80  }
0xa5: {  	[spmem:s2] =	stream.linear.scatter [tilespmem:s30], [sflag:$0x5], $0x1000, $0x38;
	[tilespmem:$0x1D340] =	vst v63  }
0xa6: {  	_ =	swait.ge [sflag:s3], $0x1000  }
0xa7: {  	[sflag:s3] =	ssyncset.done $0x0  }
0xa8: {  	s4 =	rddreg [dreg:$0x9];
	[sflag:s3] =	ssyncadd.s32 $0xFFFFF000  }
0xa9: {  	[spmem:s4] =	stream.linear.scatter [tilespmem:s14], [sflag:$0x5], $0x80, $0x38;
	[tilespmem:$0x1D340] =	vst v63  }
0xaa: {  	_ =	swait.ge [sflag:s3], $0x80  }
0xab: {  	[sflag:s3] =	ssyncset.done $0x0  }
0xac: {  	s5 =	rddreg [dreg:$0xa];
	[sflag:s3] =	ssyncadd.s32 $0xFFFFFF80  }
0xad: {  	[spmem:s5] =	stream.linear.scatter [tilespmem:s14], [sflag:$0x5], $0x80, $0x38;
	[tilespmem:$0x1D340] =	vst v63  }
0xae: {  	_ =	swait.ge [sflag:s3], $0x80  }
0xaf: {  	[sflag:s3] =	ssyncset.done $0x0  }
0xb0: {  	s20 =	rddreg [dreg:$0xb];
	[sflag:s3] =	ssyncadd.s32 $0xFFFFFF80  }
0xb1: {  	[spmem:s20] =	stream.linear.scatter [tilespmem:s14], [sflag:$0x5], $0x80, $0x38;
	[tilespmem:$0x1D340] =	vst v63  }
0xb2: {  	_ =	swait.ge [sflag:s3], $0x80  }
0xb3: {  	[sflag:s3] =	ssyncset.done $0x0  }
0xb4: {  	s21 =	rddreg [dreg:$0xd];
	[sflag:s3] =	ssyncadd.s32 $0xFFFFFF80  }
0xb5: {  	[spmem:s21] =	stream.linear.scatter [tilespmem:s30], [sflag:$0x5], $0x1000, $0x38;
	[tilespmem:$0x1D340] =	vst v63  }
0xb6: {  	_ =	swait.ge [sflag:s3], $0x1000  }
0xb7: {  	[sflag:s3] =	ssyncset.done $0x0  }
0xb8: {  	s1 =	rddreg [dreg:$0xe];
	[sflag:s3] =	ssyncadd.s32 $0xFFFFF000  }
0xb9: {  	[spmem:s1] =	stream.linear.scatter [tilespmem:s14], [sflag:$0x5], $0x80, $0x38;
	[tilespmem:$0x1D340] =	vst v63  }
0xba: {  	_ =	swait.ge [sflag:s3], $0x80  }
0xbb: {  	[sflag:s3] =	ssyncset.done $0x0  }
0xbc: {  	s2 =	rddreg [dreg:$0xf];
	[sflag:s3] =	ssyncadd.s32 $0xFFFFFF80  }
0xbd: {  	[spmem:s2] =	stream.linear.scatter [tilespmem:s14], [sflag:$0x5], $0x80, $0x38;
	[tilespmem:$0x1D340] =	vst v63  }
0xbe: {  	_ =	swait.ge [sflag:s3], $0x80  }
0xbf: {  	[sflag:s3] =	ssyncset.done $0x0  }
0xc0: {  	s4 =	rddreg [dreg:$0x10];
	[sflag:s3] =	ssyncadd.s32 $0xFFFFFF80  }
0xc1: {  	[spmem:s4] =	stream.linear.scatter [tilespmem:s14], [sflag:$0x5], $0x80, $0x38;
	[tilespmem:$0x1D340] =	vst v63  }
0xc2: {  	_ =	swait.ge [sflag:s3], $0x80  }
0xc3: {  	[sflag:s3] =	ssyncset.done $0x0  }
0xc4: {  	s5 =	rddreg [dreg:$0x11];
	[sflag:s3] =	ssyncadd.s32 $0xFFFFFF80  }
0xc5: {  	[spmem:s5] =	stream.linear.scatter [tilespmem:s30], [sflag:$0x5], $0x1000, $0x38;
	[tilespmem:$0x1D340] =	vst v63  }
0xc6: {  	_ =	swait.ge [sflag:s3], $0x1000  }
0xc7: {  	[sflag:s3] =	ssyncset.done $0x0  }
0xc8: {  	s20 =	rddreg [dreg:$0x12];
	[sflag:s3] =	ssyncadd.s32 $0xFFFFF000  }
0xc9: {  	[spmem:s20] =	stream.linear.scatter [tilespmem:s14], [sflag:$0x5], $0x80, $0x38;
	[tilespmem:$0x1D340] =	vst v63  }
0xca: {  	_ =	swait.ge [sflag:s3], $0x80  }
0xcb: {  	[sflag:s3] =	ssyncset.done $0x0  }
0xcc: {  	s21 =	rddreg [dreg:$0x13];
	[sflag:s3] =	ssyncadd.s32 $0xFFFFFF80  }
0xcd: {  	[spmem:s21] =	stream.linear.scatter [tilespmem:s14], [sflag:$0x5], $0x80, $0x38;
	[tilespmem:$0x1D340] =	vst v63  }
0xce: {  	_ =	swait.ge [sflag:s3], $0x80  }
0xcf: {  	[sflag:s3] =	ssyncset.done $0x0  }
0xd0: {  	s1 =	rddreg [dreg:$0x14];
	[sflag:s3] =	ssyncadd.s32 $0xFFFFFF80  }
0xd1: {  	[spmem:s1] =	stream.linear.scatter [tilespmem:s14], [sflag:$0x5], $0x80, $0x38;
	[tilespmem:$0x1D340] =	vst v63  }
0xd2: {  	_ =	swait.ge [sflag:s3], $0x80  }
0xd3: {  	[sflag:s3] =	ssyncset.done $0x0  }
0xd4: {  	s2 =	rddreg [dreg:$0x15];
	[sflag:s3] =	ssyncadd.s32 $0xFFFFFF80  }
0xd5: {  	[spmem:s2] =	stream.linear.scatter [tilespmem:s30], [sflag:$0x5], $0x1000, $0x38;
	[tilespmem:$0x1D340] =	vst v63  }
0xd6: {  	_ =	swait.ge [sflag:s3], $0x1000  }
0xd7: {  	[sflag:s3] =	ssyncset.done $0x0  }
0xd8: {  	s4 =	rddreg [dreg:$0x16];
	[sflag:s3] =	ssyncadd.s32 $0xFFFFF000  }
0xd9: {  	[spmem:s4] =	stream.linear.scatter [tilespmem:s14], [sflag:$0x5], $0x80, $0x38;
	[tilespmem:$0x1D340] =	vst v63  }
0xda: {  	_ =	swait.ge [sflag:s3], $0x80  }
0xdb: {  	[sflag:s3] =	ssyncset.done $0x0  }
0xdc: {  	s5 =	rddreg [dreg:$0x17];
	[sflag:s3] =	ssyncadd.s32 $0xFFFFFF80  }
0xdd: {  	[spmem:s5] =	stream.linear.scatter [tilespmem:s14], [sflag:$0x5], $0x80, $0x38;
	[tilespmem:$0x1D340] =	vst v63  }
0xde: {  	_ =	swait.ge [sflag:s3], $0x80  }
0xdf: {  	[sflag:s3] =	ssyncset.done $0x0  }
0xe0: {  	s20 =	rddreg [dreg:$0x18];
	[sflag:s3] =	ssyncadd.s32 $0xFFFFFF80  }
0xe1: {  	[spmem:s20] =	stream.linear.scatter [tilespmem:s14], [sflag:$0x5], $0x80, $0x38;
	[tilespmem:$0x1D340] =	vst v63  }
0xe2: {  	_ =	swait.ge [sflag:s3], $0x80  }
0xe3: {  	[sflag:s3] =	ssyncset.done $0x0  }
0xe4: {  	s21 =	rddreg [dreg:$0x19];
	[sflag:s3] =	ssyncadd.s32 $0xFFFFFF80  }
0xe5: {  	[spmem:s21] =	stream.linear.scatter [tilespmem:s30], [sflag:$0x5], $0x1000, $0x38;
	[tilespmem:$0x1D340] =	vst v63  }
0xe6: {  	_ =	swait.ge [sflag:s3], $0x1000  }
0xe7: {  	[sflag:s3] =	ssyncset.done $0x0  }
0xe8: {  	s1 =	rddreg [dreg:$0x1a];
	[sflag:s3] =	ssyncadd.s32 $0xFFFFF000  }
0xe9: {  	[spmem:s1] =	stream.linear.scatter [tilespmem:s14], [sflag:$0x5], $0x80, $0x38;
	[tilespmem:$0x1D340] =	vst v63  }
0xea: {  	_ =	swait.ge [sflag:s3], $0x80  }
0xeb: {  	[sflag:s3] =	ssyncset.done $0x0  }
0xec: {  	s2 =	rddreg [dreg:$0x1b];
	[sflag:s3] =	ssyncadd.s32 $0xFFFFFF80  }
0xed: {  	[spmem:s2] =	stream.linear.scatter [tilespmem:s14], [sflag:$0x5], $0x80, $0x38;
	[tilespmem:$0x1D340] =	vst v63  }
0xee: {  	_ =	swait.ge [sflag:s3], $0x80  }
0xef: {  	[sflag:s3] =	ssyncset.done $0x0  }
0xf0: {  	s4 =	rddreg [dreg:$0x1c];
	[sflag:s3] =	ssyncadd.s32 $0xFFFFFF80  }
0xf1: {  	[spmem:s4] =	stream.linear.scatter [tilespmem:s14], [sflag:$0x5], $0x80, $0x38;
	[tilespmem:$0x1D340] =	vst v63  }
0xf2: {  	_ =	swait.ge [sflag:s3], $0x80  }
0xf3: {  	[sflag:s3] =	ssyncset.done $0x0  }
0xf4: {  	s5 =	rddreg [dreg:$0x1d];
	[sflag:s3] =	ssyncadd.s32 $0xFFFFFF80  }
0xf5: {  	[spmem:s5] =	stream.linear.scatter [tilespmem:s30], [sflag:$0x5], $0x1000, $0x38;
	[tilespmem:$0x1D340] =	vst v63  }
0xf6: {  	_ =	swait.ge [sflag:s3], $0x1000  }
0xf7: {  	[sflag:s3] =	ssyncset.done $0x0  }
0xf8: {  	s20 =	rddreg [dreg:$0x1e];
	[sflag:s3] =	ssyncadd.s32 $0xFFFFF000  }
0xf9: {  	[spmem:s20] =	stream.linear.scatter [tilespmem:s14], [sflag:$0x5], $0x80, $0x38;
	[tilespmem:$0x1D340] =	vst v63  }
0xfa: {  	_ =	swait.ge [sflag:s3], $0x80  }
0xfb: {  	[sflag:s3] =	ssyncset.done $0x0  }
0xfc: {  	s21 =	rddreg [dreg:$0x1f];
	[sflag:s3] =	ssyncadd.s32 $0xFFFFFF80  }
0xfd: {  	[spmem:s21] =	stream.linear.scatter [tilespmem:s14], [sflag:$0x5], $0x80, $0x38;
	[tilespmem:$0x1D340] =	vst v63  }
0xfe: {  	_ =	swait.ge [sflag:s3], $0x80  }
0xff: {  	s1 =	sld [smem:$0x7AA]  }
0x100: {  	[sflag:s3] =	ssyncset.done $0x0  }
0x101: {  	[sflag:s3] =	ssyncadd.s32 $0xFFFFFF80  }
0x102: {  	[spmem:s1] =	stream.linear.scatter [tilespmem:s14], [sflag:$0x5], $0x80, $0x38;
	[tilespmem:$0x1D340] =	vst v63  }
0x103: {  	_ =	swait.ge [sflag:s3], $0x80  }
0x104: {  	s2 =	sld [smem:$0x7AB]  }
0x105: {  	[sflag:s3] =	ssyncset.done $0x0  }
0x106: {  	[sflag:s3] =	ssyncadd.s32 $0xFFFFFF80  }
0x107: {  	[spmem:s2] =	stream.linear.scatter [tilespmem:s30], [sflag:$0x5], $0x1000, $0x38;
	[tilespmem:$0x1D340] =	vst v63  }
0x108: {  	_ =	swait.ge [sflag:s3], $0x1000  }
0x109: {  	s4 =	sld [smem:$0x7AC]  }
0x10a: {  	[sflag:s3] =	ssyncset.done $0x0  }
0x10b: {  	[sflag:s3] =	ssyncadd.s32 $0xFFFFF000  }
0x10c: {  	[spmem:s4] =	stream.linear.scatter [tilespmem:s14], [sflag:$0x5], $0x80, $0x38;
	[tilespmem:$0x1D340] =	vst v63  }
0x10d: {  	_ =	swait.ge [sflag:s3], $0x80  }
0x10e: {  	s5 =	sld [smem:$0x7AD]  }
0x10f: {  	[sflag:s3] =	ssyncset.done $0x0  }
0x110: {  	[sflag:s3] =	ssyncadd.s32 $0xFFFFFF80  }
0x111: {  	[spmem:s5] =	stream.linear.scatter [tilespmem:s14], [sflag:$0x5], $0x80, $0x38;
	[tilespmem:$0x1D340] =	vst v63  }
0x112: {  	_ =	swait.ge [sflag:s3], $0x80  }
0x113: {  	s20 =	sld [smem:$0x7AE]  }
0x114: {  	[sflag:s3] =	ssyncset.done $0x0  }
0x115: {  	[sflag:s3] =	ssyncadd.s32 $0xFFFFFF80  }
0x116: {  	[spmem:s20] =	stream.linear.scatter [tilespmem:s14], [sflag:$0x5], $0x80, $0x38;
	[tilespmem:$0x1D340] =	vst v63  }
0x117: {  	_ =	swait.ge [sflag:s3], $0x80  }
0x118: {  	s21 =	sld [smem:$0x7AF]  }
0x119: {  	[sflag:s3] =	ssyncset.done $0x0  }
0x11a: {  	[sflag:s3] =	ssyncadd.s32 $0xFFFFFF80  }
0x11b: {  	[spmem:s21] =	stream.linear.scatter [tilespmem:s30], [sflag:$0x5], $0x1000, $0x38;
	[tilespmem:$0x1D340] =	vst v63  }
0x11c: {  	_ =	swait.ge [sflag:s3], $0x1000  }
0x11d: {  	s1 =	sld [smem:$0x7B0]  }
0x11e: {  	[sflag:s3] =	ssyncset.done $0x0  }
0x11f: {  	[sflag:s3] =	ssyncadd.s32 $0xFFFFF000  }
0x120: {  	[spmem:s1] =	stream.linear.scatter [tilespmem:s14], [sflag:$0x5], $0x80, $0x38;
	[tilespmem:$0x1D340] =	vst v63  }
0x121: {  	_ =	swait.ge [sflag:s3], $0x80  }
0x122: {  	s2 =	sld [smem:$0x7B1]  }
0x123: {  	[sflag:s3] =	ssyncset.done $0x0  }
0x124: {  	[sflag:s3] =	ssyncadd.s32 $0xFFFFFF80  }
0x125: {  	[spmem:s2] =	stream.linear.scatter [tilespmem:s14], [sflag:$0x5], $0x80, $0x38;
	[tilespmem:$0x1D340] =	vst v63  }
0x126: {  	_ =	swait.ge [sflag:s3], $0x80  }
0x127: {  	s4 =	sld [smem:$0x7B2]  }
0x128: {  	[sflag:s3] =	ssyncset.done $0x0  }
0x129: {  	[sflag:s3] =	ssyncadd.s32 $0xFFFFFF80  }
0x12a: {  	[spmem:s4] =	stream.linear.scatter [tilespmem:s14], [sflag:$0x5], $0x80, $0x38;
	[tilespmem:$0x1D340] =	vst v63  }
0x12b: {  	_ =	swait.ge [sflag:s3], $0x80  }
0x12c: {  	s5 =	sld [smem:$0x7B3]  }
0x12d: {  	[sflag:s3] =	ssyncset.done $0x0  }
0x12e: {  	[sflag:s3] =	ssyncadd.s32 $0xFFFFFF80  }
0x12f: {  	[spmem:s5] =	stream.linear.scatter [tilespmem:s30], [sflag:$0x5], $0x1000, $0x38;
	[tilespmem:$0x1D340] =	vst v63  }
0x130: {  	_ =	swait.ge [sflag:s3], $0x1000  }
0x131: {  	s20 =	sld [smem:$0x7B4]  }
0x132: {  	[sflag:s3] =	ssyncset.done $0x0  }
0x133: {  	[sflag:s3] =	ssyncadd.s32 $0xFFFFF000  }
0x134: {  	[spmem:s20] =	stream.linear.scatter [tilespmem:s14], [sflag:$0x5], $0x80, $0x38;
	[tilespmem:$0x1D340] =	vst v63  }
0x135: {  	_ =	swait.ge [sflag:s3], $0x80  }
0x136: {  	s21 =	sld [smem:$0x7B5]  }
0x137: {  	[sflag:s3] =	ssyncset.done $0x0  }
0x138: {  	[sflag:s3] =	ssyncadd.s32 $0xFFFFFF80  }
0x139: {  	[spmem:s21] =	stream.linear.scatter [tilespmem:s14], [sflag:$0x5], $0x80, $0x38;
	[tilespmem:$0x1D340] =	vst v63  }
0x13a: {  	_ =	swait.ge [sflag:s3], $0x80  }
0x13b: {  	s1 =	sld [smem:$0x7B6]  }
0x13c: {  	[sflag:s3] =	ssyncset.done $0x0  }
0x13d: {  	[sflag:s3] =	ssyncadd.s32 $0xFFFFFF80  }
0x13e: {  	[spmem:s1] =	stream.linear.scatter [tilespmem:s14], [sflag:$0x5], $0x80, $0x38;
	[tilespmem:$0x1D340] =	vst v63  }
0x13f: {  	_ =	swait.ge [sflag:s3], $0x80  }
0x140: {  	s2 =	sld [smem:$0x7B7]  }
0x141: {  	[sflag:s3] =	ssyncset.done $0x0  }
0x142: {  	[sflag:s3] =	ssyncadd.s32 $0xFFFFFF80  }
0x143: {  	[spmem:s2] =	stream.linear.scatter [tilespmem:s30], [sflag:$0x5], $0x1000, $0x38;
	[tilespmem:$0x1D340] =	vst v63  }
0x144: {  	_ =	swait.ge [sflag:s3], $0x1000  }
0x145: {  	s4 =	sld [smem:$0x7B8]  }
0x146: {  	[sflag:s3] =	ssyncset.done $0x0  }
0x147: {  	[sflag:s3] =	ssyncadd.s32 $0xFFFFF000  }
0x148: {  	[spmem:s4] =	stream.linear.scatter [tilespmem:s14], [sflag:$0x5], $0x80, $0x38;
	[tilespmem:$0x1D340] =	vst v63  }
0x149: {  	_ =	swait.ge [sflag:s3], $0x80  }
0x14a: {  	s5 =	sld [smem:$0x7B9]  }
0x14b: {  	[sflag:s3] =	ssyncset.done $0x0  }
0x14c: {  	[sflag:s3] =	ssyncadd.s32 $0xFFFFFF80  }
0x14d: {  	[spmem:s5] =	stream.linear.scatter [tilespmem:s14], [sflag:$0x5], $0x80, $0x38;
	[tilespmem:$0x1D340] =	vst v63  }
0x14e: {  	_ =	swait.ge [sflag:s3], $0x80  }
0x14f: {  	s20 =	sld [smem:$0x7BA]  }
0x150: {  	[sflag:s3] =	ssyncset.done $0x0  }
0x151: {  	[sflag:s3] =	ssyncadd.s32 $0xFFFFFF80  }
0x152: {  	[spmem:s20] =	stream.linear.scatter [tilespmem:s14], [sflag:$0x5], $0x80, $0x38;
	[tilespmem:$0x1D340] =	vst v63  }
0x153: {  	_ =	swait.ge [sflag:s3], $0x80  }
0x154: {  	s21 =	sld [smem:$0x7BB]  }
0x155: {  	[sflag:s3] =	ssyncset.done $0x0  }
0x156: {  	[sflag:s3] =	ssyncadd.s32 $0xFFFFFF80  }
0x157: {  	[spmem:s21] =	stream.linear.scatter [tilespmem:s30], [sflag:$0x5], $0x1000, $0x38;
	[tilespmem:$0x1D340] =	vst v63  }
0x158: {  	_ =	swait.ge [sflag:s3], $0x1000  }
0x159: {  	s1 =	sld [smem:$0x7BC]  }
0x15a: {  	[sflag:s3] =	ssyncset.done $0x0  }
0x15b: {  	[sflag:s3] =	ssyncadd.s32 $0xFFFFF000  }
0x15c: {  	[spmem:s1] =	stream.linear.scatter [tilespmem:s14], [sflag:$0x5], $0x80, $0x38;
	[tilespmem:$0x1D340] =	vst v63  }
0x15d: {  	_ =	swait.ge [sflag:s3], $0x80  }
0x15e: {  	s2 =	sld [smem:$0x7BD]  }
0x15f: {  	[sflag:s3] =	ssyncset.done $0x0  }
0x160: {  	[sflag:s3] =	ssyncadd.s32 $0xFFFFFF80  }
0x161: {  	[spmem:s2] =	stream.linear.scatter [tilespmem:s14], [sflag:$0x5], $0x80, $0x38;
	[tilespmem:$0x1D340] =	vst v63  }
0x162: {  	_ =	swait.ge [sflag:s3], $0x80  }
0x163: {  	s4 =	sld [smem:$0x7BE]  }
0x164: {  	[sflag:s3] =	ssyncset.done $0x0  }
0x165: {  	[sflag:s3] =	ssyncadd.s32 $0xFFFFFF80  }
0x166: {  	[spmem:s4] =	stream.linear.scatter [tilespmem:s14], [sflag:$0x5], $0x80, $0x38;
	[tilespmem:$0x1D340] =	vst v63  }
0x167: {  	_ =	swait.ge [sflag:s3], $0x80  }
0x168: {  	s5 =	sld [smem:$0x7BF]  }
0x169: {  	[sflag:s3] =	ssyncset.done $0x0  }
0x16a: {  	[sflag:s3] =	ssyncadd.s32 $0xFFFFFF80  }
0x16b: {  	[spmem:s5] =	stream.linear.scatter [tilespmem:s30], [sflag:$0x5], $0x1000, $0x38;
	[tilespmem:$0x1D340] =	vst v63  }
0x16c: {  	_ =	swait.ge [sflag:s3], $0x1000  }
0x16d: {  	s20 =	sld [smem:$0x7C0]  }
0x16e: {  	[sflag:s3] =	ssyncset.done $0x0  }
0x16f: {  	[sflag:s3] =	ssyncadd.s32 $0xFFFFF000  }
0x170: {  	[spmem:s20] =	stream.linear.scatter [tilespmem:s14], [sflag:$0x5], $0x80, $0x38;
	[tilespmem:$0x1D340] =	vst v63  }
0x171: {  	_ =	swait.ge [sflag:s3], $0x80  }
0x172: {  	s21 =	sld [smem:$0x7C1]  }
0x173: {  	[sflag:s3] =	ssyncset.done $0x0  }
0x174: {  	[sflag:s3] =	ssyncadd.s32 $0xFFFFFF80  }
0x175: {  	[spmem:s21] =	stream.linear.scatter [tilespmem:s14], [sflag:$0x5], $0x80, $0x38;
	[tilespmem:$0x1D340] =	vst v63  }
0x176: {  	_ =	swait.ge [sflag:s3], $0x80  }
0x177: {  	s1 =	sld [smem:$0x7C2]  }
0x178: {  	[sflag:s3] =	ssyncset.done $0x0  }
0x179: {  	[sflag:s3] =	ssyncadd.s32 $0xFFFFFF80  }
0x17a: {  	[spmem:s1] =	stream.linear.scatter [tilespmem:s14], [sflag:$0x5], $0x80, $0x38;
	[tilespmem:$0x1D340] =	vst v63  }
0x17b: {  	_ =	swait.ge [sflag:s3], $0x80  }
0x17c: {  	s2 =	sld [smem:$0x7C3]  }
0x17d: {  	[sflag:s3] =	ssyncset.done $0x0  }
0x17e: {  	[sflag:s3] =	ssyncadd.s32 $0xFFFFFF80  }
0x17f: {  	[spmem:s2] =	stream.linear.scatter [tilespmem:s30], [sflag:$0x5], $0x1000, $0x38;
	[tilespmem:$0x1D340] =	vst v63  }
0x180: {  	_ =	swait.ge [sflag:s3], $0x1000  }
0x181: {  	s4 =	sld [smem:$0x7C4]  }
0x182: {  	[sflag:s3] =	ssyncset.done $0x0  }
0x183: {  	[sflag:s3] =	ssyncadd.s32 $0xFFFFF000  }
0x184: {  	[spmem:s4] =	stream.linear.scatter [tilespmem:s14], [sflag:$0x5], $0x80, $0x38;
	[tilespmem:$0x1D340] =	vst v63  }
0x185: {  	_ =	swait.ge [sflag:s3], $0x80  }
0x186: {  	s5 =	sld [smem:$0x7C5]  }
0x187: {  	[sflag:s3] =	ssyncset.done $0x0  }
0x188: {  	[sflag:s3] =	ssyncadd.s32 $0xFFFFFF80  }
0x189: {  	[spmem:s5] =	stream.linear.scatter [tilespmem:s14], [sflag:$0x5], $0x80, $0x38;
	[tilespmem:$0x1D340] =	vst v63  }
0x18a: {  	_ =	swait.ge [sflag:s3], $0x80  }
0x18b: {  	s20 =	sld [smem:$0x7C6]  }
0x18c: {  	[sflag:s3] =	ssyncset.done $0x0  }
0x18d: {  	[sflag:s3] =	ssyncadd.s32 $0xFFFFFF80  }
0x18e: {  	[spmem:s20] =	stream.linear.scatter [tilespmem:s14], [sflag:$0x5], $0x80, $0x38;
	[tilespmem:$0x1D340] =	vst v63  }
0x18f: {  	_ =	swait.ge [sflag:s3], $0x80  }
0x190: {  	s21 =	sld [smem:$0x7C7]  }
0x191: {  	[sflag:s3] =	ssyncset.done $0x0  }
0x192: {  	[sflag:s3] =	ssyncadd.s32 $0xFFFFFF80  }
0x193: {  	[spmem:s21] =	stream.linear.scatter [tilespmem:s30], [sflag:$0x5], $0x1000, $0x38;
	[tilespmem:$0x1D340] =	vst v63  }
0x194: {  	_ =	swait.ge [sflag:s3], $0x1000  }
0x195: {  	s1 =	sld [smem:$0x7C8]  }
0x196: {  	[sflag:s3] =	ssyncset.done $0x0  }
0x197: {  	[sflag:s3] =	ssyncadd.s32 $0xFFFFF000  }
0x198: {  	[spmem:s1] =	stream.linear.scatter [tilespmem:s14], [sflag:$0x5], $0x80, $0x38;
	[tilespmem:$0x1D340] =	vst v63  }
0x199: {  	_ =	swait.ge [sflag:s3], $0x80  }
0x19a: {  	s2 =	sld [smem:$0x7C9]  }
0x19b: {  	[sflag:s3] =	ssyncset.done $0x0  }
0x19c: {  	[sflag:s3] =	ssyncadd.s32 $0xFFFFFF80  }
0x19d: {  	[spmem:s2] =	stream.linear.scatter [tilespmem:s14], [sflag:$0x5], $0x80, $0x38;
	[tilespmem:$0x1D340] =	vst v63  }
0x19e: {  	_ =	swait.ge [sflag:s3], $0x80  }
0x19f: {  	s4 =	sld [smem:$0x7CA]  }
0x1a0: {  	[sflag:s3] =	ssyncset.done $0x0  }
0x1a1: {  	[sflag:s3] =	ssyncadd.s32 $0xFFFFFF80  }
0x1a2: {  	[spmem:s4] =	stream.linear.scatter [tilespmem:s14], [sflag:$0x5], $0x80, $0x38;
	[tilespmem:$0x1D340] =	vst v63  }
0x1a3: {  	_ =	swait.ge [sflag:s3], $0x80  }
0x1a4: {  	s5 =	sld [smem:$0x7CB]  }
0x1a5: {  	[sflag:s3] =	ssyncset.done $0x0  }
0x1a6: {  	[sflag:s3] =	ssyncadd.s32 $0xFFFFFF80  }
0x1a7: {  	[spmem:s5] =	stream.linear.scatter [tilespmem:s30], [sflag:$0x5], $0x1000, $0x38;
	[tilespmem:$0x1D340] =	vst v63  }
0x1a8: {  	_ =	swait.ge [sflag:s3], $0x1000  }
0x1a9: {  	s20 =	sld [smem:$0x7CC]  }
0x1aa: {  	[sflag:s3] =	ssyncset.done $0x0  }
0x1ab: {  	[sflag:s3] =	ssyncadd.s32 $0xFFFFF000  }
0x1ac: {  	[spmem:s20] =	stream.linear.scatter [tilespmem:s14], [sflag:$0x5], $0x80, $0x38;
	[tilespmem:$0x1D340] =	vst v63  }
0x1ad: {  	_ =	swait.ge [sflag:s3], $0x80  }
0x1ae: {  	s21 =	sld [smem:$0x7CD]  }
0x1af: {  	[sflag:s3] =	ssyncset.done $0x0  }
0x1b0: {  	[sflag:s3] =	ssyncadd.s32 $0xFFFFFF80  }
0x1b1: {  	[spmem:s21] =	stream.linear.scatter [tilespmem:s14], [sflag:$0x5], $0x80, $0x38;
	[tilespmem:$0x1D340] =	vst v63  }
0x1b2: {  	_ =	swait.ge [sflag:s3], $0x80  }
0x1b3: {  	s1 =	sld [smem:$0x7CE]  }
0x1b4: {  	[sflag:s3] =	ssyncset.done $0x0  }
0x1b5: {  	[sflag:s3] =	ssyncadd.s32 $0xFFFFFF80  }
0x1b6: {  	[spmem:s1] =	stream.linear.scatter [tilespmem:s14], [sflag:$0x5], $0x80, $0x38;
	[tilespmem:$0x1D340] =	vst v63  }
0x1b7: {  	_ =	swait.ge [sflag:s3], $0x80  }
0x1b8: {  	s2 =	sld [smem:$0x7CF]  }
0x1b9: {  	[sflag:s3] =	ssyncset.done $0x0  }
0x1ba: {  	[sflag:s3] =	ssyncadd.s32 $0xFFFFFF80  }
0x1bb: {  	[spmem:s2] =	stream.linear.scatter [tilespmem:s30], [sflag:$0x5], $0x1000, $0x38;
	[tilespmem:$0x1D340] =	vst v63  }
0x1bc: {  	_ =	swait.ge [sflag:s3], $0x1000  }
0x1bd: {  	s4 =	sld [smem:$0x7D0]  }
0x1be: {  	[sflag:s3] =	ssyncset.done $0x0  }
0x1bf: {  	[sflag:s3] =	ssyncadd.s32 $0xFFFFF000  }
0x1c0: {  	[spmem:s4] =	stream.linear.scatter [tilespmem:s14], [sflag:$0x5], $0x80, $0x38;
	[tilespmem:$0x1D340] =	vst v63  }
0x1c1: {  	_ =	swait.ge [sflag:s3], $0x80  }
0x1c2: {  	s5 =	sld [smem:$0x7D1]  }
0x1c3: {  	[sflag:s3] =	ssyncset.done $0x0  }
0x1c4: {  	[sflag:s3] =	ssyncadd.s32 $0xFFFFFF80  }
0x1c5: {  	[spmem:s5] =	stream.linear.scatter [tilespmem:s14], [sflag:$0x5], $0x80, $0x38;
	[tilespmem:$0x1D340] =	vst v63  }
0x1c6: {  	_ =	swait.ge [sflag:s3], $0x80  }
0x1c7: {  	s20 =	sld [smem:$0x7D2]  }
0x1c8: {  	[sflag:s3] =	ssyncset.done $0x0  }
0x1c9: {  	[sflag:s3] =	ssyncadd.s32 $0xFFFFFF80  }
0x1ca: {  	[spmem:s20] =	stream.linear.scatter [tilespmem:s14], [sflag:$0x5], $0x80, $0x38;
	[tilespmem:$0x1D340] =	vst v63  }
0x1cb: {  	_ =	swait.ge [sflag:s3], $0x80  }
0x1cc: {  	s21 =	sld [smem:$0x7D3]  }
0x1cd: {  	[sflag:s3] =	ssyncset.done $0x0  }
0x1ce: {  	[sflag:s3] =	ssyncadd.s32 $0xFFFFFF80  }
0x1cf: {  	[spmem:s21] =	stream.linear.scatter [tilespmem:s30], [sflag:$0x5], $0x1000, $0x38;
	[tilespmem:$0x1D340] =	vst v63  }
0x1d0: {  	_ =	swait.ge [sflag:s3], $0x1000  }
0x1d1: {  	s1 =	sld [smem:$0x7D4]  }
0x1d2: {  	[sflag:s3] =	ssyncset.done $0x0  }
0x1d3: {  	[sflag:s3] =	ssyncadd.s32 $0xFFFFF000  }
0x1d4: {  	[spmem:s1] =	stream.linear.scatter [tilespmem:s14], [sflag:$0x5], $0x80, $0x38;
	[tilespmem:$0x1D340] =	vst v63  }
0x1d5: {  	_ =	swait.ge [sflag:s3], $0x80  }
0x1d6: {  	s2 =	sld [smem:$0x7D5]  }
0x1d7: {  	[sflag:s3] =	ssyncset.done $0x0  }
0x1d8: {  	[sflag:s3] =	ssyncadd.s32 $0xFFFFFF80  }
0x1d9: {  	[spmem:s2] =	stream.linear.scatter [tilespmem:s14], [sflag:$0x5], $0x80, $0x38;
	[tilespmem:$0x1D340] =	vst v63  }
0x1da: {  	_ =	swait.ge [sflag:s3], $0x80  }
0x1db: {  	s4 =	sld [smem:$0x7D6]  }
0x1dc: {  	[sflag:s3] =	ssyncset.done $0x0  }
0x1dd: {  	[sflag:s3] =	ssyncadd.s32 $0xFFFFFF80  }
0x1de: {  	[spmem:s4] =	stream.linear.scatter [tilespmem:s14], [sflag:$0x5], $0x80, $0x38;
	[tilespmem:$0x1D340] =	vst v63  }
0x1df: {  	_ =	swait.ge [sflag:s3], $0x80  }
0x1e0: {  	s5 =	sld [smem:$0x7D7]  }
0x1e1: {  	[sflag:s3] =	ssyncset.done $0x0  }
0x1e2: {  	[sflag:s3] =	ssyncadd.s32 $0xFFFFFF80  }
0x1e3: {  	[spmem:s5] =	stream.linear.scatter [tilespmem:s30], [sflag:$0x5], $0x1000, $0x38;
	[tilespmem:$0x1D340] =	vst v63  }
0x1e4: {  	_ =	swait.ge [sflag:s3], $0x1000  }
0x1e5: {  	s20 =	sld [smem:$0x7D8]  }
0x1e6: {  	[sflag:s3] =	ssyncset.done $0x0  }
0x1e7: {  	[sflag:s3] =	ssyncadd.s32 $0xFFFFF000  }
0x1e8: {  	[spmem:s20] =	stream.linear.scatter [tilespmem:s14], [sflag:$0x5], $0x80, $0x38;
	[tilespmem:$0x1D340] =	vst v63  }
0x1e9: {  	_ =	swait.ge [sflag:s3], $0x80  }
0x1ea: {  	s21 =	sld [smem:$0x7D9]  }
0x1eb: {  	[sflag:s3] =	ssyncset.done $0x0  }
0x1ec: {  	[sflag:s3] =	ssyncadd.s32 $0xFFFFFF80  }
0x1ed: {  	[spmem:s21] =	stream.linear.scatter [tilespmem:s14], [sflag:$0x5], $0x80, $0x38;
	[tilespmem:$0x1D340] =	vst v63  }
0x1ee: {  	_ =	swait.ge [sflag:s3], $0x80  }
0x1ef: {  	s1 =	sld [smem:$0x7DA]  }
0x1f0: {  	[sflag:s3] =	ssyncset.done $0x0  }
0x1f1: {  	[sflag:s3] =	ssyncadd.s32 $0xFFFFFF80  }
0x1f2: {  	[spmem:s1] =	stream.linear.scatter [tilespmem:s14], [sflag:$0x5], $0x80, $0x38;
	[tilespmem:$0x1D340] =	vst v63  }
0x1f3: {  	_ =	swait.ge [sflag:s3], $0x80  }
0x1f4: {  	s2 =	sld [smem:$0x7DB]  }
0x1f5: {  	[sflag:s3] =	ssyncset.done $0x0  }
0x1f6: {  	[sflag:s3] =	ssyncadd.s32 $0xFFFFFF80  }
0x1f7: {  	[spmem:s2] =	stream.linear.scatter [tilespmem:s30], [sflag:$0x5], $0x1000, $0x38;
	[tilespmem:$0x1D340] =	vst v63  }
0x1f8: {  	_ =	swait.ge [sflag:s3], $0x1000  }
0x1f9: {  	s4 =	sld [smem:$0x7DC]  }
0x1fa: {  	[sflag:s3] =	ssyncset.done $0x0  }
0x1fb: {  	[sflag:s3] =	ssyncadd.s32 $0xFFFFF000  }
0x1fc: {  	[spmem:s4] =	stream.linear.scatter [tilespmem:s14], [sflag:$0x5], $0x80, $0x38;
	[tilespmem:$0x1D340] =	vst v63  }
0x1fd: {  	_ =	swait.ge [sflag:s3], $0x80  }
0x1fe: {  	s5 =	sld [smem:$0x7DD]  }
0x1ff: {  	[sflag:s3] =	ssyncset.done $0x0  }
0x200: {  	[sflag:s3] =	ssyncadd.s32 $0xFFFFFF80  }
0x201: {  	[spmem:s5] =	stream.linear.scatter [tilespmem:s14], [sflag:$0x5], $0x80, $0x38;
	[tilespmem:$0x1D340] =	vst v63  }
0x202: {  	_ =	swait.ge [sflag:s3], $0x80  }
0x203: {  	s20 =	sld [smem:$0x7DE]  }
0x204: {  	[sflag:s3] =	ssyncset.done $0x0  }
0x205: {  	[sflag:s3] =	ssyncadd.s32 $0xFFFFFF80  }
0x206: {  	[spmem:s20] =	stream.linear.scatter [tilespmem:s14], [sflag:$0x5], $0x80, $0x38;
	[tilespmem:$0x1D340] =	vst v63  }
0x207: {  	_ =	swait.ge [sflag:s3], $0x80  }
0x208: {  	s21 =	sld [smem:$0x7DF]  }
0x209: {  	[sflag:s3] =	ssyncset.done $0x0  }
0x20a: {  	[sflag:s3] =	ssyncadd.s32 $0xFFFFFF80  }
0x20b: {  	[spmem:s21] =	stream.linear.scatter [tilespmem:s30], [sflag:$0x5], $0x1000, $0x38;
	[tilespmem:$0x1D340] =	vst v63  }
0x20c: {  	_ =	swait.ge [sflag:s3], $0x1000  }
0x20d: {  	s1 =	sld [smem:$0x7E0]  }
0x20e: {  	[sflag:s3] =	ssyncset.done $0x0  }
0x20f: {  	[sflag:s3] =	ssyncadd.s32 $0xFFFFF000  }
0x210: {  	[spmem:s1] =	stream.linear.scatter [tilespmem:s14], [sflag:$0x5], $0x80, $0x38;
	[tilespmem:$0x1D340] =	vst v63  }
0x211: {  	_ =	swait.ge [sflag:s3], $0x80  }
0x212: {  	s2 =	sld [smem:$0x7E1]  }
0x213: {  	[sflag:s3] =	ssyncset.done $0x0  }
0x214: {  	[sflag:s3] =	ssyncadd.s32 $0xFFFFFF80  }
0x215: {  	[spmem:s2] =	stream.linear.scatter [tilespmem:s14], [sflag:$0x5], $0x80, $0x38;
	[tilespmem:$0x1D340] =	vst v63  }
0x216: {  	_ =	swait.ge [sflag:s3], $0x80  }
0x217: {  	s4 =	sld [smem:$0x7E2]  }
0x218: {  	[sflag:s3] =	ssyncset.done $0x0  }
0x219: {  	[sflag:s3] =	ssyncadd.s32 $0xFFFFFF80  }
0x21a: {  	[spmem:s4] =	stream.linear.scatter [tilespmem:s14], [sflag:$0x5], $0x80, $0x38;
	[tilespmem:$0x1D340] =	vst v63  }
0x21b: {  	_ =	swait.ge [sflag:s3], $0x80  }
0x21c: {  	s5 =	sld [smem:$0x7E3]  }
0x21d: {  	[sflag:s3] =	ssyncset.done $0x0  }
0x21e: {  	[sflag:s3] =	ssyncadd.s32 $0xFFFFFF80  }
0x21f: {  	[spmem:s5] =	stream.linear.scatter [tilespmem:s30], [sflag:$0x5], $0x1000, $0x38;
	[tilespmem:$0x1D340] =	vst v63  }
0x220: {  	_ =	swait.ge [sflag:s3], $0x1000  }
0x221: {  	s20 =	sld [smem:$0x7E4]  }
0x222: {  	[sflag:s3] =	ssyncset.done $0x0  }
0x223: {  	[sflag:s3] =	ssyncadd.s32 $0xFFFFF000  }
0x224: {  	[spmem:s20] =	stream.linear.scatter [tilespmem:s14], [sflag:$0x5], $0x80, $0x38;
	[tilespmem:$0x1D340] =	vst v63  }
0x225: {  	_ =	swait.ge [sflag:s3], $0x80  }
0x226: {  	s21 =	sld [smem:$0x7E5]  }
0x227: {  	[sflag:s3] =	ssyncset.done $0x0  }
0x228: {  	[sflag:s3] =	ssyncadd.s32 $0xFFFFFF80  }
0x229: {  	[spmem:s21] =	stream.linear.scatter [tilespmem:s14], [sflag:$0x5], $0x80, $0x38;
	[tilespmem:$0x1D340] =	vst v63  }
0x22a: {  	_ =	swait.ge [sflag:s3], $0x80  }
0x22b: {  	s1 =	sld [smem:$0x7E6]  }
0x22c: {  	[sflag:s3] =	ssyncset.done $0x0  }
0x22d: {  	[sflag:s3] =	ssyncadd.s32 $0xFFFFFF80  }
0x22e: {  	[spmem:s1] =	stream.linear.scatter [tilespmem:s14], [sflag:$0x5], $0x80, $0x38;
	[tilespmem:$0x1D340] =	vst v63  }
0x22f: {  	_ =	swait.ge [sflag:s3], $0x80  }
0x230: {  	s2 =	sld [smem:$0x7E7]  }
0x231: {  	[sflag:s3] =	ssyncset.done $0x0  }
0x232: {  	[sflag:s3] =	ssyncadd.s32 $0xFFFFFF80  }
0x233: {  	[spmem:s2] =	stream.linear.scatter [tilespmem:s30], [sflag:$0x5], $0x1000, $0x38;
	[tilespmem:$0x1D340] =	vst v63  }
0x234: {  	_ =	swait.ge [sflag:s3], $0x1000  }
0x235: {  	s4 =	sld [smem:$0x7E8]  }
0x236: {  	[sflag:s3] =	ssyncset.done $0x0  }
0x237: {  	[sflag:s3] =	ssyncadd.s32 $0xFFFFF000  }
0x238: {  	[spmem:s4] =	stream.linear.scatter [tilespmem:s14], [sflag:$0x5], $0x80, $0x38;
	[tilespmem:$0x1D340] =	vst v63  }
0x239: {  	_ =	swait.ge [sflag:s3], $0x80  }
0x23a: {  	s5 =	sld [smem:$0x7E9]  }
0x23b: {  	[sflag:s3] =	ssyncset.done $0x0  }
0x23c: {  	[sflag:s3] =	ssyncadd.s32 $0xFFFFFF80  }
0x23d: {  	[spmem:s5] =	stream.linear.scatter [tilespmem:s14], [sflag:$0x5], $0x80, $0x38;
	[tilespmem:$0x1D340] =	vst v63  }
0x23e: {  	_ =	swait.ge [sflag:s3], $0x80  }
0x23f: {  	s20 =	sld [smem:$0x7EA]  }
0x240: {  	[sflag:s3] =	ssyncset.done $0x0  }
0x241: {  	[sflag:s3] =	ssyncadd.s32 $0xFFFFFF80  }
0x242: {  	[spmem:s20] =	stream.linear.scatter [tilespmem:s14], [sflag:$0x5], $0x80, $0x38;
	[tilespmem:$0x1D340] =	vst v63  }
0x243: {  	_ =	swait.ge [sflag:s3], $0x80  }
0x244: {  	s21 =	sld [smem:$0x7EB]  }
0x245: {  	[sflag:s3] =	ssyncset.done $0x0  }
0x246: {  	[sflag:s3] =	ssyncadd.s32 $0xFFFFFF80  }
0x247: {  	[spmem:s21] =	stream.linear.scatter [tilespmem:s30], [sflag:$0x5], $0x1000, $0x38;
	[tilespmem:$0x1D340] =	vst v63  }
0x248: {  	_ =	swait.ge [sflag:s3], $0x1000  }
0x249: {  	s1 =	sld [smem:$0x7EF]  }
0x24a: {  	[sflag:s3] =	ssyncset.done $0x0  }
0x24b: {  	[sflag:s3] =	ssyncadd.s32 $0xFFFFF000  }
0x24c: {  	[spmem:s1] =	stream.linear.scatter [tilespmem:s14], [sflag:$0x5], $0x80, $0x38;
	[tilespmem:$0x1D340] =	vst v63  }
0x24d: {  	_ =	swait.ge [sflag:s3], $0x80  }
0x24e: {  	s2 =	sld [smem:$0x7F0]  }
0x24f: {  	[sflag:s3] =	ssyncset.done $0x0  }
0x250: {  	[sflag:s3] =	ssyncadd.s32 $0xFFFFFF80  }
0x251: {  	[spmem:s2] =	stream.linear.scatter [tilespmem:s14], [sflag:$0x5], $0x80, $0x38;
	[tilespmem:$0x1D340] =	vst v63  }
0x252: {  	_ =	swait.ge [sflag:s3], $0x80  }
0x253: {  	s4 =	sld [smem:$0x7F1]  }
0x254: {  	[sflag:s3] =	ssyncset.done $0x0  }
0x255: {  	[sflag:s3] =	ssyncadd.s32 $0xFFFFFF80  }
0x256: {  	[spmem:s4] =	stream.linear.scatter [tilespmem:s14], [sflag:$0x5], $0x80, $0x38;
	[tilespmem:$0x1D340] =	vst v63  }
0x257: {  	_ =	swait.ge [sflag:s3], $0x80  }
0x258: {  	s5 =	sld [smem:$0x7F2]  }
0x259: {  	[sflag:s3] =	ssyncset.done $0x0  }
0x25a: {  	[sflag:s3] =	ssyncadd.s32 $0xFFFFFF80  }
0x25b: {  	[spmem:s5] =	stream.linear.scatter [tilespmem:s30], [sflag:$0x5], $0x800, $0x38;
	[tilespmem:$0x1D340] =	vst v63  }
0x25c: {  	_ =	swait.ge [sflag:s3], $0x800  }
0x25d: {  	s20 =	sld [smem:$0x7F3]  }
0x25e: {  	[sflag:s3] =	ssyncset.done $0x0  }
0x25f: {  	[sflag:s3] =	ssyncadd.s32 $0xFFFFF800  }
0x260: {  	[spmem:s20] =	stream.linear.scatter [tilespmem:s14], [sflag:$0x5], $0x40, $0x38;
	[tilespmem:$0x1D340] =	vst v63  }
0x261: {  	_ =	swait.ge [sflag:s3], $0x40  }
0x262: {  	s21 =	sld [smem:$0x7F4]  }
0x263: {  	[sflag:s3] =	ssyncset.done $0x0  }
0x264: {  	[sflag:s3] =	ssyncadd.s32 $0xFFFFFFC0  }
0x265: {  	[spmem:s21] =	stream.linear.scatter [tilespmem:s14], [sflag:$0x5], $0x40, $0x38;
	[tilespmem:$0x1D340] =	vst v63  }
0x266: {  	_ =	swait.ge [sflag:s3], $0x40  }
0x267: {  	s1 =	sld [smem:$0x7F5]  }
0x268: {  	[sflag:s3] =	ssyncset.done $0x0  }
0x269: {  	[sflag:s3] =	ssyncadd.s32 $0xFFFFFFC0  }
0x26a: {  	[spmem:s1] =	stream.linear.scatter [tilespmem:s14], [sflag:$0x5], $0x40, $0x38;
	[tilespmem:$0x1D340] =	vst v63  }
0x26b: {  	_ =	swait.ge [sflag:s3], $0x40  }
0x26c: {  	[sflag:s3] =	ssyncset.done $0x0  }
0x26d: {  	[sflag:s3] =	ssyncadd.s32 $0xFFFFFFC0  }
0x26e: {  	[bflag:$0x0] =	sbarrier.arrive $0xFFFF  }
0x26f: {  	s2 =	sld [smem:$0x7F6];
	_ =	sdelay $0x1  }
0x270: {  	s4 =	sld [smem:$0x7F7]  }
0x271: {  	[tilespmem:s15], [sflag:$0x1] =	stream.linear.gather [hbm4b:s2+s30], $0x80, $0x38;
	[tilespmem:$0x1D340] =	vst v63  }
0x272: {  	s5 =	sld [smem:$0x7F8]  }
0x273: {  	[tilespmem:s16], [sflag:$0x1] =	stream.linear.gather [hbm4b:s4+s30], $0x80, $0x38;
	[tilespmem:$0x1D340] =	vst v63  }
0x274: {  	_ = 	snop  }
0x275: {  	[tilespmem:s17], [sflag:$0x1] =	stream.linear.gather [hbm4b:s5+s30], $0x80, $0x38;
	[tilespmem:$0x1D340] =	vst v63  }
0x276: {  	_ =	swait.ge [sflag:s18], $0x80  }
0x277: {  	[sflag:s18] =	ssyncset.done $0x0  }
0x278: {  	[sflag:s18] =	ssyncadd.s32 $0xFFFFFF80  }
0x279: {  	_ =	swait.ge [sflag:s18], $0x80  }
0x27a: {  	[sflag:s18] =	ssyncset.done $0x0  }
0x27b: {  	[sflag:s18] =	ssyncadd.s32 $0xFFFFFF80  }
0x27c: {  	_ =	swait.ge [sflag:s18], $0x80  }
0x27d: {  	[sflag:s18] =	ssyncset.done $0x0  }
0x27e: {  	[sflag:s18] =	ssyncadd.s32 $0xFFFFFF80  }
0x27f: {  	[tilespmem:s30], [sflag:$0x3] =	stream.indirect.gather [hbm4b:s12+s19], $0x20, s15, s19, $0xb8;
	[tilespmem:$0x1D340] =	vst v63  }
0x280: {  	s20 =	simm.s32 $0x1280  }
0x281: {  	[tilespmem:s20], [sflag:$0x3] =	stream.indirect.gather [hbm4b:s10+s19], $0x1, s15, s19, $0xb8;
	[tilespmem:$0x1D340] =	vst v63  }
0x282: {  	s21 =	simm.s32 $0x1300;
	s20 =	simm.s32 $0x0  }
0x283: {  	[tilespmem:s21], [sflag:$0x3] =	stream.indirect.gather [hbm4b:s11+s19], $0x1, s16, s19, $0xb8;
	[tilespmem:$0x1D340] =	vst v63  }
.LBB2_4:
0x284: {  	s0 =	sld [smem:$0x7FD];
	_ =	sdelay $0x1  }
0x285: {  	s1 =	sshll.u32 s20, $0x8  }
0x286: {  	s1 =	sadd.s32 s1, s0  }
0x287: {  	s1 =	sshrl.u32 s1, $0x3  }
0x288: {  	s2 =	sadd.s32 s7, s1  }
0x289: {  	[tilespmem:s22], [sflag:$0x2] =	stream.linear.gather [hbm4b:s2+s30], $0x80, $0x38;
	[tilespmem:$0x1D340] =	vst v63  }
0x28a: {  	s0 =	sadd.s32 s8, s1  }
0x28b: {  	[tilespmem:s23], [sflag:$0x2] =	stream.linear.gather [hbm4b:s0+s30], $0x80, $0x38;
	[tilespmem:$0x1D340] =	vst v63  }
0x28c: {  	s1 =	sadd.s32 s9, s1  }
0x28d: {  	[tilespmem:s24], [sflag:$0x2] =	stream.linear.gather [hbm4b:s1+s30], $0x80, $0x38;
	[tilespmem:$0x1D340] =	vst v63  }
0x28e: {  	_ =	swait.ge [sflag:s25], $0x1000  }
0x28f: {  	[sflag:s25] =	ssyncset.done $0x0  }
0x290: {  	[sflag:s25] =	ssyncadd.s32 $0xFFFFF000  }
0x291: {  	_ =	swait.ge [sflag:s25], $0x80  }
0x292: {  	[sflag:s25] =	ssyncset.done $0x0  }
0x293: {  	[sflag:s25] =	ssyncadd.s32 $0xFFFFFF80  }
0x294: {  	_ =	swait.ge [sflag:s25], $0x80  }
0x295: {  	[sflag:s25] =	ssyncset.done $0x0  }
0x296: {  	[sflag:s25] =	ssyncadd.s32 $0xFFFFFF80  }
0x297: {  	v3 =	vld [tilespmem:$0x1280]  }
0x298: {  	v4 =	vld [tilespmem:$0x1300]  }
0x299: {  	v5 =	vld [tilespmem:$0x1100]  }
0x29a: {  	v6 =	vld [tilespmem:$0x1290]  }
0x29b: {  	v7 =	vld [tilespmem:$0x1310]  }
0x29c: {  	v8 =	vld [tilespmem:$0x1110]  }
0x29d: {  	v9 =	vld [tilespmem:$0x12A0]  }
0x29e: {  	v10 =	vld [tilespmem:$0x1320]  }
0x29f: {  	v11 =	vld [tilespmem:$0x1120]  }
0x2a0: {  	v12 =	vld [tilespmem:$0x12B0]  }
0x2a1: {  	v13 =	vld [tilespmem:$0x1330]  }
0x2a2: {  	v14 =	vld [tilespmem:$0x12C0]  }
0x2a3: {  	v16 =	vld [tilespmem:$0x12D0];
	v3 =	vadd.f32 v4, v3  }
0x2a4: {  	v50 =	vld [tilespmem:$0x1350]  }
0x2a5: {  	v51 =	vld [tilespmem:$0x1150];
	v6 =	vadd.f32 v7, v6;
	v3 =	vadd.f32 v5, v3  }
0x2a6: {  	v4 =	vld [tilespmem:$0x1130]  }
0x2a7: {  	v54 =	vld [tilespmem:$0x12E0];
	v49 =	vadd.f32 v10, v9;
	v6 =	vadd.f32 v8, v6;
	v15 =	vmul.f32 $2.000000030e-01, v3  }
0x2a8: {  	v53 =	vadd.f32 v13, v12;
	v5 =	vld [tilespmem:$0x1340];
	vm0 =	vge.f32 v3, $0.0e+00  }
0x2a9: {  	v55 =	vld [tilespmem:$0x1360];
	v8 =	vadd.f32 v11, v49;
	v52 =	vmul.f32 $2.000000030e-01, v6;
	v3 =	vsel vm0, v3, v15  }
0x2aa: {  	v7 =	vld [tilespmem:$0x1140];
	vm9 =	vge.f32 v6, $0.0e+00;
	v3 =	vmul.f32 $1.442695020e+00, v3  }
0x2ab: {  	v57 =	vld [tilespmem:$0x12F0];
	v56 =	vmul.f32 $2.000000030e-01, v8;
	v4 =	vadd.f32 v4, v53;
	v6 =	vsel vm9, v6, v52  }
0x2ac: {  	vm10 =	vge.f32 v8, $0.0e+00;
	(erf) = vpow2.f32 v3;
	v3 =	vmul.f32 $1.442695020e+00, v6;
	v6 =	vld [tilespmem:$0x1370]  }
0x2ad: {  	v59 =	vld [tilespmem:$0x1160];
	v8 =	vsel vm10, v8, v56;
	v58 =	vmul.f32 $2.000000030e-01, v4;
	v5 =	vadd.f32 v5, v14  }
0x2ae: {  	v60 =	vld [tilespmem:$0x1170];
	vm11 =	vge.f32 v4, $0.0e+00;
	(erf) = vpow2.f32 v3;
	v3 =	vmul.f32 $1.442695020e+00, v8  }
0x2af: {  	v4 =	vsel vm11, v4, v58;
	v5 =	vadd.f32 v7, v5;
	v7 =	vadd.f32 v50, v16  }
0x2b0: {  	v4 =	vmul.f32 $1.442695020e+00, v4;
	(erf) = vpow2.f32 v3;
	v3 =	vadd.f32 v55, v54  }
0x2b1: {  	v7 =	vadd.f32 v51, v7;
	v61 =	vmul.f32 $2.000000030e-01, v5;
	v6 =	vadd.f32 v6, v57  }
0x2b2: {  	vm12 =	vge.f32 v5, $0.0e+00;
	(erf) = vpow2.f32 v4;
	v3 =	vadd.f32 v59, v3  }
0x2b3: {  	v4 =	vsel vm12, v5, v61;
	v5 =	vmul.f32 $2.000000030e-01, v7;
	v6 =	vadd.f32 v60, v6  }
0x2b4: {  	vm13 =	vge.f32 v7, $0.0e+00;
	v4 =	vmul.f32 $1.442695020e+00, v4;
	v62 =	vmul.f32 $2.000000030e-01, v3  }
0x2b5: {  	v5 =	vsel vm13, v7, v5;
	vm14 =	vge.f32 v3, $0.0e+00;
	v7 =	vmul.f32 $2.000000030e-01, v6  }
0x2b6: {  	v5 =	vmul.f32 $1.442695020e+00, v5;
	vm15 =	vge.f32 v6, $0.0e+00;
	v3 =	vsel vm14, v3, v62  }
0x2b7: {  	(erf) = vpow2.f32 v4;
	v3 =	vmul.f32 $1.442695020e+00, v3;
	v4 =	vsel vm15, v6, v7  }
0x2b8: {  	(erf) = vpow2.f32 v5;
	v4 =	vmul.f32 $1.442695020e+00, v4  }
0x2b9: {  	(erf) = vpow2.f32 v3  }
0x2ba: {  	(erf) = vpow2.f32 v4;
	_ =	sdelay $0x1  }
0x2bb: {  	v3 =	vpop (erf)  }
0x2bc: {  	v4 =	vpop (erf);
	[tilespmem:$0x1180] =	vst v3;
	v3 =	vmov s30  }
0x2bd: {  	v5 =	vpop (erf);
	[tilespmem:$0x1190] =	vst v4;
	v3 =	vshrl.u32 v3, $0x3  }
0x2be: {  	v4 =	vpop (erf);
	[tilespmem:$0x11A0] =	vst v5;
	v3 =	vshll.u32 v3, v2  }
0x2bf: {  	v5 =	vpop (erf);
	[tilespmem:$0x11B0] =	vst v4;
	v3 =	vbroadcast v3, $0x0  }
0x2c0: {  	v4 =	vpop (erf);
	[tilespmem:$0x11C0] =	vst v5  }
0x2c1: {  	[tilespmem:$0x11D0] =	vst v4;
	v5 =	vpop (erf)  }
0x2c2: {  	[tilespmem:$0x11E0] =	vst v5;
	v4 =	vpop (erf)  }
0x2c3: {  	s21 =	simm.s32 $0x80;
	s2 =	simm.s32 $0x1;
	[tilespmem:$0x11F0] =	vst v4  }
0x2c4: {  	v5 =	vmov s2;
	v4 =	vld [tilespmem:s21+$0xFFFFFF80]  }
0x2c5: {  	v5 =	vshrl.u32 v5, $0x3;
	v3 =	vld.idx.msk [tilespmem:v3+s14+$0x0], $0xffff  }
0x2c6: {  	v6 =	vld [tilespmem:s21+$0xFFFFFF90];
	v5 =	vshll.u32 v5, v2  }
0x2c7: {  	v5 =	vadd.s32 $0x1, v5  }
0x2c8: {  	v5 =	vbroadcast v5, $0x0;
	_ =	sdelay $0x1  }
0x2c9: {  	v4 =	vmul.f32 v4, v3  }
0x2ca: {  	v3 =	vmul.f32 v6, v3  }
0x2cb: {  	s4 =	simm.s32 $0x2;
	[tilespmem:s21+$0xFFFFFF80] =	vst v4  }
0x2cc: {  	[tilespmem:s21+$0xFFFFFF90] =	vst v3;
	v3 =	vld [tilespmem:s21+$0xFFFFFFA0];
	v4 =	vmov s4  }
0x2cd: {  	v5 =	vld.idx.msk [tilespmem:v5+s14+$0x0], $0xffff;
	v4 =	vshrl.u32 v4, $0x3  }
0x2ce: {  	v6 =	vld [tilespmem:s21+$0xFFFFFFB0];
	v4 =	vshll.u32 v4, v2  }
0x2cf: {  	v4 =	vadd.s32 $0x2, v4  }
0x2d0: {  	v4 =	vbroadcast v4, $0x0;
	_ =	sdelay $0x1  }
0x2d1: {  	v3 =	vmul.f32 v3, v5  }
0x2d2: {  	v5 =	vmul.f32 v6, v5  }
0x2d3: {  	s5 =	simm.s32 $0x3;
	[tilespmem:s21+$0xFFFFFFA0] =	vst v3  }
0x2d4: {  	[tilespmem:s21+$0xFFFFFFB0] =	vst v5;
	v3 =	vld [tilespmem:s21+$0xFFFFFFC0];
	v5 =	vmov s5  }
0x2d5: {  	v5 =	vshrl.u32 v5, $0x3;
	v4 =	vld.idx.msk [tilespmem:v4+s14+$0x0], $0xffff  }
0x2d6: {  	v6 =	vld [tilespmem:s21+$0xFFFFFFD0];
	v5 =	vshll.u32 v5, v2  }
0x2d7: {  	v5 =	vadd.s32 $0x3, v5  }
0x2d8: {  	v5 =	vbroadcast v5, $0x0;
	_ =	sdelay $0x1  }
0x2d9: {  	v3 =	vmul.f32 v3, v4  }
0x2da: {  	v4 =	vmul.f32 v6, v4  }
0x2db: {  	[tilespmem:s21+$0xFFFFFFC0] =	vst v3  }
0x2dc: {  	s0 =	simm.s32 $0x4;
	[tilespmem:s21+$0xFFFFFFD0] =	vst v4  }
0x2dd: {  	v4 =	vld.idx.msk [tilespmem:v5+s14+$0x0], $0xffff;
	v5 =	vmov s0  }
0x2de: {  	v6 =	vld [tilespmem:s21+$0xFFFFFFE0];
	v5 =	vshrl.u32 v5, $0x3  }
0x2df: {  	v3 =	vld [tilespmem:s21+$0xFFFFFFF0];
	v5 =	vshll.u32 v5, v2  }
0x2e0: {  	v5 =	vadd.s32 $0x4, v5  }
0x2e1: {  	v5 =	vbroadcast v5, $0x0;
	_ =	sdelay $0x1  }
0x2e2: {  	v6 =	vmul.f32 v6, v4  }
0x2e3: {  	v3 =	vmul.f32 v3, v4  }
0x2e4: {  	s2 =	simm.s32 $0x5;
	[tilespmem:s21+$0xFFFFFFE0] =	vst v6  }
0x2e5: {  	v4 =	vmov s2;
	[tilespmem:s21+$0xFFFFFFF0] =	vst v3;
	v3 =	vld [tilespmem:s21+$0x0]  }
0x2e6: {  	v4 =	vshrl.u32 v4, $0x3;
	v5 =	vld.idx.msk [tilespmem:v5+s14+$0x0], $0xffff  }
0x2e7: {  	v6 =	vld [tilespmem:s21+$0x10];
	v4 =	vshll.u32 v4, v2  }
0x2e8: {  	v4 =	vadd.s32 $0x5, v4  }
0x2e9: {  	v4 =	vbroadcast v4, $0x0;
	_ =	sdelay $0x1  }
0x2ea: {  	v3 =	vmul.f32 v3, v5  }
0x2eb: {  	v5 =	vmul.f32 v6, v5  }
0x2ec: {  	s4 =	simm.s32 $0x6;
	[tilespmem:s21+$0x0] =	vst v3  }
0x2ed: {  	[tilespmem:s21+$0x10] =	vst v5;
	v3 =	vld [tilespmem:s21+$0x20];
	v5 =	vmov s4  }
0x2ee: {  	v4 =	vld.idx.msk [tilespmem:v4+s14+$0x0], $0xffff;
	v5 =	vshrl.u32 v5, $0x3  }
0x2ef: {  	v6 =	vld [tilespmem:s21+$0x30];
	v5 =	vshll.u32 v5, v2  }
0x2f0: {  	v5 =	vadd.s32 $0x6, v5  }
0x2f1: {  	v5 =	vbroadcast v5, $0x0;
	_ =	sdelay $0x1  }
0x2f2: {  	v7 =	vmul.f32 v3, v4  }
0x2f3: {  	v4 =	vmul.f32 v6, v4  }
0x2f4: {  	s5 =	simm.s32 $0x7;
	[tilespmem:s21+$0x20] =	vst v7  }
0x2f5: {  	v6 =	vld [tilespmem:s21+$0x40];
	[tilespmem:s21+$0x30] =	vst v4;
	v4 =	vmov s5  }
0x2f6: {  	v4 =	vshrl.u32 v4, $0x3;
	v5 =	vld.idx.msk [tilespmem:v5+s14+$0x0], $0xffff  }
0x2f7: {  	v7 =	vld [tilespmem:s21+$0x50];
	v4 =	vshll.u32 v4, v2  }
0x2f8: {  	v4 =	vadd.s32 $0x7, v4  }
0x2f9: {  	v63 =	vbroadcast v4, $0x0;
	_ =	sdelay $0x1  }
0x2fa: {  	v6 =	vmul.f32 v6, v5  }
0x2fb: {  	v5 =	vmul.f32 v7, v5  }
0x2fc: {  	v3 =	vld [tilespmem:s21+$0x60];
	[tilespmem:s21+$0x40] =	vst v6  }
0x2fd: {  	v4 =	vld [tilespmem:s21+$0x70];
	[tilespmem:s21+$0x50] =	vst v5  }
0x2fe: {  	s1 =	simm.s32 $0x8;
	s2 =	simm.s32 $0x80;
	s4 =	simm.s32 $0x10;
	v5 =	vld.idx.msk [tilespmem:v63+s14+$0x0], $0xffff  }
.LBB2_5:
0x2ff: {  	p0 =	slt.u32 s4, $0x78  }
0x300: {  	v6 =	vmov s1;
	s21 =	sadd.s32 $0x100, s21;
	s5 =	smov.u32 s4;
	s4 =	sadd.s32 $0x8, s4  }
0x301: {  	v6 =	vshrl.u32 v6, $0x3  }
0x302: {  	v6 =	vshll.u32 v6, v2  }
0x303: {  	v6 =	vbroadcast v6, $0x0;
	_ =	sdelay $0x1  }
0x304: {  	v3 =	vmul.f32 v3, v5;
	v4 =	vmul.f32 v4, v5;
	_ =	sdelay $0x1  }
0x305: {  	s0 =	sadd.s32 $0x1, s1;
	[tilespmem:s2+$0x60] =	vst v3  }
0x306: {  	v3 =	vmov s0;
	v5 =	vld [tilespmem:s21+$0xFFFFFF80];
	[tilespmem:s2+$0x70] =	vst v4;
	s2 =	smov.u32 s21  }
0x307: {  	v3 =	vshrl.u32 v3, $0x3;
	v6 =	vld.idx.msk [tilespmem:v6+s14+$0x0], $0xffff  }
0x308: {  	v3 =	vshll.u32 v3, v2;
	v7 =	vld [tilespmem:s21+$0xFFFFFF90]  }
0x309: {  	v3 =	vadd.s32 $0x1, v3;
	v4 =	vld [tilespmem:s21+$0x70]  }
0x30a: {  	v8 =	vbroadcast v3, $0x0;
	v3 =	vld [tilespmem:s21+$0x60];
	_ =	sdelay $0x2  }
0x30b: {  	v5 =	vmul.f32 v5, v6;
	v6 =	vmul.f32 v7, v6  }
0x30c: {  	s0 =	sadd.s32 $0x2, s1  }
0x30d: {  	[tilespmem:s21+$0xFFFFFF80] =	vst v5;
	v5 =	vmov s0  }
0x30e: {  	[tilespmem:s21+$0xFFFFFF90] =	vst v6;
	v6 =	vld [tilespmem:s21+$0xFFFFFFA0];
	v5 =	vshrl.u32 v5, $0x3  }
0x30f: {  	v7 =	vld.idx.msk [tilespmem:v8+s14+$0x0], $0xffff;
	v5 =	vshll.u32 v5, v2  }
0x310: {  	v8 =	vld [tilespmem:s21+$0xFFFFFFB0];
	v5 =	vadd.s32 $0x2, v5  }
0x311: {  	v5 =	vbroadcast v5, $0x0;
	_ =	sdelay $0x3  }
0x312: {  	s0 =	sadd.s32 $0x3, s1;
	v6 =	vmul.f32 v6, v7;
	v7 =	vmul.f32 v8, v7  }
0x313: {  	v8 =	vmov s0  }
0x314: {  	[tilespmem:s21+$0xFFFFFFA0] =	vst v6;
	v6 =	vshrl.u32 v8, $0x3  }
0x315: {  	[tilespmem:s21+$0xFFFFFFB0] =	vst v7;
	v7 =	vld [tilespmem:s21+$0xFFFFFFC0];
	v6 =	vshll.u32 v6, v2  }
0x316: {  	v5 =	vld.idx.msk [tilespmem:v5+s14+$0x0], $0xffff;
	v6 =	vadd.s32 $0x3, v6  }
0x317: {  	v8 =	vld [tilespmem:s21+$0xFFFFFFD0];
	v6 =	vbroadcast v6, $0x0;
	_ =	sdelay $0x3  }
0x318: {  	s0 =	sadd.s32 $0x4, s1  }
0x319: {  	v7 =	vmul.f32 v7, v5;
	v5 =	vmul.f32 v8, v5;
	v8 =	vmov s0  }
0x31a: {  	v8 =	vshrl.u32 v8, $0x3  }
0x31b: {  	[tilespmem:s21+$0xFFFFFFC0] =	vst v7;
	v7 =	vld [tilespmem:s21+$0xFFFFFFF0];
	v8 =	vshll.u32 v8, v2  }
0x31c: {  	[tilespmem:s21+$0xFFFFFFD0] =	vst v5;
	v5 =	vadd.s32 $0x4, v8  }
0x31d: {  	v6 =	vld.idx.msk [tilespmem:v6+s14+$0x0], $0xffff;
	v5 =	vbroadcast v5, $0x0  }
0x31e: {  	v8 =	vld [tilespmem:s21+$0xFFFFFFE0];
	_ =	sdelay $0x2  }
0x31f: {  	s0 =	sadd.s32 $0x5, s1  }
0x320: {  	v9 =	vmov s0  }
0x321: {  	v8 =	vmul.f32 v8, v6;
	v6 =	vmul.f32 v7, v6;
	v7 =	vshrl.u32 v9, $0x3  }
0x322: {  	v7 =	vshll.u32 v7, v2  }
0x323: {  	[tilespmem:s21+$0xFFFFFFE0] =	vst v8;
	v7 =	vadd.s32 $0x5, v7  }
0x324: {  	[tilespmem:s21+$0xFFFFFFF0] =	vst v6;
	v6 =	vld [tilespmem:s21+$0x0];
	v7 =	vbroadcast v7, $0x0  }
0x325: {  	v5 =	vld.idx.msk [tilespmem:v5+s14+$0x0], $0xffff  }
0x326: {  	v8 =	vld [tilespmem:s21+$0x10];
	_ =	sdelay $0x1  }
0x327: {  	s0 =	sadd.s32 $0x6, s1  }
0x328: {  	v9 =	vmov s0  }
0x329: {  	v9 =	vshrl.u32 v9, $0x3  }
0x32a: {  	v6 =	vmul.f32 v6, v5;
	v5 =	vmul.f32 v8, v5;
	v8 =	vshll.u32 v9, v2  }
0x32b: {  	v8 =	vadd.s32 $0x6, v8  }
0x32c: {  	[tilespmem:s21+$0x0] =	vst v6;
	v6 =	vbroadcast v8, $0x0  }
0x32d: {  	[tilespmem:s21+$0x10] =	vst v5;
	v5 =	vld [tilespmem:s21+$0x20]  }
0x32e: {  	v7 =	vld.idx.msk [tilespmem:v7+s14+$0x0], $0xffff  }
0x32f: {  	v8 =	vld [tilespmem:s21+$0x30]  }
0x330: {  	s0 =	sadd.s32 $0x7, s1;
	s1 =	smov.u32 s5  }
0x331: {  	v9 =	vmov s0  }
0x332: {  	v9 =	vshrl.u32 v9, $0x3  }
0x333: {  	v9 =	vshll.u32 v9, v2  }
0x334: {  	v5 =	vmul.f32 v5, v7;
	v7 =	vmul.f32 v8, v7;
	v8 =	vadd.s32 $0x7, v9  }
0x335: {  	v8 =	vbroadcast v8, $0x0  }
0x336: {  	[tilespmem:s21+$0x20] =	vst v5  }
0x337: {  	[tilespmem:s21+$0x30] =	vst v7;
	v5 =	vld [tilespmem:s21+$0x40]  }
0x338: {  	v6 =	vld.idx.msk [tilespmem:v6+s14+$0x0], $0xffff  }
0x339: {  	v7 =	vld [tilespmem:s21+$0x50];
	_ =	sdelay $0x4  }
.Ltmp1:
0x33a: {  	v5 =	vmul.f32 v5, v6;
	v6 =	vmul.f32 v7, v6;
	(pc) =	sbr.rel @p0 .LBB2_5-.Ltmp1, $4  }
0x33b: {  	_ = 	snop  }
0x33c: {  	[tilespmem:s21+$0x40] =	vst v5  }
0x33d: {  	[tilespmem:s21+$0x50] =	vst v6  }
0x33e: {  	v5 =	vld.idx.msk [tilespmem:v8+s14+$0x0], $0xffff  }
0x33f: {  	v6 =	vmov s1  }
0x340: {  	v6 =	vshrl.u32 v6, $0x3  }
0x341: {  	v6 =	vshll.u32 v6, v2  }
0x342: {  	v6 =	vbroadcast v6, $0x0;
	_ =	sdelay $0x1  }
0x343: {  	v3 =	vmul.f32 v3, v5  }
0x344: {  	v4 =	vmul.f32 v4, v5  }
0x345: {  	s4 =	sadd.s32 $0x100, s21;
	s0 =	sadd.s32 $0x1, s1;
	[tilespmem:s2+$0x60] =	vst v3  }
0x346: {  	v5 =	vmov s0;
	v3 =	vld [tilespmem:s4+$0xFFFFFF80];
	[tilespmem:s2+$0x70] =	vst v4  }
0x347: {  	v5 =	vshrl.u32 v5, $0x3;
	v4 =	vld.idx.msk [tilespmem:v6+s14+$0x0], $0xffff  }
0x348: {  	v5 =	vshll.u32 v5, v2;
	v6 =	vld [tilespmem:s4+$0xFFFFFF90]  }
0x349: {  	v5 =	vadd.s32 $0x1, v5  }
0x34a: {  	v5 =	vbroadcast v5, $0x0;
	_ =	sdelay $0x1  }
0x34b: {  	v3 =	vmul.f32 v3, v4  }
0x34c: {  	v4 =	vmul.f32 v6, v4  }
0x34d: {  	s21 =	sadd.s32 $0x2, s1;
	[tilespmem:s4+$0xFFFFFF80] =	vst v3  }
0x34e: {  	v3 =	vmov s21;
	[tilespmem:s4+$0xFFFFFF90] =	vst v4;
	v4 =	vld [tilespmem:s4+$0xFFFFFFA0]  }
0x34f: {  	v3 =	vshrl.u32 v3, $0x3;
	v5 =	vld.idx.msk [tilespmem:v5+s14+$0x0], $0xffff  }
0x350: {  	v6 =	vld [tilespmem:s4+$0xFFFFFFB0];
	v3 =	vshll.u32 v3, v2  }
0x351: {  	v3 =	vadd.s32 $0x2, v3  }
0x352: {  	v3 =	vbroadcast v3, $0x0;
	_ =	sdelay $0x1  }
0x353: {  	v4 =	vmul.f32 v4, v5  }
0x354: {  	v5 =	vmul.f32 v6, v5  }
0x355: {  	s2 =	sadd.s32 $0x3, s1;
	[tilespmem:s4+$0xFFFFFFA0] =	vst v4  }
0x356: {  	v4 =	vmov s2;
	[tilespmem:s4+$0xFFFFFFB0] =	vst v5;
	v5 =	vld [tilespmem:s4+$0xFFFFFFC0]  }
0x357: {  	v4 =	vshrl.u32 v4, $0x3;
	v3 =	vld.idx.msk [tilespmem:v3+s14+$0x0], $0xffff  }
0x358: {  	v6 =	vld [tilespmem:s4+$0xFFFFFFD0];
	v4 =	vshll.u32 v4, v2  }
0x359: {  	v4 =	vadd.s32 $0x3, v4  }
0x35a: {  	v4 =	vbroadcast v4, $0x0;
	_ =	sdelay $0x1  }
0x35b: {  	v5 =	vmul.f32 v5, v3  }
0x35c: {  	v3 =	vmul.f32 v6, v3  }
0x35d: {  	s5 =	sadd.s32 $0x4, s1;
	[tilespmem:s4+$0xFFFFFFC0] =	vst v5  }
0x35e: {  	[tilespmem:s4+$0xFFFFFFD0] =	vst v3;
	v3 =	vmov s5;
	v5 =	vld [tilespmem:s4+$0xFFFFFFE0]  }
0x35f: {  	v4 =	vld.idx.msk [tilespmem:v4+s14+$0x0], $0xffff;
	v3 =	vshrl.u32 v3, $0x3  }
0x360: {  	v6 =	vld [tilespmem:s4+$0xFFFFFFF0];
	v3 =	vshll.u32 v3, v2  }
0x361: {  	v3 =	vadd.s32 $0x4, v3  }
0x362: {  	v3 =	vbroadcast v3, $0x0;
	_ =	sdelay $0x1  }
0x363: {  	v5 =	vmul.f32 v5, v4  }
0x364: {  	v4 =	vmul.f32 v6, v4  }
0x365: {  	s21 =	sadd.s32 $0x5, s1;
	[tilespmem:s4+$0xFFFFFFE0] =	vst v5  }
0x366: {  	v5 =	vmov s21;
	[tilespmem:s4+$0xFFFFFFF0] =	vst v4;
	v4 =	vld [tilespmem:s4+$0x0]  }
0x367: {  	v5 =	vshrl.u32 v5, $0x3;
	v3 =	vld.idx.msk [tilespmem:v3+s14+$0x0], $0xffff  }
0x368: {  	v6 =	vld [tilespmem:s4+$0x10];
	v5 =	vshll.u32 v5, v2  }
0x369: {  	v5 =	vadd.s32 $0x5, v5  }
0x36a: {  	v5 =	vbroadcast v5, $0x0;
	_ =	sdelay $0x1  }
0x36b: {  	v4 =	vmul.f32 v4, v3  }
0x36c: {  	v3 =	vmul.f32 v6, v3  }
0x36d: {  	s2 =	sadd.s32 $0x6, s1;
	[tilespmem:s4+$0x0] =	vst v4  }
0x36e: {  	v4 =	vmov s2;
	[tilespmem:s4+$0x10] =	vst v3;
	v3 =	vld [tilespmem:s4+$0x20]  }
0x36f: {  	v4 =	vshrl.u32 v4, $0x3;
	v5 =	vld.idx.msk [tilespmem:v5+s14+$0x0], $0xffff  }
0x370: {  	v6 =	vld [tilespmem:s4+$0x30];
	v4 =	vshll.u32 v4, v2  }
0x371: {  	v4 =	vadd.s32 $0x6, v4  }
0x372: {  	v4 =	vbroadcast v4, $0x0;
	_ =	sdelay $0x1  }
0x373: {  	v3 =	vmul.f32 v3, v5  }
0x374: {  	v5 =	vmul.f32 v6, v5  }
0x375: {  	s5 =	sadd.s32 $0x7, s1;
	[tilespmem:s4+$0x20] =	vst v3  }
0x376: {  	v3 =	vmov s5;
	[tilespmem:s4+$0x30] =	vst v5;
	v5 =	vld [tilespmem:s4+$0x40]  }
0x377: {  	v3 =	vshrl.u32 v3, $0x3;
	v4 =	vld.idx.msk [tilespmem:v4+s14+$0x0], $0xffff  }
0x378: {  	v6 =	vld [tilespmem:s4+$0x50];
	v3 =	vshll.u32 v3, v2  }
0x379: {  	v3 =	vadd.s32 $0x7, v3  }
0x37a: {  	v3 =	vbroadcast v3, $0x0;
	_ =	sdelay $0x1  }
0x37b: {  	v5 =	vmul.f32 v5, v4  }
0x37c: {  	v4 =	vmul.f32 v6, v4  }
0x37d: {  	[tilespmem:s4+$0x40] =	vst v5  }
0x37e: {  	v5 =	vld [tilespmem:s4+$0x60];
	[tilespmem:s4+$0x50] =	vst v4  }
0x37f: {  	v3 =	vld.idx.msk [tilespmem:v3+s14+$0x0], $0xffff  }
0x380: {  	v4 =	vld [tilespmem:s4+$0x70];
	_ =	sdelay $0x3  }
0x381: {  	v5 =	vmul.f32 v5, v3  }
0x382: {  	v3 =	vmul.f32 v4, v3  }
0x383: {  	[tilespmem:s4+$0x60] =	vst v5  }
0x384: {  	[tilespmem:s4+$0x70] =	vst v3  }
0x385: {  	_ =	swait.ge [sflag:s26], $0x80  }
0x386: {  	[sflag:s26] =	ssyncset.done $0x0  }
0x387: {  	[sflag:s26] =	ssyncadd.s32 $0xFFFFFF80  }
0x388: {  	_ =	swait.ge [sflag:s26], $0x80  }
0x389: {  	[sflag:s26] =	ssyncset.done $0x0  }
0x38a: {  	[sflag:s26] =	ssyncadd.s32 $0xFFFFFF80  }
0x38b: {  	_ =	swait.ge [sflag:s26], $0x80  }
0x38c: {  	[sflag:s26] =	ssyncset.done $0x0  }
0x38d: {  	[sflag:s26] =	ssyncadd.s32 $0xFFFFFF80  }
0x38e: {  	[tilespmem:s13], [sflag:$0x4] =	stream.indirect.gather [hbm4b:s12+s19], $0x20, s22, s19, $0xb8;
	[tilespmem:$0x1D340] =	vst v63  }
0x38f: {  	s21 =	simm.s32 $0x2580  }
0x390: {  	[tilespmem:s21], [sflag:$0x4] =	stream.indirect.gather [hbm4b:s10+s19], $0x1, s22, s19, $0xb8;
	[tilespmem:$0x1D340] =	vst v63  }
0x391: {  	s1 =	simm.s32 $0x2600  }
0x392: {  	[tilespmem:s1], [sflag:$0x4] =	stream.indirect.gather [hbm4b:s11+s19], $0x1, s23, s19, $0xb8;
	[tilespmem:$0x1D340] =	vst v63  }
0x393: {  	s2 =	rddreg [dreg:$0x2];
	s1 =	simm.s32 $0x0  }
0x394: {  	[spmem:s2] =	stream.indirect.scatter.add.f32 [tilespmem:s1], [sflag:$0x5], $0x20, s16, s19, $0xb8;
	[tilespmem:$0x1D340] =	vst v63  }
0x395: {  	_ =	swait.ge [sflag:s3], $0x1000  }
0x396: {  	[sflag:s3] =	ssyncset.done $0x0  }
0x397: {  	[sflag:s3] =	ssyncadd.s32 $0xFFFFF000  }
0x398: {  	s4 =	rddreg [dreg:$0x3]  }
0x399: {  	[spmem:s4] =	stream.indirect.scatter.add.f32 [tilespmem:s14], [sflag:$0x5], $0x1, s16, s19, $0xb8;
	[tilespmem:$0x1D340] =	vst v63  }
0x39a: {  	_ =	swait.ge [sflag:s3], $0x80  }
0x39b: {  	[sflag:s3] =	ssyncset.done $0x0  }
0x39c: {  	[sflag:s3] =	ssyncadd.s32 $0xFFFFFF80  }
0x39d: {  	s5 =	rddreg [dreg:$0x4]  }
0x39e: {  	[spmem:s5] =	stream.indirect.scatter.add.f32 [tilespmem:s31], [sflag:$0x5], $0x1, s16, s19, $0xb8;
	[tilespmem:$0x1D340] =	vst v63  }
0x39f: {  	s21 =	sshll.u32 s20, $0x1;
	_ =	swait.ge [sflag:s3], $0x80  }
0x3a0: {  	s0 =	sadd.s32 $0x2, s21;
	[sflag:s3] =	ssyncset.done $0x0  }
0x3a1: {  	p0 =	seq.s32 s0, $0xC8;
	s0 =	sshll.u32 s0, $0x7;
	[sflag:s3] =	ssyncadd.s32 $0xFFFFFF80  }
0x3a2: {  	s0 =	simm.s32 @p0 $0x0;
	s4 =	rddreg [dreg:$0x5]  }
0x3a3: {  	[spmem:s4] =	stream.indirect.scatter.add.f32 [tilespmem:s17], [sflag:$0x5], $0x1, s16, s19, $0xb8;
	[tilespmem:$0x1D340] =	vst v63  }
0x3a4: {  	s0 =	sadd.s32 s28, s0;
	_ =	swait.ge [sflag:s3], $0x80  }
0x3a5: {  	s0 =	sshrl.u32 s0, $0x3;
	[sflag:s3] =	ssyncset.done $0x0  }
0x3a6: {  	s5 =	sadd.s32 s7, s0;
	[sflag:s3] =	ssyncadd.s32 $0xFFFFFF80  }
0x3a7: {  	[tilespmem:s15], [sflag:$0x1] =	stream.linear.gather [hbm4b:s5+s1], $0x80, $0x38;
	[tilespmem:$0x1D340] =	vst v63  }
0x3a8: {  	s21 =	sadd.s32 s8, s0  }
0x3a9: {  	[tilespmem:s16], [sflag:$0x1] =	stream.linear.gather [hbm4b:s21+s1], $0x80, $0x38;
	[tilespmem:$0x1D340] =	vst v63  }
0x3aa: {  	s0 =	sadd.s32 s9, s0  }
0x3ab: {  	[tilespmem:s17], [sflag:$0x1] =	stream.linear.gather [hbm4b:s0+s1], $0x80, $0x38;
	[tilespmem:$0x1D340] =	vst v63  }
0x3ac: {  	_ =	swait.ge [sflag:s6], $0x1000  }
0x3ad: {  	[sflag:s6] =	ssyncset.done $0x0  }
0x3ae: {  	[sflag:s6] =	ssyncadd.s32 $0xFFFFF000  }
0x3af: {  	_ =	swait.ge [sflag:s6], $0x80  }
0x3b0: {  	[sflag:s6] =	ssyncset.done $0x0  }
0x3b1: {  	[sflag:s6] =	ssyncadd.s32 $0xFFFFFF80  }
0x3b2: {  	_ =	swait.ge [sflag:s6], $0x80  }
0x3b3: {  	[sflag:s6] =	ssyncset.done $0x0  }
0x3b4: {  	[sflag:s6] =	ssyncadd.s32 $0xFFFFFF80  }
0x3b5: {  	v3 =	vld [tilespmem:$0x2580]  }
0x3b6: {  	v4 =	vld [tilespmem:$0x2600]  }
0x3b7: {  	v5 =	vld [tilespmem:$0x2480]  }
0x3b8: {  	v6 =	vld [tilespmem:$0x2590]  }
0x3b9: {  	v7 =	vld [tilespmem:$0x2610]  }
0x3ba: {  	v8 =	vld [tilespmem:$0x2490]  }
0x3bb: {  	v9 =	vld [tilespmem:$0x25A0]  }
0x3bc: {  	v10 =	vld [tilespmem:$0x2620]  }
0x3bd: {  	v11 =	vld [tilespmem:$0x24A0]  }
0x3be: {  	v12 =	vld [tilespmem:$0x25B0]  }
0x3bf: {  	v13 =	vld [tilespmem:$0x2630]  }
0x3c0: {  	v14 =	vld [tilespmem:$0x25C0]  }
0x3c1: {  	v16 =	vld [tilespmem:$0x25D0];
	v3 =	vadd.f32 v4, v3  }
0x3c2: {  	v50 =	vld [tilespmem:$0x2650]  }
0x3c3: {  	v51 =	vld [tilespmem:$0x24D0];
	v6 =	vadd.f32 v7, v6;
	v3 =	vadd.f32 v5, v3  }
0x3c4: {  	v4 =	vld [tilespmem:$0x24B0]  }
0x3c5: {  	v54 =	vld [tilespmem:$0x25E0];
	v49 =	vadd.f32 v10, v9;
	v6 =	vadd.f32 v8, v6;
	v15 =	vmul.f32 $2.000000030e-01, v3  }
0x3c6: {  	v53 =	vadd.f32 v13, v12;
	v5 =	vld [tilespmem:$0x2640];
	vm0 =	vge.f32 v3, $0.0e+00  }
0x3c7: {  	v55 =	vld [tilespmem:$0x2660];
	v8 =	vadd.f32 v11, v49;
	v52 =	vmul.f32 $2.000000030e-01, v6;
	v3 =	vsel vm0, v3, v15  }
0x3c8: {  	v7 =	vld [tilespmem:$0x24C0];
	vm9 =	vge.f32 v6, $0.0e+00;
	v3 =	vmul.f32 $1.442695020e+00, v3  }
0x3c9: {  	v57 =	vld [tilespmem:$0x25F0];
	v56 =	vmul.f32 $2.000000030e-01, v8;
	v4 =	vadd.f32 v4, v53;
	v6 =	vsel vm9, v6, v52  }
0x3ca: {  	vm10 =	vge.f32 v8, $0.0e+00;
	(erf) = vpow2.f32 v3;
	v3 =	vmul.f32 $1.442695020e+00, v6;
	v6 =	vld [tilespmem:$0x2670]  }
0x3cb: {  	v59 =	vld [tilespmem:$0x24E0];
	v8 =	vsel vm10, v8, v56;
	v58 =	vmul.f32 $2.000000030e-01, v4;
	v5 =	vadd.f32 v5, v14  }
0x3cc: {  	v60 =	vld [tilespmem:$0x24F0];
	vm11 =	vge.f32 v4, $0.0e+00;
	(erf) = vpow2.f32 v3;
	v3 =	vmul.f32 $1.442695020e+00, v8  }
0x3cd: {  	v4 =	vsel vm11, v4, v58;
	v5 =	vadd.f32 v7, v5;
	v7 =	vadd.f32 v50, v16  }
0x3ce: {  	v4 =	vmul.f32 $1.442695020e+00, v4;
	(erf) = vpow2.f32 v3;
	v3 =	vadd.f32 v55, v54  }
0x3cf: {  	v7 =	vadd.f32 v51, v7;
	v61 =	vmul.f32 $2.000000030e-01, v5;
	v6 =	vadd.f32 v6, v57  }
0x3d0: {  	vm12 =	vge.f32 v5, $0.0e+00;
	(erf) = vpow2.f32 v4;
	v3 =	vadd.f32 v59, v3  }
0x3d1: {  	v4 =	vsel vm12, v5, v61;
	v5 =	vmul.f32 $2.000000030e-01, v7;
	v6 =	vadd.f32 v60, v6  }
0x3d2: {  	vm13 =	vge.f32 v7, $0.0e+00;
	v4 =	vmul.f32 $1.442695020e+00, v4;
	v62 =	vmul.f32 $2.000000030e-01, v3  }
0x3d3: {  	v5 =	vsel vm13, v7, v5;
	vm14 =	vge.f32 v3, $0.0e+00;
	v7 =	vmul.f32 $2.000000030e-01, v6  }
0x3d4: {  	v5 =	vmul.f32 $1.442695020e+00, v5;
	vm15 =	vge.f32 v6, $0.0e+00;
	v3 =	vsel vm14, v3, v62  }
0x3d5: {  	(erf) = vpow2.f32 v4;
	v3 =	vmul.f32 $1.442695020e+00, v3;
	v4 =	vsel vm15, v6, v7  }
0x3d6: {  	(erf) = vpow2.f32 v5;
	v4 =	vmul.f32 $1.442695020e+00, v4  }
0x3d7: {  	(erf) = vpow2.f32 v3  }
0x3d8: {  	(erf) = vpow2.f32 v4;
	_ =	sdelay $0x1  }
0x3d9: {  	v3 =	vpop (erf)  }
0x3da: {  	v4 =	vpop (erf);
	[tilespmem:$0x2500] =	vst v3;
	v3 =	vmov s1  }
0x3db: {  	v5 =	vpop (erf);
	[tilespmem:$0x2510] =	vst v4;
	v3 =	vshrl.u32 v3, $0x3  }
0x3dc: {  	v4 =	vpop (erf);
	[tilespmem:$0x2520] =	vst v5;
	v3 =	vshll.u32 v3, v2  }
0x3dd: {  	v5 =	vpop (erf);
	[tilespmem:$0x2530] =	vst v4;
	v3 =	vbroadcast v3, $0x0  }
0x3de: {  	v4 =	vpop (erf);
	[tilespmem:$0x2540] =	vst v5  }
0x3df: {  	[tilespmem:$0x2550] =	vst v4;
	v5 =	vpop (erf)  }
0x3e0: {  	[tilespmem:$0x2560] =	vst v5;
	v4 =	vpop (erf)  }
0x3e1: {  	s2 =	simm.s32 $0x1;
	s21 =	simm.s32 $0x1400;
	[tilespmem:$0x2570] =	vst v4  }
0x3e2: {  	v5 =	vmov s2;
	v4 =	vld [tilespmem:s21+$0xFFFFFF80]  }
0x3e3: {  	v5 =	vshrl.u32 v5, $0x3;
	v3 =	vld.idx.msk [tilespmem:v3+s29+$0x0], $0xffff  }
0x3e4: {  	v6 =	vld [tilespmem:s21+$0xFFFFFF90];
	v5 =	vshll.u32 v5, v2  }
0x3e5: {  	v5 =	vadd.s32 $0x1, v5  }
0x3e6: {  	v5 =	vbroadcast v5, $0x0;
	_ =	sdelay $0x1  }
0x3e7: {  	v4 =	vmul.f32 v4, v3  }
0x3e8: {  	v3 =	vmul.f32 v6, v3  }
0x3e9: {  	s4 =	simm.s32 $0x2;
	[tilespmem:s21+$0xFFFFFF80] =	vst v4  }
0x3ea: {  	[tilespmem:s21+$0xFFFFFF90] =	vst v3;
	v3 =	vld [tilespmem:s21+$0xFFFFFFA0];
	v4 =	vmov s4  }
0x3eb: {  	v5 =	vld.idx.msk [tilespmem:v5+s29+$0x0], $0xffff;
	v4 =	vshrl.u32 v4, $0x3  }
0x3ec: {  	v6 =	vld [tilespmem:s21+$0xFFFFFFB0];
	v4 =	vshll.u32 v4, v2  }
0x3ed: {  	v4 =	vadd.s32 $0x2, v4  }
0x3ee: {  	v4 =	vbroadcast v4, $0x0;
	_ =	sdelay $0x1  }
0x3ef: {  	v3 =	vmul.f32 v3, v5  }
0x3f0: {  	v5 =	vmul.f32 v6, v5  }
0x3f1: {  	s5 =	simm.s32 $0x3;
	[tilespmem:s21+$0xFFFFFFA0] =	vst v3  }
0x3f2: {  	[tilespmem:s21+$0xFFFFFFB0] =	vst v5;
	v3 =	vld [tilespmem:s21+$0xFFFFFFC0];
	v5 =	vmov s5  }
0x3f3: {  	v5 =	vshrl.u32 v5, $0x3;
	v4 =	vld.idx.msk [tilespmem:v4+s29+$0x0], $0xffff  }
0x3f4: {  	v6 =	vld [tilespmem:s21+$0xFFFFFFD0];
	v5 =	vshll.u32 v5, v2  }
0x3f5: {  	v5 =	vadd.s32 $0x3, v5  }
0x3f6: {  	v5 =	vbroadcast v5, $0x0;
	_ =	sdelay $0x1  }
0x3f7: {  	v3 =	vmul.f32 v3, v4  }
0x3f8: {  	v4 =	vmul.f32 v6, v4  }
0x3f9: {  	[tilespmem:s21+$0xFFFFFFC0] =	vst v3  }
0x3fa: {  	s1 =	simm.s32 $0x4;
	[tilespmem:s21+$0xFFFFFFD0] =	vst v4  }
0x3fb: {  	v4 =	vld.idx.msk [tilespmem:v5+s29+$0x0], $0xffff;
	v5 =	vmov s1  }
0x3fc: {  	v6 =	vld [tilespmem:s21+$0xFFFFFFE0];
	v5 =	vshrl.u32 v5, $0x3  }
0x3fd: {  	v3 =	vld [tilespmem:s21+$0xFFFFFFF0];
	v5 =	vshll.u32 v5, v2  }
0x3fe: {  	v5 =	vadd.s32 $0x4, v5  }
0x3ff: {  	v5 =	vbroadcast v5, $0x0;
	_ =	sdelay $0x1  }
0x400: {  	v6 =	vmul.f32 v6, v4  }
0x401: {  	v3 =	vmul.f32 v3, v4  }
0x402: {  	s2 =	simm.s32 $0x5;
	[tilespmem:s21+$0xFFFFFFE0] =	vst v6  }
0x403: {  	v4 =	vmov s2;
	[tilespmem:s21+$0xFFFFFFF0] =	vst v3;
	v3 =	vld [tilespmem:s21+$0x0]  }
0x404: {  	v4 =	vshrl.u32 v4, $0x3;
	v5 =	vld.idx.msk [tilespmem:v5+s29+$0x0], $0xffff  }
0x405: {  	v6 =	vld [tilespmem:s21+$0x10];
	v4 =	vshll.u32 v4, v2  }
0x406: {  	v4 =	vadd.s32 $0x5, v4  }
0x407: {  	v4 =	vbroadcast v4, $0x0;
	_ =	sdelay $0x1  }
0x408: {  	v3 =	vmul.f32 v3, v5  }
0x409: {  	v5 =	vmul.f32 v6, v5  }
0x40a: {  	s4 =	simm.s32 $0x6;
	[tilespmem:s21+$0x0] =	vst v3  }
0x40b: {  	[tilespmem:s21+$0x10] =	vst v5;
	v3 =	vld [tilespmem:s21+$0x20];
	v5 =	vmov s4  }
0x40c: {  	v4 =	vld.idx.msk [tilespmem:v4+s29+$0x0], $0xffff;
	v5 =	vshrl.u32 v5, $0x3  }
0x40d: {  	v6 =	vld [tilespmem:s21+$0x30];
	v5 =	vshll.u32 v5, v2  }
0x40e: {  	v5 =	vadd.s32 $0x6, v5  }
0x40f: {  	v5 =	vbroadcast v5, $0x0;
	_ =	sdelay $0x1  }
0x410: {  	v7 =	vmul.f32 v3, v4  }
0x411: {  	v4 =	vmul.f32 v6, v4  }
0x412: {  	s5 =	simm.s32 $0x7;
	[tilespmem:s21+$0x20] =	vst v7  }
0x413: {  	v6 =	vld [tilespmem:s21+$0x40];
	[tilespmem:s21+$0x30] =	vst v4;
	v4 =	vmov s5  }
0x414: {  	v4 =	vshrl.u32 v4, $0x3;
	v5 =	vld.idx.msk [tilespmem:v5+s29+$0x0], $0xffff  }
0x415: {  	v7 =	vld [tilespmem:s21+$0x50];
	v4 =	vshll.u32 v4, v2  }
0x416: {  	v4 =	vadd.s32 $0x7, v4  }
0x417: {  	v63 =	vbroadcast v4, $0x0;
	_ =	sdelay $0x1  }
0x418: {  	v6 =	vmul.f32 v6, v5  }
0x419: {  	v5 =	vmul.f32 v7, v5  }
0x41a: {  	v3 =	vld [tilespmem:s21+$0x60];
	[tilespmem:s21+$0x40] =	vst v6  }
0x41b: {  	v4 =	vld [tilespmem:s21+$0x70];
	[tilespmem:s21+$0x50] =	vst v5  }
0x41c: {  	s1 =	simm.s32 $0x8;
	s2 =	simm.s32 $0x1400;
	s4 =	simm.s32 $0x10;
	v5 =	vld.idx.msk [tilespmem:v63+s29+$0x0], $0xffff  }
.LBB2_7:
0x41d: {  	p0 =	slt.u32 s4, $0x78  }
0x41e: {  	v6 =	vmov s1;
	s21 =	sadd.s32 $0x100, s21;
	s5 =	smov.u32 s4;
	s4 =	sadd.s32 $0x8, s4  }
0x41f: {  	v6 =	vshrl.u32 v6, $0x3  }
0x420: {  	v6 =	vshll.u32 v6, v2  }
0x421: {  	v6 =	vbroadcast v6, $0x0;
	_ =	sdelay $0x1  }
0x422: {  	v3 =	vmul.f32 v3, v5;
	v4 =	vmul.f32 v4, v5;
	_ =	sdelay $0x1  }
0x423: {  	s0 =	sadd.s32 $0x1, s1;
	[tilespmem:s2+$0x60] =	vst v3  }
0x424: {  	v3 =	vmov s0;
	v5 =	vld [tilespmem:s21+$0xFFFFFF80];
	[tilespmem:s2+$0x70] =	vst v4;
	s2 =	smov.u32 s21  }
0x425: {  	v3 =	vshrl.u32 v3, $0x3;
	v6 =	vld.idx.msk [tilespmem:v6+s29+$0x0], $0xffff  }
0x426: {  	v3 =	vshll.u32 v3, v2;
	v7 =	vld [tilespmem:s21+$0xFFFFFF90]  }
0x427: {  	v3 =	vadd.s32 $0x1, v3;
	v4 =	vld [tilespmem:s21+$0x70]  }
0x428: {  	v8 =	vbroadcast v3, $0x0;
	v3 =	vld [tilespmem:s21+$0x60];
	_ =	sdelay $0x2  }
0x429: {  	v5 =	vmul.f32 v5, v6;
	v6 =	vmul.f32 v7, v6  }
0x42a: {  	s0 =	sadd.s32 $0x2, s1  }
0x42b: {  	[tilespmem:s21+$0xFFFFFF80] =	vst v5;
	v5 =	vmov s0  }
0x42c: {  	[tilespmem:s21+$0xFFFFFF90] =	vst v6;
	v6 =	vld [tilespmem:s21+$0xFFFFFFA0];
	v5 =	vshrl.u32 v5, $0x3  }
0x42d: {  	v7 =	vld.idx.msk [tilespmem:v8+s29+$0x0], $0xffff;
	v5 =	vshll.u32 v5, v2  }
0x42e: {  	v8 =	vld [tilespmem:s21+$0xFFFFFFB0];
	v5 =	vadd.s32 $0x2, v5  }
0x42f: {  	v5 =	vbroadcast v5, $0x0;
	_ =	sdelay $0x3  }
0x430: {  	s0 =	sadd.s32 $0x3, s1;
	v6 =	vmul.f32 v6, v7;
	v7 =	vmul.f32 v8, v7  }
0x431: {  	v8 =	vmov s0  }
0x432: {  	[tilespmem:s21+$0xFFFFFFA0] =	vst v6;
	v6 =	vshrl.u32 v8, $0x3  }
0x433: {  	[tilespmem:s21+$0xFFFFFFB0] =	vst v7;
	v7 =	vld [tilespmem:s21+$0xFFFFFFC0];
	v6 =	vshll.u32 v6, v2  }
0x434: {  	v5 =	vld.idx.msk [tilespmem:v5+s29+$0x0], $0xffff;
	v6 =	vadd.s32 $0x3, v6  }
0x435: {  	v8 =	vld [tilespmem:s21+$0xFFFFFFD0];
	v6 =	vbroadcast v6, $0x0;
	_ =	sdelay $0x3  }
0x436: {  	s0 =	sadd.s32 $0x4, s1  }
0x437: {  	v7 =	vmul.f32 v7, v5;
	v5 =	vmul.f32 v8, v5;
	v8 =	vmov s0  }
0x438: {  	v8 =	vshrl.u32 v8, $0x3  }
0x439: {  	[tilespmem:s21+$0xFFFFFFC0] =	vst v7;
	v7 =	vld [tilespmem:s21+$0xFFFFFFF0];
	v8 =	vshll.u32 v8, v2  }
0x43a: {  	[tilespmem:s21+$0xFFFFFFD0] =	vst v5;
	v5 =	vadd.s32 $0x4, v8  }
0x43b: {  	v6 =	vld.idx.msk [tilespmem:v6+s29+$0x0], $0xffff;
	v5 =	vbroadcast v5, $0x0  }
0x43c: {  	v8 =	vld [tilespmem:s21+$0xFFFFFFE0];
	_ =	sdelay $0x2  }
0x43d: {  	s0 =	sadd.s32 $0x5, s1  }
0x43e: {  	v9 =	vmov s0  }
0x43f: {  	v8 =	vmul.f32 v8, v6;
	v6 =	vmul.f32 v7, v6;
	v7 =	vshrl.u32 v9, $0x3  }
0x440: {  	v7 =	vshll.u32 v7, v2  }
0x441: {  	[tilespmem:s21+$0xFFFFFFE0] =	vst v8;
	v7 =	vadd.s32 $0x5, v7  }
0x442: {  	[tilespmem:s21+$0xFFFFFFF0] =	vst v6;
	v6 =	vld [tilespmem:s21+$0x0];
	v7 =	vbroadcast v7, $0x0  }
0x443: {  	v5 =	vld.idx.msk [tilespmem:v5+s29+$0x0], $0xffff  }
0x444: {  	v8 =	vld [tilespmem:s21+$0x10];
	_ =	sdelay $0x1  }
0x445: {  	s0 =	sadd.s32 $0x6, s1  }
0x446: {  	v9 =	vmov s0  }
0x447: {  	v9 =	vshrl.u32 v9, $0x3  }
0x448: {  	v6 =	vmul.f32 v6, v5;
	v5 =	vmul.f32 v8, v5;
	v8 =	vshll.u32 v9, v2  }
0x449: {  	v8 =	vadd.s32 $0x6, v8  }
0x44a: {  	[tilespmem:s21+$0x0] =	vst v6;
	v6 =	vbroadcast v8, $0x0  }
0x44b: {  	[tilespmem:s21+$0x10] =	vst v5;
	v5 =	vld [tilespmem:s21+$0x20]  }
0x44c: {  	v7 =	vld.idx.msk [tilespmem:v7+s29+$0x0], $0xffff  }
0x44d: {  	v8 =	vld [tilespmem:s21+$0x30]  }
0x44e: {  	s0 =	sadd.s32 $0x7, s1;
	s1 =	smov.u32 s5  }
0x44f: {  	v9 =	vmov s0  }
0x450: {  	v9 =	vshrl.u32 v9, $0x3  }
0x451: {  	v9 =	vshll.u32 v9, v2  }
0x452: {  	v5 =	vmul.f32 v5, v7;
	v7 =	vmul.f32 v8, v7;
	v8 =	vadd.s32 $0x7, v9  }
0x453: {  	v8 =	vbroadcast v8, $0x0  }
0x454: {  	[tilespmem:s21+$0x20] =	vst v5  }
0x455: {  	[tilespmem:s21+$0x30] =	vst v7;
	v5 =	vld [tilespmem:s21+$0x40]  }
0x456: {  	v6 =	vld.idx.msk [tilespmem:v6+s29+$0x0], $0xffff  }
0x457: {  	v7 =	vld [tilespmem:s21+$0x50];
	_ =	sdelay $0x4  }
.Ltmp2:
0x458: {  	v5 =	vmul.f32 v5, v6;
	v6 =	vmul.f32 v7, v6;
	(pc) =	sbr.rel @p0 .LBB2_7-.Ltmp2, $4  }
0x459: {  	_ = 	snop  }
0x45a: {  	[tilespmem:s21+$0x40] =	vst v5  }
0x45b: {  	[tilespmem:s21+$0x50] =	vst v6  }
0x45c: {  	v5 =	vld.idx.msk [tilespmem:v8+s29+$0x0], $0xffff  }
0x45d: {  	v6 =	vmov s1  }
0x45e: {  	v6 =	vshrl.u32 v6, $0x3  }
0x45f: {  	v6 =	vshll.u32 v6, v2  }
0x460: {  	v6 =	vbroadcast v6, $0x0;
	_ =	sdelay $0x1  }
0x461: {  	v3 =	vmul.f32 v3, v5  }
0x462: {  	v4 =	vmul.f32 v4, v5  }
0x463: {  	s4 =	sadd.s32 $0x100, s21;
	s0 =	sadd.s32 $0x1, s1;
	[tilespmem:s2+$0x60] =	vst v3  }
0x464: {  	v46 =	vmov s0;
	v3 =	vld [tilespmem:s4+$0xFFFFFF80];
	[tilespmem:s2+$0x70] =	vst v4  }
0x465: {  	v5 =	vshrl.u32 v46, $0x3;
	v4 =	vld.idx.msk [tilespmem:v6+s29+$0x0], $0xffff  }
0x466: {  	v47 =	vld [tilespmem:s4+$0xFFFFFF90];
	v5 =	vshll.u32 v5, v2  }
0x467: {  	v5 =	vadd.s32 $0x1, v5  }
0x468: {  	v5 =	vbroadcast v5, $0x0;
	_ =	sdelay $0x1  }
0x469: {  	v3 =	vmul.f32 v3, v4  }
0x46a: {  	v4 =	vmul.f32 v47, v4  }
0x46b: {  	s5 =	sadd.s32 $0x2, s1;
	[tilespmem:s4+$0xFFFFFF80] =	vst v3  }
0x46c: {  	v48 =	vld [tilespmem:s4+$0xFFFFFFA0];
	v3 =	vmov s5;
	[tilespmem:s4+$0xFFFFFF90] =	vst v4  }
0x46d: {  	v3 =	vshrl.u32 v3, $0x3;
	v5 =	vld.idx.msk [tilespmem:v5+s29+$0x0], $0xffff  }
0x46e: {  	v49 =	vld [tilespmem:s4+$0xFFFFFFB0];
	v3 =	vshll.u32 v3, v2  }
0x46f: {  	v3 =	vadd.s32 $0x2, v3  }
0x470: {  	v3 =	vbroadcast v3, $0x0;
	_ =	sdelay $0x1  }
0x471: {  	v4 =	vmul.f32 v48, v5  }
0x472: {  	v5 =	vmul.f32 v49, v5  }
0x473: {  	s21 =	sadd.s32 $0x3, s1;
	[tilespmem:s4+$0xFFFFFFA0] =	vst v4  }
0x474: {  	v50 =	vmov s21;
	v51 =	vld [tilespmem:s4+$0xFFFFFFC0];
	[tilespmem:s4+$0xFFFFFFB0] =	vst v5  }
0x475: {  	v4 =	vshrl.u32 v50, $0x3;
	v3 =	vld.idx.msk [tilespmem:v3+s29+$0x0], $0xffff  }
0x476: {  	v52 =	vld [tilespmem:s4+$0xFFFFFFD0];
	v4 =	vshll.u32 v4, v2  }
0x477: {  	v4 =	vadd.s32 $0x3, v4  }
0x478: {  	v4 =	vbroadcast v4, $0x0;
	_ =	sdelay $0x1  }
0x479: {  	v5 =	vmul.f32 v51, v3  }
0x47a: {  	v3 =	vmul.f32 v52, v3  }
0x47b: {  	s2 =	sadd.s32 $0x4, s1;
	[tilespmem:s4+$0xFFFFFFC0] =	vst v5  }
0x47c: {  	v53 =	vld [tilespmem:s4+$0xFFFFFFE0];
	[tilespmem:s4+$0xFFFFFFD0] =	vst v3;
	v3 =	vmov s2  }
0x47d: {  	v4 =	vld.idx.msk [tilespmem:v4+s29+$0x0], $0xffff;
	v3 =	vshrl.u32 v3, $0x3  }
0x47e: {  	v54 =	vld [tilespmem:s4+$0xFFFFFFF0];
	v3 =	vshll.u32 v3, v2  }
0x47f: {  	v3 =	vadd.s32 $0x4, v3  }
0x480: {  	v3 =	vbroadcast v3, $0x0;
	_ =	sdelay $0x1  }
0x481: {  	v5 =	vmul.f32 v53, v4  }
0x482: {  	v4 =	vmul.f32 v54, v4  }
0x483: {  	s5 =	sadd.s32 $0x5, s1;
	[tilespmem:s4+$0xFFFFFFE0] =	vst v5  }
0x484: {  	v56 =	vld [tilespmem:s4+$0x0];
	v55 =	vmov s5;
	[tilespmem:s4+$0xFFFFFFF0] =	vst v4  }
0x485: {  	v5 =	vshrl.u32 v55, $0x3;
	v3 =	vld.idx.msk [tilespmem:v3+s29+$0x0], $0xffff  }
0x486: {  	v57 =	vld [tilespmem:s4+$0x10];
	v5 =	vshll.u32 v5, v2  }
0x487: {  	v5 =	vadd.s32 $0x5, v5  }
0x488: {  	v5 =	vbroadcast v5, $0x0;
	_ =	sdelay $0x1  }
0x489: {  	v4 =	vmul.f32 v56, v3  }
0x48a: {  	v3 =	vmul.f32 v57, v3  }
0x48b: {  	s21 =	sadd.s32 $0x6, s1;
	[tilespmem:s4+$0x0] =	vst v4  }
0x48c: {  	v58 =	vmov s21;
	[tilespmem:s4+$0x10] =	vst v3;
	v3 =	vld [tilespmem:s4+$0x20]  }
0x48d: {  	v4 =	vshrl.u32 v58, $0x3;
	v5 =	vld.idx.msk [tilespmem:v5+s29+$0x0], $0xffff  }
0x48e: {  	v59 =	vld [tilespmem:s4+$0x30];
	v4 =	vshll.u32 v4, v2  }
0x48f: {  	v4 =	vadd.s32 $0x6, v4  }
0x490: {  	v4 =	vbroadcast v4, $0x0;
	_ =	sdelay $0x1  }
0x491: {  	v3 =	vmul.f32 v3, v5  }
0x492: {  	v5 =	vmul.f32 v59, v5  }
0x493: {  	s2 =	sadd.s32 $0x7, s1;
	[tilespmem:s4+$0x20] =	vst v3  }
0x494: {  	v60 =	vld [tilespmem:s4+$0x40];
	v3 =	vmov s2;
	[tilespmem:s4+$0x30] =	vst v5  }
0x495: {  	v3 =	vshrl.u32 v3, $0x3;
	v4 =	vld.idx.msk [tilespmem:v4+s29+$0x0], $0xffff  }
0x496: {  	v61 =	vld [tilespmem:s4+$0x50];
	v3 =	vshll.u32 v3, v2  }
0x497: {  	v3 =	vadd.s32 $0x7, v3  }
0x498: {  	v3 =	vbroadcast v3, $0x0;
	_ =	sdelay $0x1  }
0x499: {  	v5 =	vmul.f32 v60, v4  }
0x49a: {  	v4 =	vmul.f32 v61, v4  }
0x49b: {  	[tilespmem:s4+$0x40] =	vst v5  }
0x49c: {  	v62 =	vld [tilespmem:s4+$0x60];
	[tilespmem:s4+$0x50] =	vst v4  }
0x49d: {  	v3 =	vld.idx.msk [tilespmem:v3+s29+$0x0], $0xffff  }
0x49e: {  	v63 =	vld [tilespmem:s4+$0x70];
	_ =	sdelay $0x3  }
0x49f: {  	v5 =	vmul.f32 v62, v3  }
0x4a0: {  	v3 =	vmul.f32 v63, v3  }
0x4a1: {  	[tilespmem:s4+$0x60] =	vst v5  }
0x4a2: {  	[tilespmem:s4+$0x70] =	vst v3  }
0x4a3: {  	_ =	swait.ge [sflag:s18], $0x80  }
0x4a4: {  	[sflag:s18] =	ssyncset.done $0x0  }
0x4a5: {  	[sflag:s18] =	ssyncadd.s32 $0xFFFFFF80  }
0x4a6: {  	_ =	swait.ge [sflag:s18], $0x80  }
0x4a7: {  	[sflag:s18] =	ssyncset.done $0x0  }
0x4a8: {  	[sflag:s18] =	ssyncadd.s32 $0xFFFFFF80  }
0x4a9: {  	_ =	swait.ge [sflag:s18], $0x80  }
0x4aa: {  	[sflag:s18] =	ssyncset.done $0x0  }
0x4ab: {  	s5 =	simm.s32 $0x0;
	[sflag:s18] =	ssyncadd.s32 $0xFFFFFF80  }
0x4ac: {  	[tilespmem:s5], [sflag:$0x3] =	stream.indirect.gather [hbm4b:s12+s19], $0x20, s15, s19, $0xb8;
	[tilespmem:$0x1D340] =	vst v63  }
0x4ad: {  	s21 =	simm.s32 $0x1280  }
0x4ae: {  	[tilespmem:s21], [sflag:$0x3] =	stream.indirect.gather [hbm4b:s10+s19], $0x1, s15, s19, $0xb8;
	[tilespmem:$0x1D340] =	vst v63  }
0x4af: {  	s1 =	simm.s32 $0x1300  }
0x4b0: {  	[tilespmem:s1], [sflag:$0x3] =	stream.indirect.gather [hbm4b:s11+s19], $0x1, s16, s19, $0xb8;
	[tilespmem:$0x1D340] =	vst v63  }
0x4b1: {  	s2 =	rddreg [dreg:$0x2]  }
0x4b2: {  	[spmem:s2] =	stream.indirect.scatter.add.f32 [tilespmem:s13], [sflag:$0x5], $0x20, s23, s19, $0xb8;
	[tilespmem:$0x1D340] =	vst v63  }
0x4b3: {  	_ =	swait.ge [sflag:s3], $0x1000  }
0x4b4: {  	[sflag:s3] =	ssyncset.done $0x0  }
0x4b5: {  	[sflag:s3] =	ssyncadd.s32 $0xFFFFF000  }
0x4b6: {  	s4 =	rddreg [dreg:$0x3]  }
0x4b7: {  	[spmem:s4] =	stream.indirect.scatter.add.f32 [tilespmem:s29], [sflag:$0x5], $0x1, s23, s19, $0xb8;
	[tilespmem:$0x1D340] =	vst v63  }
0x4b8: {  	_ =	swait.ge [sflag:s3], $0x80  }
0x4b9: {  	[sflag:s3] =	ssyncset.done $0x0  }
0x4ba: {  	[sflag:s3] =	ssyncadd.s32 $0xFFFFFF80  }
0x4bb: {  	s5 =	rddreg [dreg:$0x4]  }
0x4bc: {  	[spmem:s5] =	stream.indirect.scatter.add.f32 [tilespmem:s31], [sflag:$0x5], $0x1, s23, s19, $0xb8;
	[tilespmem:$0x1D340] =	vst v63  }
0x4bd: {  	_ =	swait.ge [sflag:s3], $0x80  }
0x4be: {  	s20 =	sadd.s32 $0x1, s20;
	[sflag:s3] =	ssyncset.done $0x0  }
0x4bf: {  	p0 =	sne.s32 s20, $0x64;
	[sflag:s3] =	ssyncadd.s32 $0xFFFFFF80  }
.Ltmp3:
0x4c0: {  	s21 =	rddreg [dreg:$0x5];
	(pc) =	sbr.rel @p0 .LBB2_4-.Ltmp3, $4  }
0x4c1: {  	[spmem:s21] =	stream.indirect.scatter.add.f32 [tilespmem:s24], [sflag:$0x5], $0x1, s23, s19, $0xb8;
	[tilespmem:$0x1D340] =	vst v63  }
0x4c2: {  	_ =	swait.ge [sflag:s3], $0x80  }
0x4c3: {  	[sflag:s3] =	ssyncset.done $0x0  }
0x4c4: {  	[sflag:s3] =	ssyncadd.s32 $0xFFFFFF80  }
0x4c5: {  	_ =	swait.ge [sflag:s25], $0x1000  }
0x4c6: {  	[sflag:s25] =	ssyncset.done $0x0  }
0x4c7: {  	[sflag:s25] =	ssyncadd.s32 $0xFFFFF000  }
0x4c8: {  	_ =	swait.ge [sflag:s25], $0x80  }
0x4c9: {  	[sflag:s25] =	ssyncset.done $0x0  }
0x4ca: {  	[sflag:s25] =	ssyncadd.s32 $0xFFFFFF80  }
0x4cb: {  	_ =	swait.ge [sflag:s25], $0x80  }
0x4cc: {  	[sflag:s25] =	ssyncset.done $0x0  }
0x4cd: {  	[sflag:s25] =	ssyncadd.s32 $0xFFFFFF80  }
0x4ce: {  	[bflag:$0x0] =	sbarrier.arrive $0xFFFF  }
0x4cf: {  	s0 =	stileid.u32;
	s2 =	sld [smem:$0x7F9]  }
0x4d0: {  	s0 =	sshll.u32 s0, $0x6;
	s21 =	rddreg [dreg:$0x7]  }
0x4d1: {  	s0 =	sor.u32 $0x1C05, s0;
	s1 =	sshrl.u32 s21, $0x3  }
0x4d2: {  	[hbm:s2], [sflag:s0] =	dma.local [spmem:s1], $0x3100  }
0x4d3: {  	_ =	swait.ge [sflag:s3], $0x3100  }
0x4d4: {  	s2 =	sld [smem:$0x7EC];
	_ =	sdelay $0x1  }
0x4d5: {  	[sflag:s3] =	ssyncset.done $0x0  }
0x4d6: {  	s4 =	rddreg [dreg:$0xc];
	[sflag:s3] =	ssyncadd.s32 $0xFFFFCF00;
	s1 =	sshrl.u32 s2, $0x3  }
0x4d7: {  	[hbm:s4], [sflag:s0] =	dma.local [spmem:s1], $0x188  }
0x4d8: {  	_ =	swait.ge [sflag:s3], $0x188  }
0x4d9: {  	s5 =	sld [smem:$0x7ED]  }
0x4da: {  	s20 =	sld [smem:$0x7FA]  }
0x4db: {  	[sflag:s3] =	ssyncset.done $0x0  }
0x4dc: {  	[sflag:s3] =	ssyncadd.s32 $0xFFFFFE78;
	s1 =	sshrl.u32 s5, $0x3  }
0x4dd: {  	[hbm:s20], [sflag:s0] =	dma.local [spmem:s1], $0x188  }
0x4de: {  	_ =	swait.ge [sflag:s3], $0x188  }
0x4df: {  	s2 =	sld [smem:$0x7EE]  }
0x4e0: {  	s4 =	sld [smem:$0x7FB]  }
0x4e1: {  	[sflag:s3] =	ssyncset.done $0x0  }
0x4e2: {  	[sflag:s3] =	ssyncadd.s32 $0xFFFFFE78;
	s1 =	sshrl.u32 s2, $0x3  }
0x4e3: {  	[hbm:s4], [sflag:s0] =	dma.local [spmem:s1], $0x188  }
0x4e4: {  	_ =	swait.ge [sflag:s3], $0x188  }
0x4e5: {  	s5 =	sld [smem:$0x7A9]  }
0x4e6: {  	s20 =	sld [smem:$0x7FC];
	_ =	sdelay $0x1  }
0x4e7: {  	s1 =	sadd.s32 $0x1, s5  }
0x4e8: {  	p0 =	sne.s32 s1, s20  }
.Ltmp4:
0x4e9: {  	_ = 	snop;
	(pc) =	sbr.rel @p0 .LBB2_1-.Ltmp4, $3  }
0x4ea: {  	_ =	sdelay $0x1  }
0x4eb: {  	[sflag:s3] =	ssyncset.done $0x0  }
0x4ec: {  	[sflag:s3] =	ssyncadd.s32 $0xFFFFFE78  }
0x4ed: {  	_ =	sfence.sel $0x180000  }
0x4ee: {  	[bflag:$0x0] =	sbarrier.arrive $0xFFFF  }
0x4ef: {  	_ =	strace $0x90000047  }
0x4f0: {  	s0 =	stileid.u32;
	[bflag:$0x2] =	sbarrier.arrive $0xFFFF  }
0x4f1: {  	p0 =	sne.s32 s0, $0x0;
	s0 =	rddreg [dreg:$0x6]  }
0x4f2: {  	s0 =	sadd.s32 @!p0 $0x100000, s0  }
0x4f3: {  	[sflag:s0] =	ssyncadd.tile.s32 @!p0 $0x1;
	_ =	shalt  }
.Lfunc_end2:
_tile_overlayer_lowered:
.L_overlay_start_2:
0x4f4: {  	(tag) =	ssettag $0x2  }
0x4f5: {  	s0 =	rddreg [dreg:$0x0];
	s2 =	stileid.u32  }
0x4f6: {  	s1 =	rddreg [dreg:$0x1];
	p0 =	sne.s32 s2, $0x0  }
0x4f7: {  	s3 =	rddreg [dreg:$0x2];
	[bflag:$0x3] =	sbarrier.arrive $0xFFFF;
	s2 =	simm.s32 @!p0 $0x1C05  }
0x4f8: {  	[timem:s3], [sflag:s2] =	dma.local @!p0 [hbm:s0], s1  }
0x4f9: {  	s0 =	simm.s32 @!p0 $0x5  }
0x4fa: {  	_ =	swait.ge @!p0 [sflag:s0], s1  }
0x4fb: {  	s1 =	ssub.s32 @!p0 $0x0, s1;
	[sflag:s0] =	ssyncset.done @!p0 $0x0  }
0x4fc: {  	[sflag:s0] =	ssyncadd.s32 @!p0 s1  }
0x4fd: {  	[bflag:$0x3] =	sbarrier.arrive $0xFFFF  }
0x4fe: {  	_ =	shalt  }

// kernel: kernel.9.cloned.1.call-start
scs
__scs_entry_jumppad:
0x0: {  	(pc) =	sbr.rel $0x88, $3  }
0x1: {  	(tag) =	ssettag $0x0;
	lr =	simm.s32 $0x1  }
0x2: {  	[smem:$0x3F93] =	sst lr;
	_ =	strace $0xD0000000  }
0x3: {  	_ = 	snop  }
0x4: {  	_ = 	snop  }
0x5: {  	_ = 	snop  }
0x6: {  	_ = 	snop  }
0x7: {  	_ = 	snop  }
__scs_overlays_trampoline_lowered:
0x8: {  	[smem:$0x3FA2] =	sst s0  }
0x9: {  	[smem:$0x3FA3] =	sst s1  }
0xa: {  	[smem:$0x3FA4] =	sst s2  }
0xb: {  	[smem:$0x3FA5] =	sst s3  }
0xc: {  	[smem:$0x3FA6] =	sst s4  }
0xd: {  	[smem:$0x3FA7] =	sst s5  }
0xe: {  	[smem:$0x3FA8] =	sst s6  }
0xf: {  	[smem:$0x3FA9] =	sst s7  }
0x10: {  	[smem:$0x3FAA] =	sst s8  }
0x11: {  	[smem:$0x3FAB] =	sst s9;
	s0 =	simm.s32 @!p0 $0x0  }
0x12: {  	s1 =	sld [smem:$0x3F91];
	s0 =	simm.s32 @p0 $0x1  }
0x13: {  	[smem:$0x3FAC] =	sst s0;
	s0 =	simm.s32 @!p1 $0x0  }
0x14: {  	s2 =	sld [smem:$0x3F90];
	s0 =	simm.s32 @p1 $0x1  }
0x15: {  	[smem:$0x3FAD] =	sst s0;
	s0 =	simm.s32 @!p2 $0x0  }
0x16: {  	s3 =	sld [smem:$0x3FDB];
	s0 =	simm.s32 @p2 $0x1  }
0x17: {  	s4 =	simm.s32 $0x1BF5;
	[smem:$0x3FAF] =	sst s0  }
0x18: {  	s0 =	sld [smem:$0x3F92];
	_ =	swait.ge [sflag:s4], $0x0  }
0x19: {  	s7 =	sld [smem:$0x3F93]  }
0x1a: {  	s8 =	sadd.s32 $0xFFFFE003, lr  }
0x1b: {  	s9 =	sadd.s32 $0xFFFFFEF7, lr;
	s5 =	simm.s32 $0xFFFFFFFF;
	p2 =	slt.u32 s8, $0xFFFFF086  }
0x1c: {  	p1 =	slt.u32 s9, $0xF7A;
	s5 =	simm.s32 @!p2 $0x0  }
0x1d: {  	s5 =	simm.s32 @p1 $0x1;
	p0 =	seq.s32 s7, s2  }
0x1e: {  	s7 =	smul.u32 @!p0 $0xF7A, s2;
	p2 =	seq.s32 @!p0 s5, $0x0  }
0x1f: {  	s9 =	smul.u32 $0xF7A, s1;
	s8 =	simm.s32 @!p0 $0x1BF5;
	p2 =	por !p2, p0  }
0x20: {  	[sflag:s8] =	ssyncset.s32 @!p0 $0xFFFFF086;
	s6 =	sadd.s32 @!p0 s3, s7;
	s7 =	simm.s32 @!p0 $0x108  }
0x21: {  	s3 =	sadd.s32 s3, s9;
	s6 =	sadd.s32 @!p0 $0x88, s6;
	s7 =	simm.s32 @p2 $0x1082  }
0x22: {  	[simem:s7], [sflag:s8] =	dma.local @!p0 [hbm:s6], $0xF7A  }
0x23: {  	s9 =	sor.u32 $0xD0000000, s2;
	s6 =	simm.s32 $0x108;
	_ =	swait.ge @!p0 [sflag:s8], $0x0  }
0x24: {  	s3 =	sadd.s32 $0x88, s3;
	s6 =	simm.s32 @!p1 $0x1082;
	[sflag:s4] =	ssyncset.s32 $0xFFFFF086  }
0x25: {  	[simem:s6], [sflag:s4] =	dma.local [hbm:s3], $0xF7A  }
0x26: {  	[smem:$0x3F93] =	sst s1;
	(tag) =	ssettag s2;
	_ =	strace s9  }
0x27: {  	s1 =	sld [smem:$0x3FA3]  }
0x28: {  	s2 =	sld [smem:$0x3FA4]  }
0x29: {  	s4 =	sld [smem:$0x3FA6]  }
0x2a: {  	p0 =	seq.s32 s5, $0x0;
	s5 =	sld [smem:$0x3FA7]  }
0x2b: {  	s6 =	sld [smem:$0x3FA8]  }
0x2c: {  	s7 =	sld [smem:$0x3FA9]  }
0x2d: {  	s3 =	simm.s32 $0x108;
	s8 =	sld [smem:$0x3FAA]  }
0x2e: {  	s3 =	simm.s32 @!p0 $0x1082;
	s9 =	sld [smem:$0x3FAB]  }
0x2f: {  	lr =	sadd.s32 s0, s3;
	s0 =	sld [smem:$0x3FA2]  }
0x30: {  	s3 =	sld [smem:$0x3FA5]  }
0x31: {  	[smem:$0x3FAE] =	sst s10  }
0x32: {  	s10 =	sld [smem:$0x3FAC];
	_ =	sdelay $0x3  }
0x33: {  	p0 =	seq.s32 s10, $0x1;
	s10 =	sld [smem:$0x3FAE];
	_ =	sdelay $0x3  }
0x34: {  	[smem:$0x3FAE] =	sst s10  }
0x35: {  	s10 =	sld [smem:$0x3FAD];
	_ =	sdelay $0x3  }
0x36: {  	p1 =	seq.s32 s10, $0x1;
	s10 =	sld [smem:$0x3FAE];
	_ =	sdelay $0x3  }
0x37: {  	[smem:$0x3FAE] =	sst s10  }
0x38: {  	s10 =	sld [smem:$0x3FAF]  }
0x39: {  	_ = 	snop;
	(pc) =	sbr.ind lr, $3  }
0x3a: {  	_ = 	snop  }
0x3b: {  	_ = 	snop  }
0x3c: {  	p2 =	seq.s32 s10, $0x1;
	s10 =	sld [smem:$0x3FAE]  }
0x3d: {  	_ =	shalt  }
0x3e: {  	_ =	shalt  }
0x3f: {  	_ =	shalt  }
0x40: {  	_ =	shalt  }
0x41: {  	_ =	shalt  }
0x42: {  	_ =	shalt  }
0x43: {  	_ =	shalt  }
0x44: {  	_ =	shalt  }
0x45: {  	_ =	shalt  }
0x46: {  	_ =	shalt  }
0x47: {  	_ =	shalt  }
0x48: {  	_ =	shalt  }
0x49: {  	_ =	shalt  }
0x4a: {  	_ =	shalt  }
0x4b: {  	_ =	shalt  }
0x4c: {  	_ =	shalt  }
0x4d: {  	_ =	shalt  }
0x4e: {  	_ =	shalt  }
0x4f: {  	_ =	shalt  }
0x50: {  	_ =	shalt  }
0x51: {  	_ =	shalt  }
0x52: {  	_ =	shalt  }
0x53: {  	_ =	shalt  }
0x54: {  	_ =	shalt  }
0x55: {  	_ =	shalt  }
0x56: {  	_ =	shalt  }
0x57: {  	_ =	shalt  }
0x58: {  	_ =	shalt  }
0x59: {  	_ =	shalt  }
0x5a: {  	_ =	shalt  }
0x5b: {  	_ =	shalt  }
0x5c: {  	_ =	shalt  }
0x5d: {  	_ =	shalt  }
0x5e: {  	_ =	shalt  }
0x5f: {  	_ =	shalt  }
0x60: {  	_ =	shalt  }
0x61: {  	_ =	shalt  }
0x62: {  	_ =	shalt  }
0x63: {  	_ =	shalt  }
0x64: {  	_ =	shalt  }
0x65: {  	_ =	shalt  }
0x66: {  	_ =	shalt  }
0x67: {  	_ =	shalt  }
0x68: {  	_ =	shalt  }
0x69: {  	_ =	shalt  }
0x6a: {  	_ =	shalt  }
0x6b: {  	_ =	shalt  }
0x6c: {  	_ =	shalt  }
0x6d: {  	_ =	shalt  }
0x6e: {  	_ =	shalt  }
0x6f: {  	_ =	shalt  }
0x70: {  	_ =	shalt  }
0x71: {  	_ =	shalt  }
0x72: {  	_ =	shalt  }
0x73: {  	_ =	shalt  }
0x74: {  	_ =	shalt  }
0x75: {  	_ =	shalt  }
0x76: {  	_ =	shalt  }
0x77: {  	_ =	shalt  }
0x78: {  	_ =	shalt  }
0x79: {  	_ =	shalt  }
0x7a: {  	_ =	shalt  }
0x7b: {  	_ =	shalt  }
0x7c: {  	_ =	shalt  }
0x7d: {  	_ =	shalt  }
0x7e: {  	_ =	shalt  }
0x7f: {  	_ =	shalt  }
0x80: {  	_ =	shalt  }
0x81: {  	_ =	shalt  }
0x82: {  	_ =	shalt  }
0x83: {  	_ =	shalt  }
0x84: {  	_ =	shalt  }
0x85: {  	_ =	shalt  }
0x86: {  	_ =	shalt  }
0x87: {  	_ =	shalt  }
.Lfunc_end0:
.L_simem_size_0:
called_computation.1_lowered:
.L_overlay_start_0:
0x88: {  	s2 =	sld [smem:$0x3FD9]  }
0x89: {  	s3 =	sld [smem:$0x3FFE];
	_ =	sdelay $0x1  }
0x8a: {  	s1 =	srdreg.scid  }
0x8b: {  	s0 =	sand.u32 $0x1, s1  }
0x8c: {  	s14 =	sshll.u32 s0, $0xA;
	s2 =	sadd.s32 s3, s2  }
0x8d: {  	s2 =	sadd.s32 s2, s14  }
0x8e: {  	[smem:$0x3FBA] =	sst s2  }
0x8f: {  	_ = 	snop  }
0x90: {  	s2 =	sld [smem:$0x3FD0];
	_ =	sdelay $0x2  }
0x91: {  	s15 =	simm.s32 $0xA;
	s4 =	simm.s32 $0x10  }
0x92: {  	[smem:s4], [sflag:s15] =	dma.local [hbm:s2], $0x1  }
0x93: {  	_ =	swait.eq [sflag:s15], $0x1  }
0x94: {  	[sflag:s15] =	ssyncset.done $0x0  }
0x95: {  	[sflag:s15] =	ssyncadd.s32 $0xFFFFFFFF  }
0x96: {  	s16 =	sld [smem:$0x10];
	(tm) =	ssettm $0x1  }
0x97: {  	s17 =	sld [smem:$0x3FFB];
	_ =	sdelay $0x3  }
0x98: {  	_ =	strace s17  }
0x99: {  	s3 =	sld [smem:$0x3FFC];
	_ =	sdelay $0x3  }
0x9a: {  	_ =	strace s3  }
0x9b: {  	s3 =	sld [smem:$0x3FFD];
	_ =	sdelay $0x3  }
0x9c: {  	_ =	strace s3  }
0x9d: {  	_ =	strace $0x8FFFFFFF  }
0x9e: {  	s18 =	sld [smem:$0x3FDB];
	_ =	sdelay $0x1  }
0x9f: {  	s19 =	simm.s32 $_scs_section_size  }
0xa0: {  	s5 =	simm.s32 $_size__tile_overlayer_lowered;
	s6 =	simm.s32 $_tile_overlayer_lowered  }
0xa1: {  	s22 =	simm.s32 $0x1BFF;
	s21 =	sshll.u32 s6, $0x1;
	s3 =	sadd.s32 s19, s18  }
0xa2: {  	s7 =	simm.s32 $0x0;
	s20 =	sshll.u32 s5, $0x1;
	s5 =	sadd.s32 s21, s3  }
0xa3: {  	[timem:s7], [sflag:s22] =	dma.local [hbm:s5], s20  }
0xa4: {  	_ =	swait.ge [sflag:s22], s20  }
0xa5: {  	s4 =	ssub.s32 $0x0, s20;
	[sflag:s22] =	ssyncset.done $0x0  }
0xa6: {  	[sflag:s22] =	ssyncadd.s32 s4;
	_ =	sdelay $0x1  }
0xa7: {  	s23 =	simm.s32 $0x1B8B  }
0xa8: {  	_ =	swait.ge [sflag:s23], $0x1  }
0xa9: {  	[sflag:s23] =	ssyncset.done $0x0  }
0xaa: {  	s25 =	simm.s32 $0x1B8E;
	s24 =	sld [smem:$0x3FFE];
	[sflag:s23] =	ssyncadd.s32 $0xFFFFFFFF  }
0xab: {  	s26 =	simm.s32 $execute0_lowered;
	[smem:$0x3FD2] =	sst s25  }
0xac: {  	s5 =	sshll.u32 s26, $0x1;
	_ =	strace $0x80000049;
	[dreg:$0x1] =	wrdreg $0xFFFFFFFF  }
0xad: {  	s28 =	simm.s32 $_size_execute0_lowered;
	s3 =	sadd.s32 s3, s5;
	[dreg:$0x0] =	wrdreg $0x0  }
0xae: {  	s5 =	sshll.u32 s28, $0x1;
	[dreg:$0x2] =	wrdreg s3  }
0xaf: {  	[dreg:$0x3] =	wrdreg s5  }
0xb0: {  	[dreg:$0x4] =	wrdreg $0xC0  }
0xb1: {  	_ =	task [dreg:s7], $0x5FFFF  }
0xb2: {  	[dreg:$0x1] =	wrdreg $0xFFFFFFFF  }
0xb3: {  	[dreg:$0x0] =	wrdreg $0x60  }
0xb4: {  	[dreg:$0x2] =	wrdreg s24  }
0xb5: {  	[dreg:$0x3] =	wrdreg s16  }
0xb6: {  	[dreg:$0x4] =	wrdreg $0x9  }
0xb7: {  	_ =	task.clear_ibuf [dreg:s7], $0x5FFFF;
	_ =	strace $0x90000049  }
0xb8: {  	s29 =	simm.s32 $0x9;
	_ =	strace $0x8000004B  }
0xb9: {  	_ =	swait.ge [sflag:s29], $0x1  }
0xba: {  	[sflag:s29] =	ssyncadd.s32 $0xFFFFFFFF  }
0xbb: {  	_ =	strace $0x9000004B  }
0xbc: {  	_ =	sfence  }
0xbd: {  	s30 =	sld [smem:$0x0];
	_ =	sdelay $0x2  }
0xbe: {  	s31 =	sshll.u32 s1, $0xD;
	s1 =	sshrl.u32 s1, $0x2  }
0xbf: {  	s3 =	sand.u32 $0x4000, s31;
	s1 =	sadd.s32 s1, s30  }
0xc0: {  	s0 =	sor.u32 s3, s0;
	s1 =	sshll.u32 s1, $0x11  }
0xc1: {  	s0 =	sor.u32 s1, s0  }
0xc2: {  	s0 =	sadd.s32 $0x8F2B, s0  }
0xc3: {  	[sflag:s0] =	ssyncadd.remote.s32 $0x1  }
0xc4: {  	_ =	sfence.sel $0xFFFF  }
0xc5: {  	[dreg:$0x0] =	wrdreg $0xFFFFFFFF;
	(pc) =	sbr.abs _section_cstart, $3  }
0xc6: {  	[dreg:$0x1] =	wrdreg $0xFFFFFFFF  }
0xc7: {  	_ =	task.clear_ibuf [dreg:s7], $0x2FFFF;
	_ =	strace $0x9FFFFFFF  }
0xc8: {  	(tm) =	ssettm $0x7FFFFFFF  }
0xc9: {  	_ =	shalt  }
tec
execute0_lowered:
.L_overlay_start_1:
0x0: {  	(tag) =	ssettag $0x1  }
0x1: {  	s6 =	rddreg [dreg:$0x0]  }
0x2: {  	s1 =	rddreg [dreg:$0x1]  }
0x3: {  	s0 =	rddreg [dreg:$0x2]  }
0x4: {  	s2 =	simm.s32 $0x0;
	s3 =	srdreg.scid;
	s10 =	simm.s32 $0xC400  }
0x5: {  	s11 =	simm.s32 $0xC800;
	s12 =	simm.s32 $0xCC00;
	s13 =	simm.s32 $0x0  }
0x6: {  	[smem:$0x7FF] =	sst s2;
	s4 =	sadd.s32 $0x32800, s6;
	s5 =	sand.u32 $0x1, s3  }
0x7: {  	s3 =	stileid.u32;
	_ =	strace $0x8000004A;
	s7 =	ssub.s32 $0x2, s5  }
0x8: {  	s8 =	sshll.u32 s5, $0x4;
	s5 =	sadd.s32 $0x19800, s6;
	s9 =	sshrl.u32 s7, $0x1  }
0x9: {  	s6 =	sadd.s32 $0x800, s6;
	s8 =	sor.u32 s3, s8;
	s9 =	ssub.s32 s7, s9  }
0xa: {  	s7 =	smul.u32 $0x6400, s8;
	s8 =	smax.u32 s9, $0x1;
	s9 =	simm.s32 $0x1  }
.LBB2_1:
0xb: {  	[tilespmem:s2], [sflag:$0x1] =	stream.linear.gather [hbm4b:s1+s2], $0xC400, $0x38;
	[tilespmem:$0xD000] =	vst v63  }
0xc: {  	_ =	swait.ge [sflag:s9], $0xC400  }
0xd: {  	[sflag:s9] =	ssyncset.done $0x0  }
0xe: {  	s14 =	simm.s32 $0x0;
	[sflag:s9] =	ssyncadd.s32 $0xFFFF3C00  }
.LBB2_2:
0xf: {  	s15 =	sshll.u32 s14, $0xA  }
0x10: {  	s15 =	sadd.s32 s7, s15  }
0x11: {  	s15 =	sshrl.u32 s15, $0x3  }
0x12: {  	s16 =	sadd.s32 s4, s15  }
0x13: {  	[tilespmem:s10], [sflag:$0x1] =	stream.linear.gather [hbm4b:s16+s2], $0x400, $0x38;
	[tilespmem:$0xD000] =	vst v63  }
0x14: {  	_ =	swait.ge [sflag:s9], $0x400  }
0x15: {  	[sflag:s9] =	ssyncset.done $0x0  }
0x16: {  	s31 =	sadd.s32 s5, s15;
	[sflag:s9] =	ssyncadd.s32 $0xFFFFFC00  }
0x17: {  	[tilespmem:s11], [sflag:$0x1] =	stream.linear.gather [hbm4b:s31+s2], $0x400, $0x38;
	[tilespmem:$0xD000] =	vst v63  }
0x18: {  	_ =	swait.ge [sflag:s9], $0x400  }
0x19: {  	s17 =	simm.s32 $0xC440;
	s18 =	simm.s32 $0xC840;
	[sflag:s9] =	ssyncset.done $0x0  }
0x1a: {  	s19 =	simm.s32 $0xCC40;
	s16 =	simm.s32 $0xFFFFFFF8;
	[sflag:s9] =	ssyncadd.s32 $0xFFFFFC00  }
.LBB2_3:
0x1b: {  	v0 =	vld [tilespmem:s17+$0xFFFFFFC0]  }
0x1c: {  	v1 =	vld [tilespmem:s18+$0xFFFFFFC0];
	_ =	sdelay $0x6  }
0x1d: {  	v0 =	vld.idx.msk [tilespmem:v0+s2+$0x0], $0xffff  }
0x1e: {  	v1 =	vld.idx.msk [tilespmem:v1+s2+$0x0], $0xffff;
	_ =	sdelay $0x4  }
0x1f: {  	v0 =	vadd.f32 v1, v0;
	_ =	sdelay $0x1  }
0x20: {  	v0 =	vmul.f32 $5.000000000e-01, v0;
	_ =	sdelay $0x1  }
0x21: {  	[tilespmem:s19+$0xFFFFFFC0] =	vst v0  }
0x22: {  	v0 =	vld [tilespmem:s17+$0xFFFFFFD0]  }
0x23: {  	v57 =	vld [tilespmem:s18+$0xFFFFFFD0];
	_ =	sdelay $0x6  }
0x24: {  	v0 =	vld.idx.msk [tilespmem:v0+s2+$0x0], $0xffff  }
0x25: {  	v1 =	vld.idx.msk [tilespmem:v57+s2+$0x0], $0xffff;
	_ =	sdelay $0x4  }
0x26: {  	v0 =	vadd.f32 v1, v0;
	_ =	sdelay $0x1  }
0x27: {  	v0 =	vmul.f32 $5.000000000e-01, v0;
	_ =	sdelay $0x1  }
0x28: {  	[tilespmem:s19+$0xFFFFFFD0] =	vst v0  }
0x29: {  	v0 =	vld [tilespmem:s17+$0xFFFFFFE0]  }
0x2a: {  	v58 =	vld [tilespmem:s18+$0xFFFFFFE0];
	_ =	sdelay $0x6  }
0x2b: {  	v0 =	vld.idx.msk [tilespmem:v0+s2+$0x0], $0xffff  }
0x2c: {  	v1 =	vld.idx.msk [tilespmem:v58+s2+$0x0], $0xffff;
	_ =	sdelay $0x4  }
0x2d: {  	v0 =	vadd.f32 v1, v0;
	_ =	sdelay $0x1  }
0x2e: {  	v0 =	vmul.f32 $5.000000000e-01, v0;
	_ =	sdelay $0x1  }
0x2f: {  	[tilespmem:s19+$0xFFFFFFE0] =	vst v0  }
0x30: {  	v0 =	vld [tilespmem:s17+$0xFFFFFFF0]  }
0x31: {  	v59 =	vld [tilespmem:s18+$0xFFFFFFF0];
	_ =	sdelay $0x6  }
0x32: {  	v0 =	vld.idx.msk [tilespmem:v0+s2+$0x0], $0xffff  }
0x33: {  	v1 =	vld.idx.msk [tilespmem:v59+s2+$0x0], $0xffff;
	_ =	sdelay $0x4  }
0x34: {  	v0 =	vadd.f32 v1, v0;
	_ =	sdelay $0x1  }
0x35: {  	v0 =	vmul.f32 $5.000000000e-01, v0;
	_ =	sdelay $0x1  }
0x36: {  	[tilespmem:s19+$0xFFFFFFF0] =	vst v0  }
0x37: {  	v0 =	vld [tilespmem:s17+$0x0]  }
0x38: {  	v60 =	vld [tilespmem:s18+$0x0];
	_ =	sdelay $0x6  }
0x39: {  	v0 =	vld.idx.msk [tilespmem:v0+s2+$0x0], $0xffff  }
0x3a: {  	v1 =	vld.idx.msk [tilespmem:v60+s2+$0x0], $0xffff;
	_ =	sdelay $0x4  }
0x3b: {  	v0 =	vadd.f32 v1, v0;
	_ =	sdelay $0x1  }
0x3c: {  	v0 =	vmul.f32 $5.000000000e-01, v0;
	_ =	sdelay $0x1  }
0x3d: {  	[tilespmem:s19+$0x0] =	vst v0  }
0x3e: {  	v0 =	vld [tilespmem:s17+$0x10]  }
0x3f: {  	v61 =	vld [tilespmem:s18+$0x10];
	_ =	sdelay $0x6  }
0x40: {  	v0 =	vld.idx.msk [tilespmem:v0+s2+$0x0], $0xffff  }
0x41: {  	v1 =	vld.idx.msk [tilespmem:v61+s2+$0x0], $0xffff;
	_ =	sdelay $0x4  }
0x42: {  	v0 =	vadd.f32 v1, v0;
	_ =	sdelay $0x1  }
0x43: {  	v0 =	vmul.f32 $5.000000000e-01, v0;
	_ =	sdelay $0x1  }
0x44: {  	[tilespmem:s19+$0x10] =	vst v0  }
0x45: {  	v0 =	vld [tilespmem:s17+$0x20]  }
0x46: {  	v62 =	vld [tilespmem:s18+$0x20];
	_ =	sdelay $0x6  }
0x47: {  	v0 =	vld.idx.msk [tilespmem:v0+s2+$0x0], $0xffff  }
0x48: {  	v1 =	vld.idx.msk [tilespmem:v62+s2+$0x0], $0xffff;
	_ =	sdelay $0x4  }
0x49: {  	v0 =	vadd.f32 v1, v0;
	_ =	sdelay $0x1  }
0x4a: {  	v0 =	vmul.f32 $5.000000000e-01, v0;
	_ =	sdelay $0x1  }
0x4b: {  	[tilespmem:s19+$0x20] =	vst v0  }
0x4c: {  	v0 =	vld [tilespmem:s17+$0x30]  }
0x4d: {  	v63 =	vld [tilespmem:s18+$0x30];
	_ =	sdelay $0x6  }
0x4e: {  	v0 =	vld.idx.msk [tilespmem:v0+s2+$0x0], $0xffff  }
0x4f: {  	v1 =	vld.idx.msk [tilespmem:v63+s2+$0x0], $0xffff;
	_ =	sdelay $0x2  }
0x50: {  	s16 =	sadd.s32 $0x8, s16  }
0x51: {  	p0 =	slt.u32 s16, $0x38  }
.Ltmp0:
0x52: {  	v0 =	vadd.f32 v1, v0;
	(pc) =	sbr.rel @p0 .LBB2_3-.Ltmp0, $3  }
0x53: {  	_ = 	snop  }
0x54: {  	v0 =	vmul.f32 $5.000000000e-01, v0;
	_ =	sdelay $0x1  }
0x55: {  	s17 =	sadd.s32 $0x80, s17;
	s18 =	sadd.s32 $0x80, s18;
	[tilespmem:s19+$0x30] =	vst v0;
	s19 =	sadd.s32 $0x80, s19  }
0x56: {  	s14 =	sadd.s32 $0x1, s14  }
0x57: {  	p0 =	sne.s32 s14, $0x19  }
.Ltmp1:
0x58: {  	s15 =	sadd.s32 s6, s15;
	(pc) =	sbr.rel @p0 .LBB2_2-.Ltmp1, $4  }
0x59: {  	[hbm4b:s15+s2] =	stream.linear.scatter [tilespmem:s12], [sflag:$0x1], $0x400, $0x38;
	[tilespmem:$0xD000] =	vst v63  }
0x5a: {  	_ =	swait.ge [sflag:s9], $0x400  }
0x5b: {  	[sflag:s9] =	ssyncset.done $0x0  }
0x5c: {  	[sflag:s9] =	ssyncadd.s32 $0xFFFFFC00  }
0x5d: {  	s13 =	sadd.s32 $0x1, s13  }
0x5e: {  	p0 =	sne.s32 s13, s8  }
.Ltmp2:
0x5f: {  	_ = 	snop;
	(pc) =	sbr.rel @p0 .LBB2_1-.Ltmp2, $1  }
0x60: {  	_ =	sdelay $0x3  }
0x61: {  	_ =	sfence.sel $0x180000  }
0x62: {  	[bflag:$0x0] =	sbarrier.arrive $0xFFFF  }
0x63: {  	p0 =	sne.s32 s3, $0x0;
	_ =	strace $0x9000004A  }
0x64: {  	s0 =	sadd.s32 @!p0 $0x100000, s0;
	[bflag:$0x2] =	sbarrier.arrive $0xFFFF  }
0x65: {  	[sflag:s0] =	ssyncadd.tile.s32 @!p0 $0x1;
	_ =	shalt  }
.Lfunc_end2:
_tile_overlayer_lowered:
.L_overlay_start_2:
0x66: {  	(tag) =	ssettag $0x2  }
0x67: {  	s0 =	rddreg [dreg:$0x0];
	s2 =	stileid.u32  }
0x68: {  	s1 =	rddreg [dreg:$0x1];
	p0 =	sne.s32 s2, $0x0  }
0x69: {  	s3 =	rddreg [dreg:$0x2];
	[bflag:$0x3] =	sbarrier.arrive $0xFFFF;
	s2 =	simm.s32 @!p0 $0x1C01  }
0x6a: {  	[timem:s3], [sflag:s2] =	dma.local @!p0 [hbm:s0], s1  }
0x6b: {  	s0 =	simm.s32 @!p0 $0x1  }
0x6c: {  	_ =	swait.ge @!p0 [sflag:s0], s1  }
0x6d: {  	s1 =	ssub.s32 @!p0 $0x0, s1;
	[sflag:s0] =	ssyncset.done @!p0 $0x0  }
0x6e: {  	[sflag:s0] =	ssyncadd.s32 @!p0 s1  }
0x6f: {  	[bflag:$0x3] =	sbarrier.arrive $0xFFFF  }
0x70: {  	_ =	shalt  }

</sc_bundles>
